<compile_context>
chip_gen: v7x
topology: tpu7x:2x2x1
jax: 0.10.2.dev20260603
libtpu: 0.0.44.dev20260713+nightly
codegen_flags: <defaults>
</compile_context>

<pallas_src>
import functools

import jax
import jax.numpy as jnp
from jax import lax
from jax.experimental import pallas as pl
from jax.experimental.pallas import tpu as pltpu
from jax.experimental.pallas import tpu_sc as plsc

N = 10000
E = 320000
D = 128

NC = 2
NS = 16
NW = NC * NS
LANES = 16

EPT = E // NW
KCH = 125
NCH = EPT // KCH

NPAD = 10240
RPT = NPAD // NS
ZR = 128
DW = 16

S2P = 48


def _fill_const(ref, rows, cols, val):
    v = jnp.full((LANES,), val, jnp.float32)

    def body(r, carry):
        for c in range(cols // LANES):
            ref[r, pl.ds(c * LANES, LANES)] = v
        return carry

    lax.fori_loop(0, rows, body, 0)


def _sc_mesh():
    return plsc.VectorSubcoreMesh(core_axis_name="c", subcore_axis_name="s",
                                  num_cores=NC, num_subcores=NS)


def _sc_degree(dst3):
    out_type = [
        jax.ShapeDtypeStruct((NPAD, DW), jnp.float32),
        jax.ShapeDtypeStruct((NPAD, DW), jnp.float32),
    ]
    scratch = [
        pltpu.VMEM((NCH, KCH), jnp.int32),
        pltpu.VMEM((ZR, DW), jnp.float32),
        pltpu.VMEM_SHARED((NPAD, DW), jnp.float32),
        pltpu.SemaphoreType.DMA,
    ]

    @functools.partial(
        pl.kernel, out_type=out_type, mesh=_sc_mesh(),
        scratch_types=scratch,
        compiler_params=pltpu.CompilerParams(use_tc_tiling_on_sc=False))
    def deg_kernel(dst_ref, degA, degB, dbuf, dzbuf, degS, sem):
        c = lax.axis_index("c")
        s = lax.axis_index("s")
        w = c * NS + s

        _fill_const(dzbuf, ZR, DW, 0.0)
        for blk in range(RPT // ZR):
            pltpu.sync_copy(dzbuf, degS.at[pl.ds(s * RPT + blk * ZR, ZR)])

        plsc.subcore_barrier()

        pltpu.sync_copy(dst_ref.at[w], dbuf)
        _fill_const(dzbuf, KCH, DW, 1.0)

        def edge_body(j, carry):
            pltpu.sync_copy(dzbuf.at[pl.ds(0, KCH)],
                            degS.at[dbuf.at[j]], add=True)
            return carry

        lax.fori_loop(0, NCH, edge_body, 0)

        plsc.subcore_barrier()

        row0 = s * RPT

        @pl.when(c == 0)
        def _():
            pltpu.sync_copy(degS.at[pl.ds(row0, RPT)],
                            degA.at[pl.ds(row0, RPT)])

        @pl.when(c == 1)
        def _():
            pltpu.sync_copy(degS.at[pl.ds(row0, RPT)],
                            degB.at[pl.ds(row0, RPT)])

    return deg_kernel(dst3)


DH = D // 2


def _sc_aggregate(xh_hbm, src3, dst3):
    out_type = [
        jax.ShapeDtypeStruct((NPAD, DH), jnp.float32),
        jax.ShapeDtypeStruct((NPAD, DH), jnp.float32),
    ]
    scratch = [
        pltpu.VMEM((NCH, KCH), jnp.int32),
        pltpu.VMEM((NCH, KCH), jnp.int32),
        pltpu.VMEM((KCH, DH), jnp.float32),
        pltpu.VMEM((ZR, DH), jnp.float32),
        pltpu.VMEM_SHARED((NPAD, DH), jnp.float32),
        pltpu.SemaphoreType.DMA,
    ]

    @functools.partial(
        pl.kernel, out_type=out_type, mesh=_sc_mesh(),
        scratch_types=scratch,
        compiler_params=pltpu.CompilerParams(use_tc_tiling_on_sc=False))
    def agg_kernel(x_ref, src_ref, dst_ref, aggA, aggB,
                   sbuf, dbuf, rbuf, zbuf, aggS, sem):
        c = lax.axis_index("c")
        s = lax.axis_index("s")
        w = c * NS + s

        _fill_const(zbuf, ZR, DH, 0.0)
        for blk in range(RPT // ZR):
            pltpu.sync_copy(zbuf, aggS.at[pl.ds(s * RPT + blk * ZR, ZR)])

        plsc.subcore_barrier()

        pltpu.sync_copy(src_ref.at[w], sbuf)
        pltpu.sync_copy(dst_ref.at[w], dbuf)

        def edge_body(j, carry):
            pltpu.async_copy(x_ref.at[sbuf.at[j]], rbuf, sem).wait()
            pltpu.sync_copy(rbuf, aggS.at[dbuf.at[j]], add=True)
            return carry

        lax.fori_loop(0, NCH, edge_body, 0)

        plsc.subcore_barrier()

        row0 = s * RPT

        @pl.when(c == 0)
        def _():
            pltpu.sync_copy(aggS.at[pl.ds(row0, RPT)],
                            aggA.at[pl.ds(row0, RPT)])

        @pl.when(c == 1)
        def _():
            pltpu.sync_copy(aggS.at[pl.ds(row0, RPT)],
                            aggB.at[pl.ds(row0, RPT)])

    return agg_kernel(xh_hbm, src3, dst3)


CSL = EPT + 144
KC2 = 128
NCH2 = (EPT + KC2 - 1) // KC2 + 1
DUMP = 40


def _sc_filter2(src1d, dst1d, s2idx):
    out_type = [
        jax.ShapeDtypeStruct((NW * CSL,), jnp.int32),
        jax.ShapeDtypeStruct((NW * CSL,), jnp.int32),
        jax.ShapeDtypeStruct((NW * 16,), jnp.int32),
        jax.ShapeDtypeStruct((S2P,), jnp.int32),
    ]
    scratch = [
        pltpu.VMEM((EPT,), jnp.int32),
        pltpu.VMEM((EPT,), jnp.int32),
        pltpu.VMEM((NPAD,), jnp.float32),
        pltpu.VMEM((NPAD,), jnp.int32),
        pltpu.VMEM((CSL,), jnp.int32),
        pltpu.VMEM((CSL,), jnp.int32),
        pltpu.VMEM((S2P,), jnp.int32),
        pltpu.VMEM((S2P,), jnp.int32),
        pltpu.VMEM((16,), jnp.int32),
        pltpu.SemaphoreType.DMA,
    ]

    @functools.partial(
        pl.kernel, out_type=out_type, mesh=_sc_mesh(),
        scratch_types=scratch,
        compiler_params=pltpu.CompilerParams(
            use_tc_tiling_on_sc=False, needs_layout_passes=False))
    def filt_kernel(src_ref, dst_ref, s2_ref, e2src, e2pos, e2cnt, posv,
                    sbuf, dbuf, flag, pos, csrc, cpos, s2buf, pvbuf, cbuf,
                    sem):
        c = lax.axis_index("c")
        s = lax.axis_index("s")
        w = c * NS + s

        zf = jnp.zeros((LANES,), jnp.float32)

        def zb(i, carry):
            flag[pl.ds(i * LANES, LANES)] = zf
            return carry

        lax.fori_loop(0, NPAD // LANES, zb, 0)
        pltpu.sync_copy(s2_ref, s2buf)
        onesf = jnp.ones((LANES,), jnp.float32)
        for k in range(S2P // LANES):
            ids = s2buf[pl.ds(k * LANES, LANES)]
            pvals = (lax.broadcasted_iota(jnp.int32, (LANES,), 0)
                     + k * LANES)
            plsc.store_scatter(flag, (ids,), onesf)
            plsc.store_scatter(pos, (ids,), pvals)

        pltpu.sync_copy(src_ref.at[pl.ds(w * EPT, EPT)], sbuf)
        pltpu.sync_copy(dst_ref.at[pl.ds(w * EPT, EPT)], dbuf)

        def scan_body(i, cnt):
            d = dbuf[pl.ds(i * LANES, LANES)]
            u = sbuf[pl.ds(i * LANES, LANES)]
            f = plsc.load_gather(flag, (d,))
            m = f > 0.5
            pv = plsc.load_gather(pos, (d,))
            plsc.store_compressed(csrc.at[pl.ds(cnt, LANES)], u, mask=m)
            plsc.store_compressed(cpos.at[pl.ds(cnt, LANES)], pv, mask=m)
            n = plsc.all_reduce_population_count(m)
            return cnt + n[0]

        cnt = lax.fori_loop(0, EPT // LANES, scan_body, 0)

        dumpv = jnp.full((LANES,), DUMP, jnp.int32)
        zi = jnp.zeros((LANES,), jnp.int32)
        for k in range(KC2 // LANES):
            csrc[pl.ds(cnt + k * LANES, LANES)] = zi
            cpos[pl.ds(cnt + k * LANES, LANES)] = dumpv

        cbuf[pl.ds(0, LANES)] = jnp.full((LANES,), cnt, jnp.int32)
        pltpu.sync_copy(csrc, e2src.at[pl.ds(w * CSL, CSL)])
        pltpu.sync_copy(cpos, e2pos.at[pl.ds(w * CSL, CSL)])
        pltpu.sync_copy(cbuf, e2cnt.at[pl.ds(w * 16, 16)])

        @pl.when(w == 0)
        def _():
            for k in range(S2P // LANES):
                ids = s2buf[pl.ds(k * LANES, LANES)]
                pvbuf[pl.ds(k * LANES, LANES)] = plsc.load_gather(
                    pos, (ids,))
            pltpu.sync_copy(pvbuf, posv)

    return filt_kernel(src1d, dst1d, s2idx)


FR = NPAD // D


def _sc_filter1(src1d, dst1d, e2src, e2cnt, s2idx):
    out_type = [
        jax.ShapeDtypeStruct((NW * CSL,), jnp.int32),
        jax.ShapeDtypeStruct((NW * CSL,), jnp.int32),
        jax.ShapeDtypeStruct((NW * 16,), jnp.int32),
    ]
    scratch = [
        pltpu.VMEM((EPT,), jnp.int32),
        pltpu.VMEM((EPT,), jnp.int32),
        pltpu.VMEM((FR, D), jnp.float32),
        pltpu.VMEM((CSL,), jnp.int32),
        pltpu.VMEM((CSL,), jnp.int32),
        pltpu.VMEM((CSL,), jnp.int32),
        pltpu.VMEM((S2P,), jnp.int32),
        pltpu.VMEM((16,), jnp.int32),
        pltpu.VMEM((1, FR), jnp.int32),
        pltpu.VMEM_SHARED((FR, D), jnp.float32),
        pltpu.SemaphoreType.DMA,
    ]

    @functools.partial(
        pl.kernel, out_type=out_type, mesh=_sc_mesh(),
        scratch_types=scratch,
        compiler_params=pltpu.CompilerParams(
            use_tc_tiling_on_sc=False, needs_layout_passes=False))
    def filt1_kernel(src_ref, dst_ref, e2s_ref, e2c_ref, s2_ref,
                     e1src, e1dst, e1cnt, sbuf, dbuf, flag, stag, csrc,
                     cdst, s2buf, cnt16, riota, flagS, sem):
        c = lax.axis_index("c")
        s = lax.axis_index("s")
        w = c * NS + s

        zf = jnp.zeros((LANES,), jnp.float32)

        def zb(r, carry):
            for cc in range(D // LANES):
                flag[r, pl.ds(cc * LANES, LANES)] = zf
            return carry

        lax.fori_loop(0, FR, zb, 0)

        def ib(i, carry):
            riota[0, pl.ds(i * LANES, LANES)] = (
                lax.broadcasted_iota(jnp.int32, (LANES,), 0) + i * LANES)
            return carry

        lax.fori_loop(0, FR // LANES, ib, 0)

        @pl.when(s == 0)
        def _():
            pltpu.sync_copy(flag, flagS)

        plsc.subcore_barrier()

        onesf = jnp.ones((LANES,), jnp.float32)

        def mark(ids):
            plsc.store_scatter(
                flag, (lax.shift_right_logical(ids, 7),
                       lax.bitwise_and(ids, 127)), onesf)

        pltpu.sync_copy(s2_ref, s2buf)
        for k in range(S2P // LANES):
            mark(s2buf[pl.ds(k * LANES, LANES)])

        for mirror in range(NC):
            t = (1 - c) * NS + s if mirror else w
            pltpu.sync_copy(e2s_ref.at[pl.ds(t * CSL, CSL)], stag)
            pltpu.sync_copy(e2c_ref.at[pl.ds(t * 16, 16)], cnt16)
            cnt = jnp.max(cnt16[pl.ds(0, LANES)])

            def mk(i, carry):
                mark(stag[pl.ds(i * LANES, LANES)])
                return carry

            lax.fori_loop(0, (cnt + LANES - 1) // LANES, mk, 0)

        pltpu.sync_copy(flag, flagS.at[riota.at[0]], add=True)
        plsc.subcore_barrier()
        pltpu.sync_copy(flagS, flag)

        pltpu.sync_copy(src_ref.at[pl.ds(w * EPT, EPT)], sbuf)
        pltpu.sync_copy(dst_ref.at[pl.ds(w * EPT, EPT)], dbuf)

        def scan_body(i, cnt):
            d = dbuf[pl.ds(i * LANES, LANES)]
            u = sbuf[pl.ds(i * LANES, LANES)]
            f = plsc.load_gather(
                flag, (lax.shift_right_logical(d, 7),
                       lax.bitwise_and(d, 127)))
            m = f > 0.5
            plsc.store_compressed(csrc.at[pl.ds(cnt, LANES)], u, mask=m)
            plsc.store_compressed(cdst.at[pl.ds(cnt, LANES)], d, mask=m)
            n = plsc.all_reduce_population_count(m)
            return cnt + n[0]

        cnt = lax.fori_loop(0, EPT // LANES, scan_body, 0)

        sentv = jnp.full((LANES,), NPAD - 1, jnp.int32)
        zi = jnp.zeros((LANES,), jnp.int32)
        for k in range(KC2 // LANES):
            csrc[pl.ds(cnt + k * LANES, LANES)] = zi
            cdst[pl.ds(cnt + k * LANES, LANES)] = sentv

        cnt16[pl.ds(0, LANES)] = jnp.full((LANES,), cnt, jnp.int32)
        pltpu.sync_copy(csrc, e1src.at[pl.ds(w * CSL, CSL)])
        pltpu.sync_copy(cdst, e1dst.at[pl.ds(w * CSL, CSL)])
        pltpu.sync_copy(cnt16, e1cnt.at[pl.ds(w * 16, 16)])

    return filt1_kernel(src1d, dst1d, e2src, e2cnt, s2idx)


def _sc_agg1_sparse(xh_hbm, e1src, e1dst, e1cnt):
    out_type = [
        jax.ShapeDtypeStruct((NPAD, DH), jnp.float32),
        jax.ShapeDtypeStruct((NPAD, DH), jnp.float32),
    ]
    scratch = [
        pltpu.VMEM((CSL,), jnp.int32),
        pltpu.VMEM((CSL,), jnp.int32),
        pltpu.VMEM((1, KC2), jnp.int32),
        pltpu.VMEM((16,), jnp.int32),
        pltpu.VMEM((KC2, DH), jnp.float32),
        pltpu.VMEM((ZR, DH), jnp.float32),
        pltpu.VMEM_SHARED((NPAD, DH), jnp.float32),
        pltpu.SemaphoreType.DMA,
    ]

    @functools.partial(
        pl.kernel, out_type=out_type, mesh=_sc_mesh(),
        scratch_types=scratch,
        compiler_params=pltpu.CompilerParams(
            use_tc_tiling_on_sc=False, needs_layout_passes=False))
    def agg1_kernel(x_ref, src_ref, dst_ref, cnt_ref, aggA, aggB,
                    sbuf, dbuf, idxb, cnt16, rbuf, zbuf, aggS, sem):
        c = lax.axis_index("c")
        s = lax.axis_index("s")
        w = c * NS + s

        _fill_const(zbuf, ZR, DH, 0.0)
        for blk in range(RPT // ZR):
            pltpu.sync_copy(zbuf, aggS.at[pl.ds(s * RPT + blk * ZR, ZR)])

        plsc.subcore_barrier()

        pltpu.sync_copy(src_ref.at[pl.ds(w * CSL, CSL)], sbuf)
        pltpu.sync_copy(dst_ref.at[pl.ds(w * CSL, CSL)], dbuf)
        pltpu.sync_copy(cnt_ref.at[pl.ds(w * 16, 16)], cnt16)
        cnt = jnp.max(cnt16[pl.ds(0, LANES)])
        nch = (cnt + KC2 - 1) // KC2

        def edge_body(j, carry):
            pltpu.async_copy(x_ref.at[sbuf.at[pl.ds(j * KC2, KC2)]],
                             rbuf, sem).wait()
            for k in range(KC2 // LANES):
                idxb[0, pl.ds(k * LANES, LANES)] = dbuf[
                    pl.ds(j * KC2 + k * LANES, LANES)]
            pltpu.sync_copy(rbuf, aggS.at[idxb.at[0]], add=True)
            return carry

        lax.fori_loop(0, nch, edge_body, 0)

        plsc.subcore_barrier()

        row0 = s * RPT

        @pl.when(c == 0)
        def _():
            pltpu.sync_copy(aggS.at[pl.ds(row0, RPT)],
                            aggA.at[pl.ds(row0, RPT)])

        @pl.when(c == 1)
        def _():
            pltpu.sync_copy(aggS.at[pl.ds(row0, RPT)],
                            aggB.at[pl.ds(row0, RPT)])

    return agg1_kernel(xh_hbm, e1src, e1dst, e1cnt)


def _sc_agg2_sparse(h1, e2src, e2pos, e2cnt):
    out_type = [
        jax.ShapeDtypeStruct((S2P, D), jnp.float32),
        jax.ShapeDtypeStruct((S2P, D), jnp.float32),
    ]
    scratch = [
        pltpu.VMEM((CSL,), jnp.int32),
        pltpu.VMEM((CSL,), jnp.int32),
        pltpu.VMEM((1, KC2), jnp.int32),
        pltpu.VMEM((16,), jnp.int32),
        pltpu.VMEM((KC2, D), jnp.float32),
        pltpu.VMEM((S2P, D), jnp.float32),
        pltpu.VMEM_SHARED((S2P, D), jnp.float32),
        pltpu.SemaphoreType.DMA,
    ]

    @functools.partial(
        pl.kernel, out_type=out_type, mesh=_sc_mesh(),
        scratch_types=scratch,
        compiler_params=pltpu.CompilerParams(
            use_tc_tiling_on_sc=True, needs_layout_passes=False))
    def agg2_kernel(h1_ref, src_ref, pos_ref, cnt_ref, a2A, a2B,
                    csrc, cpos, idxb, cnt16, rows, zbuf, accS, sem):
        c = lax.axis_index("c")
        s = lax.axis_index("s")
        w = c * NS + s

        _fill_const(zbuf, S2P, D, 0.0)

        @pl.when(s == 0)
        def _():
            pltpu.sync_copy(zbuf, accS)

        plsc.subcore_barrier()

        pltpu.sync_copy(src_ref.at[pl.ds(w * CSL, CSL)], csrc)
        pltpu.sync_copy(pos_ref.at[pl.ds(w * CSL, CSL)], cpos)
        pltpu.sync_copy(cnt_ref.at[pl.ds(w * 16, 16)], cnt16)
        cnt = jnp.max(cnt16[pl.ds(0, LANES)])
        nch = (cnt + KC2 - 1) // KC2

        def chunk_body(j, carry):
            pltpu.async_copy(h1_ref.at[csrc.at[pl.ds(j * KC2, KC2)]],
                             rows, sem).wait()
            for k in range(KC2 // LANES):
                idxb[0, pl.ds(k * LANES, LANES)] = cpos[
                    pl.ds(j * KC2 + k * LANES, LANES)]
            pltpu.sync_copy(rows, accS.at[idxb.at[0]], add=True)
            return carry

        lax.fori_loop(0, nch, chunk_body, 0)

        plsc.subcore_barrier()

        @pl.when(jnp.logical_and(s == 0, c == 0))
        def _():
            pltpu.sync_copy(accS, a2A)

        @pl.when(jnp.logical_and(s == 0, c == 1))
        def _():
            pltpu.sync_copy(accS, a2B)

    return agg2_kernel(h1, e2src, e2pos, e2cnt)


def _tc_layer(xp, a0A, a0B, a1A, a1B, degA, degB, Ws, Wn, b):
    BR = 256
    nb = NPAD // BR

    def body(x_ref, a0A_ref, a0B_ref, a1A_ref, a1B_ref, dA_ref, dB_ref,
             ws_ref, wn_ref, b_ref, o_ref):
        deg = jnp.maximum(dA_ref[...][:, :1] + dB_ref[...][:, :1], 1.0)
        mean = jnp.concatenate(
            [(a0A_ref[...] + a0B_ref[...]) / deg,
             (a1A_ref[...] + a1B_ref[...]) / deg], axis=1)
        h = lax.dot_general(x_ref[...], ws_ref[...],
                            (((1,), (1,)), ((), ())),
                            preferred_element_type=jnp.float32)
        h = h + lax.dot_general(mean, wn_ref[...],
                                (((1,), (1,)), ((), ())),
                                preferred_element_type=jnp.float32)
        o_ref[...] = jnp.maximum(h + b_ref[...], 0.0)

    return pl.pallas_call(
        body,
        grid=(nb,),
        in_specs=[
            pl.BlockSpec((BR, D), lambda i: (i, 0)),
            pl.BlockSpec((BR, DH), lambda i: (i, 0)),
            pl.BlockSpec((BR, DH), lambda i: (i, 0)),
            pl.BlockSpec((BR, DH), lambda i: (i, 0)),
            pl.BlockSpec((BR, DH), lambda i: (i, 0)),
            pl.BlockSpec((BR, DW), lambda i: (i, 0)),
            pl.BlockSpec((BR, DW), lambda i: (i, 0)),
            pl.BlockSpec((D, D), lambda i: (0, 0)),
            pl.BlockSpec((D, D), lambda i: (0, 0)),
            pl.BlockSpec((1, D), lambda i: (0, 0)),
        ],
        out_specs=pl.BlockSpec((BR, D), lambda i: (i, 0)),
        out_shape=jax.ShapeDtypeStruct((NPAD, D), jnp.float32),
    )(xp, a0A, a0B, a1A, a1B, degA, degB, Ws, Wn, b)


def _tc_head(h1g, a2g, dg, Ws, Wn, b, fcW, fcb):

    def body(xg_ref, ag_ref, dg_ref, ws_ref, wn_ref, b_ref,
             fw_ref, fb_ref, o_ref):
        mean = ag_ref[...] / jnp.maximum(dg_ref[...], 1.0)
        h = lax.dot_general(xg_ref[...], ws_ref[...],
                            (((1,), (1,)), ((), ())),
                            preferred_element_type=jnp.float32)
        h = h + lax.dot_general(mean, wn_ref[...],
                                (((1,), (1,)), ((), ())),
                                preferred_element_type=jnp.float32)
        h = jnp.maximum(h + b_ref[...], 0.0)
        rows = lax.broadcasted_iota(jnp.int32, (S2P, D), 0)
        smax = jnp.max(jnp.where(rows < 32, h, -jnp.inf), axis=0,
                       keepdims=True)
        arow = h[32:33, :]
        fw = fw_ref[...]
        out = (jnp.sum(smax * fw[:, :D], axis=1, keepdims=True)
               + jnp.sum(arow * fw[:, D:], axis=1, keepdims=True)
               + fb_ref[...])
        o_ref[...] = out

    return pl.pallas_call(
        body,
        in_specs=[pl.BlockSpec(a.shape, lambda: (0, 0))
                  for a in (h1g, a2g, dg, Ws, Wn, b, fcW, fcb)],
        out_specs=pl.BlockSpec((1, 1), lambda: (0, 0)),
        out_shape=jax.ShapeDtypeStruct((1, 1), jnp.float32),
    )(h1g, a2g, dg, Ws, Wn, b, fcW, fcb)


def kernel(inputs, edge_index, states, actions, W_self1, W_neigh1, b1,
           W_self2, W_neigh2, b2, fcW, fcb):
    x = inputs.astype(jnp.float32)
    src = edge_index[0]
    dst = edge_index[1]

    src3 = src.reshape(NW, NCH, KCH)
    dst3 = dst.reshape(NW, NCH, KCH)

    s2idx = jnp.full((S2P,), NPAD - 1, jnp.int32).at[:32].set(
        states).at[32].set(actions[0])

    xp = jnp.pad(x, ((0, NPAD - N), (0, 0)))
    b1r = b1.reshape(1, D)
    b2r = b2.reshape(1, D)
    fcbr = fcb.reshape(1, 1)

    degA, degB = _sc_degree(dst3)
    e2src, e2pos, e2cnt, posv = _sc_filter2(src, dst, s2idx)
    e1src, e1dst, e1cnt = _sc_filter1(src, dst, e2src, e2cnt, s2idx)
    a0A, a0B = _sc_agg1_sparse(xp[:, :DH], e1src, e1dst, e1cnt)
    a1A, a1B = _sc_agg1_sparse(xp[:, DH:], e1src, e1dst, e1cnt)
    h1 = _tc_layer(xp, a0A, a0B, a1A, a1B, degA, degB,
                   W_self1, W_neigh1, b1r)
    a2A, a2B = _sc_agg2_sparse(h1, e2src, e2pos, e2cnt)

    h1g = jnp.take(h1, s2idx, axis=0)
    a2g = jnp.take(a2A + a2B, posv, axis=0)
    dg = (jnp.take(degA[:, 0], s2idx) + jnp.take(degB[:, 0], s2idx))
    dg = dg.reshape(S2P, 1)

    out = _tc_head(h1g, a2g, dg, W_self2, W_neigh2, b2r, fcW, fcbr)
    return out

# --- scband reference (transcript-rebuilt; emitter-appended) ---
"""Pipeline reference for scband-graph-qnetwork-90443421319518 (READ-ONLY COPY).

The authoritative reference and input builder live on the scoring server;
editing this copy changes nothing except your own understanding.
"""

import jax, jax.numpy as jnp
import numpy as np

N = 10000
E = 320000
D = 128
H = 128

def setup_inputs(seed: int = 0) -> dict:
    key = jax.random.key(seed)
    ks = jax.random.split(key, 12)
    inputs = jax.random.normal(ks[0], (N, D), dtype=jnp.float32)
    edge_index = jax.random.randint(ks[1], (2, E), 0, N, dtype=jnp.int64 if jax.config.read('jax_enable_x64') else jnp.int32).astype(jnp.int32)
    states = jax.random.randint(ks[2], (32,), 0, N).astype(jnp.int32)
    actions = jax.random.randint(ks[3], (1,), 0, N).astype(jnp.int32)
    s = 0.05
    W_self1 = jax.random.normal(ks[4], (H, D), dtype=jnp.float32) * s
    W_neigh1 = jax.random.normal(ks[5], (H, D), dtype=jnp.float32) * s
    b1 = jnp.zeros((H,), dtype=jnp.float32)
    W_self2 = jax.random.normal(ks[6], (H, H), dtype=jnp.float32) * s
    W_neigh2 = jax.random.normal(ks[7], (H, H), dtype=jnp.float32) * s
    b2 = jnp.zeros((H,), dtype=jnp.float32)
    fcW = jax.random.normal(ks[8], (1, 2 * H), dtype=jnp.float32) * s
    fcb = jnp.zeros((1,), dtype=jnp.float32)
    return {"inputs": inputs, "edge_index": edge_index, "states": states, "actions": actions,
            "W_self1": W_self1, "W_neigh1": W_neigh1, "b1": b1,
            "W_self2": W_self2, "W_neigh2": W_neigh2, "b2": b2,
            "fcW": fcW, "fcb": fcb}

def _sage(x, src, dst, Wn, Ws, b, n_nodes):
    # DGL SAGEConv, aggregator_type='mean': fc_self(x) + fc_neigh(mean_{u in N(v)} x_u)
    deg = jnp.zeros((n_nodes,), x.dtype).at[dst].add(1.0)
    agg = jnp.zeros((n_nodes, x.shape[1]), x.dtype).at[dst].add(x[src])
    mean = agg / jnp.maximum(deg, 1.0)[:, None]
    return x @ Ws.T + mean @ Wn.T + b

def reference(inputs, edge_index, states, actions, W_self1, W_neigh1, b1, W_self2, W_neigh2, b2, fcW, fcb):
    n_nodes = inputs.shape[0]
    src = edge_index[0]
    dst = edge_index[1]
    h = _sage(inputs, src, dst, W_neigh1, W_self1, b1, n_nodes)
    h = jax.nn.relu(h)
    # dropout is identity in eval mode
    h = _sage(h, src, dst, W_neigh2, W_self2, b2, n_nodes)
    h = jax.nn.relu(h)
    states_vector = jnp.take(h, states, axis=0)
    actions_vector = jnp.take(h, actions, axis=0)
    states_aggvector = jnp.max(states_vector, axis=0, keepdims=True)
    hcat = jnp.concatenate((states_aggvector, actions_vector), axis=1)
    out = hcat @ fcW.T + fcb
    return out

if __name__ == "__main__":
    import jax
    _d = setup_inputs()
    print(jax.jit(kernel)(*tuple(_d.values())))

</pallas_src>

<mosaic_0001>
#map = affine_map<(d0, d1) -> (0, 0, 0)>
#map1 = affine_map<(d0, d1) -> (0, 0)>
module attributes {stable_mosaic.version = 14 : i64} {
  func.func @deg_kernel(%arg0: i32, %arg1: i32, %arg2: memref<32x80x125xi32, #tpu.memory_space<hbm>>, %arg3: memref<10240x16xf32, #tpu.memory_space<hbm>>, %arg4: memref<10240x16xf32, #tpu.memory_space<hbm>>, %arg5: memref<80x125xi32, #tpu.memory_space<vmem>>, %arg6: memref<128x16xf32, #tpu.memory_space<vmem>>, %arg7: memref<10240x16xf32, #tpu.memory_space<vmem_shared>>, %arg8: memref<!tpu.dma_semaphore, #tpu.memory_space<semaphore_mem>>) attributes {dimension_semantics = [#tpu.dimension_semantics<core_parallel>, #tpu.dimension_semantics<subcore_parallel>], iteration_bounds = array<i64: 2, 16>, scalar_prefetch = 0 : i64, scratch_operands = 4 : i64, tpu.core_type = #tpu.core_type<sc_vector_subcore>, window_params = [{transform_indices = #map}, {transform_indices = #map1}, {transform_indices = #map1}]} {
    %mul3A = arith.constant 16 : i32
    %mul3A_0 = arith.muli %arg0, %mul3A : i32
    %add3A = arith.addi %mul3A_0, %arg1 : i32
    %broadcast_in_dim3A = arith.constant 0.000000e+00 : f32
    %broadcast_in_dim3A_1 = vector.broadcast %broadcast_in_dim3A : f32 to vector<16xf32>
    %scan3A = arith.constant 0 : i32
    %scan3A_2 = arith.constant 0 : i32
    %scan3A_3 = arith.constant 128 : i32
    %scan3A_4 = arith.addi %scan3A_2, %scan3A_3 : i32
    %scan3A_5 = arith.constant 1 : i32
    scf.for %scan3A_51 = %scan3A_2 to %scan3A_4 step %scan3A_5  : i32 {
      %swap3A = arith.index_cast %scan3A_51 : i32 to index
      %swap3A_52 = arith.constant 0 : index
      %swap3A_53 = tpu.vector_load %arg6[%swap3A, %swap3A_52] {strides = array<i32>} : memref<128x16xf32, #tpu.memory_space<vmem>>, vector<1x16xf32>,
      %swap3A_54 = vector.shape_cast %swap3A_53 : vector<1x16xf32> to vector<16xf32>
      %swap3A_55 = vector.shape_cast %broadcast_in_dim3A_1 : vector<16xf32> to vector<1x16xf32>
      tpu.vector_store %arg6[%swap3A, %swap3A_52], %swap3A_55 {strides = array<i32>} : memref<128x16xf32, #tpu.memory_space<vmem>>, vector<1x16xf32>,
    }
    %scan3A_6 = arith.constant 128 : i32
    %mul3A_7 = arith.constant 640 : i32
    %mul3A_8 = arith.muli %arg1, %mul3A_7 : i32
    %add3A_9 = arith.constant 0 : i32
    %add3A_10 = arith.addi %mul3A_8, %add3A_9 : i32
    "tpu.region"() ({
      %run_scoped3A = tpu.sem_alloc : memref<!tpu.dma_semaphore, #tpu.memory_space<semaphore_mem>>
      %dma_start3A = arith.constant 0 : i32
      %dma_start3A_51 = tpu.memref_slice %arg7[%add3A_10, %dma_start3A] : memref<10240x16xf32, #tpu.memory_space<vmem_shared>> -> memref<128x16xf32, #tpu.memory_space<vmem_shared>>
      %dma_start3A_52 = arith.constant 0 : i32
      %dma_start3A_53 = tpu.memref_slice %arg7[%add3A_10, %dma_start3A_52] : memref<10240x16xf32, #tpu.memory_space<vmem_shared>> -> memref<128x16xf32, #tpu.memory_space<vmem_shared>>
      tpu.enqueue_dma source(%arg6 : memref<128x16xf32, #tpu.memory_space<vmem>>) target(%dma_start3A_53 : memref<128x16xf32, #tpu.memory_space<vmem_shared>>) target_semaphore(%run_scoped3A : memref<!tpu.dma_semaphore, #tpu.memory_space<semaphore_mem>>)
      %dma_wait3A = arith.constant 0 : i32
      %dma_wait3A_54 = tpu.memref_slice %arg7[%add3A_10, %dma_wait3A] : memref<10240x16xf32, #tpu.memory_space<vmem_shared>> -> memref<128x16xf32, #tpu.memory_space<vmem_shared>>
      %dma_wait3A_55 = arith.constant 0 : i32
      %dma_wait3A_56 = tpu.memref_slice %arg7[%add3A_10, %dma_wait3A_55] : memref<10240x16xf32, #tpu.memory_space<vmem_shared>> -> memref<128x16xf32, #tpu.memory_space<vmem_shared>>
      tpu.wait_dma2 semaphore(%run_scoped3A : memref<!tpu.dma_semaphore, #tpu.memory_space<semaphore_mem>>) src(%arg6 : memref<128x16xf32, #tpu.memory_space<vmem>>) dst(%dma_wait3A_56 : memref<128x16xf32, #tpu.memory_space<vmem_shared>>)
      tpu.yield
    }) : () -> ()
    %mul3A_11 = arith.constant 640 : i32
    %mul3A_12 = arith.muli %arg1, %mul3A_11 : i32
    %add3A_13 = arith.constant 128 : i32
    %add3A_14 = arith.addi %mul3A_12, %add3A_13 : i32
    "tpu.region"() ({
      %run_scoped3A = tpu.sem_alloc : memref<!tpu.dma_semaphore, #tpu.memory_space<semaphore_mem>>
      %dma_start3A = arith.constant 0 : i32
      %dma_start3A_51 = tpu.memref_slice %arg7[%add3A_14, %dma_start3A] : memref<10240x16xf32, #tpu.memory_space<vmem_shared>> -> memref<128x16xf32, #tpu.memory_space<vmem_shared>>
      %dma_start3A_52 = arith.constant 0 : i32
      %dma_start3A_53 = tpu.memref_slice %arg7[%add3A_14, %dma_start3A_52] : memref<10240x16xf32, #tpu.memory_space<vmem_shared>> -> memref<128x16xf32, #tpu.memory_space<vmem_shared>>
      tpu.enqueue_dma source(%arg6 : memref<128x16xf32, #tpu.memory_space<vmem>>) target(%dma_start3A_53 : memref<128x16xf32, #tpu.memory_space<vmem_shared>>) target_semaphore(%run_scoped3A : memref<!tpu.dma_semaphore, #tpu.memory_space<semaphore_mem>>)
      %dma_wait3A = arith.constant 0 : i32
      %dma_wait3A_54 = tpu.memref_slice %arg7[%add3A_14, %dma_wait3A] : memref<10240x16xf32, #tpu.memory_space<vmem_shared>> -> memref<128x16xf32, #tpu.memory_space<vmem_shared>>
      %dma_wait3A_55 = arith.constant 0 : i32
      %dma_wait3A_56 = tpu.memref_slice %arg7[%add3A_14, %dma_wait3A_55] : memref<10240x16xf32, #tpu.memory_space<vmem_shared>> -> memref<128x16xf32, #tpu.memory_space<vmem_shared>>
      tpu.wait_dma2 semaphore(%run_scoped3A : memref<!tpu.dma_semaphore, #tpu.memory_space<semaphore_mem>>) src(%arg6 : memref<128x16xf32, #tpu.memory_space<vmem>>) dst(%dma_wait3A_56 : memref<128x16xf32, #tpu.memory_space<vmem_shared>>)
      tpu.yield
    }) : () -> ()
    %mul3A_15 = arith.constant 640 : i32
    %mul3A_16 = arith.muli %arg1, %mul3A_15 : i32
    %add3A_17 = arith.constant 256 : i32
    %add3A_18 = arith.addi %mul3A_16, %add3A_17 : i32
    "tpu.region"() ({
      %run_scoped3A = tpu.sem_alloc : memref<!tpu.dma_semaphore, #tpu.memory_space<semaphore_mem>>
      %dma_start3A = arith.constant 0 : i32
      %dma_start3A_51 = tpu.memref_slice %arg7[%add3A_18, %dma_start3A] : memref<10240x16xf32, #tpu.memory_space<vmem_shared>> -> memref<128x16xf32, #tpu.memory_space<vmem_shared>>
      %dma_start3A_52 = arith.constant 0 : i32
      %dma_start3A_53 = tpu.memref_slice %arg7[%add3A_18, %dma_start3A_52] : memref<10240x16xf32, #tpu.memory_space<vmem_shared>> -> memref<128x16xf32, #tpu.memory_space<vmem_shared>>
      tpu.enqueue_dma source(%arg6 : memref<128x16xf32, #tpu.memory_space<vmem>>) target(%dma_start3A_53 : memref<128x16xf32, #tpu.memory_space<vmem_shared>>) target_semaphore(%run_scoped3A : memref<!tpu.dma_semaphore, #tpu.memory_space<semaphore_mem>>)
      %dma_wait3A = arith.constant 0 : i32
      %dma_wait3A_54 = tpu.memref_slice %arg7[%add3A_18, %dma_wait3A] : memref<10240x16xf32, #tpu.memory_space<vmem_shared>> -> memref<128x16xf32, #tpu.memory_space<vmem_shared>>
      %dma_wait3A_55 = arith.constant 0 : i32
      %dma_wait3A_56 = tpu.memref_slice %arg7[%add3A_18, %dma_wait3A_55] : memref<10240x16xf32, #tpu.memory_space<vmem_shared>> -> memref<128x16xf32, #tpu.memory_space<vmem_shared>>
      tpu.wait_dma2 semaphore(%run_scoped3A : memref<!tpu.dma_semaphore, #tpu.memory_space<semaphore_mem>>) src(%arg6 : memref<128x16xf32, #tpu.memory_space<vmem>>) dst(%dma_wait3A_56 : memref<128x16xf32, #tpu.memory_space<vmem_shared>>)
      tpu.yield
    }) : () -> ()
    %mul3A_19 = arith.constant 640 : i32
    %mul3A_20 = arith.muli %arg1, %mul3A_19 : i32
    %add3A_21 = arith.constant 384 : i32
    %add3A_22 = arith.addi %mul3A_20, %add3A_21 : i32
    "tpu.region"() ({
      %run_scoped3A = tpu.sem_alloc : memref<!tpu.dma_semaphore, #tpu.memory_space<semaphore_mem>>
      %dma_start3A = arith.constant 0 : i32
      %dma_start3A_51 = tpu.memref_slice %arg7[%add3A_22, %dma_start3A] : memref<10240x16xf32, #tpu.memory_space<vmem_shared>> -> memref<128x16xf32, #tpu.memory_space<vmem_shared>>
      %dma_start3A_52 = arith.constant 0 : i32
      %dma_start3A_53 = tpu.memref_slice %arg7[%add3A_22, %dma_start3A_52] : memref<10240x16xf32, #tpu.memory_space<vmem_shared>> -> memref<128x16xf32, #tpu.memory_space<vmem_shared>>
      tpu.enqueue_dma source(%arg6 : memref<128x16xf32, #tpu.memory_space<vmem>>) target(%dma_start3A_53 : memref<128x16xf32, #tpu.memory_space<vmem_shared>>) target_semaphore(%run_scoped3A : memref<!tpu.dma_semaphore, #tpu.memory_space<semaphore_mem>>)
      %dma_wait3A = arith.constant 0 : i32
      %dma_wait3A_54 = tpu.memref_slice %arg7[%add3A_22, %dma_wait3A] : memref<10240x16xf32, #tpu.memory_space<vmem_shared>> -> memref<128x16xf32, #tpu.memory_space<vmem_shared>>
      %dma_wait3A_55 = arith.constant 0 : i32
      %dma_wait3A_56 = tpu.memref_slice %arg7[%add3A_22, %dma_wait3A_55] : memref<10240x16xf32, #tpu.memory_space<vmem_shared>> -> memref<128x16xf32, #tpu.memory_space<vmem_shared>>
      tpu.wait_dma2 semaphore(%run_scoped3A : memref<!tpu.dma_semaphore, #tpu.memory_space<semaphore_mem>>) src(%arg6 : memref<128x16xf32, #tpu.memory_space<vmem>>) dst(%dma_wait3A_56 : memref<128x16xf32, #tpu.memory_space<vmem_shared>>)
      tpu.yield
    }) : () -> ()
    %mul3A_23 = arith.constant 640 : i32
    %mul3A_24 = arith.muli %arg1, %mul3A_23 : i32
    %add3A_25 = arith.constant 512 : i32
    %add3A_26 = arith.addi %mul3A_24, %add3A_25 : i32
    "tpu.region"() ({
      %run_scoped3A = tpu.sem_alloc : memref<!tpu.dma_semaphore, #tpu.memory_space<semaphore_mem>>
      %dma_start3A = arith.constant 0 : i32
      %dma_start3A_51 = tpu.memref_slice %arg7[%add3A_26, %dma_start3A] : memref<10240x16xf32, #tpu.memory_space<vmem_shared>> -> memref<128x16xf32, #tpu.memory_space<vmem_shared>>
      %dma_start3A_52 = arith.constant 0 : i32
      %dma_start3A_53 = tpu.memref_slice %arg7[%add3A_26, %dma_start3A_52] : memref<10240x16xf32, #tpu.memory_space<vmem_shared>> -> memref<128x16xf32, #tpu.memory_space<vmem_shared>>
      tpu.enqueue_dma source(%arg6 : memref<128x16xf32, #tpu.memory_space<vmem>>) target(%dma_start3A_53 : memref<128x16xf32, #tpu.memory_space<vmem_shared>>) target_semaphore(%run_scoped3A : memref<!tpu.dma_semaphore, #tpu.memory_space<semaphore_mem>>)
      %dma_wait3A = arith.constant 0 : i32
      %dma_wait3A_54 = tpu.memref_slice %arg7[%add3A_26, %dma_wait3A] : memref<10240x16xf32, #tpu.memory_space<vmem_shared>> -> memref<128x16xf32, #tpu.memory_space<vmem_shared>>
      %dma_wait3A_55 = arith.constant 0 : i32
      %dma_wait3A_56 = tpu.memref_slice %arg7[%add3A_26, %dma_wait3A_55] : memref<10240x16xf32, #tpu.memory_space<vmem_shared>> -> memref<128x16xf32, #tpu.memory_space<vmem_shared>>
      tpu.wait_dma2 semaphore(%run_scoped3A : memref<!tpu.dma_semaphore, #tpu.memory_space<semaphore_mem>>) src(%arg6 : memref<128x16xf32, #tpu.memory_space<vmem>>) dst(%dma_wait3A_56 : memref<128x16xf32, #tpu.memory_space<vmem_shared>>)
      tpu.yield
    }) : () -> ()
    %barrier3A = arith.constant 0 : index
    tpu.barrier barrier_id(%barrier3A)
    "tpu.region"() ({
      %run_scoped3A = tpu.sem_alloc : memref<!tpu.dma_semaphore, #tpu.memory_space<semaphore_mem>>
      %dma_start3A = arith.constant 0 : i32
      %dma_start3A_51 = arith.constant 0 : i32
      %dma_start3A_52 = tpu.memref_slice %arg2[%add3A, %dma_start3A, %dma_start3A_51] : memref<32x80x125xi32, #tpu.memory_space<hbm>> -> memref<1x80x125xi32, #tpu.memory_space<hbm>>
      %dma_start3A_53 = tpu.memref_squeeze %dma_start3A_52 : memref<1x80x125xi32, #tpu.memory_space<hbm>> -> memref<80x125xi32, #tpu.memory_space<hbm>>
      %dma_start3A_54 = arith.constant 0 : i32
      %dma_start3A_55 = arith.constant 0 : i32
      %dma_start3A_56 = tpu.memref_slice %arg2[%add3A, %dma_start3A_54, %dma_start3A_55] : memref<32x80x125xi32, #tpu.memory_space<hbm>> -> memref<1x80x125xi32, #tpu.memory_space<hbm>>
      %dma_start3A_57 = tpu.memref_squeeze %dma_start3A_56 : memref<1x80x125xi32, #tpu.memory_space<hbm>> -> memref<80x125xi32, #tpu.memory_space<hbm>>
      tpu.enqueue_dma source(%dma_start3A_57 : memref<80x125xi32, #tpu.memory_space<hbm>>) target(%arg5 : memref<80x125xi32, #tpu.memory_space<vmem>>) target_semaphore(%run_scoped3A : memref<!tpu.dma_semaphore, #tpu.memory_space<semaphore_mem>>)
      %dma_wait3A = arith.constant 0 : i32
      %dma_wait3A_58 = arith.constant 0 : i32
      %dma_wait3A_59 = tpu.memref_slice %arg2[%add3A, %dma_wait3A, %dma_wait3A_58] : memref<32x80x125xi32, #tpu.memory_space<hbm>> -> memref<1x80x125xi32, #tpu.memory_space<hbm>>
      %dma_wait3A_60 = tpu.memref_squeeze %dma_wait3A_59 : memref<1x80x125xi32, #tpu.memory_space<hbm>> -> memref<80x125xi32, #tpu.memory_space<hbm>>
      %dma_wait3A_61 = arith.constant 0 : i32
      %dma_wait3A_62 = arith.constant 0 : i32
      %dma_wait3A_63 = tpu.memref_slice %arg2[%add3A, %dma_wait3A_61, %dma_wait3A_62] : memref<32x80x125xi32, #tpu.memory_space<hbm>> -> memref<1x80x125xi32, #tpu.memory_space<hbm>>
      %dma_wait3A_64 = tpu.memref_squeeze %dma_wait3A_63 : memref<1x80x125xi32, #tpu.memory_space<hbm>> -> memref<80x125xi32, #tpu.memory_space<hbm>>
      tpu.wait_dma2 semaphore(%run_scoped3A : memref<!tpu.dma_semaphore, #tpu.memory_space<semaphore_mem>>) src(%dma_wait3A_64 : memref<80x125xi32, #tpu.memory_space<hbm>>) dst(%arg5 : memref<80x125xi32, #tpu.memory_space<vmem>>)
      tpu.yield
    }) : () -> ()
    %broadcast_in_dim3A_27 = arith.constant 1.000000e+00 : f32
    %broadcast_in_dim3A_28 = vector.broadcast %broadcast_in_dim3A_27 : f32 to vector<16xf32>
    %scan3A_29 = arith.constant 0 : i32
    %scan3A_30 = arith.constant 0 : i32
    %scan3A_31 = arith.constant 125 : i32
    %scan3A_32 = arith.addi %scan3A_30, %scan3A_31 : i32
    %scan3A_33 = arith.constant 1 : i32
    scf.for %scan3A_51 = %scan3A_30 to %scan3A_32 step %scan3A_33  : i32 {
      %swap3A = arith.index_cast %scan3A_51 : i32 to index
      %swap3A_52 = arith.constant 0 : index
      %swap3A_53 = tpu.vector_load %arg6[%swap3A, %swap3A_52] {strides = array<i32>} : memref<128x16xf32, #tpu.memory_space<vmem>>, vector<1x16xf32>,
      %swap3A_54 = vector.shape_cast %swap3A_53 : vector<1x16xf32> to vector<16xf32>
      %swap3A_55 = vector.shape_cast %broadcast_in_dim3A_28 : vector<16xf32> to vector<1x16xf32>
      tpu.vector_store %arg6[%swap3A, %swap3A_52], %swap3A_55 {strides = array<i32>} : memref<128x16xf32, #tpu.memory_space<vmem>>, vector<1x16xf32>,
    }
    %scan3A_34 = arith.constant 125 : i32
    %scan3A_35 = arith.constant 0 : i32
    %scan3A_36 = arith.constant 0 : i32
    %scan3A_37 = arith.constant 80 : i32
    %scan3A_38 = arith.addi %scan3A_36, %scan3A_37 : i32
    %scan3A_39 = arith.constant 1 : i32
    scf.for %scan3A_51 = %scan3A_36 to %scan3A_38 step %scan3A_39  : i32 {
      "tpu.region"() ({
        %run_scoped3A = tpu.sem_alloc : memref<!tpu.dma_semaphore, #tpu.memory_space<semaphore_mem>>
        %dma_start3A = arith.constant 0 : i32
        %dma_start3A_52 = arith.constant 0 : i32
        %dma_start3A_53 = tpu.memref_slice %arg6[%dma_start3A, %dma_start3A_52] : memref<128x16xf32, #tpu.memory_space<vmem>> -> memref<125x16xf32, #tpu.memory_space<vmem>>
        %dma_start3A_54 = arith.constant 0 : i32
        %dma_start3A_55 = tpu.memref_slice %arg5[%scan3A_51, %dma_start3A_54] : memref<80x125xi32, #tpu.memory_space<vmem>> -> memref<1x125xi32, #tpu.memory_space<vmem>>
        %dma_start3A_56 = tpu.memref_squeeze %dma_start3A_55 : memref<1x125xi32, #tpu.memory_space<vmem>> -> memref<125xi32, #tpu.memory_space<vmem>>
        %dma_start3A_57 = arith.constant 0 : i32
        %dma_start3A_58 = arith.constant 0 : i32
        %dma_start3A_59 = tpu.memref_slice %arg7[%dma_start3A_57, %dma_start3A_58] : memref<10240x16xf32, #tpu.memory_space<vmem_shared>> -> memref<10240x16xf32, #tpu.memory_space<vmem_shared>>
        tpu.enqueue_indirect_dma source(%dma_start3A_53 : memref<125x16xf32, #tpu.memory_space<vmem>>) target(%dma_start3A_59 : memref<10240x16xf32, #tpu.memory_space<vmem_shared>>) offsets(%dma_start3A_56 : memref<125xi32, #tpu.memory_space<vmem>>) semaphore(%run_scoped3A : memref<!tpu.dma_semaphore, #tpu.memory_space<semaphore_mem>>) {add = true}
        %dma_wait3A = arith.constant 0 : i32
        %dma_wait3A_60 = arith.constant 0 : i32
        %dma_wait3A_61 = tpu.memref_slice %arg6[%dma_wait3A, %dma_wait3A_60] : memref<128x16xf32, #tpu.memory_space<vmem>> -> memref<125x16xf32, #tpu.memory_space<vmem>>
        %dma_wait3A_62 = arith.constant 0 : i32
        %dma_wait3A_63 = tpu.memref_slice %arg5[%scan3A_51, %dma_wait3A_62] : memref<80x125xi32, #tpu.memory_space<vmem>> -> memref<1x125xi32, #tpu.memory_space<vmem>>
        %dma_wait3A_64 = tpu.memref_squeeze %dma_wait3A_63 : memref<1x125xi32, #tpu.memory_space<vmem>> -> memref<125xi32, #tpu.memory_space<vmem>>
        %dma_wait3A_65 = arith.constant 0 : i32
        %dma_wait3A_66 = arith.constant 0 : i32
        %dma_wait3A_67 = tpu.memref_slice %arg7[%dma_wait3A_65, %dma_wait3A_66] : memref<10240x16xf32, #tpu.memory_space<vmem_shared>> -> memref<10240x16xf32, #tpu.memory_space<vmem_shared>>
        tpu.wait_indirect_dma semaphore(%run_scoped3A : memref<!tpu.dma_semaphore, #tpu.memory_space<semaphore_mem>>) src(%dma_wait3A_61 : memref<125x16xf32, #tpu.memory_space<vmem>>) dst(%dma_wait3A_67 : memref<10240x16xf32, #tpu.memory_space<vmem_shared>>)
        tpu.yield
      }) : () -> ()
    }
    %scan3A_40 = arith.constant 80 : i32
    %barrier3A_41 = arith.constant 0 : index
    tpu.barrier barrier_id(%barrier3A_41)
    %mul3A_42 = arith.constant 640 : i32
    %mul3A_43 = arith.muli %arg1, %mul3A_42 : i32
    %eq3A = arith.constant 0 : i32
    %eq3A_44 = arith.cmpi eq, %arg0, %eq3A : i32
    %convert_element_type3A = arith.extui %eq3A_44 : i1 to i32
    %cond3A = arith.constant 0 : i32
    %cond3A_45 = arith.cmpi ne, %convert_element_type3A, %cond3A : i32
    scf.if %cond3A_45 {
      "tpu.region"() ({
        %run_scoped3A = tpu.sem_alloc : memref<!tpu.dma_semaphore, #tpu.memory_space<semaphore_mem>>
        %dma_start3A = arith.constant 0 : i32
        %dma_start3A_51 = tpu.memref_slice %arg3[%mul3A_43, %dma_start3A] : memref<10240x16xf32, #tpu.memory_space<hbm>> -> memref<640x16xf32, #tpu.memory_space<hbm>>
        %dma_start3A_52 = arith.constant 0 : i32
        %dma_start3A_53 = tpu.memref_slice %arg7[%mul3A_43, %dma_start3A_52] : memref<10240x16xf32, #tpu.memory_space<vmem_shared>> -> memref<640x16xf32, #tpu.memory_space<vmem_shared>>
        tpu.enqueue_dma source(%dma_start3A_53 : memref<640x16xf32, #tpu.memory_space<vmem_shared>>) target(%dma_start3A_51 : memref<640x16xf32, #tpu.memory_space<hbm>>) target_semaphore(%run_scoped3A : memref<!tpu.dma_semaphore, #tpu.memory_space<semaphore_mem>>)
        %dma_wait3A = arith.constant 0 : i32
        %dma_wait3A_54 = tpu.memref_slice %arg3[%mul3A_43, %dma_wait3A] : memref<10240x16xf32, #tpu.memory_space<hbm>> -> memref<640x16xf32, #tpu.memory_space<hbm>>
        %dma_wait3A_55 = arith.constant 0 : i32
        %dma_wait3A_56 = tpu.memref_slice %arg7[%mul3A_43, %dma_wait3A_55] : memref<10240x16xf32, #tpu.memory_space<vmem_shared>> -> memref<640x16xf32, #tpu.memory_space<vmem_shared>>
        tpu.wait_dma2 semaphore(%run_scoped3A : memref<!tpu.dma_semaphore, #tpu.memory_space<semaphore_mem>>) src(%dma_wait3A_56 : memref<640x16xf32, #tpu.memory_space<vmem_shared>>) dst(%dma_wait3A_54 : memref<640x16xf32, #tpu.memory_space<hbm>>)
        tpu.yield
      }) : () -> ()
    } else {
    }
    %eq3A_46 = arith.constant 1 : i32
    %eq3A_47 = arith.cmpi eq, %arg0, %eq3A_46 : i32
    %convert_element_type3A_48 = arith.extui %eq3A_47 : i1 to i32
    %cond3A_49 = arith.constant 0 : i32
    %cond3A_50 = arith.cmpi ne, %convert_element_type3A_48, %cond3A_49 : i32
    scf.if %cond3A_50 {
      "tpu.region"() ({
        %run_scoped3A = tpu.sem_alloc : memref<!tpu.dma_semaphore, #tpu.memory_space<semaphore_mem>>
        %dma_start3A = arith.constant 0 : i32
        %dma_start3A_51 = tpu.memref_slice %arg4[%mul3A_43, %dma_start3A] : memref<10240x16xf32, #tpu.memory_space<hbm>> -> memref<640x16xf32, #tpu.memory_space<hbm>>
        %dma_start3A_52 = arith.constant 0 : i32
        %dma_start3A_53 = tpu.memref_slice %arg7[%mul3A_43, %dma_start3A_52] : memref<10240x16xf32, #tpu.memory_space<vmem_shared>> -> memref<640x16xf32, #tpu.memory_space<vmem_shared>>
        tpu.enqueue_dma source(%dma_start3A_53 : memref<640x16xf32, #tpu.memory_space<vmem_shared>>) target(%dma_start3A_51 : memref<640x16xf32, #tpu.memory_space<hbm>>) target_semaphore(%run_scoped3A : memref<!tpu.dma_semaphore, #tpu.memory_space<semaphore_mem>>)
        %dma_wait3A = arith.constant 0 : i32
        %dma_wait3A_54 = tpu.memref_slice %arg4[%mul3A_43, %dma_wait3A] : memref<10240x16xf32, #tpu.memory_space<hbm>> -> memref<640x16xf32, #tpu.memory_space<hbm>>
        %dma_wait3A_55 = arith.constant 0 : i32
        %dma_wait3A_56 = tpu.memref_slice %arg7[%mul3A_43, %dma_wait3A_55] : memref<10240x16xf32, #tpu.memory_space<vmem_shared>> -> memref<640x16xf32, #tpu.memory_space<vmem_shared>>
        tpu.wait_dma2 semaphore(%run_scoped3A : memref<!tpu.dma_semaphore, #tpu.memory_space<semaphore_mem>>) src(%dma_wait3A_56 : memref<640x16xf32, #tpu.memory_space<vmem_shared>>) dst(%dma_wait3A_54 : memref<640x16xf32, #tpu.memory_space<hbm>>)
        tpu.yield
      }) : () -> ()
    } else {
    }
    return
  }
}

#map = affine_map<(d0, d1) -> (0, 0)>
#map1 = affine_map<(d0, d1) -> (0)>
module attributes {stable_mosaic.version = 14 : i64} {
  func.func @agg1_kernel(%arg0: i32, %arg1: i32, %arg2: memref<10240x64xf32, #tpu.memory_space<hbm>>, %arg3: memref<324608xi32, #tpu.memory_space<hbm>>, %arg4: memref<324608xi32, #tpu.memory_space<hbm>>, %arg5: memref<512xi32, #tpu.memory_space<hbm>>, %arg6: memref<10240x64xf32, #tpu.memory_space<hbm>>, %arg7: memref<10240x64xf32, #tpu.memory_space<hbm>>, %arg8: memref<10144xi32, #tpu.memory_space<vmem>>, %arg9: memref<10144xi32, #tpu.memory_space<vmem>>, %arg10: memref<1x128xi32, #tpu.memory_space<vmem>>, %arg11: memref<16xi32, #tpu.memory_space<vmem>>, %arg12: memref<128x64xf32, #tpu.memory_space<vmem>>, %arg13: memref<128x64xf32, #tpu.memory_space<vmem>>, %arg14: memref<10240x64xf32, #tpu.memory_space<vmem_shared>>, %arg15: memref<!tpu.dma_semaphore, #tpu.memory_space<semaphore_mem>>) attributes {dimension_semantics = [#tpu.dimension_semantics<core_parallel>, #tpu.dimension_semantics<subcore_parallel>], iteration_bounds = array<i64: 2, 16>, scalar_prefetch = 0 : i64, scratch_operands = 8 : i64, tpu.core_type = #tpu.core_type<sc_vector_subcore>, window_params = [{transform_indices = #map}, {transform_indices = #map1}, {transform_indices = #map1}, {transform_indices = #map1}, {transform_indices = #map}, {transform_indices = #map}]} {
    %mul3A = arith.constant 16 : i32
    %mul3A_0 = arith.muli %arg0, %mul3A : i32
    %add3A = arith.addi %mul3A_0, %arg1 : i32
    %broadcast_in_dim3A = arith.constant 0.000000e+00 : f32
    %broadcast_in_dim3A_1 = vector.broadcast %broadcast_in_dim3A : f32 to vector<16xf32>
    %scan3A = arith.constant 0 : i32
    %scan3A_2 = arith.constant 0 : i32
    %scan3A_3 = arith.constant 128 : i32
    %scan3A_4 = arith.addi %scan3A_2, %scan3A_3 : i32
    %scan3A_5 = arith.constant 1 : i32
    scf.for %scan3A_80 = %scan3A_2 to %scan3A_4 step %scan3A_5  : i32 {
      %swap3A = arith.index_cast %scan3A_80 : i32 to index
      %swap3A_81 = arith.constant 0 : index
      %swap3A_82 = tpu.vector_load %arg13[%swap3A, %swap3A_81] {strides = array<i32>} : memref<128x64xf32, #tpu.memory_space<vmem>>, vector<16xf32>,
      tpu.vector_store %arg13[%swap3A, %swap3A_81], %broadcast_in_dim3A_1 {strides = array<i32>} : memref<128x64xf32, #tpu.memory_space<vmem>>, vector<16xf32>,
      %swap3A_83 = arith.index_cast %scan3A_80 : i32 to index
      %swap3A_84 = arith.constant 16 : index
      %swap3A_85 = tpu.vector_load %arg13[%swap3A_83, %swap3A_84] {strides = array<i32>} : memref<128x64xf32, #tpu.memory_space<vmem>>, vector<16xf32>,
      tpu.vector_store %arg13[%swap3A_83, %swap3A_84], %broadcast_in_dim3A_1 {strides = array<i32>} : memref<128x64xf32, #tpu.memory_space<vmem>>, vector<16xf32>,
      %swap3A_86 = arith.index_cast %scan3A_80 : i32 to index
      %swap3A_87 = arith.constant 32 : index
      %swap3A_88 = tpu.vector_load %arg13[%swap3A_86, %swap3A_87] {strides = array<i32>} : memref<128x64xf32, #tpu.memory_space<vmem>>, vector<16xf32>,
      tpu.vector_store %arg13[%swap3A_86, %swap3A_87], %broadcast_in_dim3A_1 {strides = array<i32>} : memref<128x64xf32, #tpu.memory_space<vmem>>, vector<16xf32>,
      %swap3A_89 = arith.index_cast %scan3A_80 : i32 to index
      %swap3A_90 = arith.constant 48 : index
      %swap3A_91 = tpu.vector_load %arg13[%swap3A_89, %swap3A_90] {strides = array<i32>} : memref<128x64xf32, #tpu.memory_space<vmem>>, vector<16xf32>,
      tpu.vector_store %arg13[%swap3A_89, %swap3A_90], %broadcast_in_dim3A_1 {strides = array<i32>} : memref<128x64xf32, #tpu.memory_space<vmem>>, vector<16xf32>,
    }
    %scan3A_6 = arith.constant 128 : i32
    %mul3A_7 = arith.constant 640 : i32
    %mul3A_8 = arith.muli %arg1, %mul3A_7 : i32
    %add3A_9 = arith.constant 0 : i32
    %add3A_10 = arith.addi %mul3A_8, %add3A_9 : i32
    "tpu.region"() ({
      %run_scoped3A = tpu.sem_alloc : memref<!tpu.dma_semaphore, #tpu.memory_space<semaphore_mem>>
      %dma_start3A = arith.constant 0 : i32
      %dma_start3A_80 = tpu.memref_slice %arg14[%add3A_10, %dma_start3A] : memref<10240x64xf32, #tpu.memory_space<vmem_shared>> -> memref<128x64xf32, #tpu.memory_space<vmem_shared>>
      %dma_start3A_81 = arith.constant 0 : i32
      %dma_start3A_82 = tpu.memref_slice %arg14[%add3A_10, %dma_start3A_81] : memref<10240x64xf32, #tpu.memory_space<vmem_shared>> -> memref<128x64xf32, #tpu.memory_space<vmem_shared>>
      tpu.enqueue_dma source(%arg13 : memref<128x64xf32, #tpu.memory_space<vmem>>) target(%dma_start3A_82 : memref<128x64xf32, #tpu.memory_space<vmem_shared>>) target_semaphore(%run_scoped3A : memref<!tpu.dma_semaphore, #tpu.memory_space<semaphore_mem>>)
      %dma_wait3A = arith.constant 0 : i32
      %dma_wait3A_83 = tpu.memref_slice %arg14[%add3A_10, %dma_wait3A] : memref<10240x64xf32, #tpu.memory_space<vmem_shared>> -> memref<128x64xf32, #tpu.memory_space<vmem_shared>>
      %dma_wait3A_84 = arith.constant 0 : i32
      %dma_wait3A_85 = tpu.memref_slice %arg14[%add3A_10, %dma_wait3A_84] : memref<10240x64xf32, #tpu.memory_space<vmem_shared>> -> memref<128x64xf32, #tpu.memory_space<vmem_shared>>
      tpu.wait_dma2 semaphore(%run_scoped3A : memref<!tpu.dma_semaphore, #tpu.memory_space<semaphore_mem>>) src(%arg13 : memref<128x64xf32, #tpu.memory_space<vmem>>) dst(%dma_wait3A_85 : memref<128x64xf32, #tpu.memory_space<vmem_shared>>)
      tpu.yield
    }) : () -> ()
    %mul3A_11 = arith.constant 640 : i32
    %mul3A_12 = arith.muli %arg1, %mul3A_11 : i32
    %add3A_13 = arith.constant 128 : i32
    %add3A_14 = arith.addi %mul3A_12, %add3A_13 : i32
    "tpu.region"() ({
      %run_scoped3A = tpu.sem_alloc : memref<!tpu.dma_semaphore, #tpu.memory_space<semaphore_mem>>
      %dma_start3A = arith.constant 0 : i32
      %dma_start3A_80 = tpu.memref_slice %arg14[%add3A_14, %dma_start3A] : memref<10240x64xf32, #tpu.memory_space<vmem_shared>> -> memref<128x64xf32, #tpu.memory_space<vmem_shared>>
      %dma_start3A_81 = arith.constant 0 : i32
      %dma_start3A_82 = tpu.memref_slice %arg14[%add3A_14, %dma_start3A_81] : memref<10240x64xf32, #tpu.memory_space<vmem_shared>> -> memref<128x64xf32, #tpu.memory_space<vmem_shared>>
      tpu.enqueue_dma source(%arg13 : memref<128x64xf32, #tpu.memory_space<vmem>>) target(%dma_start3A_82 : memref<128x64xf32, #tpu.memory_space<vmem_shared>>) target_semaphore(%run_scoped3A : memref<!tpu.dma_semaphore, #tpu.memory_space<semaphore_mem>>)
      %dma_wait3A = arith.constant 0 : i32
      %dma_wait3A_83 = tpu.memref_slice %arg14[%add3A_14, %dma_wait3A] : memref<10240x64xf32, #tpu.memory_space<vmem_shared>> -> memref<128x64xf32, #tpu.memory_space<vmem_shared>>
      %dma_wait3A_84 = arith.constant 0 : i32
      %dma_wait3A_85 = tpu.memref_slice %arg14[%add3A_14, %dma_wait3A_84] : memref<10240x64xf32, #tpu.memory_space<vmem_shared>> -> memref<128x64xf32, #tpu.memory_space<vmem_shared>>
      tpu.wait_dma2 semaphore(%run_scoped3A : memref<!tpu.dma_semaphore, #tpu.memory_space<semaphore_mem>>) src(%arg13 : memref<128x64xf32, #tpu.memory_space<vmem>>) dst(%dma_wait3A_85 : memref<128x64xf32, #tpu.memory_space<vmem_shared>>)
      tpu.yield
    }) : () -> ()
    %mul3A_15 = arith.constant 640 : i32
    %mul3A_16 = arith.muli %arg1, %mul3A_15 : i32
    %add3A_17 = arith.constant 256 : i32
    %add3A_18 = arith.addi %mul3A_16, %add3A_17 : i32
    "tpu.region"() ({
      %run_scoped3A = tpu.sem_alloc : memref<!tpu.dma_semaphore, #tpu.memory_space<semaphore_mem>>
      %dma_start3A = arith.constant 0 : i32
      %dma_start3A_80 = tpu.memref_slice %arg14[%add3A_18, %dma_start3A] : memref<10240x64xf32, #tpu.memory_space<vmem_shared>> -> memref<128x64xf32, #tpu.memory_space<vmem_shared>>
      %dma_start3A_81 = arith.constant 0 : i32
      %dma_start3A_82 = tpu.memref_slice %arg14[%add3A_18, %dma_start3A_81] : memref<10240x64xf32, #tpu.memory_space<vmem_shared>> -> memref<128x64xf32, #tpu.memory_space<vmem_shared>>
      tpu.enqueue_dma source(%arg13 : memref<128x64xf32, #tpu.memory_space<vmem>>) target(%dma_start3A_82 : memref<128x64xf32, #tpu.memory_space<vmem_shared>>) target_semaphore(%run_scoped3A : memref<!tpu.dma_semaphore, #tpu.memory_space<semaphore_mem>>)
      %dma_wait3A = arith.constant 0 : i32
      %dma_wait3A_83 = tpu.memref_slice %arg14[%add3A_18, %dma_wait3A] : memref<10240x64xf32, #tpu.memory_space<vmem_shared>> -> memref<128x64xf32, #tpu.memory_space<vmem_shared>>
      %dma_wait3A_84 = arith.constant 0 : i32
      %dma_wait3A_85 = tpu.memref_slice %arg14[%add3A_18, %dma_wait3A_84] : memref<10240x64xf32, #tpu.memory_space<vmem_shared>> -> memref<128x64xf32, #tpu.memory_space<vmem_shared>>
      tpu.wait_dma2 semaphore(%run_scoped3A : memref<!tpu.dma_semaphore, #tpu.memory_space<semaphore_mem>>) src(%arg13 : memref<128x64xf32, #tpu.memory_space<vmem>>) dst(%dma_wait3A_85 : memref<128x64xf32, #tpu.memory_space<vmem_shared>>)
      tpu.yield
    }) : () -> ()
    %mul3A_19 = arith.constant 640 : i32
    %mul3A_20 = arith.muli %arg1, %mul3A_19 : i32
    %add3A_21 = arith.constant 384 : i32
    %add3A_22 = arith.addi %mul3A_20, %add3A_21 : i32
    "tpu.region"() ({
      %run_scoped3A = tpu.sem_alloc : memref<!tpu.dma_semaphore, #tpu.memory_space<semaphore_mem>>
      %dma_start3A = arith.constant 0 : i32
      %dma_start3A_80 = tpu.memref_slice %arg14[%add3A_22, %dma_start3A] : memref<10240x64xf32, #tpu.memory_space<vmem_shared>> -> memref<128x64xf32, #tpu.memory_space<vmem_shared>>
      %dma_start3A_81 = arith.constant 0 : i32
      %dma_start3A_82 = tpu.memref_slice %arg14[%add3A_22, %dma_start3A_81] : memref<10240x64xf32, #tpu.memory_space<vmem_shared>> -> memref<128x64xf32, #tpu.memory_space<vmem_shared>>
      tpu.enqueue_dma source(%arg13 : memref<128x64xf32, #tpu.memory_space<vmem>>) target(%dma_start3A_82 : memref<128x64xf32, #tpu.memory_space<vmem_shared>>) target_semaphore(%run_scoped3A : memref<!tpu.dma_semaphore, #tpu.memory_space<semaphore_mem>>)
      %dma_wait3A = arith.constant 0 : i32
      %dma_wait3A_83 = tpu.memref_slice %arg14[%add3A_22, %dma_wait3A] : memref<10240x64xf32, #tpu.memory_space<vmem_shared>> -> memref<128x64xf32, #tpu.memory_space<vmem_shared>>
      %dma_wait3A_84 = arith.constant 0 : i32
      %dma_wait3A_85 = tpu.memref_slice %arg14[%add3A_22, %dma_wait3A_84] : memref<10240x64xf32, #tpu.memory_space<vmem_shared>> -> memref<128x64xf32, #tpu.memory_space<vmem_shared>>
      tpu.wait_dma2 semaphore(%run_scoped3A : memref<!tpu.dma_semaphore, #tpu.memory_space<semaphore_mem>>) src(%arg13 : memref<128x64xf32, #tpu.memory_space<vmem>>) dst(%dma_wait3A_85 : memref<128x64xf32, #tpu.memory_space<vmem_shared>>)
      tpu.yield
    }) : () -> ()
    %mul3A_23 = arith.constant 640 : i32
    %mul3A_24 = arith.muli %arg1, %mul3A_23 : i32
    %add3A_25 = arith.constant 512 : i32
    %add3A_26 = arith.addi %mul3A_24, %add3A_25 : i32
    "tpu.region"() ({
      %run_scoped3A = tpu.sem_alloc : memref<!tpu.dma_semaphore, #tpu.memory_space<semaphore_mem>>
      %dma_start3A = arith.constant 0 : i32
      %dma_start3A_80 = tpu.memref_slice %arg14[%add3A_26, %dma_start3A] : memref<10240x64xf32, #tpu.memory_space<vmem_shared>> -> memref<128x64xf32, #tpu.memory_space<vmem_shared>>
      %dma_start3A_81 = arith.constant 0 : i32
      %dma_start3A_82 = tpu.memref_slice %arg14[%add3A_26, %dma_start3A_81] : memref<10240x64xf32, #tpu.memory_space<vmem_shared>> -> memref<128x64xf32, #tpu.memory_space<vmem_shared>>
      tpu.enqueue_dma source(%arg13 : memref<128x64xf32, #tpu.memory_space<vmem>>) target(%dma_start3A_82 : memref<128x64xf32, #tpu.memory_space<vmem_shared>>) target_semaphore(%run_scoped3A : memref<!tpu.dma_semaphore, #tpu.memory_space<semaphore_mem>>)
      %dma_wait3A = arith.constant 0 : i32
      %dma_wait3A_83 = tpu.memref_slice %arg14[%add3A_26, %dma_wait3A] : memref<10240x64xf32, #tpu.memory_space<vmem_shared>> -> memref<128x64xf32, #tpu.memory_space<vmem_shared>>
      %dma_wait3A_84 = arith.constant 0 : i32
      %dma_wait3A_85 = tpu.memref_slice %arg14[%add3A_26, %dma_wait3A_84] : memref<10240x64xf32, #tpu.memory_space<vmem_shared>> -> memref<128x64xf32, #tpu.memory_space<vmem_shared>>
      tpu.wait_dma2 semaphore(%run_scoped3A : memref<!tpu.dma_semaphore, #tpu.memory_space<semaphore_mem>>) src(%arg13 : memref<128x64xf32, #tpu.memory_space<vmem>>) dst(%dma_wait3A_85 : memref<128x64xf32, #tpu.memory_space<vmem_shared>>)
      tpu.yield
    }) : () -> ()
    %barrier3A = arith.constant 0 : index
    tpu.barrier barrier_id(%barrier3A)
    %mul3A_27 = arith.constant 10144 : i32
    %mul3A_28 = arith.muli %add3A, %mul3A_27 : i32
    "tpu.region"() ({
      %run_scoped3A = tpu.sem_alloc : memref<!tpu.dma_semaphore, #tpu.memory_space<semaphore_mem>>
      %dma_start3A = tpu.memref_slice %arg3[%mul3A_28] : memref<324608xi32, #tpu.memory_space<hbm>> -> memref<10144xi32, #tpu.memory_space<hbm>>
      %dma_start3A_80 = tpu.memref_slice %arg3[%mul3A_28] : memref<324608xi32, #tpu.memory_space<hbm>> -> memref<10144xi32, #tpu.memory_space<hbm>>
      tpu.enqueue_dma source(%dma_start3A_80 : memref<10144xi32, #tpu.memory_space<hbm>>) target(%arg8 : memref<10144xi32, #tpu.memory_space<vmem>>) target_semaphore(%run_scoped3A : memref<!tpu.dma_semaphore, #tpu.memory_space<semaphore_mem>>)
      %dma_wait3A = tpu.memref_slice %arg3[%mul3A_28] : memref<324608xi32, #tpu.memory_space<hbm>> -> memref<10144xi32, #tpu.memory_space<hbm>>
      %dma_wait3A_81 = tpu.memref_slice %arg3[%mul3A_28] : memref<324608xi32, #tpu.memory_space<hbm>> -> memref<10144xi32, #tpu.memory_space<hbm>>
      tpu.wait_dma2 semaphore(%run_scoped3A : memref<!tpu.dma_semaphore, #tpu.memory_space<semaphore_mem>>) src(%dma_wait3A_81 : memref<10144xi32, #tpu.memory_space<hbm>>) dst(%arg8 : memref<10144xi32, #tpu.memory_space<vmem>>)
      tpu.yield
    }) : () -> ()
    %mul3A_29 = arith.constant 10144 : i32
    %mul3A_30 = arith.muli %add3A, %mul3A_29 : i32
    "tpu.region"() ({
      %run_scoped3A = tpu.sem_alloc : memref<!tpu.dma_semaphore, #tpu.memory_space<semaphore_mem>>
      %dma_start3A = tpu.memref_slice %arg4[%mul3A_30] : memref<324608xi32, #tpu.memory_space<hbm>> -> memref<10144xi32, #tpu.memory_space<hbm>>
      %dma_start3A_80 = tpu.memref_slice %arg4[%mul3A_30] : memref<324608xi32, #tpu.memory_space<hbm>> -> memref<10144xi32, #tpu.memory_space<hbm>>
      tpu.enqueue_dma source(%dma_start3A_80 : memref<10144xi32, #tpu.memory_space<hbm>>) target(%arg9 : memref<10144xi32, #tpu.memory_space<vmem>>) target_semaphore(%run_scoped3A : memref<!tpu.dma_semaphore, #tpu.memory_space<semaphore_mem>>)
      %dma_wait3A = tpu.memref_slice %arg4[%mul3A_30] : memref<324608xi32, #tpu.memory_space<hbm>> -> memref<10144xi32, #tpu.memory_space<hbm>>
      %dma_wait3A_81 = tpu.memref_slice %arg4[%mul3A_30] : memref<324608xi32, #tpu.memory_space<hbm>> -> memref<10144xi32, #tpu.memory_space<hbm>>
      tpu.wait_dma2 semaphore(%run_scoped3A : memref<!tpu.dma_semaphore, #tpu.memory_space<semaphore_mem>>) src(%dma_wait3A_81 : memref<10144xi32, #tpu.memory_space<hbm>>) dst(%arg9 : memref<10144xi32, #tpu.memory_space<vmem>>)
      tpu.yield
    }) : () -> ()
    %mul3A_31 = arith.constant 16 : i32
    %mul3A_32 = arith.muli %add3A, %mul3A_31 : i32
    "tpu.region"() ({
      %run_scoped3A = tpu.sem_alloc : memref<!tpu.dma_semaphore, #tpu.memory_space<semaphore_mem>>
      %dma_start3A = tpu.memref_slice %arg5[%mul3A_32] : memref<512xi32, #tpu.memory_space<hbm>> -> memref<16xi32, #tpu.memory_space<hbm>>
      %dma_start3A_80 = tpu.memref_slice %arg5[%mul3A_32] : memref<512xi32, #tpu.memory_space<hbm>> -> memref<16xi32, #tpu.memory_space<hbm>>
      tpu.enqueue_dma source(%dma_start3A_80 : memref<16xi32, #tpu.memory_space<hbm>>) target(%arg11 : memref<16xi32, #tpu.memory_space<vmem>>) target_semaphore(%run_scoped3A : memref<!tpu.dma_semaphore, #tpu.memory_space<semaphore_mem>>)
      %dma_wait3A = tpu.memref_slice %arg5[%mul3A_32] : memref<512xi32, #tpu.memory_space<hbm>> -> memref<16xi32, #tpu.memory_space<hbm>>
      %dma_wait3A_81 = tpu.memref_slice %arg5[%mul3A_32] : memref<512xi32, #tpu.memory_space<hbm>> -> memref<16xi32, #tpu.memory_space<hbm>>
      tpu.wait_dma2 semaphore(%run_scoped3A : memref<!tpu.dma_semaphore, #tpu.memory_space<semaphore_mem>>) src(%dma_wait3A_81 : memref<16xi32, #tpu.memory_space<hbm>>) dst(%arg11 : memref<16xi32, #tpu.memory_space<vmem>>)
      tpu.yield
    }) : () -> ()
    %get3A = arith.constant 0 : index
    %get3A_33 = tpu.vector_load %arg11[%get3A] {strides = array<i32>} : memref<16xi32, #tpu.memory_space<vmem>>, vector<16xi32>,
    %reduce_max3A = arith.constant true
    %reduce_max3A_34 = vector.broadcast %reduce_max3A : i1 to vector<16xi1>
    %reduce_max3A_35 = arith.constant -2147483648 : i32
    %reduce_max3A_36 = vector.broadcast %reduce_max3A_35 : i32 to vector<16xi32>
    %reduce_max3A_37 = arith.xori %get3A_33, %reduce_max3A_36 : vector<16xi32>
    %reduce_max3A_38 = tpu.scan <max>, %reduce_max3A_37 masked %reduce_max3A_34 : vector<16xi32>, vector<16xi1> -> vector<16xi32>
    %reduce_max3A_39 = arith.xori %reduce_max3A_38, %reduce_max3A_36 : vector<16xi32>
    %reduce_max3A_40 = vector.extract %reduce_max3A_39[15] : i32 from vector<16xi32>
    %add3A_41 = arith.constant 128 : i32
    %add3A_42 = arith.addi %reduce_max3A_40, %add3A_41 : i32
    %sub3A = arith.constant 1 : i32
    %sub3A_43 = arith.subi %add3A_42, %sub3A : i32
    %jit3A = arith.constant 128 : i32
    %div3A = arith.divsi %sub3A_43, %jit3A : i32
    %sign3A = arith.constant 0 : i32
    %sign3A_44 = arith.cmpi sgt, %sub3A_43, %sign3A : i32
    %sign3A_45 = arith.extui %sign3A_44 : i1 to i32
    %sign3A_46 = arith.constant 0 : i32
    %sign3A_47 = arith.cmpi slt, %sub3A_43, %sign3A_46 : i32
    %sign3A_48 = arith.extui %sign3A_47 : i1 to i32
    %sign3A_49 = arith.subi %sign3A_45, %sign3A_48 : i32
    %sign3A_50 = arith.constant 0 : i32
    %sign3A_51 = arith.cmpi sgt, %jit3A, %sign3A_50 : i32
    %sign3A_52 = arith.extui %sign3A_51 : i1 to i32
    %sign3A_53 = arith.constant 0 : i32
    %sign3A_54 = arith.cmpi slt, %jit3A, %sign3A_53 : i32
    %sign3A_55 = arith.extui %sign3A_54 : i1 to i32
    %sign3A_56 = arith.subi %sign3A_52, %sign3A_55 : i32
    %ne3A = arith.cmpi ne, %sign3A_49, %sign3A_56 : i32
    %rem3A = arith.remsi %sub3A_43, %jit3A : i32
    %ne3A_57 = arith.constant 0 : i32
    %ne3A_58 = arith.cmpi ne, %rem3A, %ne3A_57 : i32
    %and3A = arith.andi %ne3A, %ne3A_58 : i1
    %sub3A_59 = arith.constant 1 : i32
    %sub3A_60 = arith.subi %div3A, %sub3A_59 : i32
    %select_n3A = arith.select %and3A, %sub3A_60, %div3A : i32
    %while3A = arith.constant 0 : i32
    %while3A_61 = arith.constant 0 : i32
    %while3A_62 = arith.subi %select_n3A, %while3A_61 : i32
    %while3A_63 = arith.addi %while3A_61, %while3A_62 : i32
    %while3A_64 = arith.constant 1 : i32
    %while3A_65 = arith.divsi %while3A_62, %while3A_64 : i32
    %while3A_66 = arith.muli %while3A_65, %while3A_64 : i32
    %while3A_67 = arith.addi %while3A_61, %while3A_66 : i32
    %while3A_68 = arith.constant 1 : i32
    scf.for %while3A_80 = %while3A_61 to %while3A_67 step %while3A_68  : i32 {
      %mul3A_81 = arith.constant 128 : i32
      %mul3A_82 = arith.muli %while3A_80, %mul3A_81 : i32
      %dma_start3A = tpu.memref_slice %arg8[%mul3A_82] : memref<10144xi32, #tpu.memory_space<vmem>> -> memref<128xi32, #tpu.memory_space<vmem>>
      %dma_start3A_83 = arith.constant 0 : i32
      %dma_start3A_84 = arith.constant 0 : i32
      %dma_start3A_85 = tpu.memref_slice %arg2[%dma_start3A_83, %dma_start3A_84] : memref<10240x64xf32, #tpu.memory_space<hbm>> -> memref<10240x64xf32, #tpu.memory_space<hbm>>
      tpu.enqueue_indirect_dma source(%dma_start3A_85 : memref<10240x64xf32, #tpu.memory_space<hbm>>) target(%arg12 : memref<128x64xf32, #tpu.memory_space<vmem>>) offsets(%dma_start3A : memref<128xi32, #tpu.memory_space<vmem>>) semaphore(%arg15 : memref<!tpu.dma_semaphore, #tpu.memory_space<semaphore_mem>>)
      %dma_wait3A = tpu.memref_slice %arg8[%mul3A_82] : memref<10144xi32, #tpu.memory_space<vmem>> -> memref<128xi32, #tpu.memory_space<vmem>>
      %dma_wait3A_86 = arith.constant 0 : i32
      %dma_wait3A_87 = arith.constant 0 : i32
      %dma_wait3A_88 = tpu.memref_slice %arg2[%dma_wait3A_86, %dma_wait3A_87] : memref<10240x64xf32, #tpu.memory_space<hbm>> -> memref<10240x64xf32, #tpu.memory_space<hbm>>
      tpu.wait_indirect_dma semaphore(%arg15 : memref<!tpu.dma_semaphore, #tpu.memory_space<semaphore_mem>>) src(%dma_wait3A_88 : memref<10240x64xf32, #tpu.memory_space<hbm>>) dst(%arg12 : memref<128x64xf32, #tpu.memory_space<vmem>>)
      %mul3A_89 = arith.constant 128 : i32
      %mul3A_90 = arith.muli %while3A_80, %mul3A_89 : i32
      %add3A_91 = arith.constant 0 : i32
      %add3A_92 = arith.addi %mul3A_90, %add3A_91 : i32
      %get3A_93 = arith.index_cast %add3A_92 : i32 to index
      %get3A_94 = tpu.vector_load %arg9[%get3A_93] {strides = array<i32>} : memref<10144xi32, #tpu.memory_space<vmem>>, vector<16xi32>,
      %swap3A = arith.constant 0 : i32
      %swap3A_95 = arith.index_cast %swap3A : i32 to index
      %swap3A_96 = arith.constant 0 : index
      %swap3A_97 = tpu.vector_load %arg10[%swap3A_95, %swap3A_96] {strides = array<i32>} : memref<1x128xi32, #tpu.memory_space<vmem>>, vector<16xi32>,
      tpu.vector_store %arg10[%swap3A_95, %swap3A_96], %get3A_94 {strides = array<i32>} : memref<1x128xi32, #tpu.memory_space<vmem>>, vector<16xi32>,
      %mul3A_98 = arith.constant 128 : i32
      %mul3A_99 = arith.muli %while3A_80, %mul3A_98 : i32
      %add3A_100 = arith.constant 16 : i32
      %add3A_101 = arith.addi %mul3A_99, %add3A_100 : i32
      %get3A_102 = arith.index_cast %add3A_101 : i32 to index
      %get3A_103 = tpu.vector_load %arg9[%get3A_102] {strides = array<i32>} : memref<10144xi32, #tpu.memory_space<vmem>>, vector<16xi32>,
      %swap3A_104 = arith.constant 0 : i32
      %swap3A_105 = arith.index_cast %swap3A_104 : i32 to index
      %swap3A_106 = arith.constant 16 : index
      %swap3A_107 = tpu.vector_load %arg10[%swap3A_105, %swap3A_106] {strides = array<i32>} : memref<1x128xi32, #tpu.memory_space<vmem>>, vector<16xi32>,
      tpu.vector_store %arg10[%swap3A_105, %swap3A_106], %get3A_103 {strides = array<i32>} : memref<1x128xi32, #tpu.memory_space<vmem>>, vector<16xi32>,
      %mul3A_108 = arith.constant 128 : i32
      %mul3A_109 = arith.muli %while3A_80, %mul3A_108 : i32
      %add3A_110 = arith.constant 32 : i32
      %add3A_111 = arith.addi %mul3A_109, %add3A_110 : i32
      %get3A_112 = arith.index_cast %add3A_111 : i32 to index
      %get3A_113 = tpu.vector_load %arg9[%get3A_112] {strides = array<i32>} : memref<10144xi32, #tpu.memory_space<vmem>>, vector<16xi32>,
      %swap3A_114 = arith.constant 0 : i32
      %swap3A_115 = arith.index_cast %swap3A_114 : i32 to index
      %swap3A_116 = arith.constant 32 : index
      %swap3A_117 = tpu.vector_load %arg10[%swap3A_115, %swap3A_116] {strides = array<i32>} : memref<1x128xi32, #tpu.memory_space<vmem>>, vector<16xi32>,
      tpu.vector_store %arg10[%swap3A_115, %swap3A_116], %get3A_113 {strides = array<i32>} : memref<1x128xi32, #tpu.memory_space<vmem>>, vector<16xi32>,
      %mul3A_118 = arith.constant 128 : i32
      %mul3A_119 = arith.muli %while3A_80, %mul3A_118 : i32
      %add3A_120 = arith.constant 48 : i32
      %add3A_121 = arith.addi %mul3A_119, %add3A_120 : i32
      %get3A_122 = arith.index_cast %add3A_121 : i32 to index
      %get3A_123 = tpu.vector_load %arg9[%get3A_122] {strides = array<i32>} : memref<10144xi32, #tpu.memory_space<vmem>>, vector<16xi32>,
      %swap3A_124 = arith.constant 0 : i32
      %swap3A_125 = arith.index_cast %swap3A_124 : i32 to index
      %swap3A_126 = arith.constant 48 : index
      %swap3A_127 = tpu.vector_load %arg10[%swap3A_125, %swap3A_126] {strides = array<i32>} : memref<1x128xi32, #tpu.memory_space<vmem>>, vector<16xi32>,
      tpu.vector_store %arg10[%swap3A_125, %swap3A_126], %get3A_123 {strides = array<i32>} : memref<1x128xi32, #tpu.memory_space<vmem>>, vector<16xi32>,
      %mul3A_128 = arith.constant 128 : i32
      %mul3A_129 = arith.muli %while3A_80, %mul3A_128 : i32
      %add3A_130 = arith.constant 64 : i32
      %add3A_131 = arith.addi %mul3A_129, %add3A_130 : i32
      %get3A_132 = arith.index_cast %add3A_131 : i32 to index
      %get3A_133 = tpu.vector_load %arg9[%get3A_132] {strides = array<i32>} : memref<10144xi32, #tpu.memory_space<vmem>>, vector<16xi32>,
      %swap3A_134 = arith.constant 0 : i32
      %swap3A_135 = arith.index_cast %swap3A_134 : i32 to index
      %swap3A_136 = arith.constant 64 : index
      %swap3A_137 = tpu.vector_load %arg10[%swap3A_135, %swap3A_136] {strides = array<i32>} : memref<1x128xi32, #tpu.memory_space<vmem>>, vector<16xi32>,
      tpu.vector_store %arg10[%swap3A_135, %swap3A_136], %get3A_133 {strides = array<i32>} : memref<1x128xi32, #tpu.memory_space<vmem>>, vector<16xi32>,
      %mul3A_138 = arith.constant 128 : i32
      %mul3A_139 = arith.muli %while3A_80, %mul3A_138 : i32
      %add3A_140 = arith.constant 80 : i32
      %add3A_141 = arith.addi %mul3A_139, %add3A_140 : i32
      %get3A_142 = arith.index_cast %add3A_141 : i32 to index
      %get3A_143 = tpu.vector_load %arg9[%get3A_142] {strides = array<i32>} : memref<10144xi32, #tpu.memory_space<vmem>>, vector<16xi32>,
      %swap3A_144 = arith.constant 0 : i32
      %swap3A_145 = arith.index_cast %swap3A_144 : i32 to index
      %swap3A_146 = arith.constant 80 : index
      %swap3A_147 = tpu.vector_load %arg10[%swap3A_145, %swap3A_146] {strides = array<i32>} : memref<1x128xi32, #tpu.memory_space<vmem>>, vector<16xi32>,
      tpu.vector_store %arg10[%swap3A_145, %swap3A_146], %get3A_143 {strides = array<i32>} : memref<1x128xi32, #tpu.memory_space<vmem>>, vector<16xi32>,
      %mul3A_148 = arith.constant 128 : i32
      %mul3A_149 = arith.muli %while3A_80, %mul3A_148 : i32
      %add3A_150 = arith.constant 96 : i32
      %add3A_151 = arith.addi %mul3A_149, %add3A_150 : i32
      %get3A_152 = arith.index_cast %add3A_151 : i32 to index
      %get3A_153 = tpu.vector_load %arg9[%get3A_152] {strides = array<i32>} : memref<10144xi32, #tpu.memory_space<vmem>>, vector<16xi32>,
      %swap3A_154 = arith.constant 0 : i32
      %swap3A_155 = arith.index_cast %swap3A_154 : i32 to index
      %swap3A_156 = arith.constant 96 : index
      %swap3A_157 = tpu.vector_load %arg10[%swap3A_155, %swap3A_156] {strides = array<i32>} : memref<1x128xi32, #tpu.memory_space<vmem>>, vector<16xi32>,
      tpu.vector_store %arg10[%swap3A_155, %swap3A_156], %get3A_153 {strides = array<i32>} : memref<1x128xi32, #tpu.memory_space<vmem>>, vector<16xi32>,
      %mul3A_158 = arith.constant 128 : i32
      %mul3A_159 = arith.muli %while3A_80, %mul3A_158 : i32
      %add3A_160 = arith.constant 112 : i32
      %add3A_161 = arith.addi %mul3A_159, %add3A_160 : i32
      %get3A_162 = arith.index_cast %add3A_161 : i32 to index
      %get3A_163 = tpu.vector_load %arg9[%get3A_162] {strides = array<i32>} : memref<10144xi32, #tpu.memory_space<vmem>>, vector<16xi32>,
      %swap3A_164 = arith.constant 0 : i32
      %swap3A_165 = arith.index_cast %swap3A_164 : i32 to index
      %swap3A_166 = arith.constant 112 : index
      %swap3A_167 = tpu.vector_load %arg10[%swap3A_165, %swap3A_166] {strides = array<i32>} : memref<1x128xi32, #tpu.memory_space<vmem>>, vector<16xi32>,
      tpu.vector_store %arg10[%swap3A_165, %swap3A_166], %get3A_163 {strides = array<i32>} : memref<1x128xi32, #tpu.memory_space<vmem>>, vector<16xi32>,
      %run_scoped3A = arith.constant 0 : i32
      "tpu.region"() ({
        %run_scoped3A_168 = tpu.sem_alloc : memref<!tpu.dma_semaphore, #tpu.memory_space<semaphore_mem>>
        %dma_start3A_169 = arith.constant 0 : i32
        %dma_start3A_170 = tpu.memref_slice %arg10[%run_scoped3A, %dma_start3A_169] : memref<1x128xi32, #tpu.memory_space<vmem>> -> memref<1x128xi32, #tpu.memory_space<vmem>>
        %dma_start3A_171 = tpu.memref_squeeze %dma_start3A_170 : memref<1x128xi32, #tpu.memory_space<vmem>> -> memref<128xi32, #tpu.memory_space<vmem>>
        %dma_start3A_172 = arith.constant 0 : i32
        %dma_start3A_173 = arith.constant 0 : i32
        %dma_start3A_174 = tpu.memref_slice %arg14[%dma_start3A_172, %dma_start3A_173] : memref<10240x64xf32, #tpu.memory_space<vmem_shared>> -> memref<10240x64xf32, #tpu.memory_space<vmem_shared>>
        tpu.enqueue_indirect_dma source(%arg12 : memref<128x64xf32, #tpu.memory_space<vmem>>) target(%dma_start3A_174 : memref<10240x64xf32, #tpu.memory_space<vmem_shared>>) offsets(%dma_start3A_171 : memref<128xi32, #tpu.memory_space<vmem>>) semaphore(%run_scoped3A_168 : memref<!tpu.dma_semaphore, #tpu.memory_space<semaphore_mem>>) {add = true}
        %dma_wait3A_175 = arith.constant 0 : i32
        %dma_wait3A_176 = tpu.memref_slice %arg10[%run_scoped3A, %dma_wait3A_175] : memref<1x128xi32, #tpu.memory_space<vmem>> -> memref<1x128xi32, #tpu.memory_space<vmem>>
        %dma_wait3A_177 = tpu.memref_squeeze %dma_wait3A_176 : memref<1x128xi32, #tpu.memory_space<vmem>> -> memref<128xi32, #tpu.memory_space<vmem>>
        %dma_wait3A_178 = arith.constant 0 : i32
        %dma_wait3A_179 = arith.constant 0 : i32
        %dma_wait3A_180 = tpu.memref_slice %arg14[%dma_wait3A_178, %dma_wait3A_179] : memref<10240x64xf32, #tpu.memory_space<vmem_shared>> -> memref<10240x64xf32, #tpu.memory_space<vmem_shared>>
        tpu.wait_indirect_dma semaphore(%run_scoped3A_168 : memref<!tpu.dma_semaphore, #tpu.memory_space<semaphore_mem>>) src(%arg12 : memref<128x64xf32, #tpu.memory_space<vmem>>) dst(%dma_wait3A_180 : memref<10240x64xf32, #tpu.memory_space<vmem_shared>>)
        tpu.yield
      }) : () -> ()
    }
    %while3A_69 = arith.constant 1 : i32
    scf.for %while3A_80 = %while3A_67 to %while3A_63 step %while3A_69  : i32 {
      %mul3A_81 = arith.constant 128 : i32
      %mul3A_82 = arith.muli %while3A_80, %mul3A_81 : i32
      %dma_start3A = tpu.memref_slice %arg8[%mul3A_82] : memref<10144xi32, #tpu.memory_space<vmem>> -> memref<128xi32, #tpu.memory_space<vmem>>
      %dma_start3A_83 = arith.constant 0 : i32
      %dma_start3A_84 = arith.constant 0 : i32
      %dma_start3A_85 = tpu.memref_slice %arg2[%dma_start3A_83, %dma_start3A_84] : memref<10240x64xf32, #tpu.memory_space<hbm>> -> memref<10240x64xf32, #tpu.memory_space<hbm>>
      tpu.enqueue_indirect_dma source(%dma_start3A_85 : memref<10240x64xf32, #tpu.memory_space<hbm>>) target(%arg12 : memref<128x64xf32, #tpu.memory_space<vmem>>) offsets(%dma_start3A : memref<128xi32, #tpu.memory_space<vmem>>) semaphore(%arg15 : memref<!tpu.dma_semaphore, #tpu.memory_space<semaphore_mem>>)
      %dma_wait3A = tpu.memref_slice %arg8[%mul3A_82] : memref<10144xi32, #tpu.memory_space<vmem>> -> memref<128xi32, #tpu.memory_space<vmem>>
      %dma_wait3A_86 = arith.constant 0 : i32
      %dma_wait3A_87 = arith.constant 0 : i32
      %dma_wait3A_88 = tpu.memref_slice %arg2[%dma_wait3A_86, %dma_wait3A_87] : memref<10240x64xf32, #tpu.memory_space<hbm>> -> memref<10240x64xf32, #tpu.memory_space<hbm>>
      tpu.wait_indirect_dma semaphore(%arg15 : memref<!tpu.dma_semaphore, #tpu.memory_space<semaphore_mem>>) src(%dma_wait3A_88 : memref<10240x64xf32, #tpu.memory_space<hbm>>) dst(%arg12 : memref<128x64xf32, #tpu.memory_space<vmem>>)
      %mul3A_89 = arith.constant 128 : i32
      %mul3A_90 = arith.muli %while3A_80, %mul3A_89 : i32
      %add3A_91 = arith.constant 0 : i32
      %add3A_92 = arith.addi %mul3A_90, %add3A_91 : i32
      %get3A_93 = arith.index_cast %add3A_92 : i32 to index
      %get3A_94 = tpu.vector_load %arg9[%get3A_93] {strides = array<i32>} : memref<10144xi32, #tpu.memory_space<vmem>>, vector<16xi32>,
      %swap3A = arith.constant 0 : i32
      %swap3A_95 = arith.index_cast %swap3A : i32 to index
      %swap3A_96 = arith.constant 0 : index
      %swap3A_97 = tpu.vector_load %arg10[%swap3A_95, %swap3A_96] {strides = array<i32>} : memref<1x128xi32, #tpu.memory_space<vmem>>, vector<16xi32>,
      tpu.vector_store %arg10[%swap3A_95, %swap3A_96], %get3A_94 {strides = array<i32>} : memref<1x128xi32, #tpu.memory_space<vmem>>, vector<16xi32>,
      %mul3A_98 = arith.constant 128 : i32
      %mul3A_99 = arith.muli %while3A_80, %mul3A_98 : i32
      %add3A_100 = arith.constant 16 : i32
      %add3A_101 = arith.addi %mul3A_99, %add3A_100 : i32
      %get3A_102 = arith.index_cast %add3A_101 : i32 to index
      %get3A_103 = tpu.vector_load %arg9[%get3A_102] {strides = array<i32>} : memref<10144xi32, #tpu.memory_space<vmem>>, vector<16xi32>,
      %swap3A_104 = arith.constant 0 : i32
      %swap3A_105 = arith.index_cast %swap3A_104 : i32 to index
      %swap3A_106 = arith.constant 16 : index
      %swap3A_107 = tpu.vector_load %arg10[%swap3A_105, %swap3A_106] {strides = array<i32>} : memref<1x128xi32, #tpu.memory_space<vmem>>, vector<16xi32>,
      tpu.vector_store %arg10[%swap3A_105, %swap3A_106], %get3A_103 {strides = array<i32>} : memref<1x128xi32, #tpu.memory_space<vmem>>, vector<16xi32>,
      %mul3A_108 = arith.constant 128 : i32
      %mul3A_109 = arith.muli %while3A_80, %mul3A_108 : i32
      %add3A_110 = arith.constant 32 : i32
      %add3A_111 = arith.addi %mul3A_109, %add3A_110 : i32
      %get3A_112 = arith.index_cast %add3A_111 : i32 to index
      %get3A_113 = tpu.vector_load %arg9[%get3A_112] {strides = array<i32>} : memref<10144xi32, #tpu.memory_space<vmem>>, vector<16xi32>,
      %swap3A_114 = arith.constant 0 : i32
      %swap3A_115 = arith.index_cast %swap3A_114 : i32 to index
      %swap3A_116 = arith.constant 32 : index
      %swap3A_117 = tpu.vector_load %arg10[%swap3A_115, %swap3A_116] {strides = array<i32>} : memref<1x128xi32, #tpu.memory_space<vmem>>, vector<16xi32>,
      tpu.vector_store %arg10[%swap3A_115, %swap3A_116], %get3A_113 {strides = array<i32>} : memref<1x128xi32, #tpu.memory_space<vmem>>, vector<16xi32>,
      %mul3A_118 = arith.constant 128 : i32
      %mul3A_119 = arith.muli %while3A_80, %mul3A_118 : i32
      %add3A_120 = arith.constant 48 : i32
      %add3A_121 = arith.addi %mul3A_119, %add3A_120 : i32
      %get3A_122 = arith.index_cast %add3A_121 : i32 to index
      %get3A_123 = tpu.vector_load %arg9[%get3A_122] {strides = array<i32>} : memref<10144xi32, #tpu.memory_space<vmem>>, vector<16xi32>,
      %swap3A_124 = arith.constant 0 : i32
      %swap3A_125 = arith.index_cast %swap3A_124 : i32 to index
      %swap3A_126 = arith.constant 48 : index
      %swap3A_127 = tpu.vector_load %arg10[%swap3A_125, %swap3A_126] {strides = array<i32>} : memref<1x128xi32, #tpu.memory_space<vmem>>, vector<16xi32>,
      tpu.vector_store %arg10[%swap3A_125, %swap3A_126], %get3A_123 {strides = array<i32>} : memref<1x128xi32, #tpu.memory_space<vmem>>, vector<16xi32>,
      %mul3A_128 = arith.constant 128 : i32
      %mul3A_129 = arith.muli %while3A_80, %mul3A_128 : i32
      %add3A_130 = arith.constant 64 : i32
      %add3A_131 = arith.addi %mul3A_129, %add3A_130 : i32
      %get3A_132 = arith.index_cast %add3A_131 : i32 to index
      %get3A_133 = tpu.vector_load %arg9[%get3A_132] {strides = array<i32>} : memref<10144xi32, #tpu.memory_space<vmem>>, vector<16xi32>,
      %swap3A_134 = arith.constant 0 : i32
      %swap3A_135 = arith.index_cast %swap3A_134 : i32 to index
      %swap3A_136 = arith.constant 64 : index
      %swap3A_137 = tpu.vector_load %arg10[%swap3A_135, %swap3A_136] {strides = array<i32>} : memref<1x128xi32, #tpu.memory_space<vmem>>, vector<16xi32>,
      tpu.vector_store %arg10[%swap3A_135, %swap3A_136], %get3A_133 {strides = array<i32>} : memref<1x128xi32, #tpu.memory_space<vmem>>, vector<16xi32>,
      %mul3A_138 = arith.constant 128 : i32
      %mul3A_139 = arith.muli %while3A_80, %mul3A_138 : i32
      %add3A_140 = arith.constant 80 : i32
      %add3A_141 = arith.addi %mul3A_139, %add3A_140 : i32
      %get3A_142 = arith.index_cast %add3A_141 : i32 to index
      %get3A_143 = tpu.vector_load %arg9[%get3A_142] {strides = array<i32>} : memref<10144xi32, #tpu.memory_space<vmem>>, vector<16xi32>,
      %swap3A_144 = arith.constant 0 : i32
      %swap3A_145 = arith.index_cast %swap3A_144 : i32 to index
      %swap3A_146 = arith.constant 80 : index
      %swap3A_147 = tpu.vector_load %arg10[%swap3A_145, %swap3A_146] {strides = array<i32>} : memref<1x128xi32, #tpu.memory_space<vmem>>, vector<16xi32>,
      tpu.vector_store %arg10[%swap3A_145, %swap3A_146], %get3A_143 {strides = array<i32>} : memref<1x128xi32, #tpu.memory_space<vmem>>, vector<16xi32>,
      %mul3A_148 = arith.constant 128 : i32
      %mul3A_149 = arith.muli %while3A_80, %mul3A_148 : i32
      %add3A_150 = arith.constant 96 : i32
      %add3A_151 = arith.addi %mul3A_149, %add3A_150 : i32
      %get3A_152 = arith.index_cast %add3A_151 : i32 to index
      %get3A_153 = tpu.vector_load %arg9[%get3A_152] {strides = array<i32>} : memref<10144xi32, #tpu.memory_space<vmem>>, vector<16xi32>,
      %swap3A_154 = arith.constant 0 : i32
      %swap3A_155 = arith.index_cast %swap3A_154 : i32 to index
      %swap3A_156 = arith.constant 96 : index
      %swap3A_157 = tpu.vector_load %arg10[%swap3A_155, %swap3A_156] {strides = array<i32>} : memref<1x128xi32, #tpu.memory_space<vmem>>, vector<16xi32>,
      tpu.vector_store %arg10[%swap3A_155, %swap3A_156], %get3A_153 {strides = array<i32>} : memref<1x128xi32, #tpu.memory_space<vmem>>, vector<16xi32>,
      %mul3A_158 = arith.constant 128 : i32
      %mul3A_159 = arith.muli %while3A_80, %mul3A_158 : i32
      %add3A_160 = arith.constant 112 : i32
      %add3A_161 = arith.addi %mul3A_159, %add3A_160 : i32
      %get3A_162 = arith.index_cast %add3A_161 : i32 to index
      %get3A_163 = tpu.vector_load %arg9[%get3A_162] {strides = array<i32>} : memref<10144xi32, #tpu.memory_space<vmem>>, vector<16xi32>,
      %swap3A_164 = arith.constant 0 : i32
      %swap3A_165 = arith.index_cast %swap3A_164 : i32 to index
      %swap3A_166 = arith.constant 112 : index
      %swap3A_167 = tpu.vector_load %arg10[%swap3A_165, %swap3A_166] {strides = array<i32>} : memref<1x128xi32, #tpu.memory_space<vmem>>, vector<16xi32>,
      tpu.vector_store %arg10[%swap3A_165, %swap3A_166], %get3A_163 {strides = array<i32>} : memref<1x128xi32, #tpu.memory_space<vmem>>, vector<16xi32>,
      %run_scoped3A = arith.constant 0 : i32
      "tpu.region"() ({
        %run_scoped3A_168 = tpu.sem_alloc : memref<!tpu.dma_semaphore, #tpu.memory_space<semaphore_mem>>
        %dma_start3A_169 = arith.constant 0 : i32
        %dma_start3A_170 = tpu.memref_slice %arg10[%run_scoped3A, %dma_start3A_169] : memref<1x128xi32, #tpu.memory_space<vmem>> -> memref<1x128xi32, #tpu.memory_space<vmem>>
        %dma_start3A_171 = tpu.memref_squeeze %dma_start3A_170 : memref<1x128xi32, #tpu.memory_space<vmem>> -> memref<128xi32, #tpu.memory_space<vmem>>
        %dma_start3A_172 = arith.constant 0 : i32
        %dma_start3A_173 = arith.constant 0 : i32
        %dma_start3A_174 = tpu.memref_slice %arg14[%dma_start3A_172, %dma_start3A_173] : memref<10240x64xf32, #tpu.memory_space<vmem_shared>> -> memref<10240x64xf32, #tpu.memory_space<vmem_shared>>
        tpu.enqueue_indirect_dma source(%arg12 : memref<128x64xf32, #tpu.memory_space<vmem>>) target(%dma_start3A_174 : memref<10240x64xf32, #tpu.memory_space<vmem_shared>>) offsets(%dma_start3A_171 : memref<128xi32, #tpu.memory_space<vmem>>) semaphore(%run_scoped3A_168 : memref<!tpu.dma_semaphore, #tpu.memory_space<semaphore_mem>>) {add = true}
        %dma_wait3A_175 = arith.constant 0 : i32
        %dma_wait3A_176 = tpu.memref_slice %arg10[%run_scoped3A, %dma_wait3A_175] : memref<1x128xi32, #tpu.memory_space<vmem>> -> memref<1x128xi32, #tpu.memory_space<vmem>>
        %dma_wait3A_177 = tpu.memref_squeeze %dma_wait3A_176 : memref<1x128xi32, #tpu.memory_space<vmem>> -> memref<128xi32, #tpu.memory_space<vmem>>
        %dma_wait3A_178 = arith.constant 0 : i32
        %dma_wait3A_179 = arith.constant 0 : i32
        %dma_wait3A_180 = tpu.memref_slice %arg14[%dma_wait3A_178, %dma_wait3A_179] : memref<10240x64xf32, #tpu.memory_space<vmem_shared>> -> memref<10240x64xf32, #tpu.memory_space<vmem_shared>>
        tpu.wait_indirect_dma semaphore(%run_scoped3A_168 : memref<!tpu.dma_semaphore, #tpu.memory_space<semaphore_mem>>) src(%arg12 : memref<128x64xf32, #tpu.memory_space<vmem>>) dst(%dma_wait3A_180 : memref<10240x64xf32, #tpu.memory_space<vmem_shared>>)
        tpu.yield
      }) : () -> ()
    }
    %barrier3A_70 = arith.constant 0 : index
    tpu.barrier barrier_id(%barrier3A_70)
    %mul3A_71 = arith.constant 640 : i32
    %mul3A_72 = arith.muli %arg1, %mul3A_71 : i32
    %eq3A = arith.constant 0 : i32
    %eq3A_73 = arith.cmpi eq, %arg0, %eq3A : i32
    %convert_element_type3A = arith.extui %eq3A_73 : i1 to i32
    %cond3A = arith.constant 0 : i32
    %cond3A_74 = arith.cmpi ne, %convert_element_type3A, %cond3A : i32
    scf.if %cond3A_74 {
      "tpu.region"() ({
        %run_scoped3A = tpu.sem_alloc : memref<!tpu.dma_semaphore, #tpu.memory_space<semaphore_mem>>
        %dma_start3A = arith.constant 0 : i32
        %dma_start3A_80 = tpu.memref_slice %arg6[%mul3A_72, %dma_start3A] : memref<10240x64xf32, #tpu.memory_space<hbm>> -> memref<640x64xf32, #tpu.memory_space<hbm>>
        %dma_start3A_81 = arith.constant 0 : i32
        %dma_start3A_82 = tpu.memref_slice %arg14[%mul3A_72, %dma_start3A_81] : memref<10240x64xf32, #tpu.memory_space<vmem_shared>> -> memref<640x64xf32, #tpu.memory_space<vmem_shared>>
        tpu.enqueue_dma source(%dma_start3A_82 : memref<640x64xf32, #tpu.memory_space<vmem_shared>>) target(%dma_start3A_80 : memref<640x64xf32, #tpu.memory_space<hbm>>) target_semaphore(%run_scoped3A : memref<!tpu.dma_semaphore, #tpu.memory_space<semaphore_mem>>)
        %dma_wait3A = arith.constant 0 : i32
        %dma_wait3A_83 = tpu.memref_slice %arg6[%mul3A_72, %dma_wait3A] : memref<10240x64xf32, #tpu.memory_space<hbm>> -> memref<640x64xf32, #tpu.memory_space<hbm>>
        %dma_wait3A_84 = arith.constant 0 : i32
        %dma_wait3A_85 = tpu.memref_slice %arg14[%mul3A_72, %dma_wait3A_84] : memref<10240x64xf32, #tpu.memory_space<vmem_shared>> -> memref<640x64xf32, #tpu.memory_space<vmem_shared>>
        tpu.wait_dma2 semaphore(%run_scoped3A : memref<!tpu.dma_semaphore, #tpu.memory_space<semaphore_mem>>) src(%dma_wait3A_85 : memref<640x64xf32, #tpu.memory_space<vmem_shared>>) dst(%dma_wait3A_83 : memref<640x64xf32, #tpu.memory_space<hbm>>)
        tpu.yield
      }) : () -> ()
    } else {
    }
    %eq3A_75 = arith.constant 1 : i32
    %eq3A_76 = arith.cmpi eq, %arg0, %eq3A_75 : i32
    %convert_element_type3A_77 = arith.extui %eq3A_76 : i1 to i32
    %cond3A_78 = arith.constant 0 : i32
    %cond3A_79 = arith.cmpi ne, %convert_element_type3A_77, %cond3A_78 : i32
    scf.if %cond3A_79 {
      "tpu.region"() ({
        %run_scoped3A = tpu.sem_alloc : memref<!tpu.dma_semaphore, #tpu.memory_space<semaphore_mem>>
        %dma_start3A = arith.constant 0 : i32
        %dma_start3A_80 = tpu.memref_slice %arg7[%mul3A_72, %dma_start3A] : memref<10240x64xf32, #tpu.memory_space<hbm>> -> memref<640x64xf32, #tpu.memory_space<hbm>>
        %dma_start3A_81 = arith.constant 0 : i32
        %dma_start3A_82 = tpu.memref_slice %arg14[%mul3A_72, %dma_start3A_81] : memref<10240x64xf32, #tpu.memory_space<vmem_shared>> -> memref<640x64xf32, #tpu.memory_space<vmem_shared>>
        tpu.enqueue_dma source(%dma_start3A_82 : memref<640x64xf32, #tpu.memory_space<vmem_shared>>) target(%dma_start3A_80 : memref<640x64xf32, #tpu.memory_space<hbm>>) target_semaphore(%run_scoped3A : memref<!tpu.dma_semaphore, #tpu.memory_space<semaphore_mem>>)
        %dma_wait3A = arith.constant 0 : i32
        %dma_wait3A_83 = tpu.memref_slice %arg7[%mul3A_72, %dma_wait3A] : memref<10240x64xf32, #tpu.memory_space<hbm>> -> memref<640x64xf32, #tpu.memory_space<hbm>>
        %dma_wait3A_84 = arith.constant 0 : i32
        %dma_wait3A_85 = tpu.memref_slice %arg14[%mul3A_72, %dma_wait3A_84] : memref<10240x64xf32, #tpu.memory_space<vmem_shared>> -> memref<640x64xf32, #tpu.memory_space<vmem_shared>>
        tpu.wait_dma2 semaphore(%run_scoped3A : memref<!tpu.dma_semaphore, #tpu.memory_space<semaphore_mem>>) src(%dma_wait3A_85 : memref<640x64xf32, #tpu.memory_space<vmem_shared>>) dst(%dma_wait3A_83 : memref<640x64xf32, #tpu.memory_space<hbm>>)
        tpu.yield
      }) : () -> ()
    } else {
    }
    return
  }
}

#map = affine_map<(d0, d1) -> (0)>
module attributes {stable_mosaic.version = 14 : i64} {
  func.func @filt1_kernel(%arg0: i32, %arg1: i32, %arg2: memref<320000xi32, #tpu.memory_space<hbm>>, %arg3: memref<320000xi32, #tpu.memory_space<hbm>>, %arg4: memref<324608xi32, #tpu.memory_space<hbm>>, %arg5: memref<512xi32, #tpu.memory_space<hbm>>, %arg6: memref<48xi32, #tpu.memory_space<hbm>>, %arg7: memref<324608xi32, #tpu.memory_space<hbm>>, %arg8: memref<324608xi32, #tpu.memory_space<hbm>>, %arg9: memref<512xi32, #tpu.memory_space<hbm>>, %arg10: memref<10000xi32, #tpu.memory_space<vmem>>, %arg11: memref<10000xi32, #tpu.memory_space<vmem>>, %arg12: memref<80x128xf32, #tpu.memory_space<vmem>>, %arg13: memref<10144xi32, #tpu.memory_space<vmem>>, %arg14: memref<10144xi32, #tpu.memory_space<vmem>>, %arg15: memref<10144xi32, #tpu.memory_space<vmem>>, %arg16: memref<48xi32, #tpu.memory_space<vmem>>, %arg17: memref<16xi32, #tpu.memory_space<vmem>>, %arg18: memref<1x80xi32, #tpu.memory_space<vmem>>, %arg19: memref<80x128xf32, #tpu.memory_space<vmem_shared>>, %arg20: memref<!tpu.dma_semaphore, #tpu.memory_space<semaphore_mem>>) attributes {dimension_semantics = [#tpu.dimension_semantics<core_parallel>, #tpu.dimension_semantics<subcore_parallel>], iteration_bounds = array<i64: 2, 16>, scalar_prefetch = 0 : i64, scratch_operands = 11 : i64, tpu.core_type = #tpu.core_type<sc_vector_subcore>, window_params = [{transform_indices = #map}, {transform_indices = #map}, {transform_indices = #map}, {transform_indices = #map}, {transform_indices = #map}, {transform_indices = #map}, {transform_indices = #map}, {transform_indices = #map}]} {
    %mul3A = arith.constant 16 : i32
    %mul3A_0 = arith.muli %arg0, %mul3A : i32
    %add3A = arith.addi %mul3A_0, %arg1 : i32
    %broadcast_in_dim3A = arith.constant 0.000000e+00 : f32
    %broadcast_in_dim3A_1 = vector.broadcast %broadcast_in_dim3A : f32 to vector<16xf32>
    %scan3A = arith.constant 0 : i32
    %scan3A_2 = arith.constant 0 : i32
    %scan3A_3 = arith.constant 80 : i32
    %scan3A_4 = arith.addi %scan3A_2, %scan3A_3 : i32
    %scan3A_5 = arith.constant 1 : i32
    scf.for %scan3A_226 = %scan3A_2 to %scan3A_4 step %scan3A_5  : i32 {
      %swap3A_227 = arith.index_cast %scan3A_226 : i32 to index
      %swap3A_228 = arith.constant 0 : index
      %swap3A_229 = tpu.vector_load %arg12[%swap3A_227, %swap3A_228] {strides = array<i32>} : memref<80x128xf32, #tpu.memory_space<vmem>>, vector<16xf32>,
      tpu.vector_store %arg12[%swap3A_227, %swap3A_228], %broadcast_in_dim3A_1 {strides = array<i32>} : memref<80x128xf32, #tpu.memory_space<vmem>>, vector<16xf32>,
      %swap3A_230 = arith.index_cast %scan3A_226 : i32 to index
      %swap3A_231 = arith.constant 16 : index
      %swap3A_232 = tpu.vector_load %arg12[%swap3A_230, %swap3A_231] {strides = array<i32>} : memref<80x128xf32, #tpu.memory_space<vmem>>, vector<16xf32>,
      tpu.vector_store %arg12[%swap3A_230, %swap3A_231], %broadcast_in_dim3A_1 {strides = array<i32>} : memref<80x128xf32, #tpu.memory_space<vmem>>, vector<16xf32>,
      %swap3A_233 = arith.index_cast %scan3A_226 : i32 to index
      %swap3A_234 = arith.constant 32 : index
      %swap3A_235 = tpu.vector_load %arg12[%swap3A_233, %swap3A_234] {strides = array<i32>} : memref<80x128xf32, #tpu.memory_space<vmem>>, vector<16xf32>,
      tpu.vector_store %arg12[%swap3A_233, %swap3A_234], %broadcast_in_dim3A_1 {strides = array<i32>} : memref<80x128xf32, #tpu.memory_space<vmem>>, vector<16xf32>,
      %swap3A_236 = arith.index_cast %scan3A_226 : i32 to index
      %swap3A_237 = arith.constant 48 : index
      %swap3A_238 = tpu.vector_load %arg12[%swap3A_236, %swap3A_237] {strides = array<i32>} : memref<80x128xf32, #tpu.memory_space<vmem>>, vector<16xf32>,
      tpu.vector_store %arg12[%swap3A_236, %swap3A_237], %broadcast_in_dim3A_1 {strides = array<i32>} : memref<80x128xf32, #tpu.memory_space<vmem>>, vector<16xf32>,
      %swap3A_239 = arith.index_cast %scan3A_226 : i32 to index
      %swap3A_240 = arith.constant 64 : index
      %swap3A_241 = tpu.vector_load %arg12[%swap3A_239, %swap3A_240] {strides = array<i32>} : memref<80x128xf32, #tpu.memory_space<vmem>>, vector<16xf32>,
      tpu.vector_store %arg12[%swap3A_239, %swap3A_240], %broadcast_in_dim3A_1 {strides = array<i32>} : memref<80x128xf32, #tpu.memory_space<vmem>>, vector<16xf32>,
      %swap3A_242 = arith.index_cast %scan3A_226 : i32 to index
      %swap3A_243 = arith.constant 80 : index
      %swap3A_244 = tpu.vector_load %arg12[%swap3A_242, %swap3A_243] {strides = array<i32>} : memref<80x128xf32, #tpu.memory_space<vmem>>, vector<16xf32>,
      tpu.vector_store %arg12[%swap3A_242, %swap3A_243], %broadcast_in_dim3A_1 {strides = array<i32>} : memref<80x128xf32, #tpu.memory_space<vmem>>, vector<16xf32>,
      %swap3A_245 = arith.index_cast %scan3A_226 : i32 to index
      %swap3A_246 = arith.constant 96 : index
      %swap3A_247 = tpu.vector_load %arg12[%swap3A_245, %swap3A_246] {strides = array<i32>} : memref<80x128xf32, #tpu.memory_space<vmem>>, vector<16xf32>,
      tpu.vector_store %arg12[%swap3A_245, %swap3A_246], %broadcast_in_dim3A_1 {strides = array<i32>} : memref<80x128xf32, #tpu.memory_space<vmem>>, vector<16xf32>,
      %swap3A_248 = arith.index_cast %scan3A_226 : i32 to index
      %swap3A_249 = arith.constant 112 : index
      %swap3A_250 = tpu.vector_load %arg12[%swap3A_248, %swap3A_249] {strides = array<i32>} : memref<80x128xf32, #tpu.memory_space<vmem>>, vector<16xf32>,
      tpu.vector_store %arg12[%swap3A_248, %swap3A_249], %broadcast_in_dim3A_1 {strides = array<i32>} : memref<80x128xf32, #tpu.memory_space<vmem>>, vector<16xf32>,
    }
    %scan3A_6 = arith.constant 80 : i32
    %scan3A_7 = arith.constant 0 : i32
    %scan3A_8 = arith.constant 0 : i32
    %scan3A_9 = arith.constant 5 : i32
    %scan3A_10 = arith.addi %scan3A_8, %scan3A_9 : i32
    %scan3A_11 = arith.constant 1 : i32
    scf.for %scan3A_226 = %scan3A_8 to %scan3A_10 step %scan3A_11  : i32 {
      %iota3A = tpu.iota {dimensions = array<i32: 0>} : vector<16xi32>
      %mul3A_227 = arith.constant 16 : i32
      %mul3A_228 = arith.muli %scan3A_226, %mul3A_227 : i32
      %add3A_229 = vector.broadcast %mul3A_228 : i32 to vector<16xi32>
      %add3A_230 = arith.addi %iota3A, %add3A_229 : vector<16xi32>
      %mul3A_231 = arith.constant 16 : i32
      %mul3A_232 = arith.muli %scan3A_226, %mul3A_231 : i32
      %swap3A_233 = arith.constant 0 : i32
      %swap3A_234 = arith.index_cast %swap3A_233 : i32 to index
      %swap3A_235 = arith.index_cast %mul3A_232 : i32 to index
      %swap3A_236 = tpu.vector_load %arg18[%swap3A_234, %swap3A_235] {strides = array<i32>} : memref<1x80xi32, #tpu.memory_space<vmem>>, vector<16xi32>,
      tpu.vector_store %arg18[%swap3A_234, %swap3A_235], %add3A_230 {strides = array<i32>} : memref<1x80xi32, #tpu.memory_space<vmem>>, vector<16xi32>,
    }
    %scan3A_12 = arith.constant 5 : i32
    %eq3A = arith.constant 0 : i32
    %eq3A_13 = arith.cmpi eq, %arg1, %eq3A : i32
    %convert_element_type3A = arith.extui %eq3A_13 : i1 to i32
    %cond3A = arith.constant 0 : i32
    %cond3A_14 = arith.cmpi ne, %convert_element_type3A, %cond3A : i32
    scf.if %cond3A_14 {
      "tpu.region"() ({
        %run_scoped3A_226 = tpu.sem_alloc : memref<!tpu.dma_semaphore, #tpu.memory_space<semaphore_mem>>
        tpu.enqueue_dma source(%arg12 : memref<80x128xf32, #tpu.memory_space<vmem>>) target(%arg19 : memref<80x128xf32, #tpu.memory_space<vmem_shared>>) target_semaphore(%run_scoped3A_226 : memref<!tpu.dma_semaphore, #tpu.memory_space<semaphore_mem>>)
        tpu.wait_dma2 semaphore(%run_scoped3A_226 : memref<!tpu.dma_semaphore, #tpu.memory_space<semaphore_mem>>) src(%arg12 : memref<80x128xf32, #tpu.memory_space<vmem>>) dst(%arg19 : memref<80x128xf32, #tpu.memory_space<vmem_shared>>)
        tpu.yield
      }) : () -> ()
    } else {
    }
    %barrier3A = arith.constant 0 : index
    tpu.barrier barrier_id(%barrier3A)
    %broadcast_in_dim3A_15 = arith.constant 1.000000e+00 : f32
    %broadcast_in_dim3A_16 = vector.broadcast %broadcast_in_dim3A_15 : f32 to vector<16xf32>
    "tpu.region"() ({
      %run_scoped3A_226 = tpu.sem_alloc : memref<!tpu.dma_semaphore, #tpu.memory_space<semaphore_mem>>
      tpu.enqueue_dma source(%arg6 : memref<48xi32, #tpu.memory_space<hbm>>) target(%arg16 : memref<48xi32, #tpu.memory_space<vmem>>) target_semaphore(%run_scoped3A_226 : memref<!tpu.dma_semaphore, #tpu.memory_space<semaphore_mem>>)
      tpu.wait_dma2 semaphore(%run_scoped3A_226 : memref<!tpu.dma_semaphore, #tpu.memory_space<semaphore_mem>>) src(%arg6 : memref<48xi32, #tpu.memory_space<hbm>>) dst(%arg16 : memref<48xi32, #tpu.memory_space<vmem>>)
      tpu.yield
    }) : () -> ()
    %get3A = arith.constant 0 : index
    %get3A_17 = tpu.vector_load %arg16[%get3A] {strides = array<i32>} : memref<48xi32, #tpu.memory_space<vmem>>, vector<16xi32>,
    %shift_right_logical3A = arith.constant 7 : i32
    %shift_right_logical3A_18 = vector.broadcast %shift_right_logical3A : i32 to vector<16xi32>
    %shift_right_logical3A_19 = arith.shrui %get3A_17, %shift_right_logical3A_18 : vector<16xi32>
    %and3A = arith.constant 127 : i32
    %and3A_20 = vector.broadcast %and3A : i32 to vector<16xi32>
    %and3A_21 = arith.andi %get3A_17, %and3A_20 : vector<16xi32>
    tpu.vector_store_idx %arg12[%shift_right_logical3A_19, %and3A_21], %broadcast_in_dim3A_16 : memref<80x128xf32, #tpu.memory_space<vmem>>[vector<16xi32>, vector<16xi32>], vector<16xf32>,
    %get3A_22 = arith.constant 16 : index
    %get3A_23 = tpu.vector_load %arg16[%get3A_22] {strides = array<i32>} : memref<48xi32, #tpu.memory_space<vmem>>, vector<16xi32>,
    %shift_right_logical3A_24 = arith.constant 7 : i32
    %shift_right_logical3A_25 = vector.broadcast %shift_right_logical3A_24 : i32 to vector<16xi32>
    %shift_right_logical3A_26 = arith.shrui %get3A_23, %shift_right_logical3A_25 : vector<16xi32>
    %and3A_27 = arith.constant 127 : i32
    %and3A_28 = vector.broadcast %and3A_27 : i32 to vector<16xi32>
    %and3A_29 = arith.andi %get3A_23, %and3A_28 : vector<16xi32>
    tpu.vector_store_idx %arg12[%shift_right_logical3A_26, %and3A_29], %broadcast_in_dim3A_16 : memref<80x128xf32, #tpu.memory_space<vmem>>[vector<16xi32>, vector<16xi32>], vector<16xf32>,
    %get3A_30 = arith.constant 32 : index
    %get3A_31 = tpu.vector_load %arg16[%get3A_30] {strides = array<i32>} : memref<48xi32, #tpu.memory_space<vmem>>, vector<16xi32>,
    %shift_right_logical3A_32 = arith.constant 7 : i32
    %shift_right_logical3A_33 = vector.broadcast %shift_right_logical3A_32 : i32 to vector<16xi32>
    %shift_right_logical3A_34 = arith.shrui %get3A_31, %shift_right_logical3A_33 : vector<16xi32>
    %and3A_35 = arith.constant 127 : i32
    %and3A_36 = vector.broadcast %and3A_35 : i32 to vector<16xi32>
    %and3A_37 = arith.andi %get3A_31, %and3A_36 : vector<16xi32>
    tpu.vector_store_idx %arg12[%shift_right_logical3A_34, %and3A_37], %broadcast_in_dim3A_16 : memref<80x128xf32, #tpu.memory_space<vmem>>[vector<16xi32>, vector<16xi32>], vector<16xf32>,
    %mul3A_38 = arith.constant 10144 : i32
    %mul3A_39 = arith.muli %add3A, %mul3A_38 : i32
    "tpu.region"() ({
      %run_scoped3A_226 = tpu.sem_alloc : memref<!tpu.dma_semaphore, #tpu.memory_space<semaphore_mem>>
      %dma_start3A = tpu.memref_slice %arg4[%mul3A_39] : memref<324608xi32, #tpu.memory_space<hbm>> -> memref<10144xi32, #tpu.memory_space<hbm>>
      %dma_start3A_227 = tpu.memref_slice %arg4[%mul3A_39] : memref<324608xi32, #tpu.memory_space<hbm>> -> memref<10144xi32, #tpu.memory_space<hbm>>
      tpu.enqueue_dma source(%dma_start3A_227 : memref<10144xi32, #tpu.memory_space<hbm>>) target(%arg13 : memref<10144xi32, #tpu.memory_space<vmem>>) target_semaphore(%run_scoped3A_226 : memref<!tpu.dma_semaphore, #tpu.memory_space<semaphore_mem>>)
      %dma_wait3A = tpu.memref_slice %arg4[%mul3A_39] : memref<324608xi32, #tpu.memory_space<hbm>> -> memref<10144xi32, #tpu.memory_space<hbm>>
      %dma_wait3A_228 = tpu.memref_slice %arg4[%mul3A_39] : memref<324608xi32, #tpu.memory_space<hbm>> -> memref<10144xi32, #tpu.memory_space<hbm>>
      tpu.wait_dma2 semaphore(%run_scoped3A_226 : memref<!tpu.dma_semaphore, #tpu.memory_space<semaphore_mem>>) src(%dma_wait3A_228 : memref<10144xi32, #tpu.memory_space<hbm>>) dst(%arg13 : memref<10144xi32, #tpu.memory_space<vmem>>)
      tpu.yield
    }) : () -> ()
    %mul3A_40 = arith.constant 16 : i32
    %mul3A_41 = arith.muli %add3A, %mul3A_40 : i32
    "tpu.region"() ({
      %run_scoped3A_226 = tpu.sem_alloc : memref<!tpu.dma_semaphore, #tpu.memory_space<semaphore_mem>>
      %dma_start3A = tpu.memref_slice %arg5[%mul3A_41] : memref<512xi32, #tpu.memory_space<hbm>> -> memref<16xi32, #tpu.memory_space<hbm>>
      %dma_start3A_227 = tpu.memref_slice %arg5[%mul3A_41] : memref<512xi32, #tpu.memory_space<hbm>> -> memref<16xi32, #tpu.memory_space<hbm>>
      tpu.enqueue_dma source(%dma_start3A_227 : memref<16xi32, #tpu.memory_space<hbm>>) target(%arg17 : memref<16xi32, #tpu.memory_space<vmem>>) target_semaphore(%run_scoped3A_226 : memref<!tpu.dma_semaphore, #tpu.memory_space<semaphore_mem>>)
      %dma_wait3A = tpu.memref_slice %arg5[%mul3A_41] : memref<512xi32, #tpu.memory_space<hbm>> -> memref<16xi32, #tpu.memory_space<hbm>>
      %dma_wait3A_228 = tpu.memref_slice %arg5[%mul3A_41] : memref<512xi32, #tpu.memory_space<hbm>> -> memref<16xi32, #tpu.memory_space<hbm>>
      tpu.wait_dma2 semaphore(%run_scoped3A_226 : memref<!tpu.dma_semaphore, #tpu.memory_space<semaphore_mem>>) src(%dma_wait3A_228 : memref<16xi32, #tpu.memory_space<hbm>>) dst(%arg17 : memref<16xi32, #tpu.memory_space<vmem>>)
      tpu.yield
    }) : () -> ()
    %get3A_42 = arith.constant 0 : index
    %get3A_43 = tpu.vector_load %arg17[%get3A_42] {strides = array<i32>} : memref<16xi32, #tpu.memory_space<vmem>>, vector<16xi32>,
    %reduce_max3A = arith.constant true
    %reduce_max3A_44 = vector.broadcast %reduce_max3A : i1 to vector<16xi1>
    %reduce_max3A_45 = arith.constant -2147483648 : i32
    %reduce_max3A_46 = vector.broadcast %reduce_max3A_45 : i32 to vector<16xi32>
    %reduce_max3A_47 = arith.xori %get3A_43, %reduce_max3A_46 : vector<16xi32>
    %reduce_max3A_48 = tpu.scan <max>, %reduce_max3A_47 masked %reduce_max3A_44 : vector<16xi32>, vector<16xi1> -> vector<16xi32>
    %reduce_max3A_49 = arith.xori %reduce_max3A_48, %reduce_max3A_46 : vector<16xi32>
    %reduce_max3A_50 = vector.extract %reduce_max3A_49[15] : i32 from vector<16xi32>
    %add3A_51 = arith.constant 16 : i32
    %add3A_52 = arith.addi %reduce_max3A_50, %add3A_51 : i32
    %sub3A = arith.constant 1 : i32
    %sub3A_53 = arith.subi %add3A_52, %sub3A : i32
    %jit3A = arith.constant 16 : i32
    %div3A = arith.divsi %sub3A_53, %jit3A : i32
    %sign3A = arith.constant 0 : i32
    %sign3A_54 = arith.cmpi sgt, %sub3A_53, %sign3A : i32
    %sign3A_55 = arith.extui %sign3A_54 : i1 to i32
    %sign3A_56 = arith.constant 0 : i32
    %sign3A_57 = arith.cmpi slt, %sub3A_53, %sign3A_56 : i32
    %sign3A_58 = arith.extui %sign3A_57 : i1 to i32
    %sign3A_59 = arith.subi %sign3A_55, %sign3A_58 : i32
    %sign3A_60 = arith.constant 0 : i32
    %sign3A_61 = arith.cmpi sgt, %jit3A, %sign3A_60 : i32
    %sign3A_62 = arith.extui %sign3A_61 : i1 to i32
    %sign3A_63 = arith.constant 0 : i32
    %sign3A_64 = arith.cmpi slt, %jit3A, %sign3A_63 : i32
    %sign3A_65 = arith.extui %sign3A_64 : i1 to i32
    %sign3A_66 = arith.subi %sign3A_62, %sign3A_65 : i32
    %ne3A = arith.cmpi ne, %sign3A_59, %sign3A_66 : i32
    %rem3A = arith.remsi %sub3A_53, %jit3A : i32
    %ne3A_67 = arith.constant 0 : i32
    %ne3A_68 = arith.cmpi ne, %rem3A, %ne3A_67 : i32
    %and3A_69 = arith.andi %ne3A, %ne3A_68 : i1
    %sub3A_70 = arith.constant 1 : i32
    %sub3A_71 = arith.subi %div3A, %sub3A_70 : i32
    %select_n3A = arith.select %and3A_69, %sub3A_71, %div3A : i32
    %while3A = arith.constant 0 : i32
    %while3A_72 = arith.constant 0 : i32
    %while3A_73 = arith.subi %select_n3A, %while3A_72 : i32
    %while3A_74 = arith.addi %while3A_72, %while3A_73 : i32
    %while3A_75 = arith.constant 1 : i32
    %while3A_76 = arith.divsi %while3A_73, %while3A_75 : i32
    %while3A_77 = arith.muli %while3A_76, %while3A_75 : i32
    %while3A_78 = arith.addi %while3A_72, %while3A_77 : i32
    %while3A_79 = arith.constant 1 : i32
    scf.for %while3A_226 = %while3A_72 to %while3A_78 step %while3A_79  : i32 {
      %mul3A_227 = arith.constant 16 : i32
      %mul3A_228 = arith.muli %while3A_226, %mul3A_227 : i32
      %get3A_229 = arith.index_cast %mul3A_228 : i32 to index
      %get3A_230 = tpu.vector_load %arg13[%get3A_229] {strides = array<i32>} : memref<10144xi32, #tpu.memory_space<vmem>>, vector<16xi32>,
      %shift_right_logical3A_231 = arith.constant 7 : i32
      %shift_right_logical3A_232 = vector.broadcast %shift_right_logical3A_231 : i32 to vector<16xi32>
      %shift_right_logical3A_233 = arith.shrui %get3A_230, %shift_right_logical3A_232 : vector<16xi32>
      %and3A_234 = arith.constant 127 : i32
      %and3A_235 = vector.broadcast %and3A_234 : i32 to vector<16xi32>
      %and3A_236 = arith.andi %get3A_230, %and3A_235 : vector<16xi32>
      tpu.vector_store_idx %arg12[%shift_right_logical3A_233, %and3A_236], %broadcast_in_dim3A_16 : memref<80x128xf32, #tpu.memory_space<vmem>>[vector<16xi32>, vector<16xi32>], vector<16xf32>,
    }
    %while3A_80 = arith.constant 1 : i32
    scf.for %while3A_226 = %while3A_78 to %while3A_74 step %while3A_80  : i32 {
      %mul3A_227 = arith.constant 16 : i32
      %mul3A_228 = arith.muli %while3A_226, %mul3A_227 : i32
      %get3A_229 = arith.index_cast %mul3A_228 : i32 to index
      %get3A_230 = tpu.vector_load %arg13[%get3A_229] {strides = array<i32>} : memref<10144xi32, #tpu.memory_space<vmem>>, vector<16xi32>,
      %shift_right_logical3A_231 = arith.constant 7 : i32
      %shift_right_logical3A_232 = vector.broadcast %shift_right_logical3A_231 : i32 to vector<16xi32>
      %shift_right_logical3A_233 = arith.shrui %get3A_230, %shift_right_logical3A_232 : vector<16xi32>
      %and3A_234 = arith.constant 127 : i32
      %and3A_235 = vector.broadcast %and3A_234 : i32 to vector<16xi32>
      %and3A_236 = arith.andi %get3A_230, %and3A_235 : vector<16xi32>
      tpu.vector_store_idx %arg12[%shift_right_logical3A_233, %and3A_236], %broadcast_in_dim3A_16 : memref<80x128xf32, #tpu.memory_space<vmem>>[vector<16xi32>, vector<16xi32>], vector<16xf32>,
    }
    %sub3A_81 = arith.constant 1 : i32
    %sub3A_82 = arith.subi %sub3A_81, %arg0 : i32
    %mul3A_83 = arith.constant 16 : i32
    %mul3A_84 = arith.muli %sub3A_82, %mul3A_83 : i32
    %add3A_85 = arith.addi %mul3A_84, %arg1 : i32
    %mul3A_86 = arith.constant 10144 : i32
    %mul3A_87 = arith.muli %add3A_85, %mul3A_86 : i32
    "tpu.region"() ({
      %run_scoped3A_226 = tpu.sem_alloc : memref<!tpu.dma_semaphore, #tpu.memory_space<semaphore_mem>>
      %dma_start3A = tpu.memref_slice %arg4[%mul3A_87] : memref<324608xi32, #tpu.memory_space<hbm>> -> memref<10144xi32, #tpu.memory_space<hbm>>
      %dma_start3A_227 = tpu.memref_slice %arg4[%mul3A_87] : memref<324608xi32, #tpu.memory_space<hbm>> -> memref<10144xi32, #tpu.memory_space<hbm>>
      tpu.enqueue_dma source(%dma_start3A_227 : memref<10144xi32, #tpu.memory_space<hbm>>) target(%arg13 : memref<10144xi32, #tpu.memory_space<vmem>>) target_semaphore(%run_scoped3A_226 : memref<!tpu.dma_semaphore, #tpu.memory_space<semaphore_mem>>)
      %dma_wait3A = tpu.memref_slice %arg4[%mul3A_87] : memref<324608xi32, #tpu.memory_space<hbm>> -> memref<10144xi32, #tpu.memory_space<hbm>>
      %dma_wait3A_228 = tpu.memref_slice %arg4[%mul3A_87] : memref<324608xi32, #tpu.memory_space<hbm>> -> memref<10144xi32, #tpu.memory_space<hbm>>
      tpu.wait_dma2 semaphore(%run_scoped3A_226 : memref<!tpu.dma_semaphore, #tpu.memory_space<semaphore_mem>>) src(%dma_wait3A_228 : memref<10144xi32, #tpu.memory_space<hbm>>) dst(%arg13 : memref<10144xi32, #tpu.memory_space<vmem>>)
      tpu.yield
    }) : () -> ()
    %mul3A_88 = arith.constant 16 : i32
    %mul3A_89 = arith.muli %add3A_85, %mul3A_88 : i32
    "tpu.region"() ({
      %run_scoped3A_226 = tpu.sem_alloc : memref<!tpu.dma_semaphore, #tpu.memory_space<semaphore_mem>>
      %dma_start3A = tpu.memref_slice %arg5[%mul3A_89] : memref<512xi32, #tpu.memory_space<hbm>> -> memref<16xi32, #tpu.memory_space<hbm>>
      %dma_start3A_227 = tpu.memref_slice %arg5[%mul3A_89] : memref<512xi32, #tpu.memory_space<hbm>> -> memref<16xi32, #tpu.memory_space<hbm>>
      tpu.enqueue_dma source(%dma_start3A_227 : memref<16xi32, #tpu.memory_space<hbm>>) target(%arg17 : memref<16xi32, #tpu.memory_space<vmem>>) target_semaphore(%run_scoped3A_226 : memref<!tpu.dma_semaphore, #tpu.memory_space<semaphore_mem>>)
      %dma_wait3A = tpu.memref_slice %arg5[%mul3A_89] : memref<512xi32, #tpu.memory_space<hbm>> -> memref<16xi32, #tpu.memory_space<hbm>>
      %dma_wait3A_228 = tpu.memref_slice %arg5[%mul3A_89] : memref<512xi32, #tpu.memory_space<hbm>> -> memref<16xi32, #tpu.memory_space<hbm>>
      tpu.wait_dma2 semaphore(%run_scoped3A_226 : memref<!tpu.dma_semaphore, #tpu.memory_space<semaphore_mem>>) src(%dma_wait3A_228 : memref<16xi32, #tpu.memory_space<hbm>>) dst(%arg17 : memref<16xi32, #tpu.memory_space<vmem>>)
      tpu.yield
    }) : () -> ()
    %get3A_90 = arith.constant 0 : index
    %get3A_91 = tpu.vector_load %arg17[%get3A_90] {strides = array<i32>} : memref<16xi32, #tpu.memory_space<vmem>>, vector<16xi32>,
    %reduce_max3A_92 = arith.constant true
    %reduce_max3A_93 = vector.broadcast %reduce_max3A_92 : i1 to vector<16xi1>
    %reduce_max3A_94 = arith.constant -2147483648 : i32
    %reduce_max3A_95 = vector.broadcast %reduce_max3A_94 : i32 to vector<16xi32>
    %reduce_max3A_96 = arith.xori %get3A_91, %reduce_max3A_95 : vector<16xi32>
    %reduce_max3A_97 = tpu.scan <max>, %reduce_max3A_96 masked %reduce_max3A_93 : vector<16xi32>, vector<16xi1> -> vector<16xi32>
    %reduce_max3A_98 = arith.xori %reduce_max3A_97, %reduce_max3A_95 : vector<16xi32>
    %reduce_max3A_99 = vector.extract %reduce_max3A_98[15] : i32 from vector<16xi32>
    %add3A_100 = arith.constant 16 : i32
    %add3A_101 = arith.addi %reduce_max3A_99, %add3A_100 : i32
    %sub3A_102 = arith.constant 1 : i32
    %sub3A_103 = arith.subi %add3A_101, %sub3A_102 : i32
    %jit3A_104 = arith.constant 16 : i32
    %div3A_105 = arith.divsi %sub3A_103, %jit3A_104 : i32
    %sign3A_106 = arith.constant 0 : i32
    %sign3A_107 = arith.cmpi sgt, %sub3A_103, %sign3A_106 : i32
    %sign3A_108 = arith.extui %sign3A_107 : i1 to i32
    %sign3A_109 = arith.constant 0 : i32
    %sign3A_110 = arith.cmpi slt, %sub3A_103, %sign3A_109 : i32
    %sign3A_111 = arith.extui %sign3A_110 : i1 to i32
    %sign3A_112 = arith.subi %sign3A_108, %sign3A_111 : i32
    %sign3A_113 = arith.constant 0 : i32
    %sign3A_114 = arith.cmpi sgt, %jit3A_104, %sign3A_113 : i32
    %sign3A_115 = arith.extui %sign3A_114 : i1 to i32
    %sign3A_116 = arith.constant 0 : i32
    %sign3A_117 = arith.cmpi slt, %jit3A_104, %sign3A_116 : i32
    %sign3A_118 = arith.extui %sign3A_117 : i1 to i32
    %sign3A_119 = arith.subi %sign3A_115, %sign3A_118 : i32
    %ne3A_120 = arith.cmpi ne, %sign3A_112, %sign3A_119 : i32
    %rem3A_121 = arith.remsi %sub3A_103, %jit3A_104 : i32
    %ne3A_122 = arith.constant 0 : i32
    %ne3A_123 = arith.cmpi ne, %rem3A_121, %ne3A_122 : i32
    %and3A_124 = arith.andi %ne3A_120, %ne3A_123 : i1
    %sub3A_125 = arith.constant 1 : i32
    %sub3A_126 = arith.subi %div3A_105, %sub3A_125 : i32
    %select_n3A_127 = arith.select %and3A_124, %sub3A_126, %div3A_105 : i32
    %while3A_128 = arith.constant 0 : i32
    %while3A_129 = arith.constant 0 : i32
    %while3A_130 = arith.subi %select_n3A_127, %while3A_129 : i32
    %while3A_131 = arith.addi %while3A_129, %while3A_130 : i32
    %while3A_132 = arith.constant 1 : i32
    %while3A_133 = arith.divsi %while3A_130, %while3A_132 : i32
    %while3A_134 = arith.muli %while3A_133, %while3A_132 : i32
    %while3A_135 = arith.addi %while3A_129, %while3A_134 : i32
    %while3A_136 = arith.constant 1 : i32
    scf.for %while3A_226 = %while3A_129 to %while3A_135 step %while3A_136  : i32 {
      %mul3A_227 = arith.constant 16 : i32
      %mul3A_228 = arith.muli %while3A_226, %mul3A_227 : i32
      %get3A_229 = arith.index_cast %mul3A_228 : i32 to index
      %get3A_230 = tpu.vector_load %arg13[%get3A_229] {strides = array<i32>} : memref<10144xi32, #tpu.memory_space<vmem>>, vector<16xi32>,
      %shift_right_logical3A_231 = arith.constant 7 : i32
      %shift_right_logical3A_232 = vector.broadcast %shift_right_logical3A_231 : i32 to vector<16xi32>
      %shift_right_logical3A_233 = arith.shrui %get3A_230, %shift_right_logical3A_232 : vector<16xi32>
      %and3A_234 = arith.constant 127 : i32
      %and3A_235 = vector.broadcast %and3A_234 : i32 to vector<16xi32>
      %and3A_236 = arith.andi %get3A_230, %and3A_235 : vector<16xi32>
      tpu.vector_store_idx %arg12[%shift_right_logical3A_233, %and3A_236], %broadcast_in_dim3A_16 : memref<80x128xf32, #tpu.memory_space<vmem>>[vector<16xi32>, vector<16xi32>], vector<16xf32>,
    }
    %while3A_137 = arith.constant 1 : i32
    scf.for %while3A_226 = %while3A_135 to %while3A_131 step %while3A_137  : i32 {
      %mul3A_227 = arith.constant 16 : i32
      %mul3A_228 = arith.muli %while3A_226, %mul3A_227 : i32
      %get3A_229 = arith.index_cast %mul3A_228 : i32 to index
      %get3A_230 = tpu.vector_load %arg13[%get3A_229] {strides = array<i32>} : memref<10144xi32, #tpu.memory_space<vmem>>, vector<16xi32>,
      %shift_right_logical3A_231 = arith.constant 7 : i32
      %shift_right_logical3A_232 = vector.broadcast %shift_right_logical3A_231 : i32 to vector<16xi32>
      %shift_right_logical3A_233 = arith.shrui %get3A_230, %shift_right_logical3A_232 : vector<16xi32>
      %and3A_234 = arith.constant 127 : i32
      %and3A_235 = vector.broadcast %and3A_234 : i32 to vector<16xi32>
      %and3A_236 = arith.andi %get3A_230, %and3A_235 : vector<16xi32>
      tpu.vector_store_idx %arg12[%shift_right_logical3A_233, %and3A_236], %broadcast_in_dim3A_16 : memref<80x128xf32, #tpu.memory_space<vmem>>[vector<16xi32>, vector<16xi32>], vector<16xf32>,
    }
    %run_scoped3A = arith.constant 0 : i32
    "tpu.region"() ({
      %run_scoped3A_226 = tpu.sem_alloc : memref<!tpu.dma_semaphore, #tpu.memory_space<semaphore_mem>>
      %dma_start3A = arith.constant 0 : i32
      %dma_start3A_227 = tpu.memref_slice %arg18[%run_scoped3A, %dma_start3A] : memref<1x80xi32, #tpu.memory_space<vmem>> -> memref<1x80xi32, #tpu.memory_space<vmem>>
      %dma_start3A_228 = tpu.memref_squeeze %dma_start3A_227 : memref<1x80xi32, #tpu.memory_space<vmem>> -> memref<80xi32, #tpu.memory_space<vmem>>
      %dma_start3A_229 = arith.constant 0 : i32
      %dma_start3A_230 = arith.constant 0 : i32
      %dma_start3A_231 = tpu.memref_slice %arg19[%dma_start3A_229, %dma_start3A_230] : memref<80x128xf32, #tpu.memory_space<vmem_shared>> -> memref<80x128xf32, #tpu.memory_space<vmem_shared>>
      tpu.enqueue_indirect_dma source(%arg12 : memref<80x128xf32, #tpu.memory_space<vmem>>) target(%dma_start3A_231 : memref<80x128xf32, #tpu.memory_space<vmem_shared>>) offsets(%dma_start3A_228 : memref<80xi32, #tpu.memory_space<vmem>>) semaphore(%run_scoped3A_226 : memref<!tpu.dma_semaphore, #tpu.memory_space<semaphore_mem>>) {add = true}
      %dma_wait3A = arith.constant 0 : i32
      %dma_wait3A_232 = tpu.memref_slice %arg18[%run_scoped3A, %dma_wait3A] : memref<1x80xi32, #tpu.memory_space<vmem>> -> memref<1x80xi32, #tpu.memory_space<vmem>>
      %dma_wait3A_233 = tpu.memref_squeeze %dma_wait3A_232 : memref<1x80xi32, #tpu.memory_space<vmem>> -> memref<80xi32, #tpu.memory_space<vmem>>
      %dma_wait3A_234 = arith.constant 0 : i32
      %dma_wait3A_235 = arith.constant 0 : i32
      %dma_wait3A_236 = tpu.memref_slice %arg19[%dma_wait3A_234, %dma_wait3A_235] : memref<80x128xf32, #tpu.memory_space<vmem_shared>> -> memref<80x128xf32, #tpu.memory_space<vmem_shared>>
      tpu.wait_indirect_dma semaphore(%run_scoped3A_226 : memref<!tpu.dma_semaphore, #tpu.memory_space<semaphore_mem>>) src(%arg12 : memref<80x128xf32, #tpu.memory_space<vmem>>) dst(%dma_wait3A_236 : memref<80x128xf32, #tpu.memory_space<vmem_shared>>)
      tpu.yield
    }) : () -> ()
    %barrier3A_138 = arith.constant 0 : index
    tpu.barrier barrier_id(%barrier3A_138)
    "tpu.region"() ({
      %run_scoped3A_226 = tpu.sem_alloc : memref<!tpu.dma_semaphore, #tpu.memory_space<semaphore_mem>>
      tpu.enqueue_dma source(%arg19 : memref<80x128xf32, #tpu.memory_space<vmem_shared>>) target(%arg12 : memref<80x128xf32, #tpu.memory_space<vmem>>) target_semaphore(%run_scoped3A_226 : memref<!tpu.dma_semaphore, #tpu.memory_space<semaphore_mem>>)
      tpu.wait_dma2 semaphore(%run_scoped3A_226 : memref<!tpu.dma_semaphore, #tpu.memory_space<semaphore_mem>>) src(%arg19 : memref<80x128xf32, #tpu.memory_space<vmem_shared>>) dst(%arg12 : memref<80x128xf32, #tpu.memory_space<vmem>>)
      tpu.yield
    }) : () -> ()
    %mul3A_139 = arith.constant 10000 : i32
    %mul3A_140 = arith.muli %add3A, %mul3A_139 : i32
    "tpu.region"() ({
      %run_scoped3A_226 = tpu.sem_alloc : memref<!tpu.dma_semaphore, #tpu.memory_space<semaphore_mem>>
      %dma_start3A = tpu.memref_slice %arg2[%mul3A_140] : memref<320000xi32, #tpu.memory_space<hbm>> -> memref<10000xi32, #tpu.memory_space<hbm>>
      %dma_start3A_227 = tpu.memref_slice %arg2[%mul3A_140] : memref<320000xi32, #tpu.memory_space<hbm>> -> memref<10000xi32, #tpu.memory_space<hbm>>
      tpu.enqueue_dma source(%dma_start3A_227 : memref<10000xi32, #tpu.memory_space<hbm>>) target(%arg10 : memref<10000xi32, #tpu.memory_space<vmem>>) target_semaphore(%run_scoped3A_226 : memref<!tpu.dma_semaphore, #tpu.memory_space<semaphore_mem>>)
      %dma_wait3A = tpu.memref_slice %arg2[%mul3A_140] : memref<320000xi32, #tpu.memory_space<hbm>> -> memref<10000xi32, #tpu.memory_space<hbm>>
      %dma_wait3A_228 = tpu.memref_slice %arg2[%mul3A_140] : memref<320000xi32, #tpu.memory_space<hbm>> -> memref<10000xi32, #tpu.memory_space<hbm>>
      tpu.wait_dma2 semaphore(%run_scoped3A_226 : memref<!tpu.dma_semaphore, #tpu.memory_space<semaphore_mem>>) src(%dma_wait3A_228 : memref<10000xi32, #tpu.memory_space<hbm>>) dst(%arg10 : memref<10000xi32, #tpu.memory_space<vmem>>)
      tpu.yield
    }) : () -> ()
    %mul3A_141 = arith.constant 10000 : i32
    %mul3A_142 = arith.muli %add3A, %mul3A_141 : i32
    "tpu.region"() ({
      %run_scoped3A_226 = tpu.sem_alloc : memref<!tpu.dma_semaphore, #tpu.memory_space<semaphore_mem>>
      %dma_start3A = tpu.memref_slice %arg3[%mul3A_142] : memref<320000xi32, #tpu.memory_space<hbm>> -> memref<10000xi32, #tpu.memory_space<hbm>>
      %dma_start3A_227 = tpu.memref_slice %arg3[%mul3A_142] : memref<320000xi32, #tpu.memory_space<hbm>> -> memref<10000xi32, #tpu.memory_space<hbm>>
      tpu.enqueue_dma source(%dma_start3A_227 : memref<10000xi32, #tpu.memory_space<hbm>>) target(%arg11 : memref<10000xi32, #tpu.memory_space<vmem>>) target_semaphore(%run_scoped3A_226 : memref<!tpu.dma_semaphore, #tpu.memory_space<semaphore_mem>>)
      %dma_wait3A = tpu.memref_slice %arg3[%mul3A_142] : memref<320000xi32, #tpu.memory_space<hbm>> -> memref<10000xi32, #tpu.memory_space<hbm>>
      %dma_wait3A_228 = tpu.memref_slice %arg3[%mul3A_142] : memref<320000xi32, #tpu.memory_space<hbm>> -> memref<10000xi32, #tpu.memory_space<hbm>>
      tpu.wait_dma2 semaphore(%run_scoped3A_226 : memref<!tpu.dma_semaphore, #tpu.memory_space<semaphore_mem>>) src(%dma_wait3A_228 : memref<10000xi32, #tpu.memory_space<hbm>>) dst(%arg11 : memref<10000xi32, #tpu.memory_space<vmem>>)
      tpu.yield
    }) : () -> ()
    %scan3A_143 = arith.constant 0 : i32
    %scan3A_144 = arith.constant 0 : i32
    %scan3A_145 = arith.constant 625 : i32
    %scan3A_146 = arith.addi %scan3A_144, %scan3A_145 : i32
    %scan3A_147 = arith.constant 1 : i32
    %scan3A_148 = scf.for %scan3A_226 = %scan3A_144 to %scan3A_146 step %scan3A_147 iter_args(%scan3A_227 = %scan3A_143) -> (i32)  : i32 {
      %mul3A_228 = arith.constant 16 : i32
      %mul3A_229 = arith.muli %scan3A_226, %mul3A_228 : i32
      %get3A_230 = arith.index_cast %mul3A_229 : i32 to index
      %get3A_231 = tpu.vector_load %arg11[%get3A_230] {strides = array<i32>} : memref<10000xi32, #tpu.memory_space<vmem>>, vector<16xi32>,
      %mul3A_232 = arith.constant 16 : i32
      %mul3A_233 = arith.muli %scan3A_226, %mul3A_232 : i32
      %get3A_234 = arith.index_cast %mul3A_233 : i32 to index
      %get3A_235 = tpu.vector_load %arg10[%get3A_234] {strides = array<i32>} : memref<10000xi32, #tpu.memory_space<vmem>>, vector<16xi32>,
      %shift_right_logical3A_236 = arith.constant 7 : i32
      %shift_right_logical3A_237 = vector.broadcast %shift_right_logical3A_236 : i32 to vector<16xi32>
      %shift_right_logical3A_238 = arith.shrui %get3A_231, %shift_right_logical3A_237 : vector<16xi32>
      %and3A_239 = arith.constant 127 : i32
      %and3A_240 = vector.broadcast %and3A_239 : i32 to vector<16xi32>
      %and3A_241 = arith.andi %get3A_231, %and3A_240 : vector<16xi32>
      %gather3A = tpu.vector_load_idx %arg12[%shift_right_logical3A_238, %and3A_241] : memref<80x128xf32, #tpu.memory_space<vmem>>[vector<16xi32>, vector<16xi32>], vector<16xf32>,
      %gt3A = arith.constant 5.000000e-01 : f32
      %gt3A_242 = vector.broadcast %gt3A : f32 to vector<16xf32>
      %gt3A_243 = arith.cmpf ogt, %gather3A, %gt3A_242 : vector<16xf32>
      %swap3A_244 = arith.index_cast %scan3A_227 : i32 to index
      %swap3A_245 = tpu.vector_load %arg14[%swap3A_244] masked %gt3A_243 {strides = array<i32>} : memref<10144xi32, #tpu.memory_space<vmem>>, vector<16xi32>, vector<16xi1>
      tpu.vector_store %arg14[%swap3A_244], %get3A_235 masked %gt3A_243 {strides = array<i32>} : memref<10144xi32, #tpu.memory_space<vmem>>, vector<16xi32>, vector<16xi1>
      %swap3A_246 = arith.index_cast %scan3A_227 : i32 to index
      %swap3A_247 = tpu.vector_load %arg15[%swap3A_246] masked %gt3A_243 {strides = array<i32>} : memref<10144xi32, #tpu.memory_space<vmem>>, vector<16xi32>, vector<16xi1>
      tpu.vector_store %arg15[%swap3A_246], %get3A_231 masked %gt3A_243 {strides = array<i32>} : memref<10144xi32, #tpu.memory_space<vmem>>, vector<16xi32>, vector<16xi1>
      %all_reduce_population_count3A = tpu.all_reduce %gt3A_243 {dim = 0 : i64, kind = #tpu.reduction_kind<sum>} : vector<16xi1> -> vector<16xi32>
      %slice3A = vector.extract_strided_slice %all_reduce_population_count3A {offsets = [0], sizes = [1], strides = [1]} : vector<16xi32> to vector<1xi32>
      %squeeze3A = vector.extract %slice3A[0] : i32 from vector<1xi32>
      %add3A_248 = arith.addi %scan3A_227, %squeeze3A : i32
      scf.yield %add3A_248 : i32
    }
    %scan3A_149 = arith.constant 625 : i32
    %broadcast_in_dim3A_150 = arith.constant 10239 : i32
    %broadcast_in_dim3A_151 = vector.broadcast %broadcast_in_dim3A_150 : i32 to vector<16xi32>
    %broadcast_in_dim3A_152 = arith.constant 0 : i32
    %broadcast_in_dim3A_153 = vector.broadcast %broadcast_in_dim3A_152 : i32 to vector<16xi32>
    %add3A_154 = arith.constant 0 : i32
    %add3A_155 = arith.addi %scan3A_148, %add3A_154 : i32
    %swap3A = arith.index_cast %add3A_155 : i32 to index
    %swap3A_156 = tpu.vector_load %arg14[%swap3A] {strides = array<i32>} : memref<10144xi32, #tpu.memory_space<vmem>>, vector<16xi32>,
    tpu.vector_store %arg14[%swap3A], %broadcast_in_dim3A_153 {strides = array<i32>} : memref<10144xi32, #tpu.memory_space<vmem>>, vector<16xi32>,
    %add3A_157 = arith.constant 0 : i32
    %add3A_158 = arith.addi %scan3A_148, %add3A_157 : i32
    %swap3A_159 = arith.index_cast %add3A_158 : i32 to index
    %swap3A_160 = tpu.vector_load %arg15[%swap3A_159] {strides = array<i32>} : memref<10144xi32, #tpu.memory_space<vmem>>, vector<16xi32>,
    tpu.vector_store %arg15[%swap3A_159], %broadcast_in_dim3A_151 {strides = array<i32>} : memref<10144xi32, #tpu.memory_space<vmem>>, vector<16xi32>,
    %add3A_161 = arith.constant 16 : i32
    %add3A_162 = arith.addi %scan3A_148, %add3A_161 : i32
    %swap3A_163 = arith.index_cast %add3A_162 : i32 to index
    %swap3A_164 = tpu.vector_load %arg14[%swap3A_163] {strides = array<i32>} : memref<10144xi32, #tpu.memory_space<vmem>>, vector<16xi32>,
    tpu.vector_store %arg14[%swap3A_163], %broadcast_in_dim3A_153 {strides = array<i32>} : memref<10144xi32, #tpu.memory_space<vmem>>, vector<16xi32>,
    %add3A_165 = arith.constant 16 : i32
    %add3A_166 = arith.addi %scan3A_148, %add3A_165 : i32
    %swap3A_167 = arith.index_cast %add3A_166 : i32 to index
    %swap3A_168 = tpu.vector_load %arg15[%swap3A_167] {strides = array<i32>} : memref<10144xi32, #tpu.memory_space<vmem>>, vector<16xi32>,
    tpu.vector_store %arg15[%swap3A_167], %broadcast_in_dim3A_151 {strides = array<i32>} : memref<10144xi32, #tpu.memory_space<vmem>>, vector<16xi32>,
    %add3A_169 = arith.constant 32 : i32
    %add3A_170 = arith.addi %scan3A_148, %add3A_169 : i32
    %swap3A_171 = arith.index_cast %add3A_170 : i32 to index
    %swap3A_172 = tpu.vector_load %arg14[%swap3A_171] {strides = array<i32>} : memref<10144xi32, #tpu.memory_space<vmem>>, vector<16xi32>,
    tpu.vector_store %arg14[%swap3A_171], %broadcast_in_dim3A_153 {strides = array<i32>} : memref<10144xi32, #tpu.memory_space<vmem>>, vector<16xi32>,
    %add3A_173 = arith.constant 32 : i32
    %add3A_174 = arith.addi %scan3A_148, %add3A_173 : i32
    %swap3A_175 = arith.index_cast %add3A_174 : i32 to index
    %swap3A_176 = tpu.vector_load %arg15[%swap3A_175] {strides = array<i32>} : memref<10144xi32, #tpu.memory_space<vmem>>, vector<16xi32>,
    tpu.vector_store %arg15[%swap3A_175], %broadcast_in_dim3A_151 {strides = array<i32>} : memref<10144xi32, #tpu.memory_space<vmem>>, vector<16xi32>,
    %add3A_177 = arith.constant 48 : i32
    %add3A_178 = arith.addi %scan3A_148, %add3A_177 : i32
    %swap3A_179 = arith.index_cast %add3A_178 : i32 to index
    %swap3A_180 = tpu.vector_load %arg14[%swap3A_179] {strides = array<i32>} : memref<10144xi32, #tpu.memory_space<vmem>>, vector<16xi32>,
    tpu.vector_store %arg14[%swap3A_179], %broadcast_in_dim3A_153 {strides = array<i32>} : memref<10144xi32, #tpu.memory_space<vmem>>, vector<16xi32>,
    %add3A_181 = arith.constant 48 : i32
    %add3A_182 = arith.addi %scan3A_148, %add3A_181 : i32
    %swap3A_183 = arith.index_cast %add3A_182 : i32 to index
    %swap3A_184 = tpu.vector_load %arg15[%swap3A_183] {strides = array<i32>} : memref<10144xi32, #tpu.memory_space<vmem>>, vector<16xi32>,
    tpu.vector_store %arg15[%swap3A_183], %broadcast_in_dim3A_151 {strides = array<i32>} : memref<10144xi32, #tpu.memory_space<vmem>>, vector<16xi32>,
    %add3A_185 = arith.constant 64 : i32
    %add3A_186 = arith.addi %scan3A_148, %add3A_185 : i32
    %swap3A_187 = arith.index_cast %add3A_186 : i32 to index
    %swap3A_188 = tpu.vector_load %arg14[%swap3A_187] {strides = array<i32>} : memref<10144xi32, #tpu.memory_space<vmem>>, vector<16xi32>,
    tpu.vector_store %arg14[%swap3A_187], %broadcast_in_dim3A_153 {strides = array<i32>} : memref<10144xi32, #tpu.memory_space<vmem>>, vector<16xi32>,
    %add3A_189 = arith.constant 64 : i32
    %add3A_190 = arith.addi %scan3A_148, %add3A_189 : i32
    %swap3A_191 = arith.index_cast %add3A_190 : i32 to index
    %swap3A_192 = tpu.vector_load %arg15[%swap3A_191] {strides = array<i32>} : memref<10144xi32, #tpu.memory_space<vmem>>, vector<16xi32>,
    tpu.vector_store %arg15[%swap3A_191], %broadcast_in_dim3A_151 {strides = array<i32>} : memref<10144xi32, #tpu.memory_space<vmem>>, vector<16xi32>,
    %add3A_193 = arith.constant 80 : i32
    %add3A_194 = arith.addi %scan3A_148, %add3A_193 : i32
    %swap3A_195 = arith.index_cast %add3A_194 : i32 to index
    %swap3A_196 = tpu.vector_load %arg14[%swap3A_195] {strides = array<i32>} : memref<10144xi32, #tpu.memory_space<vmem>>, vector<16xi32>,
    tpu.vector_store %arg14[%swap3A_195], %broadcast_in_dim3A_153 {strides = array<i32>} : memref<10144xi32, #tpu.memory_space<vmem>>, vector<16xi32>,
    %add3A_197 = arith.constant 80 : i32
    %add3A_198 = arith.addi %scan3A_148, %add3A_197 : i32
    %swap3A_199 = arith.index_cast %add3A_198 : i32 to index
    %swap3A_200 = tpu.vector_load %arg15[%swap3A_199] {strides = array<i32>} : memref<10144xi32, #tpu.memory_space<vmem>>, vector<16xi32>,
    tpu.vector_store %arg15[%swap3A_199], %broadcast_in_dim3A_151 {strides = array<i32>} : memref<10144xi32, #tpu.memory_space<vmem>>, vector<16xi32>,
    %add3A_201 = arith.constant 96 : i32
    %add3A_202 = arith.addi %scan3A_148, %add3A_201 : i32
    %swap3A_203 = arith.index_cast %add3A_202 : i32 to index
    %swap3A_204 = tpu.vector_load %arg14[%swap3A_203] {strides = array<i32>} : memref<10144xi32, #tpu.memory_space<vmem>>, vector<16xi32>,
    tpu.vector_store %arg14[%swap3A_203], %broadcast_in_dim3A_153 {strides = array<i32>} : memref<10144xi32, #tpu.memory_space<vmem>>, vector<16xi32>,
    %add3A_205 = arith.constant 96 : i32
    %add3A_206 = arith.addi %scan3A_148, %add3A_205 : i32
    %swap3A_207 = arith.index_cast %add3A_206 : i32 to index
    %swap3A_208 = tpu.vector_load %arg15[%swap3A_207] {strides = array<i32>} : memref<10144xi32, #tpu.memory_space<vmem>>, vector<16xi32>,
    tpu.vector_store %arg15[%swap3A_207], %broadcast_in_dim3A_151 {strides = array<i32>} : memref<10144xi32, #tpu.memory_space<vmem>>, vector<16xi32>,
    %add3A_209 = arith.constant 112 : i32
    %add3A_210 = arith.addi %scan3A_148, %add3A_209 : i32
    %swap3A_211 = arith.index_cast %add3A_210 : i32 to index
    %swap3A_212 = tpu.vector_load %arg14[%swap3A_211] {strides = array<i32>} : memref<10144xi32, #tpu.memory_space<vmem>>, vector<16xi32>,
    tpu.vector_store %arg14[%swap3A_211], %broadcast_in_dim3A_153 {strides = array<i32>} : memref<10144xi32, #tpu.memory_space<vmem>>, vector<16xi32>,
    %add3A_213 = arith.constant 112 : i32
    %add3A_214 = arith.addi %scan3A_148, %add3A_213 : i32
    %swap3A_215 = arith.index_cast %add3A_214 : i32 to index
    %swap3A_216 = tpu.vector_load %arg15[%swap3A_215] {strides = array<i32>} : memref<10144xi32, #tpu.memory_space<vmem>>, vector<16xi32>,
    tpu.vector_store %arg15[%swap3A_215], %broadcast_in_dim3A_151 {strides = array<i32>} : memref<10144xi32, #tpu.memory_space<vmem>>, vector<16xi32>,
    %broadcast_in_dim3A_217 = vector.broadcast %scan3A_148 : i32 to vector<16xi32>
    %swap3A_218 = arith.constant 0 : index
    %swap3A_219 = tpu.vector_load %arg17[%swap3A_218] {strides = array<i32>} : memref<16xi32, #tpu.memory_space<vmem>>, vector<16xi32>,
    tpu.vector_store %arg17[%swap3A_218], %broadcast_in_dim3A_217 {strides = array<i32>} : memref<16xi32, #tpu.memory_space<vmem>>, vector<16xi32>,
    %mul3A_220 = arith.constant 10144 : i32
    %mul3A_221 = arith.muli %add3A, %mul3A_220 : i32
    "tpu.region"() ({
      %run_scoped3A_226 = tpu.sem_alloc : memref<!tpu.dma_semaphore, #tpu.memory_space<semaphore_mem>>
      %dma_start3A = tpu.memref_slice %arg7[%mul3A_221] : memref<324608xi32, #tpu.memory_space<hbm>> -> memref<10144xi32, #tpu.memory_space<hbm>>
      %dma_start3A_227 = tpu.memref_slice %arg7[%mul3A_221] : memref<324608xi32, #tpu.memory_space<hbm>> -> memref<10144xi32, #tpu.memory_space<hbm>>
      tpu.enqueue_dma source(%arg14 : memref<10144xi32, #tpu.memory_space<vmem>>) target(%dma_start3A_227 : memref<10144xi32, #tpu.memory_space<hbm>>) target_semaphore(%run_scoped3A_226 : memref<!tpu.dma_semaphore, #tpu.memory_space<semaphore_mem>>)
      %dma_wait3A = tpu.memref_slice %arg7[%mul3A_221] : memref<324608xi32, #tpu.memory_space<hbm>> -> memref<10144xi32, #tpu.memory_space<hbm>>
      %dma_wait3A_228 = tpu.memref_slice %arg7[%mul3A_221] : memref<324608xi32, #tpu.memory_space<hbm>> -> memref<10144xi32, #tpu.memory_space<hbm>>
      tpu.wait_dma2 semaphore(%run_scoped3A_226 : memref<!tpu.dma_semaphore, #tpu.memory_space<semaphore_mem>>) src(%arg14 : memref<10144xi32, #tpu.memory_space<vmem>>) dst(%dma_wait3A_228 : memref<10144xi32, #tpu.memory_space<hbm>>)
      tpu.yield
    }) : () -> ()
    %mul3A_222 = arith.constant 10144 : i32
    %mul3A_223 = arith.muli %add3A, %mul3A_222 : i32
    "tpu.region"() ({
      %run_scoped3A_226 = tpu.sem_alloc : memref<!tpu.dma_semaphore, #tpu.memory_space<semaphore_mem>>
      %dma_start3A = tpu.memref_slice %arg8[%mul3A_223] : memref<324608xi32, #tpu.memory_space<hbm>> -> memref<10144xi32, #tpu.memory_space<hbm>>
      %dma_start3A_227 = tpu.memref_slice %arg8[%mul3A_223] : memref<324608xi32, #tpu.memory_space<hbm>> -> memref<10144xi32, #tpu.memory_space<hbm>>
      tpu.enqueue_dma source(%arg15 : memref<10144xi32, #tpu.memory_space<vmem>>) target(%dma_start3A_227 : memref<10144xi32, #tpu.memory_space<hbm>>) target_semaphore(%run_scoped3A_226 : memref<!tpu.dma_semaphore, #tpu.memory_space<semaphore_mem>>)
      %dma_wait3A = tpu.memref_slice %arg8[%mul3A_223] : memref<324608xi32, #tpu.memory_space<hbm>> -> memref<10144xi32, #tpu.memory_space<hbm>>
      %dma_wait3A_228 = tpu.memref_slice %arg8[%mul3A_223] : memref<324608xi32, #tpu.memory_space<hbm>> -> memref<10144xi32, #tpu.memory_space<hbm>>
      tpu.wait_dma2 semaphore(%run_scoped3A_226 : memref<!tpu.dma_semaphore, #tpu.memory_space<semaphore_mem>>) src(%arg15 : memref<10144xi32, #tpu.memory_space<vmem>>) dst(%dma_wait3A_228 : memref<10144xi32, #tpu.memory_space<hbm>>)
      tpu.yield
    }) : () -> ()
    %mul3A_224 = arith.constant 16 : i32
    %mul3A_225 = arith.muli %add3A, %mul3A_224 : i32
    "tpu.region"() ({
      %run_scoped3A_226 = tpu.sem_alloc : memref<!tpu.dma_semaphore, #tpu.memory_space<semaphore_mem>>
      %dma_start3A = tpu.memref_slice %arg9[%mul3A_225] : memref<512xi32, #tpu.memory_space<hbm>> -> memref<16xi32, #tpu.memory_space<hbm>>
      %dma_start3A_227 = tpu.memref_slice %arg9[%mul3A_225] : memref<512xi32, #tpu.memory_space<hbm>> -> memref<16xi32, #tpu.memory_space<hbm>>
      tpu.enqueue_dma source(%arg17 : memref<16xi32, #tpu.memory_space<vmem>>) target(%dma_start3A_227 : memref<16xi32, #tpu.memory_space<hbm>>) target_semaphore(%run_scoped3A_226 : memref<!tpu.dma_semaphore, #tpu.memory_space<semaphore_mem>>)
      %dma_wait3A = tpu.memref_slice %arg9[%mul3A_225] : memref<512xi32, #tpu.memory_space<hbm>> -> memref<16xi32, #tpu.memory_space<hbm>>
      %dma_wait3A_228 = tpu.memref_slice %arg9[%mul3A_225] : memref<512xi32, #tpu.memory_space<hbm>> -> memref<16xi32, #tpu.memory_space<hbm>>
      tpu.wait_dma2 semaphore(%run_scoped3A_226 : memref<!tpu.dma_semaphore, #tpu.memory_space<semaphore_mem>>) src(%arg17 : memref<16xi32, #tpu.memory_space<vmem>>) dst(%dma_wait3A_228 : memref<16xi32, #tpu.memory_space<hbm>>)
      tpu.yield
    }) : () -> ()
    return
  }
}

#map = affine_map<(d0, d1) -> (0)>
module attributes {stable_mosaic.version = 14 : i64} {
  func.func @filt_kernel(%arg0: i32, %arg1: i32, %arg2: memref<320000xi32, #tpu.memory_space<hbm>>, %arg3: memref<320000xi32, #tpu.memory_space<hbm>>, %arg4: memref<48xi32, #tpu.memory_space<hbm>>, %arg5: memref<324608xi32, #tpu.memory_space<hbm>>, %arg6: memref<324608xi32, #tpu.memory_space<hbm>>, %arg7: memref<512xi32, #tpu.memory_space<hbm>>, %arg8: memref<48xi32, #tpu.memory_space<hbm>>, %arg9: memref<10000xi32, #tpu.memory_space<vmem>>, %arg10: memref<10000xi32, #tpu.memory_space<vmem>>, %arg11: memref<10240xf32, #tpu.memory_space<vmem>>, %arg12: memref<10240xi32, #tpu.memory_space<vmem>>, %arg13: memref<10144xi32, #tpu.memory_space<vmem>>, %arg14: memref<10144xi32, #tpu.memory_space<vmem>>, %arg15: memref<48xi32, #tpu.memory_space<vmem>>, %arg16: memref<48xi32, #tpu.memory_space<vmem>>, %arg17: memref<16xi32, #tpu.memory_space<vmem>>, %arg18: memref<!tpu.dma_semaphore, #tpu.memory_space<semaphore_mem>>) attributes {dimension_semantics = [#tpu.dimension_semantics<core_parallel>, #tpu.dimension_semantics<subcore_parallel>], iteration_bounds = array<i64: 2, 16>, scalar_prefetch = 0 : i64, scratch_operands = 10 : i64, tpu.core_type = #tpu.core_type<sc_vector_subcore>, window_params = [{transform_indices = #map}, {transform_indices = #map}, {transform_indices = #map}, {transform_indices = #map}, {transform_indices = #map}, {transform_indices = #map}, {transform_indices = #map}]} {
    %mul3A = arith.constant 16 : i32
    %mul3A_0 = arith.muli %arg0, %mul3A : i32
    %add3A = arith.addi %mul3A_0, %arg1 : i32
    %broadcast_in_dim3A = arith.constant 0.000000e+00 : f32
    %broadcast_in_dim3A_1 = vector.broadcast %broadcast_in_dim3A : f32 to vector<16xf32>
    %scan3A = arith.constant 0 : i32
    %scan3A_2 = arith.constant 0 : i32
    %scan3A_3 = arith.constant 640 : i32
    %scan3A_4 = arith.addi %scan3A_2, %scan3A_3 : i32
    %scan3A_5 = arith.constant 1 : i32
    scf.for %scan3A_114 = %scan3A_2 to %scan3A_4 step %scan3A_5  : i32 {
      %mul3A_115 = arith.constant 16 : i32
      %mul3A_116 = arith.muli %scan3A_114, %mul3A_115 : i32
      %swap3A_117 = arith.index_cast %mul3A_116 : i32 to index
      %swap3A_118 = tpu.vector_load %arg11[%swap3A_117] {strides = array<i32>} : memref<10240xf32, #tpu.memory_space<vmem>>, vector<16xf32>,
      tpu.vector_store %arg11[%swap3A_117], %broadcast_in_dim3A_1 {strides = array<i32>} : memref<10240xf32, #tpu.memory_space<vmem>>, vector<16xf32>,
    }
    %scan3A_6 = arith.constant 640 : i32
    "tpu.region"() ({
      %run_scoped3A = tpu.sem_alloc : memref<!tpu.dma_semaphore, #tpu.memory_space<semaphore_mem>>
      tpu.enqueue_dma source(%arg4 : memref<48xi32, #tpu.memory_space<hbm>>) target(%arg15 : memref<48xi32, #tpu.memory_space<vmem>>) target_semaphore(%run_scoped3A : memref<!tpu.dma_semaphore, #tpu.memory_space<semaphore_mem>>)
      tpu.wait_dma2 semaphore(%run_scoped3A : memref<!tpu.dma_semaphore, #tpu.memory_space<semaphore_mem>>) src(%arg4 : memref<48xi32, #tpu.memory_space<hbm>>) dst(%arg15 : memref<48xi32, #tpu.memory_space<vmem>>)
      tpu.yield
    }) : () -> ()
    %broadcast_in_dim3A_7 = arith.constant 1.000000e+00 : f32
    %broadcast_in_dim3A_8 = vector.broadcast %broadcast_in_dim3A_7 : f32 to vector<16xf32>
    %get3A = arith.constant 0 : index
    %get3A_9 = tpu.vector_load %arg15[%get3A] {strides = array<i32>} : memref<48xi32, #tpu.memory_space<vmem>>, vector<16xi32>,
    %iota3A = tpu.iota {dimensions = array<i32: 0>} : vector<16xi32>
    %add3A_10 = arith.constant 0 : i32
    %add3A_11 = vector.broadcast %add3A_10 : i32 to vector<16xi32>
    %add3A_12 = arith.addi %iota3A, %add3A_11 : vector<16xi32>
    tpu.vector_store_idx %arg11[%get3A_9], %broadcast_in_dim3A_8 : memref<10240xf32, #tpu.memory_space<vmem>>[vector<16xi32>], vector<16xf32>,
    tpu.vector_store_idx %arg12[%get3A_9], %add3A_12 : memref<10240xi32, #tpu.memory_space<vmem>>[vector<16xi32>], vector<16xi32>,
    %get3A_13 = arith.constant 16 : index
    %get3A_14 = tpu.vector_load %arg15[%get3A_13] {strides = array<i32>} : memref<48xi32, #tpu.memory_space<vmem>>, vector<16xi32>,
    %iota3A_15 = tpu.iota {dimensions = array<i32: 0>} : vector<16xi32>
    %add3A_16 = arith.constant 16 : i32
    %add3A_17 = vector.broadcast %add3A_16 : i32 to vector<16xi32>
    %add3A_18 = arith.addi %iota3A_15, %add3A_17 : vector<16xi32>
    tpu.vector_store_idx %arg11[%get3A_14], %broadcast_in_dim3A_8 : memref<10240xf32, #tpu.memory_space<vmem>>[vector<16xi32>], vector<16xf32>,
    tpu.vector_store_idx %arg12[%get3A_14], %add3A_18 : memref<10240xi32, #tpu.memory_space<vmem>>[vector<16xi32>], vector<16xi32>,
    %get3A_19 = arith.constant 32 : index
    %get3A_20 = tpu.vector_load %arg15[%get3A_19] {strides = array<i32>} : memref<48xi32, #tpu.memory_space<vmem>>, vector<16xi32>,
    %iota3A_21 = tpu.iota {dimensions = array<i32: 0>} : vector<16xi32>
    %add3A_22 = arith.constant 32 : i32
    %add3A_23 = vector.broadcast %add3A_22 : i32 to vector<16xi32>
    %add3A_24 = arith.addi %iota3A_21, %add3A_23 : vector<16xi32>
    tpu.vector_store_idx %arg11[%get3A_20], %broadcast_in_dim3A_8 : memref<10240xf32, #tpu.memory_space<vmem>>[vector<16xi32>], vector<16xf32>,
    tpu.vector_store_idx %arg12[%get3A_20], %add3A_24 : memref<10240xi32, #tpu.memory_space<vmem>>[vector<16xi32>], vector<16xi32>,
    %mul3A_25 = arith.constant 10000 : i32
    %mul3A_26 = arith.muli %add3A, %mul3A_25 : i32
    "tpu.region"() ({
      %run_scoped3A = tpu.sem_alloc : memref<!tpu.dma_semaphore, #tpu.memory_space<semaphore_mem>>
      %dma_start3A = tpu.memref_slice %arg2[%mul3A_26] : memref<320000xi32, #tpu.memory_space<hbm>> -> memref<10000xi32, #tpu.memory_space<hbm>>
      %dma_start3A_114 = tpu.memref_slice %arg2[%mul3A_26] : memref<320000xi32, #tpu.memory_space<hbm>> -> memref<10000xi32, #tpu.memory_space<hbm>>
      tpu.enqueue_dma source(%dma_start3A_114 : memref<10000xi32, #tpu.memory_space<hbm>>) target(%arg9 : memref<10000xi32, #tpu.memory_space<vmem>>) target_semaphore(%run_scoped3A : memref<!tpu.dma_semaphore, #tpu.memory_space<semaphore_mem>>)
      %dma_wait3A = tpu.memref_slice %arg2[%mul3A_26] : memref<320000xi32, #tpu.memory_space<hbm>> -> memref<10000xi32, #tpu.memory_space<hbm>>
      %dma_wait3A_115 = tpu.memref_slice %arg2[%mul3A_26] : memref<320000xi32, #tpu.memory_space<hbm>> -> memref<10000xi32, #tpu.memory_space<hbm>>
      tpu.wait_dma2 semaphore(%run_scoped3A : memref<!tpu.dma_semaphore, #tpu.memory_space<semaphore_mem>>) src(%dma_wait3A_115 : memref<10000xi32, #tpu.memory_space<hbm>>) dst(%arg9 : memref<10000xi32, #tpu.memory_space<vmem>>)
      tpu.yield
    }) : () -> ()
    %mul3A_27 = arith.constant 10000 : i32
    %mul3A_28 = arith.muli %add3A, %mul3A_27 : i32
    "tpu.region"() ({
      %run_scoped3A = tpu.sem_alloc : memref<!tpu.dma_semaphore, #tpu.memory_space<semaphore_mem>>
      %dma_start3A = tpu.memref_slice %arg3[%mul3A_28] : memref<320000xi32, #tpu.memory_space<hbm>> -> memref<10000xi32, #tpu.memory_space<hbm>>
      %dma_start3A_114 = tpu.memref_slice %arg3[%mul3A_28] : memref<320000xi32, #tpu.memory_space<hbm>> -> memref<10000xi32, #tpu.memory_space<hbm>>
      tpu.enqueue_dma source(%dma_start3A_114 : memref<10000xi32, #tpu.memory_space<hbm>>) target(%arg10 : memref<10000xi32, #tpu.memory_space<vmem>>) target_semaphore(%run_scoped3A : memref<!tpu.dma_semaphore, #tpu.memory_space<semaphore_mem>>)
      %dma_wait3A = tpu.memref_slice %arg3[%mul3A_28] : memref<320000xi32, #tpu.memory_space<hbm>> -> memref<10000xi32, #tpu.memory_space<hbm>>
      %dma_wait3A_115 = tpu.memref_slice %arg3[%mul3A_28] : memref<320000xi32, #tpu.memory_space<hbm>> -> memref<10000xi32, #tpu.memory_space<hbm>>
      tpu.wait_dma2 semaphore(%run_scoped3A : memref<!tpu.dma_semaphore, #tpu.memory_space<semaphore_mem>>) src(%dma_wait3A_115 : memref<10000xi32, #tpu.memory_space<hbm>>) dst(%arg10 : memref<10000xi32, #tpu.memory_space<vmem>>)
      tpu.yield
    }) : () -> ()
    %scan3A_29 = arith.constant 0 : i32
    %scan3A_30 = arith.constant 0 : i32
    %scan3A_31 = arith.constant 625 : i32
    %scan3A_32 = arith.addi %scan3A_30, %scan3A_31 : i32
    %scan3A_33 = arith.constant 1 : i32
    %scan3A_34 = scf.for %scan3A_114 = %scan3A_30 to %scan3A_32 step %scan3A_33 iter_args(%scan3A_115 = %scan3A_29) -> (i32)  : i32 {
      %mul3A_116 = arith.constant 16 : i32
      %mul3A_117 = arith.muli %scan3A_114, %mul3A_116 : i32
      %get3A_118 = arith.index_cast %mul3A_117 : i32 to index
      %get3A_119 = tpu.vector_load %arg10[%get3A_118] {strides = array<i32>} : memref<10000xi32, #tpu.memory_space<vmem>>, vector<16xi32>,
      %mul3A_120 = arith.constant 16 : i32
      %mul3A_121 = arith.muli %scan3A_114, %mul3A_120 : i32
      %get3A_122 = arith.index_cast %mul3A_121 : i32 to index
      %get3A_123 = tpu.vector_load %arg9[%get3A_122] {strides = array<i32>} : memref<10000xi32, #tpu.memory_space<vmem>>, vector<16xi32>,
      %gather3A = tpu.vector_load_idx %arg11[%get3A_119] : memref<10240xf32, #tpu.memory_space<vmem>>[vector<16xi32>], vector<16xf32>,
      %gt3A = arith.constant 5.000000e-01 : f32
      %gt3A_124 = vector.broadcast %gt3A : f32 to vector<16xf32>
      %gt3A_125 = arith.cmpf ogt, %gather3A, %gt3A_124 : vector<16xf32>
      %gather3A_126 = tpu.vector_load_idx %arg12[%get3A_119] : memref<10240xi32, #tpu.memory_space<vmem>>[vector<16xi32>], vector<16xi32>,
      %swap3A_127 = arith.index_cast %scan3A_115 : i32 to index
      %swap3A_128 = tpu.vector_load %arg13[%swap3A_127] masked %gt3A_125 {strides = array<i32>} : memref<10144xi32, #tpu.memory_space<vmem>>, vector<16xi32>, vector<16xi1>
      tpu.vector_store %arg13[%swap3A_127], %get3A_123 masked %gt3A_125 {strides = array<i32>} : memref<10144xi32, #tpu.memory_space<vmem>>, vector<16xi32>, vector<16xi1>
      %swap3A_129 = arith.index_cast %scan3A_115 : i32 to index
      %swap3A_130 = tpu.vector_load %arg14[%swap3A_129] masked %gt3A_125 {strides = array<i32>} : memref<10144xi32, #tpu.memory_space<vmem>>, vector<16xi32>, vector<16xi1>
      tpu.vector_store %arg14[%swap3A_129], %gather3A_126 masked %gt3A_125 {strides = array<i32>} : memref<10144xi32, #tpu.memory_space<vmem>>, vector<16xi32>, vector<16xi1>
      %all_reduce_population_count3A = tpu.all_reduce %gt3A_125 {dim = 0 : i64, kind = #tpu.reduction_kind<sum>} : vector<16xi1> -> vector<16xi32>
      %slice3A = vector.extract_strided_slice %all_reduce_population_count3A {offsets = [0], sizes = [1], strides = [1]} : vector<16xi32> to vector<1xi32>
      %squeeze3A = vector.extract %slice3A[0] : i32 from vector<1xi32>
      %add3A_131 = arith.addi %scan3A_115, %squeeze3A : i32
      scf.yield %add3A_131 : i32
    }
    %scan3A_35 = arith.constant 625 : i32
    %broadcast_in_dim3A_36 = arith.constant 40 : i32
    %broadcast_in_dim3A_37 = vector.broadcast %broadcast_in_dim3A_36 : i32 to vector<16xi32>
    %broadcast_in_dim3A_38 = arith.constant 0 : i32
    %broadcast_in_dim3A_39 = vector.broadcast %broadcast_in_dim3A_38 : i32 to vector<16xi32>
    %add3A_40 = arith.constant 0 : i32
    %add3A_41 = arith.addi %scan3A_34, %add3A_40 : i32
    %swap3A = arith.index_cast %add3A_41 : i32 to index
    %swap3A_42 = tpu.vector_load %arg13[%swap3A] {strides = array<i32>} : memref<10144xi32, #tpu.memory_space<vmem>>, vector<16xi32>,
    tpu.vector_store %arg13[%swap3A], %broadcast_in_dim3A_39 {strides = array<i32>} : memref<10144xi32, #tpu.memory_space<vmem>>, vector<16xi32>,
    %add3A_43 = arith.constant 0 : i32
    %add3A_44 = arith.addi %scan3A_34, %add3A_43 : i32
    %swap3A_45 = arith.index_cast %add3A_44 : i32 to index
    %swap3A_46 = tpu.vector_load %arg14[%swap3A_45] {strides = array<i32>} : memref<10144xi32, #tpu.memory_space<vmem>>, vector<16xi32>,
    tpu.vector_store %arg14[%swap3A_45], %broadcast_in_dim3A_37 {strides = array<i32>} : memref<10144xi32, #tpu.memory_space<vmem>>, vector<16xi32>,
    %add3A_47 = arith.constant 16 : i32
    %add3A_48 = arith.addi %scan3A_34, %add3A_47 : i32
    %swap3A_49 = arith.index_cast %add3A_48 : i32 to index
    %swap3A_50 = tpu.vector_load %arg13[%swap3A_49] {strides = array<i32>} : memref<10144xi32, #tpu.memory_space<vmem>>, vector<16xi32>,
    tpu.vector_store %arg13[%swap3A_49], %broadcast_in_dim3A_39 {strides = array<i32>} : memref<10144xi32, #tpu.memory_space<vmem>>, vector<16xi32>,
    %add3A_51 = arith.constant 16 : i32
    %add3A_52 = arith.addi %scan3A_34, %add3A_51 : i32
    %swap3A_53 = arith.index_cast %add3A_52 : i32 to index
    %swap3A_54 = tpu.vector_load %arg14[%swap3A_53] {strides = array<i32>} : memref<10144xi32, #tpu.memory_space<vmem>>, vector<16xi32>,
    tpu.vector_store %arg14[%swap3A_53], %broadcast_in_dim3A_37 {strides = array<i32>} : memref<10144xi32, #tpu.memory_space<vmem>>, vector<16xi32>,
    %add3A_55 = arith.constant 32 : i32
    %add3A_56 = arith.addi %scan3A_34, %add3A_55 : i32
    %swap3A_57 = arith.index_cast %add3A_56 : i32 to index
    %swap3A_58 = tpu.vector_load %arg13[%swap3A_57] {strides = array<i32>} : memref<10144xi32, #tpu.memory_space<vmem>>, vector<16xi32>,
    tpu.vector_store %arg13[%swap3A_57], %broadcast_in_dim3A_39 {strides = array<i32>} : memref<10144xi32, #tpu.memory_space<vmem>>, vector<16xi32>,
    %add3A_59 = arith.constant 32 : i32
    %add3A_60 = arith.addi %scan3A_34, %add3A_59 : i32
    %swap3A_61 = arith.index_cast %add3A_60 : i32 to index
    %swap3A_62 = tpu.vector_load %arg14[%swap3A_61] {strides = array<i32>} : memref<10144xi32, #tpu.memory_space<vmem>>, vector<16xi32>,
    tpu.vector_store %arg14[%swap3A_61], %broadcast_in_dim3A_37 {strides = array<i32>} : memref<10144xi32, #tpu.memory_space<vmem>>, vector<16xi32>,
    %add3A_63 = arith.constant 48 : i32
    %add3A_64 = arith.addi %scan3A_34, %add3A_63 : i32
    %swap3A_65 = arith.index_cast %add3A_64 : i32 to index
    %swap3A_66 = tpu.vector_load %arg13[%swap3A_65] {strides = array<i32>} : memref<10144xi32, #tpu.memory_space<vmem>>, vector<16xi32>,
    tpu.vector_store %arg13[%swap3A_65], %broadcast_in_dim3A_39 {strides = array<i32>} : memref<10144xi32, #tpu.memory_space<vmem>>, vector<16xi32>,
    %add3A_67 = arith.constant 48 : i32
    %add3A_68 = arith.addi %scan3A_34, %add3A_67 : i32
    %swap3A_69 = arith.index_cast %add3A_68 : i32 to index
    %swap3A_70 = tpu.vector_load %arg14[%swap3A_69] {strides = array<i32>} : memref<10144xi32, #tpu.memory_space<vmem>>, vector<16xi32>,
    tpu.vector_store %arg14[%swap3A_69], %broadcast_in_dim3A_37 {strides = array<i32>} : memref<10144xi32, #tpu.memory_space<vmem>>, vector<16xi32>,
    %add3A_71 = arith.constant 64 : i32
    %add3A_72 = arith.addi %scan3A_34, %add3A_71 : i32
    %swap3A_73 = arith.index_cast %add3A_72 : i32 to index
    %swap3A_74 = tpu.vector_load %arg13[%swap3A_73] {strides = array<i32>} : memref<10144xi32, #tpu.memory_space<vmem>>, vector<16xi32>,
    tpu.vector_store %arg13[%swap3A_73], %broadcast_in_dim3A_39 {strides = array<i32>} : memref<10144xi32, #tpu.memory_space<vmem>>, vector<16xi32>,
    %add3A_75 = arith.constant 64 : i32
    %add3A_76 = arith.addi %scan3A_34, %add3A_75 : i32
    %swap3A_77 = arith.index_cast %add3A_76 : i32 to index
    %swap3A_78 = tpu.vector_load %arg14[%swap3A_77] {strides = array<i32>} : memref<10144xi32, #tpu.memory_space<vmem>>, vector<16xi32>,
    tpu.vector_store %arg14[%swap3A_77], %broadcast_in_dim3A_37 {strides = array<i32>} : memref<10144xi32, #tpu.memory_space<vmem>>, vector<16xi32>,
    %add3A_79 = arith.constant 80 : i32
    %add3A_80 = arith.addi %scan3A_34, %add3A_79 : i32
    %swap3A_81 = arith.index_cast %add3A_80 : i32 to index
    %swap3A_82 = tpu.vector_load %arg13[%swap3A_81] {strides = array<i32>} : memref<10144xi32, #tpu.memory_space<vmem>>, vector<16xi32>,
    tpu.vector_store %arg13[%swap3A_81], %broadcast_in_dim3A_39 {strides = array<i32>} : memref<10144xi32, #tpu.memory_space<vmem>>, vector<16xi32>,
    %add3A_83 = arith.constant 80 : i32
    %add3A_84 = arith.addi %scan3A_34, %add3A_83 : i32
    %swap3A_85 = arith.index_cast %add3A_84 : i32 to index
    %swap3A_86 = tpu.vector_load %arg14[%swap3A_85] {strides = array<i32>} : memref<10144xi32, #tpu.memory_space<vmem>>, vector<16xi32>,
    tpu.vector_store %arg14[%swap3A_85], %broadcast_in_dim3A_37 {strides = array<i32>} : memref<10144xi32, #tpu.memory_space<vmem>>, vector<16xi32>,
    %add3A_87 = arith.constant 96 : i32
    %add3A_88 = arith.addi %scan3A_34, %add3A_87 : i32
    %swap3A_89 = arith.index_cast %add3A_88 : i32 to index
    %swap3A_90 = tpu.vector_load %arg13[%swap3A_89] {strides = array<i32>} : memref<10144xi32, #tpu.memory_space<vmem>>, vector<16xi32>,
    tpu.vector_store %arg13[%swap3A_89], %broadcast_in_dim3A_39 {strides = array<i32>} : memref<10144xi32, #tpu.memory_space<vmem>>, vector<16xi32>,
    %add3A_91 = arith.constant 96 : i32
    %add3A_92 = arith.addi %scan3A_34, %add3A_91 : i32
    %swap3A_93 = arith.index_cast %add3A_92 : i32 to index
    %swap3A_94 = tpu.vector_load %arg14[%swap3A_93] {strides = array<i32>} : memref<10144xi32, #tpu.memory_space<vmem>>, vector<16xi32>,
    tpu.vector_store %arg14[%swap3A_93], %broadcast_in_dim3A_37 {strides = array<i32>} : memref<10144xi32, #tpu.memory_space<vmem>>, vector<16xi32>,
    %add3A_95 = arith.constant 112 : i32
    %add3A_96 = arith.addi %scan3A_34, %add3A_95 : i32
    %swap3A_97 = arith.index_cast %add3A_96 : i32 to index
    %swap3A_98 = tpu.vector_load %arg13[%swap3A_97] {strides = array<i32>} : memref<10144xi32, #tpu.memory_space<vmem>>, vector<16xi32>,
    tpu.vector_store %arg13[%swap3A_97], %broadcast_in_dim3A_39 {strides = array<i32>} : memref<10144xi32, #tpu.memory_space<vmem>>, vector<16xi32>,
    %add3A_99 = arith.constant 112 : i32
    %add3A_100 = arith.addi %scan3A_34, %add3A_99 : i32
    %swap3A_101 = arith.index_cast %add3A_100 : i32 to index
    %swap3A_102 = tpu.vector_load %arg14[%swap3A_101] {strides = array<i32>} : memref<10144xi32, #tpu.memory_space<vmem>>, vector<16xi32>,
    tpu.vector_store %arg14[%swap3A_101], %broadcast_in_dim3A_37 {strides = array<i32>} : memref<10144xi32, #tpu.memory_space<vmem>>, vector<16xi32>,
    %broadcast_in_dim3A_103 = vector.broadcast %scan3A_34 : i32 to vector<16xi32>
    %swap3A_104 = arith.constant 0 : index
    %swap3A_105 = tpu.vector_load %arg17[%swap3A_104] {strides = array<i32>} : memref<16xi32, #tpu.memory_space<vmem>>, vector<16xi32>,
    tpu.vector_store %arg17[%swap3A_104], %broadcast_in_dim3A_103 {strides = array<i32>} : memref<16xi32, #tpu.memory_space<vmem>>, vector<16xi32>,
    %mul3A_106 = arith.constant 10144 : i32
    %mul3A_107 = arith.muli %add3A, %mul3A_106 : i32
    "tpu.region"() ({
      %run_scoped3A = tpu.sem_alloc : memref<!tpu.dma_semaphore, #tpu.memory_space<semaphore_mem>>
      %dma_start3A = tpu.memref_slice %arg5[%mul3A_107] : memref<324608xi32, #tpu.memory_space<hbm>> -> memref<10144xi32, #tpu.memory_space<hbm>>
      %dma_start3A_114 = tpu.memref_slice %arg5[%mul3A_107] : memref<324608xi32, #tpu.memory_space<hbm>> -> memref<10144xi32, #tpu.memory_space<hbm>>
      tpu.enqueue_dma source(%arg13 : memref<10144xi32, #tpu.memory_space<vmem>>) target(%dma_start3A_114 : memref<10144xi32, #tpu.memory_space<hbm>>) target_semaphore(%run_scoped3A : memref<!tpu.dma_semaphore, #tpu.memory_space<semaphore_mem>>)
      %dma_wait3A = tpu.memref_slice %arg5[%mul3A_107] : memref<324608xi32, #tpu.memory_space<hbm>> -> memref<10144xi32, #tpu.memory_space<hbm>>
      %dma_wait3A_115 = tpu.memref_slice %arg5[%mul3A_107] : memref<324608xi32, #tpu.memory_space<hbm>> -> memref<10144xi32, #tpu.memory_space<hbm>>
      tpu.wait_dma2 semaphore(%run_scoped3A : memref<!tpu.dma_semaphore, #tpu.memory_space<semaphore_mem>>) src(%arg13 : memref<10144xi32, #tpu.memory_space<vmem>>) dst(%dma_wait3A_115 : memref<10144xi32, #tpu.memory_space<hbm>>)
      tpu.yield
    }) : () -> ()
    %mul3A_108 = arith.constant 10144 : i32
    %mul3A_109 = arith.muli %add3A, %mul3A_108 : i32
    "tpu.region"() ({
      %run_scoped3A = tpu.sem_alloc : memref<!tpu.dma_semaphore, #tpu.memory_space<semaphore_mem>>
      %dma_start3A = tpu.memref_slice %arg6[%mul3A_109] : memref<324608xi32, #tpu.memory_space<hbm>> -> memref<10144xi32, #tpu.memory_space<hbm>>
      %dma_start3A_114 = tpu.memref_slice %arg6[%mul3A_109] : memref<324608xi32, #tpu.memory_space<hbm>> -> memref<10144xi32, #tpu.memory_space<hbm>>
      tpu.enqueue_dma source(%arg14 : memref<10144xi32, #tpu.memory_space<vmem>>) target(%dma_start3A_114 : memref<10144xi32, #tpu.memory_space<hbm>>) target_semaphore(%run_scoped3A : memref<!tpu.dma_semaphore, #tpu.memory_space<semaphore_mem>>)
      %dma_wait3A = tpu.memref_slice %arg6[%mul3A_109] : memref<324608xi32, #tpu.memory_space<hbm>> -> memref<10144xi32, #tpu.memory_space<hbm>>
      %dma_wait3A_115 = tpu.memref_slice %arg6[%mul3A_109] : memref<324608xi32, #tpu.memory_space<hbm>> -> memref<10144xi32, #tpu.memory_space<hbm>>
      tpu.wait_dma2 semaphore(%run_scoped3A : memref<!tpu.dma_semaphore, #tpu.memory_space<semaphore_mem>>) src(%arg14 : memref<10144xi32, #tpu.memory_space<vmem>>) dst(%dma_wait3A_115 : memref<10144xi32, #tpu.memory_space<hbm>>)
      tpu.yield
    }) : () -> ()
    %mul3A_110 = arith.constant 16 : i32
    %mul3A_111 = arith.muli %add3A, %mul3A_110 : i32
    "tpu.region"() ({
      %run_scoped3A = tpu.sem_alloc : memref<!tpu.dma_semaphore, #tpu.memory_space<semaphore_mem>>
      %dma_start3A = tpu.memref_slice %arg7[%mul3A_111] : memref<512xi32, #tpu.memory_space<hbm>> -> memref<16xi32, #tpu.memory_space<hbm>>
      %dma_start3A_114 = tpu.memref_slice %arg7[%mul3A_111] : memref<512xi32, #tpu.memory_space<hbm>> -> memref<16xi32, #tpu.memory_space<hbm>>
      tpu.enqueue_dma source(%arg17 : memref<16xi32, #tpu.memory_space<vmem>>) target(%dma_start3A_114 : memref<16xi32, #tpu.memory_space<hbm>>) target_semaphore(%run_scoped3A : memref<!tpu.dma_semaphore, #tpu.memory_space<semaphore_mem>>)
      %dma_wait3A = tpu.memref_slice %arg7[%mul3A_111] : memref<512xi32, #tpu.memory_space<hbm>> -> memref<16xi32, #tpu.memory_space<hbm>>
      %dma_wait3A_115 = tpu.memref_slice %arg7[%mul3A_111] : memref<512xi32, #tpu.memory_space<hbm>> -> memref<16xi32, #tpu.memory_space<hbm>>
      tpu.wait_dma2 semaphore(%run_scoped3A : memref<!tpu.dma_semaphore, #tpu.memory_space<semaphore_mem>>) src(%arg17 : memref<16xi32, #tpu.memory_space<vmem>>) dst(%dma_wait3A_115 : memref<16xi32, #tpu.memory_space<hbm>>)
      tpu.yield
    }) : () -> ()
    %eq3A = arith.constant 0 : i32
    %eq3A_112 = arith.cmpi eq, %add3A, %eq3A : i32
    %convert_element_type3A = arith.extui %eq3A_112 : i1 to i32
    %cond3A = arith.constant 0 : i32
    %cond3A_113 = arith.cmpi ne, %convert_element_type3A, %cond3A : i32
    scf.if %cond3A_113 {
      %get3A_114 = arith.constant 0 : index
      %get3A_115 = tpu.vector_load %arg15[%get3A_114] {strides = array<i32>} : memref<48xi32, #tpu.memory_space<vmem>>, vector<16xi32>,
      %gather3A = tpu.vector_load_idx %arg12[%get3A_115] : memref<10240xi32, #tpu.memory_space<vmem>>[vector<16xi32>], vector<16xi32>,
      %swap3A_116 = arith.constant 0 : index
      %swap3A_117 = tpu.vector_load %arg16[%swap3A_116] {strides = array<i32>} : memref<48xi32, #tpu.memory_space<vmem>>, vector<16xi32>,
      tpu.vector_store %arg16[%swap3A_116], %gather3A {strides = array<i32>} : memref<48xi32, #tpu.memory_space<vmem>>, vector<16xi32>,
      %get3A_118 = arith.constant 16 : index
      %get3A_119 = tpu.vector_load %arg15[%get3A_118] {strides = array<i32>} : memref<48xi32, #tpu.memory_space<vmem>>, vector<16xi32>,
      %gather3A_120 = tpu.vector_load_idx %arg12[%get3A_119] : memref<10240xi32, #tpu.memory_space<vmem>>[vector<16xi32>], vector<16xi32>,
      %swap3A_121 = arith.constant 16 : index
      %swap3A_122 = tpu.vector_load %arg16[%swap3A_121] {strides = array<i32>} : memref<48xi32, #tpu.memory_space<vmem>>, vector<16xi32>,
      tpu.vector_store %arg16[%swap3A_121], %gather3A_120 {strides = array<i32>} : memref<48xi32, #tpu.memory_space<vmem>>, vector<16xi32>,
      %get3A_123 = arith.constant 32 : index
      %get3A_124 = tpu.vector_load %arg15[%get3A_123] {strides = array<i32>} : memref<48xi32, #tpu.memory_space<vmem>>, vector<16xi32>,
      %gather3A_125 = tpu.vector_load_idx %arg12[%get3A_124] : memref<10240xi32, #tpu.memory_space<vmem>>[vector<16xi32>], vector<16xi32>,
      %swap3A_126 = arith.constant 32 : index
      %swap3A_127 = tpu.vector_load %arg16[%swap3A_126] {strides = array<i32>} : memref<48xi32, #tpu.memory_space<vmem>>, vector<16xi32>,
      tpu.vector_store %arg16[%swap3A_126], %gather3A_125 {strides = array<i32>} : memref<48xi32, #tpu.memory_space<vmem>>, vector<16xi32>,
      "tpu.region"() ({
        %run_scoped3A = tpu.sem_alloc : memref<!tpu.dma_semaphore, #tpu.memory_space<semaphore_mem>>
        tpu.enqueue_dma source(%arg16 : memref<48xi32, #tpu.memory_space<vmem>>) target(%arg8 : memref<48xi32, #tpu.memory_space<hbm>>) target_semaphore(%run_scoped3A : memref<!tpu.dma_semaphore, #tpu.memory_space<semaphore_mem>>)
        tpu.wait_dma2 semaphore(%run_scoped3A : memref<!tpu.dma_semaphore, #tpu.memory_space<semaphore_mem>>) src(%arg16 : memref<48xi32, #tpu.memory_space<vmem>>) dst(%arg8 : memref<48xi32, #tpu.memory_space<hbm>>)
        tpu.yield
      }) : () -> ()
    } else {
    }
    return
  }
}

#map = affine_map<(d0, d1) -> (0, 0)>
#map1 = affine_map<(d0, d1) -> (0)>
module attributes {stable_mosaic.version = 14 : i64} {
  func.func @agg1_kernel(%arg0: i32, %arg1: i32, %arg2: memref<10240x64xf32, #tpu.memory_space<hbm>>, %arg3: memref<324608xi32, #tpu.memory_space<hbm>>, %arg4: memref<324608xi32, #tpu.memory_space<hbm>>, %arg5: memref<512xi32, #tpu.memory_space<hbm>>, %arg6: memref<10240x64xf32, #tpu.memory_space<hbm>>, %arg7: memref<10240x64xf32, #tpu.memory_space<hbm>>, %arg8: memref<10144xi32, #tpu.memory_space<vmem>>, %arg9: memref<10144xi32, #tpu.memory_space<vmem>>, %arg10: memref<1x128xi32, #tpu.memory_space<vmem>>, %arg11: memref<16xi32, #tpu.memory_space<vmem>>, %arg12: memref<128x64xf32, #tpu.memory_space<vmem>>, %arg13: memref<128x64xf32, #tpu.memory_space<vmem>>, %arg14: memref<10240x64xf32, #tpu.memory_space<vmem_shared>>, %arg15: memref<!tpu.dma_semaphore, #tpu.memory_space<semaphore_mem>>) attributes {dimension_semantics = [#tpu.dimension_semantics<core_parallel>, #tpu.dimension_semantics<subcore_parallel>], iteration_bounds = array<i64: 2, 16>, scalar_prefetch = 0 : i64, scratch_operands = 8 : i64, tpu.core_type = #tpu.core_type<sc_vector_subcore>, window_params = [{transform_indices = #map}, {transform_indices = #map1}, {transform_indices = #map1}, {transform_indices = #map1}, {transform_indices = #map}, {transform_indices = #map}]} {
    %mul3A = arith.constant 16 : i32
    %mul3A_0 = arith.muli %arg0, %mul3A : i32
    %add3A = arith.addi %mul3A_0, %arg1 : i32
    %broadcast_in_dim3A = arith.constant 0.000000e+00 : f32
    %broadcast_in_dim3A_1 = vector.broadcast %broadcast_in_dim3A : f32 to vector<16xf32>
    %scan3A = arith.constant 0 : i32
    %scan3A_2 = arith.constant 0 : i32
    %scan3A_3 = arith.constant 128 : i32
    %scan3A_4 = arith.addi %scan3A_2, %scan3A_3 : i32
    %scan3A_5 = arith.constant 1 : i32
    scf.for %scan3A_80 = %scan3A_2 to %scan3A_4 step %scan3A_5  : i32 {
      %swap3A = arith.index_cast %scan3A_80 : i32 to index
      %swap3A_81 = arith.constant 0 : index
      %swap3A_82 = tpu.vector_load %arg13[%swap3A, %swap3A_81] {strides = array<i32>} : memref<128x64xf32, #tpu.memory_space<vmem>>, vector<16xf32>,
      tpu.vector_store %arg13[%swap3A, %swap3A_81], %broadcast_in_dim3A_1 {strides = array<i32>} : memref<128x64xf32, #tpu.memory_space<vmem>>, vector<16xf32>,
      %swap3A_83 = arith.index_cast %scan3A_80 : i32 to index
      %swap3A_84 = arith.constant 16 : index
      %swap3A_85 = tpu.vector_load %arg13[%swap3A_83, %swap3A_84] {strides = array<i32>} : memref<128x64xf32, #tpu.memory_space<vmem>>, vector<16xf32>,
      tpu.vector_store %arg13[%swap3A_83, %swap3A_84], %broadcast_in_dim3A_1 {strides = array<i32>} : memref<128x64xf32, #tpu.memory_space<vmem>>, vector<16xf32>,
      %swap3A_86 = arith.index_cast %scan3A_80 : i32 to index
      %swap3A_87 = arith.constant 32 : index
      %swap3A_88 = tpu.vector_load %arg13[%swap3A_86, %swap3A_87] {strides = array<i32>} : memref<128x64xf32, #tpu.memory_space<vmem>>, vector<16xf32>,
      tpu.vector_store %arg13[%swap3A_86, %swap3A_87], %broadcast_in_dim3A_1 {strides = array<i32>} : memref<128x64xf32, #tpu.memory_space<vmem>>, vector<16xf32>,
      %swap3A_89 = arith.index_cast %scan3A_80 : i32 to index
      %swap3A_90 = arith.constant 48 : index
      %swap3A_91 = tpu.vector_load %arg13[%swap3A_89, %swap3A_90] {strides = array<i32>} : memref<128x64xf32, #tpu.memory_space<vmem>>, vector<16xf32>,
      tpu.vector_store %arg13[%swap3A_89, %swap3A_90], %broadcast_in_dim3A_1 {strides = array<i32>} : memref<128x64xf32, #tpu.memory_space<vmem>>, vector<16xf32>,
    }
    %scan3A_6 = arith.constant 128 : i32
    %mul3A_7 = arith.constant 640 : i32
    %mul3A_8 = arith.muli %arg1, %mul3A_7 : i32
    %add3A_9 = arith.constant 0 : i32
    %add3A_10 = arith.addi %mul3A_8, %add3A_9 : i32
    "tpu.region"() ({
      %run_scoped3A = tpu.sem_alloc : memref<!tpu.dma_semaphore, #tpu.memory_space<semaphore_mem>>
      %dma_start3A = arith.constant 0 : i32
      %dma_start3A_80 = tpu.memref_slice %arg14[%add3A_10, %dma_start3A] : memref<10240x64xf32, #tpu.memory_space<vmem_shared>> -> memref<128x64xf32, #tpu.memory_space<vmem_shared>>
      %dma_start3A_81 = arith.constant 0 : i32
      %dma_start3A_82 = tpu.memref_slice %arg14[%add3A_10, %dma_start3A_81] : memref<10240x64xf32, #tpu.memory_space<vmem_shared>> -> memref<128x64xf32, #tpu.memory_space<vmem_shared>>
      tpu.enqueue_dma source(%arg13 : memref<128x64xf32, #tpu.memory_space<vmem>>) target(%dma_start3A_82 : memref<128x64xf32, #tpu.memory_space<vmem_shared>>) target_semaphore(%run_scoped3A : memref<!tpu.dma_semaphore, #tpu.memory_space<semaphore_mem>>)
      %dma_wait3A = arith.constant 0 : i32
      %dma_wait3A_83 = tpu.memref_slice %arg14[%add3A_10, %dma_wait3A] : memref<10240x64xf32, #tpu.memory_space<vmem_shared>> -> memref<128x64xf32, #tpu.memory_space<vmem_shared>>
      %dma_wait3A_84 = arith.constant 0 : i32
      %dma_wait3A_85 = tpu.memref_slice %arg14[%add3A_10, %dma_wait3A_84] : memref<10240x64xf32, #tpu.memory_space<vmem_shared>> -> memref<128x64xf32, #tpu.memory_space<vmem_shared>>
      tpu.wait_dma2 semaphore(%run_scoped3A : memref<!tpu.dma_semaphore, #tpu.memory_space<semaphore_mem>>) src(%arg13 : memref<128x64xf32, #tpu.memory_space<vmem>>) dst(%dma_wait3A_85 : memref<128x64xf32, #tpu.memory_space<vmem_shared>>)
      tpu.yield
    }) : () -> ()
    %mul3A_11 = arith.constant 640 : i32
    %mul3A_12 = arith.muli %arg1, %mul3A_11 : i32
    %add3A_13 = arith.constant 128 : i32
    %add3A_14 = arith.addi %mul3A_12, %add3A_13 : i32
    "tpu.region"() ({
      %run_scoped3A = tpu.sem_alloc : memref<!tpu.dma_semaphore, #tpu.memory_space<semaphore_mem>>
      %dma_start3A = arith.constant 0 : i32
      %dma_start3A_80 = tpu.memref_slice %arg14[%add3A_14, %dma_start3A] : memref<10240x64xf32, #tpu.memory_space<vmem_shared>> -> memref<128x64xf32, #tpu.memory_space<vmem_shared>>
      %dma_start3A_81 = arith.constant 0 : i32
      %dma_start3A_82 = tpu.memref_slice %arg14[%add3A_14, %dma_start3A_81] : memref<10240x64xf32, #tpu.memory_space<vmem_shared>> -> memref<128x64xf32, #tpu.memory_space<vmem_shared>>
      tpu.enqueue_dma source(%arg13 : memref<128x64xf32, #tpu.memory_space<vmem>>) target(%dma_start3A_82 : memref<128x64xf32, #tpu.memory_space<vmem_shared>>) target_semaphore(%run_scoped3A : memref<!tpu.dma_semaphore, #tpu.memory_space<semaphore_mem>>)
      %dma_wait3A = arith.constant 0 : i32
      %dma_wait3A_83 = tpu.memref_slice %arg14[%add3A_14, %dma_wait3A] : memref<10240x64xf32, #tpu.memory_space<vmem_shared>> -> memref<128x64xf32, #tpu.memory_space<vmem_shared>>
      %dma_wait3A_84 = arith.constant 0 : i32
      %dma_wait3A_85 = tpu.memref_slice %arg14[%add3A_14, %dma_wait3A_84] : memref<10240x64xf32, #tpu.memory_space<vmem_shared>> -> memref<128x64xf32, #tpu.memory_space<vmem_shared>>
      tpu.wait_dma2 semaphore(%run_scoped3A : memref<!tpu.dma_semaphore, #tpu.memory_space<semaphore_mem>>) src(%arg13 : memref<128x64xf32, #tpu.memory_space<vmem>>) dst(%dma_wait3A_85 : memref<128x64xf32, #tpu.memory_space<vmem_shared>>)
      tpu.yield
    }) : () -> ()
    %mul3A_15 = arith.constant 640 : i32
    %mul3A_16 = arith.muli %arg1, %mul3A_15 : i32
    %add3A_17 = arith.constant 256 : i32
    %add3A_18 = arith.addi %mul3A_16, %add3A_17 : i32
    "tpu.region"() ({
      %run_scoped3A = tpu.sem_alloc : memref<!tpu.dma_semaphore, #tpu.memory_space<semaphore_mem>>
      %dma_start3A = arith.constant 0 : i32
      %dma_start3A_80 = tpu.memref_slice %arg14[%add3A_18, %dma_start3A] : memref<10240x64xf32, #tpu.memory_space<vmem_shared>> -> memref<128x64xf32, #tpu.memory_space<vmem_shared>>
      %dma_start3A_81 = arith.constant 0 : i32
      %dma_start3A_82 = tpu.memref_slice %arg14[%add3A_18, %dma_start3A_81] : memref<10240x64xf32, #tpu.memory_space<vmem_shared>> -> memref<128x64xf32, #tpu.memory_space<vmem_shared>>
      tpu.enqueue_dma source(%arg13 : memref<128x64xf32, #tpu.memory_space<vmem>>) target(%dma_start3A_82 : memref<128x64xf32, #tpu.memory_space<vmem_shared>>) target_semaphore(%run_scoped3A : memref<!tpu.dma_semaphore, #tpu.memory_space<semaphore_mem>>)
      %dma_wait3A = arith.constant 0 : i32
      %dma_wait3A_83 = tpu.memref_slice %arg14[%add3A_18, %dma_wait3A] : memref<10240x64xf32, #tpu.memory_space<vmem_shared>> -> memref<128x64xf32, #tpu.memory_space<vmem_shared>>
      %dma_wait3A_84 = arith.constant 0 : i32
      %dma_wait3A_85 = tpu.memref_slice %arg14[%add3A_18, %dma_wait3A_84] : memref<10240x64xf32, #tpu.memory_space<vmem_shared>> -> memref<128x64xf32, #tpu.memory_space<vmem_shared>>
      tpu.wait_dma2 semaphore(%run_scoped3A : memref<!tpu.dma_semaphore, #tpu.memory_space<semaphore_mem>>) src(%arg13 : memref<128x64xf32, #tpu.memory_space<vmem>>) dst(%dma_wait3A_85 : memref<128x64xf32, #tpu.memory_space<vmem_shared>>)
      tpu.yield
    }) : () -> ()
    %mul3A_19 = arith.constant 640 : i32
    %mul3A_20 = arith.muli %arg1, %mul3A_19 : i32
    %add3A_21 = arith.constant 384 : i32
    %add3A_22 = arith.addi %mul3A_20, %add3A_21 : i32
    "tpu.region"() ({
      %run_scoped3A = tpu.sem_alloc : memref<!tpu.dma_semaphore, #tpu.memory_space<semaphore_mem>>
      %dma_start3A = arith.constant 0 : i32
      %dma_start3A_80 = tpu.memref_slice %arg14[%add3A_22, %dma_start3A] : memref<10240x64xf32, #tpu.memory_space<vmem_shared>> -> memref<128x64xf32, #tpu.memory_space<vmem_shared>>
      %dma_start3A_81 = arith.constant 0 : i32
      %dma_start3A_82 = tpu.memref_slice %arg14[%add3A_22, %dma_start3A_81] : memref<10240x64xf32, #tpu.memory_space<vmem_shared>> -> memref<128x64xf32, #tpu.memory_space<vmem_shared>>
      tpu.enqueue_dma source(%arg13 : memref<128x64xf32, #tpu.memory_space<vmem>>) target(%dma_start3A_82 : memref<128x64xf32, #tpu.memory_space<vmem_shared>>) target_semaphore(%run_scoped3A : memref<!tpu.dma_semaphore, #tpu.memory_space<semaphore_mem>>)
      %dma_wait3A = arith.constant 0 : i32
      %dma_wait3A_83 = tpu.memref_slice %arg14[%add3A_22, %dma_wait3A] : memref<10240x64xf32, #tpu.memory_space<vmem_shared>> -> memref<128x64xf32, #tpu.memory_space<vmem_shared>>
      %dma_wait3A_84 = arith.constant 0 : i32
      %dma_wait3A_85 = tpu.memref_slice %arg14[%add3A_22, %dma_wait3A_84] : memref<10240x64xf32, #tpu.memory_space<vmem_shared>> -> memref<128x64xf32, #tpu.memory_space<vmem_shared>>
      tpu.wait_dma2 semaphore(%run_scoped3A : memref<!tpu.dma_semaphore, #tpu.memory_space<semaphore_mem>>) src(%arg13 : memref<128x64xf32, #tpu.memory_space<vmem>>) dst(%dma_wait3A_85 : memref<128x64xf32, #tpu.memory_space<vmem_shared>>)
      tpu.yield
    }) : () -> ()
    %mul3A_23 = arith.constant 640 : i32
    %mul3A_24 = arith.muli %arg1, %mul3A_23 : i32
    %add3A_25 = arith.constant 512 : i32
    %add3A_26 = arith.addi %mul3A_24, %add3A_25 : i32
    "tpu.region"() ({
      %run_scoped3A = tpu.sem_alloc : memref<!tpu.dma_semaphore, #tpu.memory_space<semaphore_mem>>
      %dma_start3A = arith.constant 0 : i32
      %dma_start3A_80 = tpu.memref_slice %arg14[%add3A_26, %dma_start3A] : memref<10240x64xf32, #tpu.memory_space<vmem_shared>> -> memref<128x64xf32, #tpu.memory_space<vmem_shared>>
      %dma_start3A_81 = arith.constant 0 : i32
      %dma_start3A_82 = tpu.memref_slice %arg14[%add3A_26, %dma_start3A_81] : memref<10240x64xf32, #tpu.memory_space<vmem_shared>> -> memref<128x64xf32, #tpu.memory_space<vmem_shared>>
      tpu.enqueue_dma source(%arg13 : memref<128x64xf32, #tpu.memory_space<vmem>>) target(%dma_start3A_82 : memref<128x64xf32, #tpu.memory_space<vmem_shared>>) target_semaphore(%run_scoped3A : memref<!tpu.dma_semaphore, #tpu.memory_space<semaphore_mem>>)
      %dma_wait3A = arith.constant 0 : i32
      %dma_wait3A_83 = tpu.memref_slice %arg14[%add3A_26, %dma_wait3A] : memref<10240x64xf32, #tpu.memory_space<vmem_shared>> -> memref<128x64xf32, #tpu.memory_space<vmem_shared>>
      %dma_wait3A_84 = arith.constant 0 : i32
      %dma_wait3A_85 = tpu.memref_slice %arg14[%add3A_26, %dma_wait3A_84] : memref<10240x64xf32, #tpu.memory_space<vmem_shared>> -> memref<128x64xf32, #tpu.memory_space<vmem_shared>>
      tpu.wait_dma2 semaphore(%run_scoped3A : memref<!tpu.dma_semaphore, #tpu.memory_space<semaphore_mem>>) src(%arg13 : memref<128x64xf32, #tpu.memory_space<vmem>>) dst(%dma_wait3A_85 : memref<128x64xf32, #tpu.memory_space<vmem_shared>>)
      tpu.yield
    }) : () -> ()
    %barrier3A = arith.constant 0 : index
    tpu.barrier barrier_id(%barrier3A)
    %mul3A_27 = arith.constant 10144 : i32
    %mul3A_28 = arith.muli %add3A, %mul3A_27 : i32
    "tpu.region"() ({
      %run_scoped3A = tpu.sem_alloc : memref<!tpu.dma_semaphore, #tpu.memory_space<semaphore_mem>>
      %dma_start3A = tpu.memref_slice %arg3[%mul3A_28] : memref<324608xi32, #tpu.memory_space<hbm>> -> memref<10144xi32, #tpu.memory_space<hbm>>
      %dma_start3A_80 = tpu.memref_slice %arg3[%mul3A_28] : memref<324608xi32, #tpu.memory_space<hbm>> -> memref<10144xi32, #tpu.memory_space<hbm>>
      tpu.enqueue_dma source(%dma_start3A_80 : memref<10144xi32, #tpu.memory_space<hbm>>) target(%arg8 : memref<10144xi32, #tpu.memory_space<vmem>>) target_semaphore(%run_scoped3A : memref<!tpu.dma_semaphore, #tpu.memory_space<semaphore_mem>>)
      %dma_wait3A = tpu.memref_slice %arg3[%mul3A_28] : memref<324608xi32, #tpu.memory_space<hbm>> -> memref<10144xi32, #tpu.memory_space<hbm>>
      %dma_wait3A_81 = tpu.memref_slice %arg3[%mul3A_28] : memref<324608xi32, #tpu.memory_space<hbm>> -> memref<10144xi32, #tpu.memory_space<hbm>>
      tpu.wait_dma2 semaphore(%run_scoped3A : memref<!tpu.dma_semaphore, #tpu.memory_space<semaphore_mem>>) src(%dma_wait3A_81 : memref<10144xi32, #tpu.memory_space<hbm>>) dst(%arg8 : memref<10144xi32, #tpu.memory_space<vmem>>)
      tpu.yield
    }) : () -> ()
    %mul3A_29 = arith.constant 10144 : i32
    %mul3A_30 = arith.muli %add3A, %mul3A_29 : i32
    "tpu.region"() ({
      %run_scoped3A = tpu.sem_alloc : memref<!tpu.dma_semaphore, #tpu.memory_space<semaphore_mem>>
      %dma_start3A = tpu.memref_slice %arg4[%mul3A_30] : memref<324608xi32, #tpu.memory_space<hbm>> -> memref<10144xi32, #tpu.memory_space<hbm>>
      %dma_start3A_80 = tpu.memref_slice %arg4[%mul3A_30] : memref<324608xi32, #tpu.memory_space<hbm>> -> memref<10144xi32, #tpu.memory_space<hbm>>
      tpu.enqueue_dma source(%dma_start3A_80 : memref<10144xi32, #tpu.memory_space<hbm>>) target(%arg9 : memref<10144xi32, #tpu.memory_space<vmem>>) target_semaphore(%run_scoped3A : memref<!tpu.dma_semaphore, #tpu.memory_space<semaphore_mem>>)
      %dma_wait3A = tpu.memref_slice %arg4[%mul3A_30] : memref<324608xi32, #tpu.memory_space<hbm>> -> memref<10144xi32, #tpu.memory_space<hbm>>
      %dma_wait3A_81 = tpu.memref_slice %arg4[%mul3A_30] : memref<324608xi32, #tpu.memory_space<hbm>> -> memref<10144xi32, #tpu.memory_space<hbm>>
      tpu.wait_dma2 semaphore(%run_scoped3A : memref<!tpu.dma_semaphore, #tpu.memory_space<semaphore_mem>>) src(%dma_wait3A_81 : memref<10144xi32, #tpu.memory_space<hbm>>) dst(%arg9 : memref<10144xi32, #tpu.memory_space<vmem>>)
      tpu.yield
    }) : () -> ()
    %mul3A_31 = arith.constant 16 : i32
    %mul3A_32 = arith.muli %add3A, %mul3A_31 : i32
    "tpu.region"() ({
      %run_scoped3A = tpu.sem_alloc : memref<!tpu.dma_semaphore, #tpu.memory_space<semaphore_mem>>
      %dma_start3A = tpu.memref_slice %arg5[%mul3A_32] : memref<512xi32, #tpu.memory_space<hbm>> -> memref<16xi32, #tpu.memory_space<hbm>>
      %dma_start3A_80 = tpu.memref_slice %arg5[%mul3A_32] : memref<512xi32, #tpu.memory_space<hbm>> -> memref<16xi32, #tpu.memory_space<hbm>>
      tpu.enqueue_dma source(%dma_start3A_80 : memref<16xi32, #tpu.memory_space<hbm>>) target(%arg11 : memref<16xi32, #tpu.memory_space<vmem>>) target_semaphore(%run_scoped3A : memref<!tpu.dma_semaphore, #tpu.memory_space<semaphore_mem>>)
      %dma_wait3A = tpu.memref_slice %arg5[%mul3A_32] : memref<512xi32, #tpu.memory_space<hbm>> -> memref<16xi32, #tpu.memory_space<hbm>>
      %dma_wait3A_81 = tpu.memref_slice %arg5[%mul3A_32] : memref<512xi32, #tpu.memory_space<hbm>> -> memref<16xi32, #tpu.memory_space<hbm>>
      tpu.wait_dma2 semaphore(%run_scoped3A : memref<!tpu.dma_semaphore, #tpu.memory_space<semaphore_mem>>) src(%dma_wait3A_81 : memref<16xi32, #tpu.memory_space<hbm>>) dst(%arg11 : memref<16xi32, #tpu.memory_space<vmem>>)
      tpu.yield
    }) : () -> ()
    %get3A = arith.constant 0 : index
    %get3A_33 = tpu.vector_load %arg11[%get3A] {strides = array<i32>} : memref<16xi32, #tpu.memory_space<vmem>>, vector<16xi32>,
    %reduce_max3A = arith.constant true
    %reduce_max3A_34 = vector.broadcast %reduce_max3A : i1 to vector<16xi1>
    %reduce_max3A_35 = arith.constant -2147483648 : i32
    %reduce_max3A_36 = vector.broadcast %reduce_max3A_35 : i32 to vector<16xi32>
    %reduce_max3A_37 = arith.xori %get3A_33, %reduce_max3A_36 : vector<16xi32>
    %reduce_max3A_38 = tpu.scan <max>, %reduce_max3A_37 masked %reduce_max3A_34 : vector<16xi32>, vector<16xi1> -> vector<16xi32>
    %reduce_max3A_39 = arith.xori %reduce_max3A_38, %reduce_max3A_36 : vector<16xi32>
    %reduce_max3A_40 = vector.extract %reduce_max3A_39[15] : i32 from vector<16xi32>
    %add3A_41 = arith.constant 128 : i32
    %add3A_42 = arith.addi %reduce_max3A_40, %add3A_41 : i32
    %sub3A = arith.constant 1 : i32
    %sub3A_43 = arith.subi %add3A_42, %sub3A : i32
    %jit3A = arith.constant 128 : i32
    %div3A = arith.divsi %sub3A_43, %jit3A : i32
    %sign3A = arith.constant 0 : i32
    %sign3A_44 = arith.cmpi sgt, %sub3A_43, %sign3A : i32
    %sign3A_45 = arith.extui %sign3A_44 : i1 to i32
    %sign3A_46 = arith.constant 0 : i32
    %sign3A_47 = arith.cmpi slt, %sub3A_43, %sign3A_46 : i32
    %sign3A_48 = arith.extui %sign3A_47 : i1 to i32
    %sign3A_49 = arith.subi %sign3A_45, %sign3A_48 : i32
    %sign3A_50 = arith.constant 0 : i32
    %sign3A_51 = arith.cmpi sgt, %jit3A, %sign3A_50 : i32
    %sign3A_52 = arith.extui %sign3A_51 : i1 to i32
    %sign3A_53 = arith.constant 0 : i32
    %sign3A_54 = arith.cmpi slt, %jit3A, %sign3A_53 : i32
    %sign3A_55 = arith.extui %sign3A_54 : i1 to i32
    %sign3A_56 = arith.subi %sign3A_52, %sign3A_55 : i32
    %ne3A = arith.cmpi ne, %sign3A_49, %sign3A_56 : i32
    %rem3A = arith.remsi %sub3A_43, %jit3A : i32
    %ne3A_57 = arith.constant 0 : i32
    %ne3A_58 = arith.cmpi ne, %rem3A, %ne3A_57 : i32
    %and3A = arith.andi %ne3A, %ne3A_58 : i1
    %sub3A_59 = arith.constant 1 : i32
    %sub3A_60 = arith.subi %div3A, %sub3A_59 : i32
    %select_n3A = arith.select %and3A, %sub3A_60, %div3A : i32
    %while3A = arith.constant 0 : i32
    %while3A_61 = arith.constant 0 : i32
    %while3A_62 = arith.subi %select_n3A, %while3A_61 : i32
    %while3A_63 = arith.addi %while3A_61, %while3A_62 : i32
    %while3A_64 = arith.constant 1 : i32
    %while3A_65 = arith.divsi %while3A_62, %while3A_64 : i32
    %while3A_66 = arith.muli %while3A_65, %while3A_64 : i32
    %while3A_67 = arith.addi %while3A_61, %while3A_66 : i32
    %while3A_68 = arith.constant 1 : i32
    scf.for %while3A_80 = %while3A_61 to %while3A_67 step %while3A_68  : i32 {
      %mul3A_81 = arith.constant 128 : i32
      %mul3A_82 = arith.muli %while3A_80, %mul3A_81 : i32
      %dma_start3A = tpu.memref_slice %arg8[%mul3A_82] : memref<10144xi32, #tpu.memory_space<vmem>> -> memref<128xi32, #tpu.memory_space<vmem>>
      %dma_start3A_83 = arith.constant 0 : i32
      %dma_start3A_84 = arith.constant 0 : i32
      %dma_start3A_85 = tpu.memref_slice %arg2[%dma_start3A_83, %dma_start3A_84] : memref<10240x64xf32, #tpu.memory_space<hbm>> -> memref<10240x64xf32, #tpu.memory_space<hbm>>
      tpu.enqueue_indirect_dma source(%dma_start3A_85 : memref<10240x64xf32, #tpu.memory_space<hbm>>) target(%arg12 : memref<128x64xf32, #tpu.memory_space<vmem>>) offsets(%dma_start3A : memref<128xi32, #tpu.memory_space<vmem>>) semaphore(%arg15 : memref<!tpu.dma_semaphore, #tpu.memory_space<semaphore_mem>>)
      %dma_wait3A = tpu.memref_slice %arg8[%mul3A_82] : memref<10144xi32, #tpu.memory_space<vmem>> -> memref<128xi32, #tpu.memory_space<vmem>>
      %dma_wait3A_86 = arith.constant 0 : i32
      %dma_wait3A_87 = arith.constant 0 : i32
      %dma_wait3A_88 = tpu.memref_slice %arg2[%dma_wait3A_86, %dma_wait3A_87] : memref<10240x64xf32, #tpu.memory_space<hbm>> -> memref<10240x64xf32, #tpu.memory_space<hbm>>
      tpu.wait_indirect_dma semaphore(%arg15 : memref<!tpu.dma_semaphore, #tpu.memory_space<semaphore_mem>>) src(%dma_wait3A_88 : memref<10240x64xf32, #tpu.memory_space<hbm>>) dst(%arg12 : memref<128x64xf32, #tpu.memory_space<vmem>>)
      %mul3A_89 = arith.constant 128 : i32
      %mul3A_90 = arith.muli %while3A_80, %mul3A_89 : i32
      %add3A_91 = arith.constant 0 : i32
      %add3A_92 = arith.addi %mul3A_90, %add3A_91 : i32
      %get3A_93 = arith.index_cast %add3A_92 : i32 to index
      %get3A_94 = tpu.vector_load %arg9[%get3A_93] {strides = array<i32>} : memref<10144xi32, #tpu.memory_space<vmem>>, vector<16xi32>,
      %swap3A = arith.constant 0 : i32
      %swap3A_95 = arith.index_cast %swap3A : i32 to index
      %swap3A_96 = arith.constant 0 : index
      %swap3A_97 = tpu.vector_load %arg10[%swap3A_95, %swap3A_96] {strides = array<i32>} : memref<1x128xi32, #tpu.memory_space<vmem>>, vector<16xi32>,
      tpu.vector_store %arg10[%swap3A_95, %swap3A_96], %get3A_94 {strides = array<i32>} : memref<1x128xi32, #tpu.memory_space<vmem>>, vector<16xi32>,
      %mul3A_98 = arith.constant 128 : i32
      %mul3A_99 = arith.muli %while3A_80, %mul3A_98 : i32
      %add3A_100 = arith.constant 16 : i32
      %add3A_101 = arith.addi %mul3A_99, %add3A_100 : i32
      %get3A_102 = arith.index_cast %add3A_101 : i32 to index
      %get3A_103 = tpu.vector_load %arg9[%get3A_102] {strides = array<i32>} : memref<10144xi32, #tpu.memory_space<vmem>>, vector<16xi32>,
      %swap3A_104 = arith.constant 0 : i32
      %swap3A_105 = arith.index_cast %swap3A_104 : i32 to index
      %swap3A_106 = arith.constant 16 : index
      %swap3A_107 = tpu.vector_load %arg10[%swap3A_105, %swap3A_106] {strides = array<i32>} : memref<1x128xi32, #tpu.memory_space<vmem>>, vector<16xi32>,
      tpu.vector_store %arg10[%swap3A_105, %swap3A_106], %get3A_103 {strides = array<i32>} : memref<1x128xi32, #tpu.memory_space<vmem>>, vector<16xi32>,
      %mul3A_108 = arith.constant 128 : i32
      %mul3A_109 = arith.muli %while3A_80, %mul3A_108 : i32
      %add3A_110 = arith.constant 32 : i32
      %add3A_111 = arith.addi %mul3A_109, %add3A_110 : i32
      %get3A_112 = arith.index_cast %add3A_111 : i32 to index
      %get3A_113 = tpu.vector_load %arg9[%get3A_112] {strides = array<i32>} : memref<10144xi32, #tpu.memory_space<vmem>>, vector<16xi32>,
      %swap3A_114 = arith.constant 0 : i32
      %swap3A_115 = arith.index_cast %swap3A_114 : i32 to index
      %swap3A_116 = arith.constant 32 : index
      %swap3A_117 = tpu.vector_load %arg10[%swap3A_115, %swap3A_116] {strides = array<i32>} : memref<1x128xi32, #tpu.memory_space<vmem>>, vector<16xi32>,
      tpu.vector_store %arg10[%swap3A_115, %swap3A_116], %get3A_113 {strides = array<i32>} : memref<1x128xi32, #tpu.memory_space<vmem>>, vector<16xi32>,
      %mul3A_118 = arith.constant 128 : i32
      %mul3A_119 = arith.muli %while3A_80, %mul3A_118 : i32
      %add3A_120 = arith.constant 48 : i32
      %add3A_121 = arith.addi %mul3A_119, %add3A_120 : i32
      %get3A_122 = arith.index_cast %add3A_121 : i32 to index
      %get3A_123 = tpu.vector_load %arg9[%get3A_122] {strides = array<i32>} : memref<10144xi32, #tpu.memory_space<vmem>>, vector<16xi32>,
      %swap3A_124 = arith.constant 0 : i32
      %swap3A_125 = arith.index_cast %swap3A_124 : i32 to index
      %swap3A_126 = arith.constant 48 : index
      %swap3A_127 = tpu.vector_load %arg10[%swap3A_125, %swap3A_126] {strides = array<i32>} : memref<1x128xi32, #tpu.memory_space<vmem>>, vector<16xi32>,
      tpu.vector_store %arg10[%swap3A_125, %swap3A_126], %get3A_123 {strides = array<i32>} : memref<1x128xi32, #tpu.memory_space<vmem>>, vector<16xi32>,
      %mul3A_128 = arith.constant 128 : i32
      %mul3A_129 = arith.muli %while3A_80, %mul3A_128 : i32
      %add3A_130 = arith.constant 64 : i32
      %add3A_131 = arith.addi %mul3A_129, %add3A_130 : i32
      %get3A_132 = arith.index_cast %add3A_131 : i32 to index
      %get3A_133 = tpu.vector_load %arg9[%get3A_132] {strides = array<i32>} : memref<10144xi32, #tpu.memory_space<vmem>>, vector<16xi32>,
      %swap3A_134 = arith.constant 0 : i32
      %swap3A_135 = arith.index_cast %swap3A_134 : i32 to index
      %swap3A_136 = arith.constant 64 : index
      %swap3A_137 = tpu.vector_load %arg10[%swap3A_135, %swap3A_136] {strides = array<i32>} : memref<1x128xi32, #tpu.memory_space<vmem>>, vector<16xi32>,
      tpu.vector_store %arg10[%swap3A_135, %swap3A_136], %get3A_133 {strides = array<i32>} : memref<1x128xi32, #tpu.memory_space<vmem>>, vector<16xi32>,
      %mul3A_138 = arith.constant 128 : i32
      %mul3A_139 = arith.muli %while3A_80, %mul3A_138 : i32
      %add3A_140 = arith.constant 80 : i32
      %add3A_141 = arith.addi %mul3A_139, %add3A_140 : i32
      %get3A_142 = arith.index_cast %add3A_141 : i32 to index
      %get3A_143 = tpu.vector_load %arg9[%get3A_142] {strides = array<i32>} : memref<10144xi32, #tpu.memory_space<vmem>>, vector<16xi32>,
      %swap3A_144 = arith.constant 0 : i32
      %swap3A_145 = arith.index_cast %swap3A_144 : i32 to index
      %swap3A_146 = arith.constant 80 : index
      %swap3A_147 = tpu.vector_load %arg10[%swap3A_145, %swap3A_146] {strides = array<i32>} : memref<1x128xi32, #tpu.memory_space<vmem>>, vector<16xi32>,
      tpu.vector_store %arg10[%swap3A_145, %swap3A_146], %get3A_143 {strides = array<i32>} : memref<1x128xi32, #tpu.memory_space<vmem>>, vector<16xi32>,
      %mul3A_148 = arith.constant 128 : i32
      %mul3A_149 = arith.muli %while3A_80, %mul3A_148 : i32
      %add3A_150 = arith.constant 96 : i32
      %add3A_151 = arith.addi %mul3A_149, %add3A_150 : i32
      %get3A_152 = arith.index_cast %add3A_151 : i32 to index
      %get3A_153 = tpu.vector_load %arg9[%get3A_152] {strides = array<i32>} : memref<10144xi32, #tpu.memory_space<vmem>>, vector<16xi32>,
      %swap3A_154 = arith.constant 0 : i32
      %swap3A_155 = arith.index_cast %swap3A_154 : i32 to index
      %swap3A_156 = arith.constant 96 : index
      %swap3A_157 = tpu.vector_load %arg10[%swap3A_155, %swap3A_156] {strides = array<i32>} : memref<1x128xi32, #tpu.memory_space<vmem>>, vector<16xi32>,
      tpu.vector_store %arg10[%swap3A_155, %swap3A_156], %get3A_153 {strides = array<i32>} : memref<1x128xi32, #tpu.memory_space<vmem>>, vector<16xi32>,
      %mul3A_158 = arith.constant 128 : i32
      %mul3A_159 = arith.muli %while3A_80, %mul3A_158 : i32
      %add3A_160 = arith.constant 112 : i32
      %add3A_161 = arith.addi %mul3A_159, %add3A_160 : i32
      %get3A_162 = arith.index_cast %add3A_161 : i32 to index
      %get3A_163 = tpu.vector_load %arg9[%get3A_162] {strides = array<i32>} : memref<10144xi32, #tpu.memory_space<vmem>>, vector<16xi32>,
      %swap3A_164 = arith.constant 0 : i32
      %swap3A_165 = arith.index_cast %swap3A_164 : i32 to index
      %swap3A_166 = arith.constant 112 : index
      %swap3A_167 = tpu.vector_load %arg10[%swap3A_165, %swap3A_166] {strides = array<i32>} : memref<1x128xi32, #tpu.memory_space<vmem>>, vector<16xi32>,
      tpu.vector_store %arg10[%swap3A_165, %swap3A_166], %get3A_163 {strides = array<i32>} : memref<1x128xi32, #tpu.memory_space<vmem>>, vector<16xi32>,
      %run_scoped3A = arith.constant 0 : i32
      "tpu.region"() ({
        %run_scoped3A_168 = tpu.sem_alloc : memref<!tpu.dma_semaphore, #tpu.memory_space<semaphore_mem>>
        %dma_start3A_169 = arith.constant 0 : i32
        %dma_start3A_170 = tpu.memref_slice %arg10[%run_scoped3A, %dma_start3A_169] : memref<1x128xi32, #tpu.memory_space<vmem>> -> memref<1x128xi32, #tpu.memory_space<vmem>>
        %dma_start3A_171 = tpu.memref_squeeze %dma_start3A_170 : memref<1x128xi32, #tpu.memory_space<vmem>> -> memref<128xi32, #tpu.memory_space<vmem>>
        %dma_start3A_172 = arith.constant 0 : i32
        %dma_start3A_173 = arith.constant 0 : i32
        %dma_start3A_174 = tpu.memref_slice %arg14[%dma_start3A_172, %dma_start3A_173] : memref<10240x64xf32, #tpu.memory_space<vmem_shared>> -> memref<10240x64xf32, #tpu.memory_space<vmem_shared>>
        tpu.enqueue_indirect_dma source(%arg12 : memref<128x64xf32, #tpu.memory_space<vmem>>) target(%dma_start3A_174 : memref<10240x64xf32, #tpu.memory_space<vmem_shared>>) offsets(%dma_start3A_171 : memref<128xi32, #tpu.memory_space<vmem>>) semaphore(%run_scoped3A_168 : memref<!tpu.dma_semaphore, #tpu.memory_space<semaphore_mem>>) {add = true}
        %dma_wait3A_175 = arith.constant 0 : i32
        %dma_wait3A_176 = tpu.memref_slice %arg10[%run_scoped3A, %dma_wait3A_175] : memref<1x128xi32, #tpu.memory_space<vmem>> -> memref<1x128xi32, #tpu.memory_space<vmem>>
        %dma_wait3A_177 = tpu.memref_squeeze %dma_wait3A_176 : memref<1x128xi32, #tpu.memory_space<vmem>> -> memref<128xi32, #tpu.memory_space<vmem>>
        %dma_wait3A_178 = arith.constant 0 : i32
        %dma_wait3A_179 = arith.constant 0 : i32
        %dma_wait3A_180 = tpu.memref_slice %arg14[%dma_wait3A_178, %dma_wait3A_179] : memref<10240x64xf32, #tpu.memory_space<vmem_shared>> -> memref<10240x64xf32, #tpu.memory_space<vmem_shared>>
        tpu.wait_indirect_dma semaphore(%run_scoped3A_168 : memref<!tpu.dma_semaphore, #tpu.memory_space<semaphore_mem>>) src(%arg12 : memref<128x64xf32, #tpu.memory_space<vmem>>) dst(%dma_wait3A_180 : memref<10240x64xf32, #tpu.memory_space<vmem_shared>>)
        tpu.yield
      }) : () -> ()
    }
    %while3A_69 = arith.constant 1 : i32
    scf.for %while3A_80 = %while3A_67 to %while3A_63 step %while3A_69  : i32 {
      %mul3A_81 = arith.constant 128 : i32
      %mul3A_82 = arith.muli %while3A_80, %mul3A_81 : i32
      %dma_start3A = tpu.memref_slice %arg8[%mul3A_82] : memref<10144xi32, #tpu.memory_space<vmem>> -> memref<128xi32, #tpu.memory_space<vmem>>
      %dma_start3A_83 = arith.constant 0 : i32
      %dma_start3A_84 = arith.constant 0 : i32
      %dma_start3A_85 = tpu.memref_slice %arg2[%dma_start3A_83, %dma_start3A_84] : memref<10240x64xf32, #tpu.memory_space<hbm>> -> memref<10240x64xf32, #tpu.memory_space<hbm>>
      tpu.enqueue_indirect_dma source(%dma_start3A_85 : memref<10240x64xf32, #tpu.memory_space<hbm>>) target(%arg12 : memref<128x64xf32, #tpu.memory_space<vmem>>) offsets(%dma_start3A : memref<128xi32, #tpu.memory_space<vmem>>) semaphore(%arg15 : memref<!tpu.dma_semaphore, #tpu.memory_space<semaphore_mem>>)
      %dma_wait3A = tpu.memref_slice %arg8[%mul3A_82] : memref<10144xi32, #tpu.memory_space<vmem>> -> memref<128xi32, #tpu.memory_space<vmem>>
      %dma_wait3A_86 = arith.constant 0 : i32
      %dma_wait3A_87 = arith.constant 0 : i32
      %dma_wait3A_88 = tpu.memref_slice %arg2[%dma_wait3A_86, %dma_wait3A_87] : memref<10240x64xf32, #tpu.memory_space<hbm>> -> memref<10240x64xf32, #tpu.memory_space<hbm>>
      tpu.wait_indirect_dma semaphore(%arg15 : memref<!tpu.dma_semaphore, #tpu.memory_space<semaphore_mem>>) src(%dma_wait3A_88 : memref<10240x64xf32, #tpu.memory_space<hbm>>) dst(%arg12 : memref<128x64xf32, #tpu.memory_space<vmem>>)
      %mul3A_89 = arith.constant 128 : i32
      %mul3A_90 = arith.muli %while3A_80, %mul3A_89 : i32
      %add3A_91 = arith.constant 0 : i32
      %add3A_92 = arith.addi %mul3A_90, %add3A_91 : i32
      %get3A_93 = arith.index_cast %add3A_92 : i32 to index
      %get3A_94 = tpu.vector_load %arg9[%get3A_93] {strides = array<i32>} : memref<10144xi32, #tpu.memory_space<vmem>>, vector<16xi32>,
      %swap3A = arith.constant 0 : i32
      %swap3A_95 = arith.index_cast %swap3A : i32 to index
      %swap3A_96 = arith.constant 0 : index
      %swap3A_97 = tpu.vector_load %arg10[%swap3A_95, %swap3A_96] {strides = array<i32>} : memref<1x128xi32, #tpu.memory_space<vmem>>, vector<16xi32>,
      tpu.vector_store %arg10[%swap3A_95, %swap3A_96], %get3A_94 {strides = array<i32>} : memref<1x128xi32, #tpu.memory_space<vmem>>, vector<16xi32>,
      %mul3A_98 = arith.constant 128 : i32
      %mul3A_99 = arith.muli %while3A_80, %mul3A_98 : i32
      %add3A_100 = arith.constant 16 : i32
      %add3A_101 = arith.addi %mul3A_99, %add3A_100 : i32
      %get3A_102 = arith.index_cast %add3A_101 : i32 to index
      %get3A_103 = tpu.vector_load %arg9[%get3A_102] {strides = array<i32>} : memref<10144xi32, #tpu.memory_space<vmem>>, vector<16xi32>,
      %swap3A_104 = arith.constant 0 : i32
      %swap3A_105 = arith.index_cast %swap3A_104 : i32 to index
      %swap3A_106 = arith.constant 16 : index
      %swap3A_107 = tpu.vector_load %arg10[%swap3A_105, %swap3A_106] {strides = array<i32>} : memref<1x128xi32, #tpu.memory_space<vmem>>, vector<16xi32>,
      tpu.vector_store %arg10[%swap3A_105, %swap3A_106], %get3A_103 {strides = array<i32>} : memref<1x128xi32, #tpu.memory_space<vmem>>, vector<16xi32>,
      %mul3A_108 = arith.constant 128 : i32
      %mul3A_109 = arith.muli %while3A_80, %mul3A_108 : i32
      %add3A_110 = arith.constant 32 : i32
      %add3A_111 = arith.addi %mul3A_109, %add3A_110 : i32
      %get3A_112 = arith.index_cast %add3A_111 : i32 to index
      %get3A_113 = tpu.vector_load %arg9[%get3A_112] {strides = array<i32>} : memref<10144xi32, #tpu.memory_space<vmem>>, vector<16xi32>,
      %swap3A_114 = arith.constant 0 : i32
      %swap3A_115 = arith.index_cast %swap3A_114 : i32 to index
      %swap3A_116 = arith.constant 32 : index
      %swap3A_117 = tpu.vector_load %arg10[%swap3A_115, %swap3A_116] {strides = array<i32>} : memref<1x128xi32, #tpu.memory_space<vmem>>, vector<16xi32>,
      tpu.vector_store %arg10[%swap3A_115, %swap3A_116], %get3A_113 {strides = array<i32>} : memref<1x128xi32, #tpu.memory_space<vmem>>, vector<16xi32>,
      %mul3A_118 = arith.constant 128 : i32
      %mul3A_119 = arith.muli %while3A_80, %mul3A_118 : i32
      %add3A_120 = arith.constant 48 : i32
      %add3A_121 = arith.addi %mul3A_119, %add3A_120 : i32
      %get3A_122 = arith.index_cast %add3A_121 : i32 to index
      %get3A_123 = tpu.vector_load %arg9[%get3A_122] {strides = array<i32>} : memref<10144xi32, #tpu.memory_space<vmem>>, vector<16xi32>,
      %swap3A_124 = arith.constant 0 : i32
      %swap3A_125 = arith.index_cast %swap3A_124 : i32 to index
      %swap3A_126 = arith.constant 48 : index
      %swap3A_127 = tpu.vector_load %arg10[%swap3A_125, %swap3A_126] {strides = array<i32>} : memref<1x128xi32, #tpu.memory_space<vmem>>, vector<16xi32>,
      tpu.vector_store %arg10[%swap3A_125, %swap3A_126], %get3A_123 {strides = array<i32>} : memref<1x128xi32, #tpu.memory_space<vmem>>, vector<16xi32>,
      %mul3A_128 = arith.constant 128 : i32
      %mul3A_129 = arith.muli %while3A_80, %mul3A_128 : i32
      %add3A_130 = arith.constant 64 : i32
      %add3A_131 = arith.addi %mul3A_129, %add3A_130 : i32
      %get3A_132 = arith.index_cast %add3A_131 : i32 to index
      %get3A_133 = tpu.vector_load %arg9[%get3A_132] {strides = array<i32>} : memref<10144xi32, #tpu.memory_space<vmem>>, vector<16xi32>,
      %swap3A_134 = arith.constant 0 : i32
      %swap3A_135 = arith.index_cast %swap3A_134 : i32 to index
      %swap3A_136 = arith.constant 64 : index
      %swap3A_137 = tpu.vector_load %arg10[%swap3A_135, %swap3A_136] {strides = array<i32>} : memref<1x128xi32, #tpu.memory_space<vmem>>, vector<16xi32>,
      tpu.vector_store %arg10[%swap3A_135, %swap3A_136], %get3A_133 {strides = array<i32>} : memref<1x128xi32, #tpu.memory_space<vmem>>, vector<16xi32>,
      %mul3A_138 = arith.constant 128 : i32
      %mul3A_139 = arith.muli %while3A_80, %mul3A_138 : i32
      %add3A_140 = arith.constant 80 : i32
      %add3A_141 = arith.addi %mul3A_139, %add3A_140 : i32
      %get3A_142 = arith.index_cast %add3A_141 : i32 to index
      %get3A_143 = tpu.vector_load %arg9[%get3A_142] {strides = array<i32>} : memref<10144xi32, #tpu.memory_space<vmem>>, vector<16xi32>,
      %swap3A_144 = arith.constant 0 : i32
      %swap3A_145 = arith.index_cast %swap3A_144 : i32 to index
      %swap3A_146 = arith.constant 80 : index
      %swap3A_147 = tpu.vector_load %arg10[%swap3A_145, %swap3A_146] {strides = array<i32>} : memref<1x128xi32, #tpu.memory_space<vmem>>, vector<16xi32>,
      tpu.vector_store %arg10[%swap3A_145, %swap3A_146], %get3A_143 {strides = array<i32>} : memref<1x128xi32, #tpu.memory_space<vmem>>, vector<16xi32>,
      %mul3A_148 = arith.constant 128 : i32
      %mul3A_149 = arith.muli %while3A_80, %mul3A_148 : i32
      %add3A_150 = arith.constant 96 : i32
      %add3A_151 = arith.addi %mul3A_149, %add3A_150 : i32
      %get3A_152 = arith.index_cast %add3A_151 : i32 to index
      %get3A_153 = tpu.vector_load %arg9[%get3A_152] {strides = array<i32>} : memref<10144xi32, #tpu.memory_space<vmem>>, vector<16xi32>,
      %swap3A_154 = arith.constant 0 : i32
      %swap3A_155 = arith.index_cast %swap3A_154 : i32 to index
      %swap3A_156 = arith.constant 96 : index
      %swap3A_157 = tpu.vector_load %arg10[%swap3A_155, %swap3A_156] {strides = array<i32>} : memref<1x128xi32, #tpu.memory_space<vmem>>, vector<16xi32>,
      tpu.vector_store %arg10[%swap3A_155, %swap3A_156], %get3A_153 {strides = array<i32>} : memref<1x128xi32, #tpu.memory_space<vmem>>, vector<16xi32>,
      %mul3A_158 = arith.constant 128 : i32
      %mul3A_159 = arith.muli %while3A_80, %mul3A_158 : i32
      %add3A_160 = arith.constant 112 : i32
      %add3A_161 = arith.addi %mul3A_159, %add3A_160 : i32
      %get3A_162 = arith.index_cast %add3A_161 : i32 to index
      %get3A_163 = tpu.vector_load %arg9[%get3A_162] {strides = array<i32>} : memref<10144xi32, #tpu.memory_space<vmem>>, vector<16xi32>,
      %swap3A_164 = arith.constant 0 : i32
      %swap3A_165 = arith.index_cast %swap3A_164 : i32 to index
      %swap3A_166 = arith.constant 112 : index
      %swap3A_167 = tpu.vector_load %arg10[%swap3A_165, %swap3A_166] {strides = array<i32>} : memref<1x128xi32, #tpu.memory_space<vmem>>, vector<16xi32>,
      tpu.vector_store %arg10[%swap3A_165, %swap3A_166], %get3A_163 {strides = array<i32>} : memref<1x128xi32, #tpu.memory_space<vmem>>, vector<16xi32>,
      %run_scoped3A = arith.constant 0 : i32
      "tpu.region"() ({
        %run_scoped3A_168 = tpu.sem_alloc : memref<!tpu.dma_semaphore, #tpu.memory_space<semaphore_mem>>
        %dma_start3A_169 = arith.constant 0 : i32
        %dma_start3A_170 = tpu.memref_slice %arg10[%run_scoped3A, %dma_start3A_169] : memref<1x128xi32, #tpu.memory_space<vmem>> -> memref<1x128xi32, #tpu.memory_space<vmem>>
        %dma_start3A_171 = tpu.memref_squeeze %dma_start3A_170 : memref<1x128xi32, #tpu.memory_space<vmem>> -> memref<128xi32, #tpu.memory_space<vmem>>
        %dma_start3A_172 = arith.constant 0 : i32
        %dma_start3A_173 = arith.constant 0 : i32
        %dma_start3A_174 = tpu.memref_slice %arg14[%dma_start3A_172, %dma_start3A_173] : memref<10240x64xf32, #tpu.memory_space<vmem_shared>> -> memref<10240x64xf32, #tpu.memory_space<vmem_shared>>
        tpu.enqueue_indirect_dma source(%arg12 : memref<128x64xf32, #tpu.memory_space<vmem>>) target(%dma_start3A_174 : memref<10240x64xf32, #tpu.memory_space<vmem_shared>>) offsets(%dma_start3A_171 : memref<128xi32, #tpu.memory_space<vmem>>) semaphore(%run_scoped3A_168 : memref<!tpu.dma_semaphore, #tpu.memory_space<semaphore_mem>>) {add = true}
        %dma_wait3A_175 = arith.constant 0 : i32
        %dma_wait3A_176 = tpu.memref_slice %arg10[%run_scoped3A, %dma_wait3A_175] : memref<1x128xi32, #tpu.memory_space<vmem>> -> memref<1x128xi32, #tpu.memory_space<vmem>>
        %dma_wait3A_177 = tpu.memref_squeeze %dma_wait3A_176 : memref<1x128xi32, #tpu.memory_space<vmem>> -> memref<128xi32, #tpu.memory_space<vmem>>
        %dma_wait3A_178 = arith.constant 0 : i32
        %dma_wait3A_179 = arith.constant 0 : i32
        %dma_wait3A_180 = tpu.memref_slice %arg14[%dma_wait3A_178, %dma_wait3A_179] : memref<10240x64xf32, #tpu.memory_space<vmem_shared>> -> memref<10240x64xf32, #tpu.memory_space<vmem_shared>>
        tpu.wait_indirect_dma semaphore(%run_scoped3A_168 : memref<!tpu.dma_semaphore, #tpu.memory_space<semaphore_mem>>) src(%arg12 : memref<128x64xf32, #tpu.memory_space<vmem>>) dst(%dma_wait3A_180 : memref<10240x64xf32, #tpu.memory_space<vmem_shared>>)
        tpu.yield
      }) : () -> ()
    }
    %barrier3A_70 = arith.constant 0 : index
    tpu.barrier barrier_id(%barrier3A_70)
    %mul3A_71 = arith.constant 640 : i32
    %mul3A_72 = arith.muli %arg1, %mul3A_71 : i32
    %eq3A = arith.constant 0 : i32
    %eq3A_73 = arith.cmpi eq, %arg0, %eq3A : i32
    %convert_element_type3A = arith.extui %eq3A_73 : i1 to i32
    %cond3A = arith.constant 0 : i32
    %cond3A_74 = arith.cmpi ne, %convert_element_type3A, %cond3A : i32
    scf.if %cond3A_74 {
      "tpu.region"() ({
        %run_scoped3A = tpu.sem_alloc : memref<!tpu.dma_semaphore, #tpu.memory_space<semaphore_mem>>
        %dma_start3A = arith.constant 0 : i32
        %dma_start3A_80 = tpu.memref_slice %arg6[%mul3A_72, %dma_start3A] : memref<10240x64xf32, #tpu.memory_space<hbm>> -> memref<640x64xf32, #tpu.memory_space<hbm>>
        %dma_start3A_81 = arith.constant 0 : i32
        %dma_start3A_82 = tpu.memref_slice %arg14[%mul3A_72, %dma_start3A_81] : memref<10240x64xf32, #tpu.memory_space<vmem_shared>> -> memref<640x64xf32, #tpu.memory_space<vmem_shared>>
        tpu.enqueue_dma source(%dma_start3A_82 : memref<640x64xf32, #tpu.memory_space<vmem_shared>>) target(%dma_start3A_80 : memref<640x64xf32, #tpu.memory_space<hbm>>) target_semaphore(%run_scoped3A : memref<!tpu.dma_semaphore, #tpu.memory_space<semaphore_mem>>)
        %dma_wait3A = arith.constant 0 : i32
        %dma_wait3A_83 = tpu.memref_slice %arg6[%mul3A_72, %dma_wait3A] : memref<10240x64xf32, #tpu.memory_space<hbm>> -> memref<640x64xf32, #tpu.memory_space<hbm>>
        %dma_wait3A_84 = arith.constant 0 : i32
        %dma_wait3A_85 = tpu.memref_slice %arg14[%mul3A_72, %dma_wait3A_84] : memref<10240x64xf32, #tpu.memory_space<vmem_shared>> -> memref<640x64xf32, #tpu.memory_space<vmem_shared>>
        tpu.wait_dma2 semaphore(%run_scoped3A : memref<!tpu.dma_semaphore, #tpu.memory_space<semaphore_mem>>) src(%dma_wait3A_85 : memref<640x64xf32, #tpu.memory_space<vmem_shared>>) dst(%dma_wait3A_83 : memref<640x64xf32, #tpu.memory_space<hbm>>)
        tpu.yield
      }) : () -> ()
    } else {
    }
    %eq3A_75 = arith.constant 1 : i32
    %eq3A_76 = arith.cmpi eq, %arg0, %eq3A_75 : i32
    %convert_element_type3A_77 = arith.extui %eq3A_76 : i1 to i32
    %cond3A_78 = arith.constant 0 : i32
    %cond3A_79 = arith.cmpi ne, %convert_element_type3A_77, %cond3A_78 : i32
    scf.if %cond3A_79 {
      "tpu.region"() ({
        %run_scoped3A = tpu.sem_alloc : memref<!tpu.dma_semaphore, #tpu.memory_space<semaphore_mem>>
        %dma_start3A = arith.constant 0 : i32
        %dma_start3A_80 = tpu.memref_slice %arg7[%mul3A_72, %dma_start3A] : memref<10240x64xf32, #tpu.memory_space<hbm>> -> memref<640x64xf32, #tpu.memory_space<hbm>>
        %dma_start3A_81 = arith.constant 0 : i32
        %dma_start3A_82 = tpu.memref_slice %arg14[%mul3A_72, %dma_start3A_81] : memref<10240x64xf32, #tpu.memory_space<vmem_shared>> -> memref<640x64xf32, #tpu.memory_space<vmem_shared>>
        tpu.enqueue_dma source(%dma_start3A_82 : memref<640x64xf32, #tpu.memory_space<vmem_shared>>) target(%dma_start3A_80 : memref<640x64xf32, #tpu.memory_space<hbm>>) target_semaphore(%run_scoped3A : memref<!tpu.dma_semaphore, #tpu.memory_space<semaphore_mem>>)
        %dma_wait3A = arith.constant 0 : i32
        %dma_wait3A_83 = tpu.memref_slice %arg7[%mul3A_72, %dma_wait3A] : memref<10240x64xf32, #tpu.memory_space<hbm>> -> memref<640x64xf32, #tpu.memory_space<hbm>>
        %dma_wait3A_84 = arith.constant 0 : i32
        %dma_wait3A_85 = tpu.memref_slice %arg14[%mul3A_72, %dma_wait3A_84] : memref<10240x64xf32, #tpu.memory_space<vmem_shared>> -> memref<640x64xf32, #tpu.memory_space<vmem_shared>>
        tpu.wait_dma2 semaphore(%run_scoped3A : memref<!tpu.dma_semaphore, #tpu.memory_space<semaphore_mem>>) src(%dma_wait3A_85 : memref<640x64xf32, #tpu.memory_space<vmem_shared>>) dst(%dma_wait3A_83 : memref<640x64xf32, #tpu.memory_space<hbm>>)
        tpu.yield
      }) : () -> ()
    } else {
    }
    return
  }
}

#map = affine_map<(d0, d1) -> (0, 0)>
#map1 = affine_map<(d0, d1) -> (0)>
module attributes {stable_mosaic.version = 14 : i64} {
  func.func @agg2_kernel(%arg0: i32, %arg1: i32, %arg2: memref<10240x128xf32, #tpu.memory_space<hbm>>, %arg3: memref<324608xi32, #tpu.memory_space<hbm>>, %arg4: memref<324608xi32, #tpu.memory_space<hbm>>, %arg5: memref<512xi32, #tpu.memory_space<hbm>>, %arg6: memref<48x128xf32, #tpu.memory_space<hbm>>, %arg7: memref<48x128xf32, #tpu.memory_space<hbm>>, %arg8: memref<10144xi32, #tpu.memory_space<vmem>>, %arg9: memref<10144xi32, #tpu.memory_space<vmem>>, %arg10: memref<1x128xi32, #tpu.memory_space<vmem>>, %arg11: memref<16xi32, #tpu.memory_space<vmem>>, %arg12: memref<128x128xf32, #tpu.memory_space<vmem>>, %arg13: memref<48x128xf32, #tpu.memory_space<vmem>>, %arg14: memref<48x128xf32, #tpu.memory_space<vmem_shared>>, %arg15: memref<!tpu.dma_semaphore, #tpu.memory_space<semaphore_mem>>) attributes {dimension_semantics = [#tpu.dimension_semantics<core_parallel>, #tpu.dimension_semantics<subcore_parallel>], iteration_bounds = array<i64: 2, 16>, scalar_prefetch = 0 : i64, scratch_operands = 8 : i64, tpu.core_type = #tpu.core_type<sc_vector_subcore>, window_params = [{transform_indices = #map}, {transform_indices = #map1}, {transform_indices = #map1}, {transform_indices = #map1}, {transform_indices = #map}, {transform_indices = #map}]} {
    %mul3A = arith.constant 16 : i32
    %mul3A_0 = arith.muli %arg0, %mul3A : i32
    %add3A = arith.addi %mul3A_0, %arg1 : i32
    %broadcast_in_dim3A = arith.constant 0.000000e+00 : f32
    %broadcast_in_dim3A_1 = vector.broadcast %broadcast_in_dim3A : f32 to vector<16xf32>
    %scan3A = arith.constant 0 : i32
    %scan3A_2 = arith.constant 0 : i32
    %scan3A_3 = arith.constant 48 : i32
    %scan3A_4 = arith.addi %scan3A_2, %scan3A_3 : i32
    %scan3A_5 = arith.constant 1 : i32
    scf.for %scan3A_69 = %scan3A_2 to %scan3A_4 step %scan3A_5  : i32 {
      %swap3A = arith.index_cast %scan3A_69 : i32 to index
      %swap3A_70 = arith.constant 0 : index
      %swap3A_71 = tpu.vector_load %arg13[%swap3A, %swap3A_70] {strides = array<i32>} : memref<48x128xf32, #tpu.memory_space<vmem>>, vector<16xf32>,
      tpu.vector_store %arg13[%swap3A, %swap3A_70], %broadcast_in_dim3A_1 {strides = array<i32>} : memref<48x128xf32, #tpu.memory_space<vmem>>, vector<16xf32>,
      %swap3A_72 = arith.index_cast %scan3A_69 : i32 to index
      %swap3A_73 = arith.constant 16 : index
      %swap3A_74 = tpu.vector_load %arg13[%swap3A_72, %swap3A_73] {strides = array<i32>} : memref<48x128xf32, #tpu.memory_space<vmem>>, vector<16xf32>,
      tpu.vector_store %arg13[%swap3A_72, %swap3A_73], %broadcast_in_dim3A_1 {strides = array<i32>} : memref<48x128xf32, #tpu.memory_space<vmem>>, vector<16xf32>,
      %swap3A_75 = arith.index_cast %scan3A_69 : i32 to index
      %swap3A_76 = arith.constant 32 : index
      %swap3A_77 = tpu.vector_load %arg13[%swap3A_75, %swap3A_76] {strides = array<i32>} : memref<48x128xf32, #tpu.memory_space<vmem>>, vector<16xf32>,
      tpu.vector_store %arg13[%swap3A_75, %swap3A_76], %broadcast_in_dim3A_1 {strides = array<i32>} : memref<48x128xf32, #tpu.memory_space<vmem>>, vector<16xf32>,
      %swap3A_78 = arith.index_cast %scan3A_69 : i32 to index
      %swap3A_79 = arith.constant 48 : index
      %swap3A_80 = tpu.vector_load %arg13[%swap3A_78, %swap3A_79] {strides = array<i32>} : memref<48x128xf32, #tpu.memory_space<vmem>>, vector<16xf32>,
      tpu.vector_store %arg13[%swap3A_78, %swap3A_79], %broadcast_in_dim3A_1 {strides = array<i32>} : memref<48x128xf32, #tpu.memory_space<vmem>>, vector<16xf32>,
      %swap3A_81 = arith.index_cast %scan3A_69 : i32 to index
      %swap3A_82 = arith.constant 64 : index
      %swap3A_83 = tpu.vector_load %arg13[%swap3A_81, %swap3A_82] {strides = array<i32>} : memref<48x128xf32, #tpu.memory_space<vmem>>, vector<16xf32>,
      tpu.vector_store %arg13[%swap3A_81, %swap3A_82], %broadcast_in_dim3A_1 {strides = array<i32>} : memref<48x128xf32, #tpu.memory_space<vmem>>, vector<16xf32>,
      %swap3A_84 = arith.index_cast %scan3A_69 : i32 to index
      %swap3A_85 = arith.constant 80 : index
      %swap3A_86 = tpu.vector_load %arg13[%swap3A_84, %swap3A_85] {strides = array<i32>} : memref<48x128xf32, #tpu.memory_space<vmem>>, vector<16xf32>,
      tpu.vector_store %arg13[%swap3A_84, %swap3A_85], %broadcast_in_dim3A_1 {strides = array<i32>} : memref<48x128xf32, #tpu.memory_space<vmem>>, vector<16xf32>,
      %swap3A_87 = arith.index_cast %scan3A_69 : i32 to index
      %swap3A_88 = arith.constant 96 : index
      %swap3A_89 = tpu.vector_load %arg13[%swap3A_87, %swap3A_88] {strides = array<i32>} : memref<48x128xf32, #tpu.memory_space<vmem>>, vector<16xf32>,
      tpu.vector_store %arg13[%swap3A_87, %swap3A_88], %broadcast_in_dim3A_1 {strides = array<i32>} : memref<48x128xf32, #tpu.memory_space<vmem>>, vector<16xf32>,
      %swap3A_90 = arith.index_cast %scan3A_69 : i32 to index
      %swap3A_91 = arith.constant 112 : index
      %swap3A_92 = tpu.vector_load %arg13[%swap3A_90, %swap3A_91] {strides = array<i32>} : memref<48x128xf32, #tpu.memory_space<vmem>>, vector<16xf32>,
      tpu.vector_store %arg13[%swap3A_90, %swap3A_91], %broadcast_in_dim3A_1 {strides = array<i32>} : memref<48x128xf32, #tpu.memory_space<vmem>>, vector<16xf32>,
    }
    %scan3A_6 = arith.constant 48 : i32
    %eq3A = arith.constant 0 : i32
    %eq3A_7 = arith.cmpi eq, %arg1, %eq3A : i32
    %convert_element_type3A = arith.extui %eq3A_7 : i1 to i32
    %cond3A = arith.constant 0 : i32
    %cond3A_8 = arith.cmpi ne, %convert_element_type3A, %cond3A : i32
    scf.if %cond3A_8 {
      "tpu.region"() ({
        %run_scoped3A = tpu.sem_alloc : memref<!tpu.dma_semaphore, #tpu.memory_space<semaphore_mem>>
        tpu.enqueue_dma source(%arg13 : memref<48x128xf32, #tpu.memory_space<vmem>>) target(%arg14 : memref<48x128xf32, #tpu.memory_space<vmem_shared>>) target_semaphore(%run_scoped3A : memref<!tpu.dma_semaphore, #tpu.memory_space<semaphore_mem>>)
        tpu.wait_dma2 semaphore(%run_scoped3A : memref<!tpu.dma_semaphore, #tpu.memory_space<semaphore_mem>>) src(%arg13 : memref<48x128xf32, #tpu.memory_space<vmem>>) dst(%arg14 : memref<48x128xf32, #tpu.memory_space<vmem_shared>>)
        tpu.yield
      }) : () -> ()
    } else {
    }
    %barrier3A = arith.constant 0 : index
    tpu.barrier barrier_id(%barrier3A)
    %mul3A_9 = arith.constant 10144 : i32
    %mul3A_10 = arith.muli %add3A, %mul3A_9 : i32
    "tpu.region"() ({
      %run_scoped3A = tpu.sem_alloc : memref<!tpu.dma_semaphore, #tpu.memory_space<semaphore_mem>>
      %dma_start3A = tpu.memref_slice %arg3[%mul3A_10] : memref<324608xi32, #tpu.memory_space<hbm>> -> memref<10144xi32, #tpu.memory_space<hbm>>
      %dma_start3A_69 = tpu.memref_slice %arg3[%mul3A_10] : memref<324608xi32, #tpu.memory_space<hbm>> -> memref<10144xi32, #tpu.memory_space<hbm>>
      tpu.enqueue_dma source(%dma_start3A_69 : memref<10144xi32, #tpu.memory_space<hbm>>) target(%arg8 : memref<10144xi32, #tpu.memory_space<vmem>>) target_semaphore(%run_scoped3A : memref<!tpu.dma_semaphore, #tpu.memory_space<semaphore_mem>>)
      %dma_wait3A = tpu.memref_slice %arg3[%mul3A_10] : memref<324608xi32, #tpu.memory_space<hbm>> -> memref<10144xi32, #tpu.memory_space<hbm>>
      %dma_wait3A_70 = tpu.memref_slice %arg3[%mul3A_10] : memref<324608xi32, #tpu.memory_space<hbm>> -> memref<10144xi32, #tpu.memory_space<hbm>>
      tpu.wait_dma2 semaphore(%run_scoped3A : memref<!tpu.dma_semaphore, #tpu.memory_space<semaphore_mem>>) src(%dma_wait3A_70 : memref<10144xi32, #tpu.memory_space<hbm>>) dst(%arg8 : memref<10144xi32, #tpu.memory_space<vmem>>)
      tpu.yield
    }) : () -> ()
    %mul3A_11 = arith.constant 10144 : i32
    %mul3A_12 = arith.muli %add3A, %mul3A_11 : i32
    "tpu.region"() ({
      %run_scoped3A = tpu.sem_alloc : memref<!tpu.dma_semaphore, #tpu.memory_space<semaphore_mem>>
      %dma_start3A = tpu.memref_slice %arg4[%mul3A_12] : memref<324608xi32, #tpu.memory_space<hbm>> -> memref<10144xi32, #tpu.memory_space<hbm>>
      %dma_start3A_69 = tpu.memref_slice %arg4[%mul3A_12] : memref<324608xi32, #tpu.memory_space<hbm>> -> memref<10144xi32, #tpu.memory_space<hbm>>
      tpu.enqueue_dma source(%dma_start3A_69 : memref<10144xi32, #tpu.memory_space<hbm>>) target(%arg9 : memref<10144xi32, #tpu.memory_space<vmem>>) target_semaphore(%run_scoped3A : memref<!tpu.dma_semaphore, #tpu.memory_space<semaphore_mem>>)
      %dma_wait3A = tpu.memref_slice %arg4[%mul3A_12] : memref<324608xi32, #tpu.memory_space<hbm>> -> memref<10144xi32, #tpu.memory_space<hbm>>
      %dma_wait3A_70 = tpu.memref_slice %arg4[%mul3A_12] : memref<324608xi32, #tpu.memory_space<hbm>> -> memref<10144xi32, #tpu.memory_space<hbm>>
      tpu.wait_dma2 semaphore(%run_scoped3A : memref<!tpu.dma_semaphore, #tpu.memory_space<semaphore_mem>>) src(%dma_wait3A_70 : memref<10144xi32, #tpu.memory_space<hbm>>) dst(%arg9 : memref<10144xi32, #tpu.memory_space<vmem>>)
      tpu.yield
    }) : () -> ()
    %mul3A_13 = arith.constant 16 : i32
    %mul3A_14 = arith.muli %add3A, %mul3A_13 : i32
    "tpu.region"() ({
      %run_scoped3A = tpu.sem_alloc : memref<!tpu.dma_semaphore, #tpu.memory_space<semaphore_mem>>
      %dma_start3A = tpu.memref_slice %arg5[%mul3A_14] : memref<512xi32, #tpu.memory_space<hbm>> -> memref<16xi32, #tpu.memory_space<hbm>>
      %dma_start3A_69 = tpu.memref_slice %arg5[%mul3A_14] : memref<512xi32, #tpu.memory_space<hbm>> -> memref<16xi32, #tpu.memory_space<hbm>>
      tpu.enqueue_dma source(%dma_start3A_69 : memref<16xi32, #tpu.memory_space<hbm>>) target(%arg11 : memref<16xi32, #tpu.memory_space<vmem>>) target_semaphore(%run_scoped3A : memref<!tpu.dma_semaphore, #tpu.memory_space<semaphore_mem>>)
      %dma_wait3A = tpu.memref_slice %arg5[%mul3A_14] : memref<512xi32, #tpu.memory_space<hbm>> -> memref<16xi32, #tpu.memory_space<hbm>>
      %dma_wait3A_70 = tpu.memref_slice %arg5[%mul3A_14] : memref<512xi32, #tpu.memory_space<hbm>> -> memref<16xi32, #tpu.memory_space<hbm>>
      tpu.wait_dma2 semaphore(%run_scoped3A : memref<!tpu.dma_semaphore, #tpu.memory_space<semaphore_mem>>) src(%dma_wait3A_70 : memref<16xi32, #tpu.memory_space<hbm>>) dst(%arg11 : memref<16xi32, #tpu.memory_space<vmem>>)
      tpu.yield
    }) : () -> ()
    %get3A = arith.constant 0 : index
    %get3A_15 = tpu.vector_load %arg11[%get3A] {strides = array<i32>} : memref<16xi32, #tpu.memory_space<vmem>>, vector<16xi32>,
    %reduce_max3A = arith.constant true
    %reduce_max3A_16 = vector.broadcast %reduce_max3A : i1 to vector<16xi1>
    %reduce_max3A_17 = arith.constant -2147483648 : i32
    %reduce_max3A_18 = vector.broadcast %reduce_max3A_17 : i32 to vector<16xi32>
    %reduce_max3A_19 = arith.xori %get3A_15, %reduce_max3A_18 : vector<16xi32>
    %reduce_max3A_20 = tpu.scan <max>, %reduce_max3A_19 masked %reduce_max3A_16 : vector<16xi32>, vector<16xi1> -> vector<16xi32>
    %reduce_max3A_21 = arith.xori %reduce_max3A_20, %reduce_max3A_18 : vector<16xi32>
    %reduce_max3A_22 = vector.extract %reduce_max3A_21[15] : i32 from vector<16xi32>
    %add3A_23 = arith.constant 128 : i32
    %add3A_24 = arith.addi %reduce_max3A_22, %add3A_23 : i32
    %sub3A = arith.constant 1 : i32
    %sub3A_25 = arith.subi %add3A_24, %sub3A : i32
    %jit3A = arith.constant 128 : i32
    %div3A = arith.divsi %sub3A_25, %jit3A : i32
    %sign3A = arith.constant 0 : i32
    %sign3A_26 = arith.cmpi sgt, %sub3A_25, %sign3A : i32
    %sign3A_27 = arith.extui %sign3A_26 : i1 to i32
    %sign3A_28 = arith.constant 0 : i32
    %sign3A_29 = arith.cmpi slt, %sub3A_25, %sign3A_28 : i32
    %sign3A_30 = arith.extui %sign3A_29 : i1 to i32
    %sign3A_31 = arith.subi %sign3A_27, %sign3A_30 : i32
    %sign3A_32 = arith.constant 0 : i32
    %sign3A_33 = arith.cmpi sgt, %jit3A, %sign3A_32 : i32
    %sign3A_34 = arith.extui %sign3A_33 : i1 to i32
    %sign3A_35 = arith.constant 0 : i32
    %sign3A_36 = arith.cmpi slt, %jit3A, %sign3A_35 : i32
    %sign3A_37 = arith.extui %sign3A_36 : i1 to i32
    %sign3A_38 = arith.subi %sign3A_34, %sign3A_37 : i32
    %ne3A = arith.cmpi ne, %sign3A_31, %sign3A_38 : i32
    %rem3A = arith.remsi %sub3A_25, %jit3A : i32
    %ne3A_39 = arith.constant 0 : i32
    %ne3A_40 = arith.cmpi ne, %rem3A, %ne3A_39 : i32
    %and3A = arith.andi %ne3A, %ne3A_40 : i1
    %sub3A_41 = arith.constant 1 : i32
    %sub3A_42 = arith.subi %div3A, %sub3A_41 : i32
    %select_n3A = arith.select %and3A, %sub3A_42, %div3A : i32
    %while3A = arith.constant 0 : i32
    %while3A_43 = arith.constant 0 : i32
    %while3A_44 = arith.subi %select_n3A, %while3A_43 : i32
    %while3A_45 = arith.addi %while3A_43, %while3A_44 : i32
    %while3A_46 = arith.constant 1 : i32
    %while3A_47 = arith.divsi %while3A_44, %while3A_46 : i32
    %while3A_48 = arith.muli %while3A_47, %while3A_46 : i32
    %while3A_49 = arith.addi %while3A_43, %while3A_48 : i32
    %while3A_50 = arith.constant 1 : i32
    scf.for %while3A_69 = %while3A_43 to %while3A_49 step %while3A_50  : i32 {
      %mul3A_70 = arith.constant 128 : i32
      %mul3A_71 = arith.muli %while3A_69, %mul3A_70 : i32
      %dma_start3A = tpu.memref_slice %arg8[%mul3A_71] : memref<10144xi32, #tpu.memory_space<vmem>> -> memref<128xi32, #tpu.memory_space<vmem>>
      %dma_start3A_72 = arith.constant 0 : i32
      %dma_start3A_73 = arith.constant 0 : i32
      %dma_start3A_74 = tpu.memref_slice %arg2[%dma_start3A_72, %dma_start3A_73] : memref<10240x128xf32, #tpu.memory_space<hbm>> -> memref<10240x128xf32, #tpu.memory_space<hbm>>
      tpu.enqueue_indirect_dma source(%dma_start3A_74 : memref<10240x128xf32, #tpu.memory_space<hbm>>) target(%arg12 : memref<128x128xf32, #tpu.memory_space<vmem>>) offsets(%dma_start3A : memref<128xi32, #tpu.memory_space<vmem>>) semaphore(%arg15 : memref<!tpu.dma_semaphore, #tpu.memory_space<semaphore_mem>>)
      %dma_wait3A = tpu.memref_slice %arg8[%mul3A_71] : memref<10144xi32, #tpu.memory_space<vmem>> -> memref<128xi32, #tpu.memory_space<vmem>>
      %dma_wait3A_75 = arith.constant 0 : i32
      %dma_wait3A_76 = arith.constant 0 : i32
      %dma_wait3A_77 = tpu.memref_slice %arg2[%dma_wait3A_75, %dma_wait3A_76] : memref<10240x128xf32, #tpu.memory_space<hbm>> -> memref<10240x128xf32, #tpu.memory_space<hbm>>
      tpu.wait_indirect_dma semaphore(%arg15 : memref<!tpu.dma_semaphore, #tpu.memory_space<semaphore_mem>>) src(%dma_wait3A_77 : memref<10240x128xf32, #tpu.memory_space<hbm>>) dst(%arg12 : memref<128x128xf32, #tpu.memory_space<vmem>>)
      %mul3A_78 = arith.constant 128 : i32
      %mul3A_79 = arith.muli %while3A_69, %mul3A_78 : i32
      %add3A_80 = arith.constant 0 : i32
      %add3A_81 = arith.addi %mul3A_79, %add3A_80 : i32
      %get3A_82 = arith.index_cast %add3A_81 : i32 to index
      %get3A_83 = tpu.vector_load %arg9[%get3A_82] {strides = array<i32>} : memref<10144xi32, #tpu.memory_space<vmem>>, vector<16xi32>,
      %swap3A = arith.constant 0 : i32
      %swap3A_84 = arith.index_cast %swap3A : i32 to index
      %swap3A_85 = arith.constant 0 : index
      %swap3A_86 = tpu.vector_load %arg10[%swap3A_84, %swap3A_85] {strides = array<i32>} : memref<1x128xi32, #tpu.memory_space<vmem>>, vector<16xi32>,
      tpu.vector_store %arg10[%swap3A_84, %swap3A_85], %get3A_83 {strides = array<i32>} : memref<1x128xi32, #tpu.memory_space<vmem>>, vector<16xi32>,
      %mul3A_87 = arith.constant 128 : i32
      %mul3A_88 = arith.muli %while3A_69, %mul3A_87 : i32
      %add3A_89 = arith.constant 16 : i32
      %add3A_90 = arith.addi %mul3A_88, %add3A_89 : i32
      %get3A_91 = arith.index_cast %add3A_90 : i32 to index
      %get3A_92 = tpu.vector_load %arg9[%get3A_91] {strides = array<i32>} : memref<10144xi32, #tpu.memory_space<vmem>>, vector<16xi32>,
      %swap3A_93 = arith.constant 0 : i32
      %swap3A_94 = arith.index_cast %swap3A_93 : i32 to index
      %swap3A_95 = arith.constant 16 : index
      %swap3A_96 = tpu.vector_load %arg10[%swap3A_94, %swap3A_95] {strides = array<i32>} : memref<1x128xi32, #tpu.memory_space<vmem>>, vector<16xi32>,
      tpu.vector_store %arg10[%swap3A_94, %swap3A_95], %get3A_92 {strides = array<i32>} : memref<1x128xi32, #tpu.memory_space<vmem>>, vector<16xi32>,
      %mul3A_97 = arith.constant 128 : i32
      %mul3A_98 = arith.muli %while3A_69, %mul3A_97 : i32
      %add3A_99 = arith.constant 32 : i32
      %add3A_100 = arith.addi %mul3A_98, %add3A_99 : i32
      %get3A_101 = arith.index_cast %add3A_100 : i32 to index
      %get3A_102 = tpu.vector_load %arg9[%get3A_101] {strides = array<i32>} : memref<10144xi32, #tpu.memory_space<vmem>>, vector<16xi32>,
      %swap3A_103 = arith.constant 0 : i32
      %swap3A_104 = arith.index_cast %swap3A_103 : i32 to index
      %swap3A_105 = arith.constant 32 : index
      %swap3A_106 = tpu.vector_load %arg10[%swap3A_104, %swap3A_105] {strides = array<i32>} : memref<1x128xi32, #tpu.memory_space<vmem>>, vector<16xi32>,
      tpu.vector_store %arg10[%swap3A_104, %swap3A_105], %get3A_102 {strides = array<i32>} : memref<1x128xi32, #tpu.memory_space<vmem>>, vector<16xi32>,
      %mul3A_107 = arith.constant 128 : i32
      %mul3A_108 = arith.muli %while3A_69, %mul3A_107 : i32
      %add3A_109 = arith.constant 48 : i32
      %add3A_110 = arith.addi %mul3A_108, %add3A_109 : i32
      %get3A_111 = arith.index_cast %add3A_110 : i32 to index
      %get3A_112 = tpu.vector_load %arg9[%get3A_111] {strides = array<i32>} : memref<10144xi32, #tpu.memory_space<vmem>>, vector<16xi32>,
      %swap3A_113 = arith.constant 0 : i32
      %swap3A_114 = arith.index_cast %swap3A_113 : i32 to index
      %swap3A_115 = arith.constant 48 : index
      %swap3A_116 = tpu.vector_load %arg10[%swap3A_114, %swap3A_115] {strides = array<i32>} : memref<1x128xi32, #tpu.memory_space<vmem>>, vector<16xi32>,
      tpu.vector_store %arg10[%swap3A_114, %swap3A_115], %get3A_112 {strides = array<i32>} : memref<1x128xi32, #tpu.memory_space<vmem>>, vector<16xi32>,
      %mul3A_117 = arith.constant 128 : i32
      %mul3A_118 = arith.muli %while3A_69, %mul3A_117 : i32
      %add3A_119 = arith.constant 64 : i32
      %add3A_120 = arith.addi %mul3A_118, %add3A_119 : i32
      %get3A_121 = arith.index_cast %add3A_120 : i32 to index
      %get3A_122 = tpu.vector_load %arg9[%get3A_121] {strides = array<i32>} : memref<10144xi32, #tpu.memory_space<vmem>>, vector<16xi32>,
      %swap3A_123 = arith.constant 0 : i32
      %swap3A_124 = arith.index_cast %swap3A_123 : i32 to index
      %swap3A_125 = arith.constant 64 : index
      %swap3A_126 = tpu.vector_load %arg10[%swap3A_124, %swap3A_125] {strides = array<i32>} : memref<1x128xi32, #tpu.memory_space<vmem>>, vector<16xi32>,
      tpu.vector_store %arg10[%swap3A_124, %swap3A_125], %get3A_122 {strides = array<i32>} : memref<1x128xi32, #tpu.memory_space<vmem>>, vector<16xi32>,
      %mul3A_127 = arith.constant 128 : i32
      %mul3A_128 = arith.muli %while3A_69, %mul3A_127 : i32
      %add3A_129 = arith.constant 80 : i32
      %add3A_130 = arith.addi %mul3A_128, %add3A_129 : i32
      %get3A_131 = arith.index_cast %add3A_130 : i32 to index
      %get3A_132 = tpu.vector_load %arg9[%get3A_131] {strides = array<i32>} : memref<10144xi32, #tpu.memory_space<vmem>>, vector<16xi32>,
      %swap3A_133 = arith.constant 0 : i32
      %swap3A_134 = arith.index_cast %swap3A_133 : i32 to index
      %swap3A_135 = arith.constant 80 : index
      %swap3A_136 = tpu.vector_load %arg10[%swap3A_134, %swap3A_135] {strides = array<i32>} : memref<1x128xi32, #tpu.memory_space<vmem>>, vector<16xi32>,
      tpu.vector_store %arg10[%swap3A_134, %swap3A_135], %get3A_132 {strides = array<i32>} : memref<1x128xi32, #tpu.memory_space<vmem>>, vector<16xi32>,
      %mul3A_137 = arith.constant 128 : i32
      %mul3A_138 = arith.muli %while3A_69, %mul3A_137 : i32
      %add3A_139 = arith.constant 96 : i32
      %add3A_140 = arith.addi %mul3A_138, %add3A_139 : i32
      %get3A_141 = arith.index_cast %add3A_140 : i32 to index
      %get3A_142 = tpu.vector_load %arg9[%get3A_141] {strides = array<i32>} : memref<10144xi32, #tpu.memory_space<vmem>>, vector<16xi32>,
      %swap3A_143 = arith.constant 0 : i32
      %swap3A_144 = arith.index_cast %swap3A_143 : i32 to index
      %swap3A_145 = arith.constant 96 : index
      %swap3A_146 = tpu.vector_load %arg10[%swap3A_144, %swap3A_145] {strides = array<i32>} : memref<1x128xi32, #tpu.memory_space<vmem>>, vector<16xi32>,
      tpu.vector_store %arg10[%swap3A_144, %swap3A_145], %get3A_142 {strides = array<i32>} : memref<1x128xi32, #tpu.memory_space<vmem>>, vector<16xi32>,
      %mul3A_147 = arith.constant 128 : i32
      %mul3A_148 = arith.muli %while3A_69, %mul3A_147 : i32
      %add3A_149 = arith.constant 112 : i32
      %add3A_150 = arith.addi %mul3A_148, %add3A_149 : i32
      %get3A_151 = arith.index_cast %add3A_150 : i32 to index
      %get3A_152 = tpu.vector_load %arg9[%get3A_151] {strides = array<i32>} : memref<10144xi32, #tpu.memory_space<vmem>>, vector<16xi32>,
      %swap3A_153 = arith.constant 0 : i32
      %swap3A_154 = arith.index_cast %swap3A_153 : i32 to index
      %swap3A_155 = arith.constant 112 : index
      %swap3A_156 = tpu.vector_load %arg10[%swap3A_154, %swap3A_155] {strides = array<i32>} : memref<1x128xi32, #tpu.memory_space<vmem>>, vector<16xi32>,
      tpu.vector_store %arg10[%swap3A_154, %swap3A_155], %get3A_152 {strides = array<i32>} : memref<1x128xi32, #tpu.memory_space<vmem>>, vector<16xi32>,
      %run_scoped3A = arith.constant 0 : i32
      "tpu.region"() ({
        %run_scoped3A_157 = tpu.sem_alloc : memref<!tpu.dma_semaphore, #tpu.memory_space<semaphore_mem>>
        %dma_start3A_158 = arith.constant 0 : i32
        %dma_start3A_159 = tpu.memref_slice %arg10[%run_scoped3A, %dma_start3A_158] : memref<1x128xi32, #tpu.memory_space<vmem>> -> memref<1x128xi32, #tpu.memory_space<vmem>>
        %dma_start3A_160 = tpu.memref_squeeze %dma_start3A_159 : memref<1x128xi32, #tpu.memory_space<vmem>> -> memref<128xi32, #tpu.memory_space<vmem>>
        %dma_start3A_161 = arith.constant 0 : i32
        %dma_start3A_162 = arith.constant 0 : i32
        %dma_start3A_163 = tpu.memref_slice %arg14[%dma_start3A_161, %dma_start3A_162] : memref<48x128xf32, #tpu.memory_space<vmem_shared>> -> memref<48x128xf32, #tpu.memory_space<vmem_shared>>
        tpu.enqueue_indirect_dma source(%arg12 : memref<128x128xf32, #tpu.memory_space<vmem>>) target(%dma_start3A_163 : memref<48x128xf32, #tpu.memory_space<vmem_shared>>) offsets(%dma_start3A_160 : memref<128xi32, #tpu.memory_space<vmem>>) semaphore(%run_scoped3A_157 : memref<!tpu.dma_semaphore, #tpu.memory_space<semaphore_mem>>) {add = true}
        %dma_wait3A_164 = arith.constant 0 : i32
        %dma_wait3A_165 = tpu.memref_slice %arg10[%run_scoped3A, %dma_wait3A_164] : memref<1x128xi32, #tpu.memory_space<vmem>> -> memref<1x128xi32, #tpu.memory_space<vmem>>
        %dma_wait3A_166 = tpu.memref_squeeze %dma_wait3A_165 : memref<1x128xi32, #tpu.memory_space<vmem>> -> memref<128xi32, #tpu.memory_space<vmem>>
        %dma_wait3A_167 = arith.constant 0 : i32
        %dma_wait3A_168 = arith.constant 0 : i32
        %dma_wait3A_169 = tpu.memref_slice %arg14[%dma_wait3A_167, %dma_wait3A_168] : memref<48x128xf32, #tpu.memory_space<vmem_shared>> -> memref<48x128xf32, #tpu.memory_space<vmem_shared>>
        tpu.wait_indirect_dma semaphore(%run_scoped3A_157 : memref<!tpu.dma_semaphore, #tpu.memory_space<semaphore_mem>>) src(%arg12 : memref<128x128xf32, #tpu.memory_space<vmem>>) dst(%dma_wait3A_169 : memref<48x128xf32, #tpu.memory_space<vmem_shared>>)
        tpu.yield
      }) : () -> ()
    }
    %while3A_51 = arith.constant 1 : i32
    scf.for %while3A_69 = %while3A_49 to %while3A_45 step %while3A_51  : i32 {
      %mul3A_70 = arith.constant 128 : i32
      %mul3A_71 = arith.muli %while3A_69, %mul3A_70 : i32
      %dma_start3A = tpu.memref_slice %arg8[%mul3A_71] : memref<10144xi32, #tpu.memory_space<vmem>> -> memref<128xi32, #tpu.memory_space<vmem>>
      %dma_start3A_72 = arith.constant 0 : i32
      %dma_start3A_73 = arith.constant 0 : i32
      %dma_start3A_74 = tpu.memref_slice %arg2[%dma_start3A_72, %dma_start3A_73] : memref<10240x128xf32, #tpu.memory_space<hbm>> -> memref<10240x128xf32, #tpu.memory_space<hbm>>
      tpu.enqueue_indirect_dma source(%dma_start3A_74 : memref<10240x128xf32, #tpu.memory_space<hbm>>) target(%arg12 : memref<128x128xf32, #tpu.memory_space<vmem>>) offsets(%dma_start3A : memref<128xi32, #tpu.memory_space<vmem>>) semaphore(%arg15 : memref<!tpu.dma_semaphore, #tpu.memory_space<semaphore_mem>>)
      %dma_wait3A = tpu.memref_slice %arg8[%mul3A_71] : memref<10144xi32, #tpu.memory_space<vmem>> -> memref<128xi32, #tpu.memory_space<vmem>>
      %dma_wait3A_75 = arith.constant 0 : i32
      %dma_wait3A_76 = arith.constant 0 : i32
      %dma_wait3A_77 = tpu.memref_slice %arg2[%dma_wait3A_75, %dma_wait3A_76] : memref<10240x128xf32, #tpu.memory_space<hbm>> -> memref<10240x128xf32, #tpu.memory_space<hbm>>
      tpu.wait_indirect_dma semaphore(%arg15 : memref<!tpu.dma_semaphore, #tpu.memory_space<semaphore_mem>>) src(%dma_wait3A_77 : memref<10240x128xf32, #tpu.memory_space<hbm>>) dst(%arg12 : memref<128x128xf32, #tpu.memory_space<vmem>>)
      %mul3A_78 = arith.constant 128 : i32
      %mul3A_79 = arith.muli %while3A_69, %mul3A_78 : i32
      %add3A_80 = arith.constant 0 : i32
      %add3A_81 = arith.addi %mul3A_79, %add3A_80 : i32
      %get3A_82 = arith.index_cast %add3A_81 : i32 to index
      %get3A_83 = tpu.vector_load %arg9[%get3A_82] {strides = array<i32>} : memref<10144xi32, #tpu.memory_space<vmem>>, vector<16xi32>,
      %swap3A = arith.constant 0 : i32
      %swap3A_84 = arith.index_cast %swap3A : i32 to index
      %swap3A_85 = arith.constant 0 : index
      %swap3A_86 = tpu.vector_load %arg10[%swap3A_84, %swap3A_85] {strides = array<i32>} : memref<1x128xi32, #tpu.memory_space<vmem>>, vector<16xi32>,
      tpu.vector_store %arg10[%swap3A_84, %swap3A_85], %get3A_83 {strides = array<i32>} : memref<1x128xi32, #tpu.memory_space<vmem>>, vector<16xi32>,
      %mul3A_87 = arith.constant 128 : i32
      %mul3A_88 = arith.muli %while3A_69, %mul3A_87 : i32
      %add3A_89 = arith.constant 16 : i32
      %add3A_90 = arith.addi %mul3A_88, %add3A_89 : i32
      %get3A_91 = arith.index_cast %add3A_90 : i32 to index
      %get3A_92 = tpu.vector_load %arg9[%get3A_91] {strides = array<i32>} : memref<10144xi32, #tpu.memory_space<vmem>>, vector<16xi32>,
      %swap3A_93 = arith.constant 0 : i32
      %swap3A_94 = arith.index_cast %swap3A_93 : i32 to index
      %swap3A_95 = arith.constant 16 : index
      %swap3A_96 = tpu.vector_load %arg10[%swap3A_94, %swap3A_95] {strides = array<i32>} : memref<1x128xi32, #tpu.memory_space<vmem>>, vector<16xi32>,
      tpu.vector_store %arg10[%swap3A_94, %swap3A_95], %get3A_92 {strides = array<i32>} : memref<1x128xi32, #tpu.memory_space<vmem>>, vector<16xi32>,
      %mul3A_97 = arith.constant 128 : i32
      %mul3A_98 = arith.muli %while3A_69, %mul3A_97 : i32
      %add3A_99 = arith.constant 32 : i32
      %add3A_100 = arith.addi %mul3A_98, %add3A_99 : i32
      %get3A_101 = arith.index_cast %add3A_100 : i32 to index
      %get3A_102 = tpu.vector_load %arg9[%get3A_101] {strides = array<i32>} : memref<10144xi32, #tpu.memory_space<vmem>>, vector<16xi32>,
      %swap3A_103 = arith.constant 0 : i32
      %swap3A_104 = arith.index_cast %swap3A_103 : i32 to index
      %swap3A_105 = arith.constant 32 : index
      %swap3A_106 = tpu.vector_load %arg10[%swap3A_104, %swap3A_105] {strides = array<i32>} : memref<1x128xi32, #tpu.memory_space<vmem>>, vector<16xi32>,
      tpu.vector_store %arg10[%swap3A_104, %swap3A_105], %get3A_102 {strides = array<i32>} : memref<1x128xi32, #tpu.memory_space<vmem>>, vector<16xi32>,
      %mul3A_107 = arith.constant 128 : i32
      %mul3A_108 = arith.muli %while3A_69, %mul3A_107 : i32
      %add3A_109 = arith.constant 48 : i32
      %add3A_110 = arith.addi %mul3A_108, %add3A_109 : i32
      %get3A_111 = arith.index_cast %add3A_110 : i32 to index
      %get3A_112 = tpu.vector_load %arg9[%get3A_111] {strides = array<i32>} : memref<10144xi32, #tpu.memory_space<vmem>>, vector<16xi32>,
      %swap3A_113 = arith.constant 0 : i32
      %swap3A_114 = arith.index_cast %swap3A_113 : i32 to index
      %swap3A_115 = arith.constant 48 : index
      %swap3A_116 = tpu.vector_load %arg10[%swap3A_114, %swap3A_115] {strides = array<i32>} : memref<1x128xi32, #tpu.memory_space<vmem>>, vector<16xi32>,
      tpu.vector_store %arg10[%swap3A_114, %swap3A_115], %get3A_112 {strides = array<i32>} : memref<1x128xi32, #tpu.memory_space<vmem>>, vector<16xi32>,
      %mul3A_117 = arith.constant 128 : i32
      %mul3A_118 = arith.muli %while3A_69, %mul3A_117 : i32
      %add3A_119 = arith.constant 64 : i32
      %add3A_120 = arith.addi %mul3A_118, %add3A_119 : i32
      %get3A_121 = arith.index_cast %add3A_120 : i32 to index
      %get3A_122 = tpu.vector_load %arg9[%get3A_121] {strides = array<i32>} : memref<10144xi32, #tpu.memory_space<vmem>>, vector<16xi32>,
      %swap3A_123 = arith.constant 0 : i32
      %swap3A_124 = arith.index_cast %swap3A_123 : i32 to index
      %swap3A_125 = arith.constant 64 : index
      %swap3A_126 = tpu.vector_load %arg10[%swap3A_124, %swap3A_125] {strides = array<i32>} : memref<1x128xi32, #tpu.memory_space<vmem>>, vector<16xi32>,
      tpu.vector_store %arg10[%swap3A_124, %swap3A_125], %get3A_122 {strides = array<i32>} : memref<1x128xi32, #tpu.memory_space<vmem>>, vector<16xi32>,
      %mul3A_127 = arith.constant 128 : i32
      %mul3A_128 = arith.muli %while3A_69, %mul3A_127 : i32
      %add3A_129 = arith.constant 80 : i32
      %add3A_130 = arith.addi %mul3A_128, %add3A_129 : i32
      %get3A_131 = arith.index_cast %add3A_130 : i32 to index
      %get3A_132 = tpu.vector_load %arg9[%get3A_131] {strides = array<i32>} : memref<10144xi32, #tpu.memory_space<vmem>>, vector<16xi32>,
      %swap3A_133 = arith.constant 0 : i32
      %swap3A_134 = arith.index_cast %swap3A_133 : i32 to index
      %swap3A_135 = arith.constant 80 : index
      %swap3A_136 = tpu.vector_load %arg10[%swap3A_134, %swap3A_135] {strides = array<i32>} : memref<1x128xi32, #tpu.memory_space<vmem>>, vector<16xi32>,
      tpu.vector_store %arg10[%swap3A_134, %swap3A_135], %get3A_132 {strides = array<i32>} : memref<1x128xi32, #tpu.memory_space<vmem>>, vector<16xi32>,
      %mul3A_137 = arith.constant 128 : i32
      %mul3A_138 = arith.muli %while3A_69, %mul3A_137 : i32
      %add3A_139 = arith.constant 96 : i32
      %add3A_140 = arith.addi %mul3A_138, %add3A_139 : i32
      %get3A_141 = arith.index_cast %add3A_140 : i32 to index
      %get3A_142 = tpu.vector_load %arg9[%get3A_141] {strides = array<i32>} : memref<10144xi32, #tpu.memory_space<vmem>>, vector<16xi32>,
      %swap3A_143 = arith.constant 0 : i32
      %swap3A_144 = arith.index_cast %swap3A_143 : i32 to index
      %swap3A_145 = arith.constant 96 : index
      %swap3A_146 = tpu.vector_load %arg10[%swap3A_144, %swap3A_145] {strides = array<i32>} : memref<1x128xi32, #tpu.memory_space<vmem>>, vector<16xi32>,
      tpu.vector_store %arg10[%swap3A_144, %swap3A_145], %get3A_142 {strides = array<i32>} : memref<1x128xi32, #tpu.memory_space<vmem>>, vector<16xi32>,
      %mul3A_147 = arith.constant 128 : i32
      %mul3A_148 = arith.muli %while3A_69, %mul3A_147 : i32
      %add3A_149 = arith.constant 112 : i32
      %add3A_150 = arith.addi %mul3A_148, %add3A_149 : i32
      %get3A_151 = arith.index_cast %add3A_150 : i32 to index
      %get3A_152 = tpu.vector_load %arg9[%get3A_151] {strides = array<i32>} : memref<10144xi32, #tpu.memory_space<vmem>>, vector<16xi32>,
      %swap3A_153 = arith.constant 0 : i32
      %swap3A_154 = arith.index_cast %swap3A_153 : i32 to index
      %swap3A_155 = arith.constant 112 : index
      %swap3A_156 = tpu.vector_load %arg10[%swap3A_154, %swap3A_155] {strides = array<i32>} : memref<1x128xi32, #tpu.memory_space<vmem>>, vector<16xi32>,
      tpu.vector_store %arg10[%swap3A_154, %swap3A_155], %get3A_152 {strides = array<i32>} : memref<1x128xi32, #tpu.memory_space<vmem>>, vector<16xi32>,
      %run_scoped3A = arith.constant 0 : i32
      "tpu.region"() ({
        %run_scoped3A_157 = tpu.sem_alloc : memref<!tpu.dma_semaphore, #tpu.memory_space<semaphore_mem>>
        %dma_start3A_158 = arith.constant 0 : i32
        %dma_start3A_159 = tpu.memref_slice %arg10[%run_scoped3A, %dma_start3A_158] : memref<1x128xi32, #tpu.memory_space<vmem>> -> memref<1x128xi32, #tpu.memory_space<vmem>>
        %dma_start3A_160 = tpu.memref_squeeze %dma_start3A_159 : memref<1x128xi32, #tpu.memory_space<vmem>> -> memref<128xi32, #tpu.memory_space<vmem>>
        %dma_start3A_161 = arith.constant 0 : i32
        %dma_start3A_162 = arith.constant 0 : i32
        %dma_start3A_163 = tpu.memref_slice %arg14[%dma_start3A_161, %dma_start3A_162] : memref<48x128xf32, #tpu.memory_space<vmem_shared>> -> memref<48x128xf32, #tpu.memory_space<vmem_shared>>
        tpu.enqueue_indirect_dma source(%arg12 : memref<128x128xf32, #tpu.memory_space<vmem>>) target(%dma_start3A_163 : memref<48x128xf32, #tpu.memory_space<vmem_shared>>) offsets(%dma_start3A_160 : memref<128xi32, #tpu.memory_space<vmem>>) semaphore(%run_scoped3A_157 : memref<!tpu.dma_semaphore, #tpu.memory_space<semaphore_mem>>) {add = true}
        %dma_wait3A_164 = arith.constant 0 : i32
        %dma_wait3A_165 = tpu.memref_slice %arg10[%run_scoped3A, %dma_wait3A_164] : memref<1x128xi32, #tpu.memory_space<vmem>> -> memref<1x128xi32, #tpu.memory_space<vmem>>
        %dma_wait3A_166 = tpu.memref_squeeze %dma_wait3A_165 : memref<1x128xi32, #tpu.memory_space<vmem>> -> memref<128xi32, #tpu.memory_space<vmem>>
        %dma_wait3A_167 = arith.constant 0 : i32
        %dma_wait3A_168 = arith.constant 0 : i32
        %dma_wait3A_169 = tpu.memref_slice %arg14[%dma_wait3A_167, %dma_wait3A_168] : memref<48x128xf32, #tpu.memory_space<vmem_shared>> -> memref<48x128xf32, #tpu.memory_space<vmem_shared>>
        tpu.wait_indirect_dma semaphore(%run_scoped3A_157 : memref<!tpu.dma_semaphore, #tpu.memory_space<semaphore_mem>>) src(%arg12 : memref<128x128xf32, #tpu.memory_space<vmem>>) dst(%dma_wait3A_169 : memref<48x128xf32, #tpu.memory_space<vmem_shared>>)
        tpu.yield
      }) : () -> ()
    }
    %barrier3A_52 = arith.constant 0 : index
    tpu.barrier barrier_id(%barrier3A_52)
    %eq3A_53 = arith.constant 0 : i32
    %eq3A_54 = arith.cmpi eq, %arg1, %eq3A_53 : i32
    %eq3A_55 = arith.constant 0 : i32
    %eq3A_56 = arith.cmpi eq, %arg0, %eq3A_55 : i32
    %and3A_57 = arith.andi %eq3A_54, %eq3A_56 : i1
    %convert_element_type3A_58 = arith.extui %and3A_57 : i1 to i32
    %cond3A_59 = arith.constant 0 : i32
    %cond3A_60 = arith.cmpi ne, %convert_element_type3A_58, %cond3A_59 : i32
    scf.if %cond3A_60 {
      "tpu.region"() ({
        %run_scoped3A = tpu.sem_alloc : memref<!tpu.dma_semaphore, #tpu.memory_space<semaphore_mem>>
        tpu.enqueue_dma source(%arg14 : memref<48x128xf32, #tpu.memory_space<vmem_shared>>) target(%arg6 : memref<48x128xf32, #tpu.memory_space<hbm>>) target_semaphore(%run_scoped3A : memref<!tpu.dma_semaphore, #tpu.memory_space<semaphore_mem>>)
        tpu.wait_dma2 semaphore(%run_scoped3A : memref<!tpu.dma_semaphore, #tpu.memory_space<semaphore_mem>>) src(%arg14 : memref<48x128xf32, #tpu.memory_space<vmem_shared>>) dst(%arg6 : memref<48x128xf32, #tpu.memory_space<hbm>>)
        tpu.yield
      }) : () -> ()
    } else {
    }
    %eq3A_61 = arith.constant 0 : i32
    %eq3A_62 = arith.cmpi eq, %arg1, %eq3A_61 : i32
    %eq3A_63 = arith.constant 1 : i32
    %eq3A_64 = arith.cmpi eq, %arg0, %eq3A_63 : i32
    %and3A_65 = arith.andi %eq3A_62, %eq3A_64 : i1
    %convert_element_type3A_66 = arith.extui %and3A_65 : i1 to i32
    %cond3A_67 = arith.constant 0 : i32
    %cond3A_68 = arith.cmpi ne, %convert_element_type3A_66, %cond3A_67 : i32
    scf.if %cond3A_68 {
      "tpu.region"() ({
        %run_scoped3A = tpu.sem_alloc : memref<!tpu.dma_semaphore, #tpu.memory_space<semaphore_mem>>
        tpu.enqueue_dma source(%arg14 : memref<48x128xf32, #tpu.memory_space<vmem_shared>>) target(%arg7 : memref<48x128xf32, #tpu.memory_space<hbm>>) target_semaphore(%run_scoped3A : memref<!tpu.dma_semaphore, #tpu.memory_space<semaphore_mem>>)
        tpu.wait_dma2 semaphore(%run_scoped3A : memref<!tpu.dma_semaphore, #tpu.memory_space<semaphore_mem>>) src(%arg14 : memref<48x128xf32, #tpu.memory_space<vmem_shared>>) dst(%arg7 : memref<48x128xf32, #tpu.memory_space<hbm>>)
        tpu.yield
      }) : () -> ()
    } else {
    }
    return
  }
}

module attributes {stable_mosaic.version = 14 : i64} {
  func.func @body(%arg0: i32, %arg1: memref<256x128xf32, #tpu.memory_space<vmem>>, %arg2: memref<256x64xf32, #tpu.memory_space<vmem>>, %arg3: memref<256x64xf32, #tpu.memory_space<vmem>>, %arg4: memref<256x64xf32, #tpu.memory_space<vmem>>, %arg5: memref<256x64xf32, #tpu.memory_space<vmem>>, %arg6: memref<256x16xf32, #tpu.memory_space<vmem>>, %arg7: memref<256x16xf32, #tpu.memory_space<vmem>>, %arg8: memref<128x128xf32, #tpu.memory_space<vmem>>, %arg9: memref<128x128xf32, #tpu.memory_space<vmem>>, %arg10: memref<1x128xf32, #tpu.memory_space<vmem>>, %arg11: memref<256x128xf32, #tpu.memory_space<vmem>>) attributes {dimension_semantics = [#tpu.dimension_semantics<arbitrary>], iteration_bounds = array<i64: 40>, scalar_prefetch = 0 : i64, scratch_operands = 0 : i64, tpu.core_type = #tpu.core_type<tc>, window_params = [{transform_indices = @transform_0, window_bounds = array<i64: 256, 128>}, {transform_indices = @transform_1, window_bounds = array<i64: 256, 64>}, {transform_indices = @transform_2, window_bounds = array<i64: 256, 64>}, {transform_indices = @transform_3, window_bounds = array<i64: 256, 64>}, {transform_indices = @transform_4, window_bounds = array<i64: 256, 64>}, {transform_indices = @transform_5, window_bounds = array<i64: 256, 16>}, {transform_indices = @transform_6, window_bounds = array<i64: 256, 16>}, {pipeline_mode = #tpu.pipeline_mode<synchronous>, transform_indices = @transform_7, window_bounds = array<i64: 128, 128>}, {pipeline_mode = #tpu.pipeline_mode<synchronous>, transform_indices = @transform_8, window_bounds = array<i64: 128, 128>}, {pipeline_mode = #tpu.pipeline_mode<synchronous>, transform_indices = @transform_9, window_bounds = array<i64: 1, 128>}, {transform_indices = @transform_10, window_bounds = array<i64: 256, 128>}]} {
    %get3A = arith.constant 0 : index
    %get3A_0 = arith.constant 0 : index
    %get3A_1 = vector.load %arg6[%get3A, %get3A_0] : memref<256x16xf32, #tpu.memory_space<vmem>>, vector<256x16xf32>
    %slice3A = vector.extract_strided_slice %get3A_1 {offsets = [0, 0], sizes = [256, 1], strides = [1, 1]} : vector<256x16xf32> to vector<256x1xf32>
    %get3A_2 = arith.constant 0 : index
    %get3A_3 = arith.constant 0 : index
    %get3A_4 = vector.load %arg7[%get3A_2, %get3A_3] : memref<256x16xf32, #tpu.memory_space<vmem>>, vector<256x16xf32>
    %slice3A_5 = vector.extract_strided_slice %get3A_4 {offsets = [0, 0], sizes = [256, 1], strides = [1, 1]} : vector<256x16xf32> to vector<256x1xf32>
    %add3A = arith.addf %slice3A, %slice3A_5 : vector<256x1xf32>
    %max3A = arith.constant 1.000000e+00 : f32
    %max3A_6 = vector.broadcast %max3A : f32 to vector<256x1xf32>
    %max3A_7 = arith.maximumf %add3A, %max3A_6 : vector<256x1xf32>
    %get3A_8 = arith.constant 0 : index
    %get3A_9 = arith.constant 0 : index
    %get3A_10 = vector.load %arg2[%get3A_8, %get3A_9] : memref<256x64xf32, #tpu.memory_space<vmem>>, vector<256x64xf32>
    %get3A_11 = arith.constant 0 : index
    %get3A_12 = arith.constant 0 : index
    %get3A_13 = vector.load %arg3[%get3A_11, %get3A_12] : memref<256x64xf32, #tpu.memory_space<vmem>>, vector<256x64xf32>
    %add3A_14 = arith.addf %get3A_10, %get3A_13 : vector<256x64xf32>
    %div3A = vector.broadcast %max3A_7 : vector<256x1xf32> to vector<256x64xf32>
    %div3A_15 = arith.divf %add3A_14, %div3A : vector<256x64xf32>
    %get3A_16 = arith.constant 0 : index
    %get3A_17 = arith.constant 0 : index
    %get3A_18 = vector.load %arg4[%get3A_16, %get3A_17] : memref<256x64xf32, #tpu.memory_space<vmem>>, vector<256x64xf32>
    %get3A_19 = arith.constant 0 : index
    %get3A_20 = arith.constant 0 : index
    %get3A_21 = vector.load %arg5[%get3A_19, %get3A_20] : memref<256x64xf32, #tpu.memory_space<vmem>>, vector<256x64xf32>
    %add3A_22 = arith.addf %get3A_18, %get3A_21 : vector<256x64xf32>
    %div3A_23 = vector.broadcast %max3A_7 : vector<256x1xf32> to vector<256x64xf32>
    %div3A_24 = arith.divf %add3A_22, %div3A_23 : vector<256x64xf32>
    %concatenate3A = tpu.concatenate %div3A_15, %div3A_24 in 1 : vector<256x64xf32>, vector<256x64xf32> -> vector<256x128xf32>
    %get3A_25 = arith.constant 0 : index
    %get3A_26 = arith.constant 0 : index
    %get3A_27 = vector.load %arg1[%get3A_25, %get3A_26] : memref<256x128xf32, #tpu.memory_space<vmem>>, vector<256x128xf32>
    %get3A_28 = arith.constant 0 : index
    %get3A_29 = arith.constant 0 : index
    %get3A_30 = vector.load %arg8[%get3A_28, %get3A_29] : memref<128x128xf32, #tpu.memory_space<vmem>>, vector<128x128xf32>
    %dot_general3A = arith.constant dense<0.000000e+00> : vector<256x128xf32>
    %dot_general3A_31 = tpu.matmul %get3A_27, %get3A_30, %dot_general3A {dimension_numbers = #tpu.dot_dimension_numbers<[1], [1], [0], [0], [0, 0, 1, 0], [], []>, transpose_lhs_hint = false} : vector<256x128xf32>, vector<128x128xf32>, vector<256x128xf32> -> vector<256x128xf32>
    %get3A_32 = arith.constant 0 : index
    %get3A_33 = arith.constant 0 : index
    %get3A_34 = vector.load %arg9[%get3A_32, %get3A_33] : memref<128x128xf32, #tpu.memory_space<vmem>>, vector<128x128xf32>
    %dot_general3A_35 = arith.constant dense<0.000000e+00> : vector<256x128xf32>
    %dot_general3A_36 = tpu.matmul %concatenate3A, %get3A_34, %dot_general3A_35 {dimension_numbers = #tpu.dot_dimension_numbers<[1], [1], [0], [0], [0, 0, 1, 0], [], []>, transpose_lhs_hint = false} : vector<256x128xf32>, vector<128x128xf32>, vector<256x128xf32> -> vector<256x128xf32>
    %add3A_37 = arith.addf %dot_general3A_31, %dot_general3A_36 : vector<256x128xf32>
    %get3A_38 = arith.constant 0 : index
    %get3A_39 = arith.constant 0 : index
    %get3A_40 = vector.load %arg10[%get3A_38, %get3A_39] : memref<1x128xf32, #tpu.memory_space<vmem>>, vector<1x128xf32>
    %add3A_41 = vector.broadcast %get3A_40 : vector<1x128xf32> to vector<256x128xf32>
    %add3A_42 = arith.addf %add3A_37, %add3A_41 : vector<256x128xf32>
    %max3A_43 = arith.constant 0.000000e+00 : f32
    %max3A_44 = vector.broadcast %max3A_43 : f32 to vector<256x128xf32>
    %max3A_45 = arith.maximumf %add3A_42, %max3A_44 : vector<256x128xf32>
    %swap3A = arith.constant 0 : index
    %swap3A_46 = arith.constant 0 : index
    %swap3A_47 = vector.load %arg11[%swap3A, %swap3A_46] : memref<256x128xf32, #tpu.memory_space<vmem>>, vector<256x128xf32>
    tpu.vector_store %arg11[%swap3A, %swap3A_46], %max3A_45 {strides = array<i32>} : memref<256x128xf32, #tpu.memory_space<vmem>>, vector<256x128xf32>,
    return
  }
  func.func @transform_0(%arg0: i32) -> (i32, i32) {
    %c0_i32 = arith.constant 0 : i32
    %c0_i32_0 = arith.constant 0 : i32
    return %arg0, %c0_i32 : i32, i32
  }
  func.func @transform_1(%arg0: i32) -> (i32, i32) {
    %c0_i32 = arith.constant 0 : i32
    %c0_i32_0 = arith.constant 0 : i32
    return %arg0, %c0_i32 : i32, i32
  }
  func.func @transform_2(%arg0: i32) -> (i32, i32) {
    %c0_i32 = arith.constant 0 : i32
    %c0_i32_0 = arith.constant 0 : i32
    return %arg0, %c0_i32 : i32, i32
  }
  func.func @transform_3(%arg0: i32) -> (i32, i32) {
    %c0_i32 = arith.constant 0 : i32
    %c0_i32_0 = arith.constant 0 : i32
    return %arg0, %c0_i32 : i32, i32
  }
  func.func @transform_4(%arg0: i32) -> (i32, i32) {
    %c0_i32 = arith.constant 0 : i32
    %c0_i32_0 = arith.constant 0 : i32
    return %arg0, %c0_i32 : i32, i32
  }
  func.func @transform_5(%arg0: i32) -> (i32, i32) {
    %c0_i32 = arith.constant 0 : i32
    %c0_i32_0 = arith.constant 0 : i32
    return %arg0, %c0_i32 : i32, i32
  }
  func.func @transform_6(%arg0: i32) -> (i32, i32) {
    %c0_i32 = arith.constant 0 : i32
    %c0_i32_0 = arith.constant 0 : i32
    return %arg0, %c0_i32 : i32, i32
  }
  func.func @transform_7(%arg0: i32) -> (i32, i32) {
    %c0_i32 = arith.constant 0 : i32
    %c0_i32_0 = arith.constant 0 : i32
    %c0_i32_1 = arith.constant 0 : i32
    return %c0_i32, %c0_i32_0 : i32, i32
  }
  func.func @transform_8(%arg0: i32) -> (i32, i32) {
    %c0_i32 = arith.constant 0 : i32
    %c0_i32_0 = arith.constant 0 : i32
    %c0_i32_1 = arith.constant 0 : i32
    return %c0_i32, %c0_i32_0 : i32, i32
  }
  func.func @transform_9(%arg0: i32) -> (i32, i32) {
    %c0_i32 = arith.constant 0 : i32
    %c0_i32_0 = arith.constant 0 : i32
    %c0_i32_1 = arith.constant 0 : i32
    return %c0_i32, %c0_i32_0 : i32, i32
  }
  func.func @transform_10(%arg0: i32) -> (i32, i32) {
    %c0_i32 = arith.constant 0 : i32
    %c0_i32_0 = arith.constant 0 : i32
    return %arg0, %c0_i32 : i32, i32
  }
}

module attributes {stable_mosaic.version = 14 : i64} {
  func.func @body(%arg0: memref<48x128xf32, #tpu.memory_space<vmem>>, %arg1: memref<48x128xf32, #tpu.memory_space<vmem>>, %arg2: memref<48x1xf32, #tpu.memory_space<vmem>>, %arg3: memref<128x128xf32, #tpu.memory_space<vmem>>, %arg4: memref<128x128xf32, #tpu.memory_space<vmem>>, %arg5: memref<1x128xf32, #tpu.memory_space<vmem>>, %arg6: memref<1x256xf32, #tpu.memory_space<vmem>>, %arg7: memref<1x1xf32, #tpu.memory_space<vmem>>, %arg8: memref<1x1xf32, #tpu.memory_space<vmem>>) attributes {dimension_semantics = [], scalar_prefetch = 0 : i64, scratch_operands = 0 : i64, tpu.core_type = #tpu.core_type<tc>} {
    %get3A = arith.constant 0 : index
    %get3A_0 = arith.constant 0 : index
    %get3A_1 = vector.load %arg1[%get3A, %get3A_0] : memref<48x128xf32, #tpu.memory_space<vmem>>, vector<48x128xf32>
    %get3A_2 = arith.constant 0 : index
    %get3A_3 = arith.constant 0 : index
    %get3A_4 = vector.load %arg2[%get3A_2, %get3A_3] : memref<48x1xf32, #tpu.memory_space<vmem>>, vector<48x1xf32>
    %max3A = arith.constant 1.000000e+00 : f32
    %max3A_5 = vector.broadcast %max3A : f32 to vector<48x1xf32>
    %max3A_6 = arith.maximumf %get3A_4, %max3A_5 : vector<48x1xf32>
    %div3A = vector.broadcast %max3A_6 : vector<48x1xf32> to vector<48x128xf32>
    %div3A_7 = arith.divf %get3A_1, %div3A : vector<48x128xf32>
    %get3A_8 = arith.constant 0 : index
    %get3A_9 = arith.constant 0 : index
    %get3A_10 = vector.load %arg0[%get3A_8, %get3A_9] : memref<48x128xf32, #tpu.memory_space<vmem>>, vector<48x128xf32>
    %get3A_11 = arith.constant 0 : index
    %get3A_12 = arith.constant 0 : index
    %get3A_13 = vector.load %arg3[%get3A_11, %get3A_12] : memref<128x128xf32, #tpu.memory_space<vmem>>, vector<128x128xf32>
    %dot_general3A = arith.constant dense<0.000000e+00> : vector<48x128xf32>
    %dot_general3A_14 = tpu.matmul %get3A_10, %get3A_13, %dot_general3A {dimension_numbers = #tpu.dot_dimension_numbers<[1], [1], [0], [0], [0, 0, 1, 0], [], []>, transpose_lhs_hint = false} : vector<48x128xf32>, vector<128x128xf32>, vector<48x128xf32> -> vector<48x128xf32>
    %get3A_15 = arith.constant 0 : index
    %get3A_16 = arith.constant 0 : index
    %get3A_17 = vector.load %arg4[%get3A_15, %get3A_16] : memref<128x128xf32, #tpu.memory_space<vmem>>, vector<128x128xf32>
    %dot_general3A_18 = arith.constant dense<0.000000e+00> : vector<48x128xf32>
    %dot_general3A_19 = tpu.matmul %div3A_7, %get3A_17, %dot_general3A_18 {dimension_numbers = #tpu.dot_dimension_numbers<[1], [1], [0], [0], [0, 0, 1, 0], [], []>, transpose_lhs_hint = false} : vector<48x128xf32>, vector<128x128xf32>, vector<48x128xf32> -> vector<48x128xf32>
    %add3A = arith.addf %dot_general3A_14, %dot_general3A_19 : vector<48x128xf32>
    %get3A_20 = arith.constant 0 : index
    %get3A_21 = arith.constant 0 : index
    %get3A_22 = vector.load %arg5[%get3A_20, %get3A_21] : memref<1x128xf32, #tpu.memory_space<vmem>>, vector<1x128xf32>
    %add3A_23 = vector.broadcast %get3A_22 : vector<1x128xf32> to vector<48x128xf32>
    %add3A_24 = arith.addf %add3A, %add3A_23 : vector<48x128xf32>
    %max3A_25 = arith.constant 0.000000e+00 : f32
    %max3A_26 = vector.broadcast %max3A_25 : f32 to vector<48x128xf32>
    %max3A_27 = arith.maximumf %add3A_24, %max3A_26 : vector<48x128xf32>
    %iota3A = tpu.iota {dimensions = array<i32: 0>} : vector<48x128xi32>
    %lt3A = arith.constant 32 : i32
    %lt3A_28 = vector.broadcast %lt3A : i32 to vector<48x128xi32>
    %lt3A_29 = arith.cmpi slt, %iota3A, %lt3A_28 : vector<48x128xi32>
    %jit3A = arith.constant 0xFF800000 : f32
    %broadcast_in_dim3A = vector.broadcast %jit3A : f32 to vector<48x128xf32>
    %select_n3A = arith.select %lt3A_29, %max3A_27, %broadcast_in_dim3A : vector<48x128xi1>, vector<48x128xf32>
    %reduce_max3A = arith.constant dense<0xFF800000> : vector<128xf32>
    %reduce_max3A_30 = vector.multi_reduction <maximumf>, %select_n3A, %reduce_max3A [0] : vector<48x128xf32> to vector<128xf32>
    %broadcast_in_dim3A_31 = vector.shape_cast %reduce_max3A_30 : vector<128xf32> to vector<1x128xf32>
    %slice3A = vector.extract_strided_slice %max3A_27 {offsets = [32, 0], sizes = [1, 128], strides = [1, 1]} : vector<48x128xf32> to vector<1x128xf32>
    %get3A_32 = arith.constant 0 : index
    %get3A_33 = arith.constant 0 : index
    %get3A_34 = vector.load %arg6[%get3A_32, %get3A_33] : memref<1x256xf32, #tpu.memory_space<vmem>>, vector<1x256xf32>
    %slice3A_35 = vector.extract_strided_slice %get3A_34 {offsets = [0, 0], sizes = [1, 128], strides = [1, 1]} : vector<1x256xf32> to vector<1x128xf32>
    %mul3A = arith.mulf %broadcast_in_dim3A_31, %slice3A_35 : vector<1x128xf32>
    %reduce_sum3A = arith.constant dense<0.000000e+00> : vector<1xf32>
    %reduce_sum3A_36 = vector.multi_reduction <add>, %mul3A, %reduce_sum3A [1] : vector<1x128xf32> to vector<1xf32>
    %broadcast_in_dim3A_37 = vector.shape_cast %reduce_sum3A_36 : vector<1xf32> to vector<1x1xf32>
    %slice3A_38 = vector.extract_strided_slice %get3A_34 {offsets = [0, 128], sizes = [1, 128], strides = [1, 1]} : vector<1x256xf32> to vector<1x128xf32>
    %mul3A_39 = arith.mulf %slice3A, %slice3A_38 : vector<1x128xf32>
    %reduce_sum3A_40 = arith.constant dense<0.000000e+00> : vector<1xf32>
    %reduce_sum3A_41 = vector.multi_reduction <add>, %mul3A_39, %reduce_sum3A_40 [1] : vector<1x128xf32> to vector<1xf32>
    %broadcast_in_dim3A_42 = vector.shape_cast %reduce_sum3A_41 : vector<1xf32> to vector<1x1xf32>
    %add3A_43 = arith.addf %broadcast_in_dim3A_37, %broadcast_in_dim3A_42 : vector<1x1xf32>
    %get3A_44 = arith.constant 0 : index
    %get3A_45 = arith.constant 0 : index
    %get3A_46 = vector.load %arg7[%get3A_44, %get3A_45] : memref<1x1xf32, #tpu.memory_space<vmem>>, vector<1x1xf32>
    %add3A_47 = arith.addf %add3A_43, %get3A_46 : vector<1x1xf32>
    %swap3A = arith.constant 0 : index
    %swap3A_48 = arith.constant 0 : index
    %swap3A_49 = vector.load %arg8[%swap3A, %swap3A_48] : memref<1x1xf32, #tpu.memory_space<vmem>>, vector<1x1xf32>
    tpu.vector_store %arg8[%swap3A, %swap3A_48], %add3A_47 {strides = array<i32>} : memref<1x1xf32, #tpu.memory_space<vmem>>, vector<1x1xf32>,
    return
  }
}

</mosaic_0001>

<sc_bundles>
// kernel: kernel.10.cloned.1.call-start
scs
__scs_entry_jumppad:
0x0: {  	(pc) =	sbr.rel $0x88, $3  }
0x1: {  	(tag) =	ssettag $0x0;
	lr =	simm.s32 $0x1  }
0x2: {  	[smem:$0x3F95] =	sst lr;
	_ =	strace $0xD0000000  }
0x3: {  	_ = 	snop  }
0x4: {  	_ = 	snop  }
0x5: {  	_ = 	snop  }
0x6: {  	_ = 	snop  }
0x7: {  	_ = 	snop  }
__scs_overlays_trampoline_lowered:
0x8: {  	[smem:$0x3FA4] =	sst s0  }
0x9: {  	[smem:$0x3FA5] =	sst s1  }
0xa: {  	[smem:$0x3FA6] =	sst s2  }
0xb: {  	[smem:$0x3FA7] =	sst s3  }
0xc: {  	[smem:$0x3FA8] =	sst s4  }
0xd: {  	[smem:$0x3FA9] =	sst s5  }
0xe: {  	[smem:$0x3FAA] =	sst s6  }
0xf: {  	[smem:$0x3FAB] =	sst s7  }
0x10: {  	[smem:$0x3FAC] =	sst s8  }
0x11: {  	[smem:$0x3FAD] =	sst s9;
	s0 =	simm.s32 @!p0 $0x0  }
0x12: {  	s1 =	sld [smem:$0x3F93];
	s0 =	simm.s32 @p0 $0x1  }
0x13: {  	[smem:$0x3FAE] =	sst s0;
	s0 =	simm.s32 @!p1 $0x0  }
0x14: {  	s2 =	sld [smem:$0x3F92];
	s0 =	simm.s32 @p1 $0x1  }
0x15: {  	[smem:$0x3FAF] =	sst s0;
	s0 =	simm.s32 @!p2 $0x0  }
0x16: {  	s3 =	sld [smem:$0x3FDB];
	s0 =	simm.s32 @p2 $0x1  }
0x17: {  	s4 =	simm.s32 $0x1BF5;
	[smem:$0x3FB1] =	sst s0  }
0x18: {  	s0 =	sld [smem:$0x3F94];
	_ =	swait.ge [sflag:s4], $0x0  }
0x19: {  	s7 =	sld [smem:$0x3F95]  }
0x1a: {  	s8 =	sadd.s32 $0xFFFFE003, lr  }
0x1b: {  	s9 =	sadd.s32 $0xFFFFFEF7, lr;
	s5 =	simm.s32 $0xFFFFFFFF;
	p2 =	slt.u32 s8, $0xFFFFF086  }
0x1c: {  	p1 =	slt.u32 s9, $0xF7A;
	s5 =	simm.s32 @!p2 $0x0  }
0x1d: {  	s5 =	simm.s32 @p1 $0x1;
	p0 =	seq.s32 s7, s2  }
0x1e: {  	s7 =	smul.u32 @!p0 $0xF7A, s2;
	p2 =	seq.s32 @!p0 s5, $0x0  }
0x1f: {  	s9 =	smul.u32 $0xF7A, s1;
	s8 =	simm.s32 @!p0 $0x1BF5;
	p2 =	por !p2, p0  }
0x20: {  	[sflag:s8] =	ssyncset.s32 @!p0 $0xFFFFF086;
	s6 =	sadd.s32 @!p0 s3, s7;
	s7 =	simm.s32 @!p0 $0x108  }
0x21: {  	s3 =	sadd.s32 s3, s9;
	s6 =	sadd.s32 @!p0 $0x88, s6;
	s7 =	simm.s32 @p2 $0x1082  }
0x22: {  	[simem:s7], [sflag:s8] =	dma.local @!p0 [hbm:s6], $0xF7A  }
0x23: {  	s9 =	sor.u32 $0xD0000000, s2;
	s6 =	simm.s32 $0x108;
	_ =	swait.ge @!p0 [sflag:s8], $0x0  }
0x24: {  	s3 =	sadd.s32 $0x88, s3;
	s6 =	simm.s32 @!p1 $0x1082;
	[sflag:s4] =	ssyncset.s32 $0xFFFFF086  }
0x25: {  	[simem:s6], [sflag:s4] =	dma.local [hbm:s3], $0xF7A  }
0x26: {  	[smem:$0x3F95] =	sst s1;
	(tag) =	ssettag s2;
	_ =	strace s9  }
0x27: {  	s1 =	sld [smem:$0x3FA5]  }
0x28: {  	s2 =	sld [smem:$0x3FA6]  }
0x29: {  	s4 =	sld [smem:$0x3FA8]  }
0x2a: {  	p0 =	seq.s32 s5, $0x0;
	s5 =	sld [smem:$0x3FA9]  }
0x2b: {  	s6 =	sld [smem:$0x3FAA]  }
0x2c: {  	s7 =	sld [smem:$0x3FAB]  }
0x2d: {  	s3 =	simm.s32 $0x108;
	s8 =	sld [smem:$0x3FAC]  }
0x2e: {  	s3 =	simm.s32 @!p0 $0x1082;
	s9 =	sld [smem:$0x3FAD]  }
0x2f: {  	lr =	sadd.s32 s0, s3;
	s0 =	sld [smem:$0x3FA4]  }
0x30: {  	s3 =	sld [smem:$0x3FA7]  }
0x31: {  	[smem:$0x3FB0] =	sst s10  }
0x32: {  	s10 =	sld [smem:$0x3FAE];
	_ =	sdelay $0x3  }
0x33: {  	p0 =	seq.s32 s10, $0x1;
	s10 =	sld [smem:$0x3FB0];
	_ =	sdelay $0x3  }
0x34: {  	[smem:$0x3FB0] =	sst s10  }
0x35: {  	s10 =	sld [smem:$0x3FAF];
	_ =	sdelay $0x3  }
0x36: {  	p1 =	seq.s32 s10, $0x1;
	s10 =	sld [smem:$0x3FB0];
	_ =	sdelay $0x3  }
0x37: {  	[smem:$0x3FB0] =	sst s10  }
0x38: {  	s10 =	sld [smem:$0x3FB1]  }
0x39: {  	_ = 	snop;
	(pc) =	sbr.ind lr, $3  }
0x3a: {  	_ = 	snop  }
0x3b: {  	_ = 	snop  }
0x3c: {  	p2 =	seq.s32 s10, $0x1;
	s10 =	sld [smem:$0x3FB0]  }
0x3d: {  	_ =	shalt  }
0x3e: {  	_ =	shalt  }
0x3f: {  	_ =	shalt  }
0x40: {  	_ =	shalt  }
0x41: {  	_ =	shalt  }
0x42: {  	_ =	shalt  }
0x43: {  	_ =	shalt  }
0x44: {  	_ =	shalt  }
0x45: {  	_ =	shalt  }
0x46: {  	_ =	shalt  }
0x47: {  	_ =	shalt  }
0x48: {  	_ =	shalt  }
0x49: {  	_ =	shalt  }
0x4a: {  	_ =	shalt  }
0x4b: {  	_ =	shalt  }
0x4c: {  	_ =	shalt  }
0x4d: {  	_ =	shalt  }
0x4e: {  	_ =	shalt  }
0x4f: {  	_ =	shalt  }
0x50: {  	_ =	shalt  }
0x51: {  	_ =	shalt  }
0x52: {  	_ =	shalt  }
0x53: {  	_ =	shalt  }
0x54: {  	_ =	shalt  }
0x55: {  	_ =	shalt  }
0x56: {  	_ =	shalt  }
0x57: {  	_ =	shalt  }
0x58: {  	_ =	shalt  }
0x59: {  	_ =	shalt  }
0x5a: {  	_ =	shalt  }
0x5b: {  	_ =	shalt  }
0x5c: {  	_ =	shalt  }
0x5d: {  	_ =	shalt  }
0x5e: {  	_ =	shalt  }
0x5f: {  	_ =	shalt  }
0x60: {  	_ =	shalt  }
0x61: {  	_ =	shalt  }
0x62: {  	_ =	shalt  }
0x63: {  	_ =	shalt  }
0x64: {  	_ =	shalt  }
0x65: {  	_ =	shalt  }
0x66: {  	_ =	shalt  }
0x67: {  	_ =	shalt  }
0x68: {  	_ =	shalt  }
0x69: {  	_ =	shalt  }
0x6a: {  	_ =	shalt  }
0x6b: {  	_ =	shalt  }
0x6c: {  	_ =	shalt  }
0x6d: {  	_ =	shalt  }
0x6e: {  	_ =	shalt  }
0x6f: {  	_ =	shalt  }
0x70: {  	_ =	shalt  }
0x71: {  	_ =	shalt  }
0x72: {  	_ =	shalt  }
0x73: {  	_ =	shalt  }
0x74: {  	_ =	shalt  }
0x75: {  	_ =	shalt  }
0x76: {  	_ =	shalt  }
0x77: {  	_ =	shalt  }
0x78: {  	_ =	shalt  }
0x79: {  	_ =	shalt  }
0x7a: {  	_ =	shalt  }
0x7b: {  	_ =	shalt  }
0x7c: {  	_ =	shalt  }
0x7d: {  	_ =	shalt  }
0x7e: {  	_ =	shalt  }
0x7f: {  	_ =	shalt  }
0x80: {  	_ =	shalt  }
0x81: {  	_ =	shalt  }
0x82: {  	_ =	shalt  }
0x83: {  	_ =	shalt  }
0x84: {  	_ =	shalt  }
0x85: {  	_ =	shalt  }
0x86: {  	_ =	shalt  }
0x87: {  	_ =	shalt  }
.Lfunc_end0:
.L_simem_size_0:
called_computation_lowered:
.L_overlay_start_0:
0x88: {  	s2 =	sld [smem:$0x3FD9]  }
0x89: {  	s3 =	sld [smem:$0x3FFE];
	_ =	sdelay $0x1  }
0x8a: {  	s1 =	srdreg.scid  }
0x8b: {  	s0 =	sand.u32 $0x1, s1  }
0x8c: {  	s17 =	sshll.u32 s0, $0xA;
	s2 =	sadd.s32 s3, s2  }
0x8d: {  	s2 =	sadd.s32 s2, s17  }
0x8e: {  	[smem:$0x3FBC] =	sst s2  }
0x8f: {  	_ = 	snop  }
0x90: {  	(tm) =	ssettm $0x1  }
0x91: {  	s18 =	sld [smem:$0x3FFB];
	_ =	sdelay $0x3  }
0x92: {  	_ =	strace s18  }
0x93: {  	s2 =	sld [smem:$0x3FFC];
	_ =	sdelay $0x3  }
0x94: {  	_ =	strace s2  }
0x95: {  	s2 =	sld [smem:$0x3FFD];
	_ =	sdelay $0x3  }
0x96: {  	_ =	strace s2  }
0x97: {  	_ =	strace $0x8FFFFFFF  }
0x98: {  	s19 =	sld [smem:$0x3FDB];
	_ =	sdelay $0x1  }
0x99: {  	s20 =	simm.s32 $_scs_section_size  }
0x9a: {  	s4 =	simm.s32 $_size__tile_overlayer_lowered;
	s5 =	simm.s32 $_tile_overlayer_lowered  }
0x9b: {  	s6 =	simm.s32 $0x1BFF;
	s21 =	sshll.u32 s5, $0x1;
	s3 =	sadd.s32 s20, s19  }
0x9c: {  	s22 =	simm.s32 $0x0;
	s4 =	sshll.u32 s4, $0x1;
	s5 =	sadd.s32 s21, s3  }
0x9d: {  	[timem:s22], [sflag:s6] =	dma.local [hbm:s5], s4  }
0x9e: {  	_ =	swait.ge [sflag:s6], s4  }
0x9f: {  	s4 =	ssub.s32 $0x0, s4;
	[sflag:s6] =	ssyncset.done $0x0  }
0xa0: {  	[sflag:s6] =	ssyncadd.s32 s4;
	_ =	sdelay $0x1  }
0xa1: {  	s23 =	simm.s32 $0x1B8B  }
0xa2: {  	_ =	swait.ge [sflag:s23], $0x1  }
0xa3: {  	[sflag:s23] =	ssyncset.done $0x0  }
0xa4: {  	[sflag:s23] =	ssyncadd.s32 $0xFFFFFFFF  }
0xa5: {  	s4 =	sld [smem:$0x0]  }
0xa6: {  	s5 =	sand.u32 $0xFFFFFFFE, s1  }
0xa7: {  	p0 =	sne.s32 s1, s5  }
0xa8: {  	s5 =	sshll.u32 @p0 s5, $0xE  }
0xa9: {  	s5 =	sadd.s32 @p0 $0x11B8D, s5;
	s6 =	sshll.u32 @p0 s4, $0x11  }
0xaa: {  	s5 =	sor.u32 @p0 s6, s5  }
0xab: {  	[sflag:s5] =	ssyncadd.remote.s32 @p0 $0x1;
	_ =	sdelay $0x1  }
0xac: {  	s5 =	simm.s32 @p0 $0x1B8D  }
0xad: {  	_ =	swait.eq @p0 [sflag:s5], $0x1  }
0xae: {  	[sflag:s5] =	ssyncadd.s32 @p0 $0xFFFFFFFF  }
0xaf: {  	s6 =	sshll.u32 @!p0 s1, $0xE  }
0xb0: {  	s6 =	sor.u32 @!p0 $0x4000, s6;
	s5 =	simm.s32 @!p0 $0x1B8D  }
0xb1: {  	s4 =	sshll.u32 @!p0 s4, $0x11;
	s6 =	sadd.s32 @!p0 $0x11B8D, s6;
	_ =	swait.eq @!p0 [sflag:s5], $0x1  }
0xb2: {  	s4 =	sor.u32 @!p0 s4, s6;
	[sflag:s5] =	ssyncadd.s32 @!p0 $0xFFFFFFFF  }
0xb3: {  	s25 =	simm.s32 $0x1B8E;
	s24 =	sld [smem:$0x3FFE];
	[sflag:s4] =	ssyncadd.remote.s32 @!p0 $0x1  }
0xb4: {  	s26 =	simm.s32 $execute0_lowered;
	[smem:$0x3FD2] =	sst s25  }
0xb5: {  	s5 =	sshll.u32 s26, $0x1;
	_ =	strace $0x8000004C;
	[dreg:$0x1] =	wrdreg $0xFFFFFFFF  }
0xb6: {  	s28 =	simm.s32 $_size_execute0_lowered;
	s3 =	sadd.s32 s3, s5;
	[dreg:$0x0] =	wrdreg $0x0  }
0xb7: {  	s5 =	sshll.u32 s28, $0x1;
	[dreg:$0x2] =	wrdreg s3  }
0xb8: {  	[dreg:$0x3] =	wrdreg s5  }
0xb9: {  	[dreg:$0x4] =	wrdreg $0xC0  }
0xba: {  	_ =	task [dreg:s22], $0x5FFFF  }
0xbb: {  	[dreg:$0x1] =	wrdreg $0xFFFFFFFF  }
0xbc: {  	[dreg:$0x0] =	wrdreg $0x60  }
0xbd: {  	[dreg:$0x2] =	wrdreg s24  }
0xbe: {  	[dreg:$0x3] =	wrdreg $0x30000  }
0xbf: {  	[dreg:$0x4] =	wrdreg $0x9  }
0xc0: {  	_ =	task.clear_ibuf [dreg:s22], $0x5FFFF;
	_ =	strace $0x9000004C  }
0xc1: {  	s29 =	simm.s32 $0x9;
	_ =	strace $0x8000004E  }
0xc2: {  	_ =	swait.ge [sflag:s29], $0x1  }
0xc3: {  	[sflag:s29] =	ssyncadd.s32 $0xFFFFFFFF  }
0xc4: {  	_ =	strace $0x9000004E  }
0xc5: {  	_ =	sfence  }
0xc6: {  	s30 =	sld [smem:$0x0];
	_ =	sdelay $0x2  }
0xc7: {  	s31 =	sshll.u32 s1, $0xD;
	s1 =	sshrl.u32 s1, $0x2  }
0xc8: {  	s4 =	sand.u32 $0x4000, s31;
	s1 =	sadd.s32 s1, s30  }
0xc9: {  	s0 =	sor.u32 s4, s0;
	s1 =	sshll.u32 s1, $0x11  }
0xca: {  	s0 =	sor.u32 s1, s0  }
0xcb: {  	s0 =	sadd.s32 $0x8F2B, s0  }
0xcc: {  	[sflag:s0] =	ssyncadd.remote.s32 $0x1  }
0xcd: {  	_ =	sfence.sel $0xFFFF  }
0xce: {  	[dreg:$0x0] =	wrdreg $0xFFFFFFFF;
	(pc) =	sbr.abs _section_cstart, $3  }
0xcf: {  	[dreg:$0x1] =	wrdreg $0xFFFFFFFF  }
0xd0: {  	_ =	task.clear_ibuf [dreg:s22], $0x2FFFF;
	_ =	strace $0x9FFFFFFF  }
0xd1: {  	(tm) =	ssettm $0x7FFFFFFF  }
tec
execute0_lowered:
.L_overlay_start_1:
0x0: {  	(tag) =	ssettag $0x1  }
0x1: {  	s9 =	rddreg [dreg:$0x0]  }
0x2: {  	s0 =	srdreg.scid;
	s2 =	rddreg [dreg:$0x1]  }
0x3: {  	s3 =	simm.s32 $0x0;
	s6 =	sand.u32 $0x1, s0;
	s0 =	stileid.u32  }
0x4: {  	s13 =	simm.s32 $0x4BC00;
	[smem:$0x7FF] =	sst s3;
	s5 =	smul.u32 $0xA000, s0  }
0x5: {  	s1 =	sshll.u32 s6, $0x4;
	s7 =	ssub.s32 $0x2, s6;
	s10 =	smul.u32 $0x2800, s0  }
0x6: {  	p0 =	seq.s32 s6, $0x1;
	s15 =	sshll.u32 s0, $0x6;
	s4 =	sor.u32 s0, s1  }
0x7: {  	s1 =	rddreg [dreg:$0x2];
	_ =	strace $0x8000004D;
	s31 =	sshrl.u32 s7, $0x1  }
0x8: {  	s13 =	simm.s32 @!p0 $0x50C00;
	s15 =	sor.u32 $0x1C01, s15;
	s4 =	smul.u32 $0x500, s4  }
0x9: {  	s5 =	sshrl.u32 s5, $0x2;
	s12 =	ssub.s32 s7, s31;
	s14 =	sshrl.u32 s10, $0x3  }
0xa: {  	s13 =	sadd.s32 s13, s9;
	s8 =	sadd.s32 s5, s2;
	s11 =	sadd.s32 s4, s9  }
0xb: {  	s4 =	sadd.s32 s10, s2;
	s5 =	sadd.s32 $0x800, s8;
	s6 =	sadd.s32 $0x1000, s8  }
0xc: {  	s7 =	sadd.s32 $0x1800, s8;
	s8 =	sadd.s32 $0x2000, s8;
	s10 =	smax.u32 s12, $0x1  }
0xd: {  	s12 =	simm.s32 $0x2800;
	s9 =	sadd.s32 $0x41C00, s11;
	s11 =	sadd.s32 s13, s14  }
0xe: {  	v0 =	vimm.f32 $0.0e+00;
	v1 =	vimm.f32 $1.000000000e+00;
	s13 =	simm.s32 $0x1;
	s14 =	simm.s32 $0x7D;
	s16 =	sshrl.u32 s4, $0x3  }
.LBB2_1:
0xf: {  	s17 =	simm.s32 $0x40;
	s18 =	simm.s32 $0x0  }
.LBB2_2:
0x10: {  	p0 =	sne.s32 s17, $0x1FC0;
	[tilespmem:s18+$0x2800] =	vst v0;
	s18 =	smov.u32 s17;
	s17 =	sadd.s32 $0x40, s17  }
.Ltmp0:
0x11: {  	(pc) =	sbr.rel @p0 .LBB2_2-.Ltmp0, $2  }
0x12: {  	_ =	sdelay $0x2  }
0x13: {  	s18 =	sshra.s32 s18, $0x2  }
0x14: {  	[tilespmem:s18+$0x2800] =	vst v0  }
0x15: {  	[spmem:s4] =	stream.linear.scatter [tilespmem:s12], [sflag:$0x1], $0x800, $0x38;
	[tilespmem:$0x5800] =	vst v63  }
0x16: {  	_ =	swait.ge [sflag:s13], $0x800  }
0x17: {  	[sflag:s13] =	ssyncset.done $0x0  }
0x18: {  	[sflag:s13] =	ssyncadd.s32 $0xFFFFF800  }
0x19: {  	[spmem:s5] =	stream.linear.scatter [tilespmem:s12], [sflag:$0x1], $0x800, $0x38;
	[tilespmem:$0x5800] =	vst v63  }
0x1a: {  	_ =	swait.ge [sflag:s13], $0x800  }
0x1b: {  	[sflag:s13] =	ssyncset.done $0x0  }
0x1c: {  	[sflag:s13] =	ssyncadd.s32 $0xFFFFF800  }
0x1d: {  	[spmem:s6] =	stream.linear.scatter [tilespmem:s12], [sflag:$0x1], $0x800, $0x38;
	[tilespmem:$0x5800] =	vst v63  }
0x1e: {  	_ =	swait.ge [sflag:s13], $0x800  }
0x1f: {  	[sflag:s13] =	ssyncset.done $0x0  }
0x20: {  	[sflag:s13] =	ssyncadd.s32 $0xFFFFF800  }
0x21: {  	[spmem:s7] =	stream.linear.scatter [tilespmem:s12], [sflag:$0x1], $0x800, $0x38;
	[tilespmem:$0x5800] =	vst v63  }
0x22: {  	_ =	swait.ge [sflag:s13], $0x800  }
0x23: {  	[sflag:s13] =	ssyncset.done $0x0  }
0x24: {  	[sflag:s13] =	ssyncadd.s32 $0xFFFFF800  }
0x25: {  	[spmem:s8] =	stream.linear.scatter [tilespmem:s12], [sflag:$0x1], $0x800, $0x38;
	[tilespmem:$0x5800] =	vst v63  }
0x26: {  	_ =	swait.ge [sflag:s13], $0x800  }
0x27: {  	[sflag:s13] =	ssyncset.done $0x0  }
0x28: {  	[sflag:s13] =	ssyncadd.s32 $0xFFFFF800  }
0x29: {  	s17 =	simm.s32 $0x0;
	[bflag:$0x0] =	sbarrier.arrive $0xFFFF  }
0x2a: {  	[tilespmem:s17], [sflag:$0x1] =	stream.linear.gather [hbm4b:s9+s17], $0x2800, $0x38;
	[tilespmem:$0x5800] =	vst v63  }
0x2b: {  	_ =	swait.ge [sflag:s13], $0x2800  }
0x2c: {  	[sflag:s13] =	ssyncset.done $0x0  }
0x2d: {  	s18 =	simm.s32 $0x0;
	s17 =	simm.s32 $0x40;
	[sflag:s13] =	ssyncadd.s32 $0xFFFFD800  }
.LBB2_4:
0x2e: {  	p0 =	sne.s32 s17, $0x1F00;
	[tilespmem:s18+$0x2800] =	vst v1;
	s18 =	smov.u32 s17;
	s17 =	sadd.s32 $0x40, s17  }
.Ltmp1:
0x2f: {  	(pc) =	sbr.rel @p0 .LBB2_4-.Ltmp1, $2  }
0x30: {  	_ =	sdelay $0x2  }
0x31: {  	s18 =	sshra.s32 s18, $0x2  }
0x32: {  	[tilespmem:s18+$0x2800] =	vst v1;
	s17 =	simm.s32 $0x0  }
0x33: {  	[spmem:s2] =	stream.indirect.scatter.add.f32 [tilespmem:s12], [sflag:$0x1], $0x10, s17, s14, $0xb8;
	[tilespmem:$0x5800] =	vst v63  }
0x34: {  	_ =	swait.ge [sflag:s13], $0x7D0  }
0x35: {  	s17 =	simm.s32 $0x200;
	[sflag:s13] =	ssyncset.done $0x0  }
.LBB2_6:
0x36: {  	s18 =	sshra.s32 s17, $0x2;
	[sflag:s13] =	ssyncadd.s32 $0xFFFFF830;
	p0 =	sne.s32 s17, $0x9E00  }
0x37: {  	[spmem:s2] =	stream.indirect.scatter.add.f32 [tilespmem:s12], [sflag:$0x1], $0x10, s18, s14, $0xb8;
	[tilespmem:$0x5800] =	vst v63  }
.Ltmp2:
0x38: {  	_ = 	snop;
	(pc) =	sbr.rel @p0 .LBB2_6-.Ltmp2, $4  }
0x39: {  	_ = 	snop  }
0x3a: {  	s17 =	sadd.s32 $0x200, s17  }
0x3b: {  	_ =	swait.ge [sflag:s13], $0x7D0  }
0x3c: {  	[sflag:s13] =	ssyncset.done $0x0  }
0x3d: {  	s3 =	sadd.s32 $0x1, s3  }
0x3e: {  	[sflag:s13] =	ssyncadd.s32 $0xFFFFF830;
	p0 =	sne.s32 s3, s10  }
.Ltmp3:
0x3f: {  	[bflag:$0x0] =	sbarrier.arrive $0xFFFF;
	(pc) =	sbr.rel @p0 .LBB2_1-.Ltmp3, $4  }
0x40: {  	[hbm:s11], [sflag:s15] =	dma.local [spmem:s16], $0x500  }
0x41: {  	_ =	swait.ge [sflag:s13], $0x500  }
0x42: {  	[sflag:s13] =	ssyncset.done $0x0  }
0x43: {  	[sflag:s13] =	ssyncadd.s32 $0xFFFFFB00  }
0x44: {  	_ =	sfence.sel $0x180000  }
0x45: {  	[bflag:$0x0] =	sbarrier.arrive $0xFFFF  }
0x46: {  	p0 =	sne.s32 s0, $0x0;
	_ =	strace $0x9000004D  }
0x47: {  	s0 =	sadd.s32 @!p0 $0x100000, s1;
	[bflag:$0x2] =	sbarrier.arrive $0xFFFF  }
0x48: {  	[sflag:s0] =	ssyncadd.tile.s32 @!p0 $0x1;
	_ =	shalt  }
.Lfunc_end2:
_tile_overlayer_lowered:
.L_overlay_start_2:
0x49: {  	(tag) =	ssettag $0x2  }
0x4a: {  	s0 =	rddreg [dreg:$0x0];
	s2 =	stileid.u32  }
0x4b: {  	s1 =	rddreg [dreg:$0x1];
	p0 =	sne.s32 s2, $0x0  }
0x4c: {  	s3 =	rddreg [dreg:$0x2];
	[bflag:$0x3] =	sbarrier.arrive $0xFFFF;
	s2 =	simm.s32 @!p0 $0x1C01  }
0x4d: {  	[timem:s3], [sflag:s2] =	dma.local @!p0 [hbm:s0], s1  }
0x4e: {  	s0 =	simm.s32 @!p0 $0x1  }
0x4f: {  	_ =	swait.ge @!p0 [sflag:s0], s1  }
0x50: {  	s1 =	ssub.s32 @!p0 $0x0, s1;
	[sflag:s0] =	ssyncset.done @!p0 $0x0  }
0x51: {  	[sflag:s0] =	ssyncadd.s32 @!p0 s1  }
0x52: {  	[bflag:$0x3] =	sbarrier.arrive $0xFFFF  }
0x53: {  	_ =	shalt  }

// kernel: kernel.13.cloned.1.call-start
scs
__scs_entry_jumppad:
0x0: {  	(pc) =	sbr.rel $0x88, $3  }
0x1: {  	(tag) =	ssettag $0x0;
	lr =	simm.s32 $0x1  }
0x2: {  	[smem:$0x3F95] =	sst lr;
	_ =	strace $0xD0000000  }
0x3: {  	_ = 	snop  }
0x4: {  	_ = 	snop  }
0x5: {  	_ = 	snop  }
0x6: {  	_ = 	snop  }
0x7: {  	_ = 	snop  }
__scs_overlays_trampoline_lowered:
0x8: {  	[smem:$0x3FA4] =	sst s0  }
0x9: {  	[smem:$0x3FA5] =	sst s1  }
0xa: {  	[smem:$0x3FA6] =	sst s2  }
0xb: {  	[smem:$0x3FA7] =	sst s3  }
0xc: {  	[smem:$0x3FA8] =	sst s4  }
0xd: {  	[smem:$0x3FA9] =	sst s5  }
0xe: {  	[smem:$0x3FAA] =	sst s6  }
0xf: {  	[smem:$0x3FAB] =	sst s7  }
0x10: {  	[smem:$0x3FAC] =	sst s8  }
0x11: {  	[smem:$0x3FAD] =	sst s9;
	s0 =	simm.s32 @!p0 $0x0  }
0x12: {  	s1 =	sld [smem:$0x3F93];
	s0 =	simm.s32 @p0 $0x1  }
0x13: {  	[smem:$0x3FAE] =	sst s0;
	s0 =	simm.s32 @!p1 $0x0  }
0x14: {  	s2 =	sld [smem:$0x3F92];
	s0 =	simm.s32 @p1 $0x1  }
0x15: {  	[smem:$0x3FAF] =	sst s0;
	s0 =	simm.s32 @!p2 $0x0  }
0x16: {  	s3 =	sld [smem:$0x3FDB];
	s0 =	simm.s32 @p2 $0x1  }
0x17: {  	s4 =	simm.s32 $0x1BF5;
	[smem:$0x3FB1] =	sst s0  }
0x18: {  	s0 =	sld [smem:$0x3F94];
	_ =	swait.ge [sflag:s4], $0x0  }
0x19: {  	s7 =	sld [smem:$0x3F95]  }
0x1a: {  	s8 =	sadd.s32 $0xFFFFE003, lr  }
0x1b: {  	s9 =	sadd.s32 $0xFFFFFEF7, lr;
	s5 =	simm.s32 $0xFFFFFFFF;
	p2 =	slt.u32 s8, $0xFFFFF086  }
0x1c: {  	p1 =	slt.u32 s9, $0xF7A;
	s5 =	simm.s32 @!p2 $0x0  }
0x1d: {  	s5 =	simm.s32 @p1 $0x1;
	p0 =	seq.s32 s7, s2  }
0x1e: {  	s7 =	smul.u32 @!p0 $0xF7A, s2;
	p2 =	seq.s32 @!p0 s5, $0x0  }
0x1f: {  	s9 =	smul.u32 $0xF7A, s1;
	s8 =	simm.s32 @!p0 $0x1BF5;
	p2 =	por !p2, p0  }
0x20: {  	[sflag:s8] =	ssyncset.s32 @!p0 $0xFFFFF086;
	s6 =	sadd.s32 @!p0 s3, s7;
	s7 =	simm.s32 @!p0 $0x108  }
0x21: {  	s3 =	sadd.s32 s3, s9;
	s6 =	sadd.s32 @!p0 $0x88, s6;
	s7 =	simm.s32 @p2 $0x1082  }
0x22: {  	[simem:s7], [sflag:s8] =	dma.local @!p0 [hbm:s6], $0xF7A  }
0x23: {  	s9 =	sor.u32 $0xD0000000, s2;
	s6 =	simm.s32 $0x108;
	_ =	swait.ge @!p0 [sflag:s8], $0x0  }
0x24: {  	s3 =	sadd.s32 $0x88, s3;
	s6 =	simm.s32 @!p1 $0x1082;
	[sflag:s4] =	ssyncset.s32 $0xFFFFF086  }
0x25: {  	[simem:s6], [sflag:s4] =	dma.local [hbm:s3], $0xF7A  }
0x26: {  	[smem:$0x3F95] =	sst s1;
	(tag) =	ssettag s2;
	_ =	strace s9  }
0x27: {  	s1 =	sld [smem:$0x3FA5]  }
0x28: {  	s2 =	sld [smem:$0x3FA6]  }
0x29: {  	s4 =	sld [smem:$0x3FA8]  }
0x2a: {  	p0 =	seq.s32 s5, $0x0;
	s5 =	sld [smem:$0x3FA9]  }
0x2b: {  	s6 =	sld [smem:$0x3FAA]  }
0x2c: {  	s7 =	sld [smem:$0x3FAB]  }
0x2d: {  	s3 =	simm.s32 $0x108;
	s8 =	sld [smem:$0x3FAC]  }
0x2e: {  	s3 =	simm.s32 @!p0 $0x1082;
	s9 =	sld [smem:$0x3FAD]  }
0x2f: {  	lr =	sadd.s32 s0, s3;
	s0 =	sld [smem:$0x3FA4]  }
0x30: {  	s3 =	sld [smem:$0x3FA7]  }
0x31: {  	[smem:$0x3FB0] =	sst s10  }
0x32: {  	s10 =	sld [smem:$0x3FAE];
	_ =	sdelay $0x3  }
0x33: {  	p0 =	seq.s32 s10, $0x1;
	s10 =	sld [smem:$0x3FB0];
	_ =	sdelay $0x3  }
0x34: {  	[smem:$0x3FB0] =	sst s10  }
0x35: {  	s10 =	sld [smem:$0x3FAF];
	_ =	sdelay $0x3  }
0x36: {  	p1 =	seq.s32 s10, $0x1;
	s10 =	sld [smem:$0x3FB0];
	_ =	sdelay $0x3  }
0x37: {  	[smem:$0x3FB0] =	sst s10  }
0x38: {  	s10 =	sld [smem:$0x3FB1]  }
0x39: {  	_ = 	snop;
	(pc) =	sbr.ind lr, $3  }
0x3a: {  	_ = 	snop  }
0x3b: {  	_ = 	snop  }
0x3c: {  	p2 =	seq.s32 s10, $0x1;
	s10 =	sld [smem:$0x3FB0]  }
0x3d: {  	_ =	shalt  }
0x3e: {  	_ =	shalt  }
0x3f: {  	_ =	shalt  }
0x40: {  	_ =	shalt  }
0x41: {  	_ =	shalt  }
0x42: {  	_ =	shalt  }
0x43: {  	_ =	shalt  }
0x44: {  	_ =	shalt  }
0x45: {  	_ =	shalt  }
0x46: {  	_ =	shalt  }
0x47: {  	_ =	shalt  }
0x48: {  	_ =	shalt  }
0x49: {  	_ =	shalt  }
0x4a: {  	_ =	shalt  }
0x4b: {  	_ =	shalt  }
0x4c: {  	_ =	shalt  }
0x4d: {  	_ =	shalt  }
0x4e: {  	_ =	shalt  }
0x4f: {  	_ =	shalt  }
0x50: {  	_ =	shalt  }
0x51: {  	_ =	shalt  }
0x52: {  	_ =	shalt  }
0x53: {  	_ =	shalt  }
0x54: {  	_ =	shalt  }
0x55: {  	_ =	shalt  }
0x56: {  	_ =	shalt  }
0x57: {  	_ =	shalt  }
0x58: {  	_ =	shalt  }
0x59: {  	_ =	shalt  }
0x5a: {  	_ =	shalt  }
0x5b: {  	_ =	shalt  }
0x5c: {  	_ =	shalt  }
0x5d: {  	_ =	shalt  }
0x5e: {  	_ =	shalt  }
0x5f: {  	_ =	shalt  }
0x60: {  	_ =	shalt  }
0x61: {  	_ =	shalt  }
0x62: {  	_ =	shalt  }
0x63: {  	_ =	shalt  }
0x64: {  	_ =	shalt  }
0x65: {  	_ =	shalt  }
0x66: {  	_ =	shalt  }
0x67: {  	_ =	shalt  }
0x68: {  	_ =	shalt  }
0x69: {  	_ =	shalt  }
0x6a: {  	_ =	shalt  }
0x6b: {  	_ =	shalt  }
0x6c: {  	_ =	shalt  }
0x6d: {  	_ =	shalt  }
0x6e: {  	_ =	shalt  }
0x6f: {  	_ =	shalt  }
0x70: {  	_ =	shalt  }
0x71: {  	_ =	shalt  }
0x72: {  	_ =	shalt  }
0x73: {  	_ =	shalt  }
0x74: {  	_ =	shalt  }
0x75: {  	_ =	shalt  }
0x76: {  	_ =	shalt  }
0x77: {  	_ =	shalt  }
0x78: {  	_ =	shalt  }
0x79: {  	_ =	shalt  }
0x7a: {  	_ =	shalt  }
0x7b: {  	_ =	shalt  }
0x7c: {  	_ =	shalt  }
0x7d: {  	_ =	shalt  }
0x7e: {  	_ =	shalt  }
0x7f: {  	_ =	shalt  }
0x80: {  	_ =	shalt  }
0x81: {  	_ =	shalt  }
0x82: {  	_ =	shalt  }
0x83: {  	_ =	shalt  }
0x84: {  	_ =	shalt  }
0x85: {  	_ =	shalt  }
0x86: {  	_ =	shalt  }
0x87: {  	_ =	shalt  }
.Lfunc_end0:
.L_simem_size_0:
called_computation.1_lowered:
.L_overlay_start_0:
0x88: {  	s2 =	sld [smem:$0x3FD9]  }
0x89: {  	s3 =	sld [smem:$0x3FFE];
	_ =	sdelay $0x1  }
0x8a: {  	s1 =	srdreg.scid  }
0x8b: {  	s0 =	sand.u32 $0x1, s1  }
0x8c: {  	s17 =	sshll.u32 s0, $0xA;
	s2 =	sadd.s32 s3, s2  }
0x8d: {  	s2 =	sadd.s32 s2, s17  }
0x8e: {  	[smem:$0x3FBC] =	sst s2  }
0x8f: {  	_ = 	snop  }
0x90: {  	s2 =	sld [smem:$0x3FD0];
	(tm) =	ssettm $0x1  }
0x91: {  	s18 =	sld [smem:$0x3FFB];
	_ =	sdelay $0x3  }
0x92: {  	_ =	strace s18  }
0x93: {  	s3 =	sld [smem:$0x3FFC];
	_ =	sdelay $0x3  }
0x94: {  	_ =	strace s3  }
0x95: {  	s3 =	sld [smem:$0x3FFD];
	_ =	sdelay $0x3  }
0x96: {  	_ =	strace s3  }
0x97: {  	_ =	strace $0x8FFFFFFF  }
0x98: {  	s19 =	sld [smem:$0x3FDB];
	_ =	sdelay $0x1  }
0x99: {  	s4 =	simm.s32 $_scs_section_size  }
0x9a: {  	s5 =	simm.s32 $_size__tile_overlayer_lowered;
	s6 =	simm.s32 $_tile_overlayer_lowered  }
0x9b: {  	s22 =	simm.s32 $0x1BFF;
	s21 =	sshll.u32 s6, $0x1;
	s3 =	sadd.s32 s4, s19  }
0x9c: {  	s7 =	simm.s32 $0x0;
	s20 =	sshll.u32 s5, $0x1;
	s5 =	sadd.s32 s21, s3  }
0x9d: {  	[timem:s7], [sflag:s22] =	dma.local [hbm:s5], s20  }
0x9e: {  	_ =	swait.ge [sflag:s22], s20  }
0x9f: {  	s4 =	ssub.s32 $0x0, s20;
	[sflag:s22] =	ssyncset.done $0x0  }
0xa0: {  	[sflag:s22] =	ssyncadd.s32 s4;
	_ =	sdelay $0x1  }
0xa1: {  	s23 =	simm.s32 $0x1B8B  }
0xa2: {  	_ =	swait.ge [sflag:s23], $0x1  }
0xa3: {  	[sflag:s23] =	ssyncset.done $0x0  }
0xa4: {  	s25 =	simm.s32 $0x1B8E;
	s24 =	sld [smem:$0x3FFE];
	[sflag:s23] =	ssyncadd.s32 $0xFFFFFFFF  }
0xa5: {  	s26 =	simm.s32 $execute0_lowered;
	[smem:$0x3FD2] =	sst s25  }
0xa6: {  	s5 =	sshll.u32 s26, $0x1;
	_ =	strace $0x80000046;
	[dreg:$0x1] =	wrdreg $0xFFFFFFFF  }
0xa7: {  	s28 =	simm.s32 $_size_execute0_lowered;
	s3 =	sadd.s32 s3, s5;
	[dreg:$0x0] =	wrdreg $0x0  }
0xa8: {  	s5 =	sshll.u32 s28, $0x1;
	[dreg:$0x2] =	wrdreg s3  }
0xa9: {  	[dreg:$0x3] =	wrdreg s5  }
0xaa: {  	[dreg:$0x4] =	wrdreg $0xC0  }
0xab: {  	_ =	task [dreg:s7], $0x5FFFF  }
0xac: {  	[dreg:$0x1] =	wrdreg $0xFFFFFFFF  }
0xad: {  	[dreg:$0x0] =	wrdreg $0x60  }
0xae: {  	[dreg:$0x2] =	wrdreg s24  }
0xaf: {  	[dreg:$0x3] =	wrdreg s2  }
0xb0: {  	[dreg:$0x4] =	wrdreg $0x9  }
0xb1: {  	_ =	task.clear_ibuf [dreg:s7], $0x5FFFF;
	_ =	strace $0x90000046  }
0xb2: {  	s29 =	simm.s32 $0x9;
	_ =	strace $0x80000048  }
0xb3: {  	_ =	swait.ge [sflag:s29], $0x1  }
0xb4: {  	[sflag:s29] =	ssyncadd.s32 $0xFFFFFFFF  }
0xb5: {  	_ =	strace $0x90000048  }
0xb6: {  	_ =	sfence  }
0xb7: {  	s30 =	sld [smem:$0x0];
	_ =	sdelay $0x2  }
0xb8: {  	s31 =	sshll.u32 s1, $0xD;
	s1 =	sshrl.u32 s1, $0x2  }
0xb9: {  	s3 =	sand.u32 $0x4000, s31;
	s1 =	sadd.s32 s1, s30  }
0xba: {  	s0 =	sor.u32 s3, s0;
	s1 =	sshll.u32 s1, $0x11  }
0xbb: {  	s0 =	sor.u32 s1, s0  }
0xbc: {  	s0 =	sadd.s32 $0x8F2B, s0  }
0xbd: {  	[sflag:s0] =	ssyncadd.remote.s32 $0x1  }
0xbe: {  	_ =	sfence.sel $0xFFFF  }
0xbf: {  	[dreg:$0x0] =	wrdreg $0xFFFFFFFF;
	(pc) =	sbr.abs _section_cstart, $3  }
0xc0: {  	[dreg:$0x1] =	wrdreg $0xFFFFFFFF  }
0xc1: {  	_ =	task.clear_ibuf [dreg:s7], $0x2FFFF;
	_ =	strace $0x9FFFFFFF  }
0xc2: {  	(tm) =	ssettm $0x7FFFFFFF  }
0xc3: {  	_ =	shalt  }
tec
execute0_lowered:
.L_overlay_start_1:
0x0: {  	(tag) =	ssettag $0x1  }
0x1: {  	s0 =	srdreg.scid;
	s4 =	rddreg [dreg:$0x0]  }
0x2: {  	s2 =	rddreg [dreg:$0x1];
	s1 =	stileid.u32  }
0x3: {  	s3 =	simm.s32 $0x0;
	s12 =	simm.s32 $0x1;
	s13 =	simm.s32 $0x4E20  }
0x4: {  	s14 =	simm.s32 $0x7620;
	s15 =	simm.s32 $0x2710;
	s5 =	sand.u32 $0x1, s0  }
0x5: {  	s17 =	simm.s32 $0xC5C0;
	s18 =	simm.s32 $0xEDC0;
	s6 =	sshll.u32 s5, $0x4  }
0x6: {  	s19 =	simm.s32 $0x0;
	s0 =	rddreg [dreg:$0x2];
	s16 =	sor.u32 s1, s6  }
0x7: {  	[smem:$0x7FF] =	sst s3;
	s5 =	ssub.s32 $0x2, s5;
	s6 =	smul.u32 $0x4E2, s16  }
0x8: {  	_ =	strace $0x80000047;
	s31 =	sshrl.u32 s5, $0x1;
	s7 =	smul.u32 $0x4F4, s16  }
0x9: {  	s8 =	sshll.u32 s16, $0x1;
	s11 =	ssub.s32 s5, s31;
	p0 =	sne.s32 s16, $0x0  }
0xa: {  	s16 =	simm.s32 $0x9E20;
	s10 =	sadd.s32 s8, s4;
	s6 =	sadd.s32 s6, s4  }
0xb: {  	v0 =	vlaneseq.u32;
	s9 =	sadd.s32 s7, s4;
	s4 =	sadd.s32 $0x19600, s4;
	s5 =	sadd.s32 $0xF800, s6  }
0xc: {  	v1 =	vimm.f32 $0.0e+00;
	v2 =	vimm.f32 $1.000000000e+00;
	v5 =	vimm.s32 $0x0;
	s6 =	sadd.s32 $0x5A00, s6;
	s7 =	sadd.s32 $0x19800, s9;
	s8 =	sadd.s32 $0x23800, s9  }
0xd: {  	v6 =	vimm.s32 $0x28;
	v3 =	vor.u32 $0x10, v0;
	v4 =	vor.u32 $0x20, v0;
	s9 =	sadd.s32 $0x2D800, s10;
	s10 =	smax.u32 s11, $0x1;
	s11 =	simm.s32 $0xED60  }
.LBB2_1:
0xe: {  	s20 =	simm.s32 $0x40;
	s21 =	simm.s32 $0x0  }
.LBB2_2:
0xf: {  	p1 =	sne.s32 s20, $0x9FC0;
	[tilespmem:s21+$0x4E20] =	vst v1;
	s21 =	smov.u32 s20;
	s20 =	sadd.s32 $0x40, s20  }
.Ltmp0:
0x10: {  	(pc) =	sbr.rel @p1 .LBB2_2-.Ltmp0, $2  }
0x11: {  	_ =	sdelay $0x2  }
0x12: {  	s21 =	sshra.s32 s21, $0x2  }
0x13: {  	[tilespmem:s21+$0x4E20] =	vst v1;
	s20 =	simm.s32 $0x0  }
0x14: {  	[tilespmem:s11], [sflag:$0x1] =	stream.linear.gather [hbm4b:s2+s20], $0x30, $0x38;
	[tilespmem:$0xEDD0] =	vst v63  }
0x15: {  	_ =	swait.ge [sflag:s12], $0x30  }
0x16: {  	[sflag:s12] =	ssyncset.done $0x0  }
0x17: {  	[sflag:s12] =	ssyncadd.s32 $0xFFFFFFD0  }
0x18: {  	v7 =	vld [tilespmem:$0xED60];
	_ =	sdelay $0x7  }
0x19: {  	[tilespmem:v7+s13+$0x0] =	vst.idx.msk $0xffff, v2  }
0x1a: {  	[tilespmem:v7+s14+$0x0] =	vst.idx.msk $0xffff, v0  }
0x1b: {  	v7 =	vld [tilespmem:$0xED70];
	_ =	sdelay $0x7  }
0x1c: {  	[tilespmem:v7+s13+$0x0] =	vst.idx.msk $0xffff, v2  }
0x1d: {  	[tilespmem:v7+s14+$0x0] =	vst.idx.msk $0xffff, v3  }
0x1e: {  	v7 =	vld [tilespmem:$0xED80];
	_ =	sdelay $0x7  }
0x1f: {  	[tilespmem:v7+s13+$0x0] =	vst.idx.msk $0xffff, v2  }
0x20: {  	[tilespmem:v7+s14+$0x0] =	vst.idx.msk $0xffff, v4  }
0x21: {  	[tilespmem:s20], [sflag:$0x1] =	stream.linear.gather [hbm4b:s5+s20], $0x2710, $0x38;
	[tilespmem:$0xEDD0] =	vst v63  }
0x22: {  	_ =	swait.ge [sflag:s12], $0x2710  }
0x23: {  	[sflag:s12] =	ssyncset.done $0x0  }
0x24: {  	[sflag:s12] =	ssyncadd.s32 $0xFFFFD8F0  }
0x25: {  	[tilespmem:s15], [sflag:$0x1] =	stream.linear.gather [hbm4b:s6+s20], $0x2710, $0x38;
	[tilespmem:$0xEDD0] =	vst v63  }
0x26: {  	_ =	swait.ge [sflag:s12], $0x2710  }
0x27: {  	[sflag:s12] =	ssyncset.done $0x0  }
0x28: {  	s31 =	simm.s32 $0x0;
	[sflag:s12] =	ssyncadd.s32 $0xFFFFD8F0  }
0x29: {  	v7 =	vld [tilespmem:s31+$0x2710];
	_ =	sdelay $0x7  }
0x2a: {  	v8 =	vld.idx.msk [tilespmem:v7+s13+$0x0], $0xffff;
	_ =	sdelay $0x1  }
0x2b: {  	v9 =	vld [tilespmem:s31+$0x0]  }
0x2c: {  	v7 =	vld.idx.msk [tilespmem:v7+s14+$0x0], $0xffff;
	_ =	sdelay $0x1  }
0x2d: {  	vm0 =	vgt.f32 v8, $5.000000000e-01  }
0x2e: {  	v8 =	vmpcnt.ones.xlane vm0  }
0x2f: {  	[tilespmem:s20+$0x9E20] =	vst.msk vm0, v9  }
0x30: {  	s22 =	simm.s32 $0x10;
	s21 =	simm.s32 $0x80;
	[tilespmem:s20+$0xC5C0] =	vst.msk vm0, v7;
	(v2sf) =	vpush v8, $0x0  }
.LBB2_4:
0x31: {  	p1 =	sne.s32 s21, $0x9C00;
	v7 =	vld [tilespmem:s22+$0x2710];
	_ =	sdelay $0x7  }
0x32: {  	v8 =	vld.idx.msk [tilespmem:v7+s13+$0x0], $0xffff  }
0x33: {  	v7 =	vld.idx.msk [tilespmem:v7+s14+$0x0], $0xffff;
	_ =	sdelay $0x1  }
0x34: {  	v9 =	vld [tilespmem:s22+$0x0];
	_ =	sdelay $0x1  }
.Ltmp1:
0x35: {  	(pc) =	sbr.rel @p1 .LBB2_4-.Ltmp1, $4  }
0x36: {  	vm0 =	vgt.f32 v8, $5.000000000e-01;
	s22 =	spop (v2sf)  }
0x37: {  	v8 =	vmpcnt.ones.xlane vm0;
	s20 =	sadd.s32 s20, s22  }
0x38: {  	[tilespmem:s20+$0x9E20] =	vst.msk vm0, v9  }
0x39: {  	s22 =	sshra.s32 s21, $0x2;
	s21 =	sadd.s32 $0x40, s21;
	[tilespmem:s20+$0xC5C0] =	vst.msk vm0, v7;
	(v2sf) =	vpush v8, $0x0  }
0x3a: {  	v7 =	vld [tilespmem:s22+$0x2710];
	_ =	sdelay $0x7  }
0x3b: {  	v8 =	vld.idx.msk [tilespmem:v7+s13+$0x0], $0xffff;
	_ =	sdelay $0x4  }
0x3c: {  	vm0 =	vgt.f32 v8, $5.000000000e-01  }
0x3d: {  	v8 =	vmpcnt.ones.xlane vm0;
	_ =	sdelay $0x1  }
0x3e: {  	(v2sf) =	vpush v8, $0x0;
	_ =	sdelay $0x9  }
0x3f: {  	v8 =	vld [tilespmem:s22+$0x0]  }
0x40: {  	v7 =	vld.idx.msk [tilespmem:v7+s14+$0x0], $0xffff;
	_ =	sdelay $0x1  }
0x41: {  	s21 =	spop (v2sf)  }
0x42: {  	s20 =	sadd.s32 s20, s21  }
0x43: {  	[tilespmem:s20+$0x9E20] =	vst.msk vm0, v8;
	s31 =	spop (v2sf)  }
0x44: {  	[tilespmem:s20+$0xC5C0] =	vst.msk vm0, v7;
	s20 =	sadd.s32 s20, s31  }
0x45: {  	[tilespmem:s20+$0x9E20] =	vst v5  }
0x46: {  	[tilespmem:s20+$0xC5C0] =	vst v6  }
0x47: {  	[tilespmem:s20+$0x9E30] =	vst v5  }
0x48: {  	[tilespmem:s20+$0xC5D0] =	vst v6  }
0x49: {  	[tilespmem:s20+$0x9E40] =	vst v5  }
0x4a: {  	[tilespmem:s20+$0xC5E0] =	vst v6  }
0x4b: {  	[tilespmem:s20+$0x9E50] =	vst v5  }
0x4c: {  	[tilespmem:s20+$0xC5F0] =	vst v6  }
0x4d: {  	[tilespmem:s20+$0x9E60] =	vst v5  }
0x4e: {  	[tilespmem:s20+$0xC600] =	vst v6  }
0x4f: {  	[tilespmem:s20+$0x9E70] =	vst v5  }
0x50: {  	[tilespmem:s20+$0xC610] =	vst v6  }
0x51: {  	[tilespmem:s20+$0x9E80] =	vst v5  }
0x52: {  	[tilespmem:s20+$0xC620] =	vst v6  }
0x53: {  	[tilespmem:s20+$0x9E90] =	vst v5  }
0x54: {  	[tilespmem:s20+$0xC630] =	vst v6;
	v7 =	vmov s20  }
0x55: {  	[tilespmem:$0xEDC0] =	vst v7  }
0x56: {  	[hbm4b:s7+s3] =	stream.linear.scatter [tilespmem:s16], [sflag:$0x1], $0x27A0, $0x38;
	[tilespmem:$0xEDD0] =	vst v63  }
0x57: {  	_ =	swait.ge [sflag:s12], $0x27A0  }
0x58: {  	[sflag:s12] =	ssyncset.done $0x0  }
0x59: {  	[sflag:s12] =	ssyncadd.s32 $0xFFFFD860  }
0x5a: {  	[hbm4b:s8+s3] =	stream.linear.scatter [tilespmem:s17], [sflag:$0x1], $0x27A0, $0x38;
	[tilespmem:$0xEDD0] =	vst v63  }
0x5b: {  	_ =	swait.ge [sflag:s12], $0x27A0  }
0x5c: {  	[sflag:s12] =	ssyncset.done $0x0  }
0x5d: {  	[sflag:s12] =	ssyncadd.s32 $0xFFFFD860  }
0x5e: {  	[hbm4b:s9+s3] =	stream.linear.scatter [tilespmem:s18], [sflag:$0x1], $0x10, $0x38;
	[tilespmem:$0xEDD0] =	vst v63  }
0x5f: {  	_ =	swait.ge [sflag:s12], $0x10  }
0x60: {  	[sflag:s12] =	ssyncset.done $0x0  }
0x61: {  	[sflag:s12] =	ssyncadd.s32 $0xFFFFFFF0  }
0x62: {  	v7 =	vld @!p0 [tilespmem:$0xED60];
	_ =	sdelay $0x5  }
0x63: {  	v8 =	vld @!p0 [tilespmem:$0xED70]  }
0x64: {  	s20 =	simm.s32 @!p0 $0x7620  }
0x65: {  	v7 =	vld.idx.msk @!p0 [tilespmem:v7+s20+$0x0], $0xffff;
	_ =	sdelay $0x3  }
0x66: {  	v9 =	vld @!p0 [tilespmem:$0xED80]  }
0x67: {  	[tilespmem:$0xED90] =	vst @!p0 v7  }
0x68: {  	v7 =	vld.idx.msk @!p0 [tilespmem:v8+s20+$0x0], $0xffff;
	_ =	sdelay $0x4  }
0x69: {  	[tilespmem:$0xEDA0] =	vst @!p0 v7  }
0x6a: {  	v7 =	vld.idx.msk @!p0 [tilespmem:v9+s20+$0x0], $0xffff;
	_ =	sdelay $0x3  }
0x6b: {  	s19 =	sadd.s32 $0x1, s19  }
0x6c: {  	p1 =	sne.s32 s19, s10;
	s21 =	simm.s32 @!p0 $0xED90;
	s20 =	simm.s32 @!p0 $0x0;
	[tilespmem:$0xEDB0] =	vst @!p0 v7  }
0x6d: {  	[hbm4b:s4+s20] =	stream.linear.scatter @!p0 [tilespmem:s21], [sflag:$0x1], $0x30, $0x38;
	[tilespmem:$0xEDD0] =	vst v63  }
.Ltmp2:
0x6e: {  	_ = 	snop;
	(pc) =	sbr.rel @p1 .LBB2_1-.Ltmp2, $4  }
0x6f: {  	s20 =	simm.s32 @!p0 $0x1  }
0x70: {  	_ =	swait.ge @!p0 [sflag:s20], $0x30  }
0x71: {  	[sflag:s20] =	ssyncset.done @!p0 $0x0  }
0x72: {  	[sflag:s20] =	ssyncadd.s32 @!p0 $0xFFFFFFD0  }
0x73: {  	_ =	sfence.sel $0x180000  }
0x74: {  	[bflag:$0x0] =	sbarrier.arrive $0xFFFF  }
0x75: {  	p0 =	sne.s32 s1, $0x0;
	_ =	strace $0x90000047  }
0x76: {  	s0 =	sadd.s32 @!p0 $0x100000, s0;
	[bflag:$0x2] =	sbarrier.arrive $0xFFFF  }
0x77: {  	[sflag:s0] =	ssyncadd.tile.s32 @!p0 $0x1;
	_ =	shalt  }
.Lfunc_end2:
_tile_overlayer_lowered:
.L_overlay_start_2:
0x78: {  	(tag) =	ssettag $0x2  }
0x79: {  	s0 =	rddreg [dreg:$0x0];
	s2 =	stileid.u32  }
0x7a: {  	s1 =	rddreg [dreg:$0x1];
	p0 =	sne.s32 s2, $0x0  }
0x7b: {  	s3 =	rddreg [dreg:$0x2];
	[bflag:$0x3] =	sbarrier.arrive $0xFFFF;
	s2 =	simm.s32 @!p0 $0x1C01  }
0x7c: {  	[timem:s3], [sflag:s2] =	dma.local @!p0 [hbm:s0], s1  }
0x7d: {  	s0 =	simm.s32 @!p0 $0x1  }
0x7e: {  	_ =	swait.ge @!p0 [sflag:s0], s1  }
0x7f: {  	s1 =	ssub.s32 @!p0 $0x0, s1;
	[sflag:s0] =	ssyncset.done @!p0 $0x0  }
0x80: {  	[sflag:s0] =	ssyncadd.s32 @!p0 s1  }
0x81: {  	[bflag:$0x3] =	sbarrier.arrive $0xFFFF  }
0x82: {  	_ =	shalt  }

// kernel: kernel.16.cloned.1.call-start
scs
__scs_entry_jumppad:
0x0: {  	(pc) =	sbr.rel $0x88, $3  }
0x1: {  	(tag) =	ssettag $0x0;
	lr =	simm.s32 $0x1  }
0x2: {  	[smem:$0x3F95] =	sst lr;
	_ =	strace $0xD0000000  }
0x3: {  	_ = 	snop  }
0x4: {  	_ = 	snop  }
0x5: {  	_ = 	snop  }
0x6: {  	_ = 	snop  }
0x7: {  	_ = 	snop  }
__scs_overlays_trampoline_lowered:
0x8: {  	[smem:$0x3FA4] =	sst s0  }
0x9: {  	[smem:$0x3FA5] =	sst s1  }
0xa: {  	[smem:$0x3FA6] =	sst s2  }
0xb: {  	[smem:$0x3FA7] =	sst s3  }
0xc: {  	[smem:$0x3FA8] =	sst s4  }
0xd: {  	[smem:$0x3FA9] =	sst s5  }
0xe: {  	[smem:$0x3FAA] =	sst s6  }
0xf: {  	[smem:$0x3FAB] =	sst s7  }
0x10: {  	[smem:$0x3FAC] =	sst s8  }
0x11: {  	[smem:$0x3FAD] =	sst s9;
	s0 =	simm.s32 @!p0 $0x0  }
0x12: {  	s1 =	sld [smem:$0x3F93];
	s0 =	simm.s32 @p0 $0x1  }
0x13: {  	[smem:$0x3FAE] =	sst s0;
	s0 =	simm.s32 @!p1 $0x0  }
0x14: {  	s2 =	sld [smem:$0x3F92];
	s0 =	simm.s32 @p1 $0x1  }
0x15: {  	[smem:$0x3FAF] =	sst s0;
	s0 =	simm.s32 @!p2 $0x0  }
0x16: {  	s3 =	sld [smem:$0x3FDB];
	s0 =	simm.s32 @p2 $0x1  }
0x17: {  	s4 =	simm.s32 $0x1BF5;
	[smem:$0x3FB1] =	sst s0  }
0x18: {  	s0 =	sld [smem:$0x3F94];
	_ =	swait.ge [sflag:s4], $0x0  }
0x19: {  	s7 =	sld [smem:$0x3F95]  }
0x1a: {  	s8 =	sadd.s32 $0xFFFFE003, lr  }
0x1b: {  	s9 =	sadd.s32 $0xFFFFFEF7, lr;
	s5 =	simm.s32 $0xFFFFFFFF;
	p2 =	slt.u32 s8, $0xFFFFF086  }
0x1c: {  	p1 =	slt.u32 s9, $0xF7A;
	s5 =	simm.s32 @!p2 $0x0  }
0x1d: {  	s5 =	simm.s32 @p1 $0x1;
	p0 =	seq.s32 s7, s2  }
0x1e: {  	s7 =	smul.u32 @!p0 $0xF7A, s2;
	p2 =	seq.s32 @!p0 s5, $0x0  }
0x1f: {  	s9 =	smul.u32 $0xF7A, s1;
	s8 =	simm.s32 @!p0 $0x1BF5;
	p2 =	por !p2, p0  }
0x20: {  	[sflag:s8] =	ssyncset.s32 @!p0 $0xFFFFF086;
	s6 =	sadd.s32 @!p0 s3, s7;
	s7 =	simm.s32 @!p0 $0x108  }
0x21: {  	s3 =	sadd.s32 s3, s9;
	s6 =	sadd.s32 @!p0 $0x88, s6;
	s7 =	simm.s32 @p2 $0x1082  }
0x22: {  	[simem:s7], [sflag:s8] =	dma.local @!p0 [hbm:s6], $0xF7A  }
0x23: {  	s9 =	sor.u32 $0xD0000000, s2;
	s6 =	simm.s32 $0x108;
	_ =	swait.ge @!p0 [sflag:s8], $0x0  }
0x24: {  	s3 =	sadd.s32 $0x88, s3;
	s6 =	simm.s32 @!p1 $0x1082;
	[sflag:s4] =	ssyncset.s32 $0xFFFFF086  }
0x25: {  	[simem:s6], [sflag:s4] =	dma.local [hbm:s3], $0xF7A  }
0x26: {  	[smem:$0x3F95] =	sst s1;
	(tag) =	ssettag s2;
	_ =	strace s9  }
0x27: {  	s1 =	sld [smem:$0x3FA5]  }
0x28: {  	s2 =	sld [smem:$0x3FA6]  }
0x29: {  	s4 =	sld [smem:$0x3FA8]  }
0x2a: {  	p0 =	seq.s32 s5, $0x0;
	s5 =	sld [smem:$0x3FA9]  }
0x2b: {  	s6 =	sld [smem:$0x3FAA]  }
0x2c: {  	s7 =	sld [smem:$0x3FAB]  }
0x2d: {  	s3 =	simm.s32 $0x108;
	s8 =	sld [smem:$0x3FAC]  }
0x2e: {  	s3 =	simm.s32 @!p0 $0x1082;
	s9 =	sld [smem:$0x3FAD]  }
0x2f: {  	lr =	sadd.s32 s0, s3;
	s0 =	sld [smem:$0x3FA4]  }
0x30: {  	s3 =	sld [smem:$0x3FA7]  }
0x31: {  	[smem:$0x3FB0] =	sst s10  }
0x32: {  	s10 =	sld [smem:$0x3FAE];
	_ =	sdelay $0x3  }
0x33: {  	p0 =	seq.s32 s10, $0x1;
	s10 =	sld [smem:$0x3FB0];
	_ =	sdelay $0x3  }
0x34: {  	[smem:$0x3FB0] =	sst s10  }
0x35: {  	s10 =	sld [smem:$0x3FAF];
	_ =	sdelay $0x3  }
0x36: {  	p1 =	seq.s32 s10, $0x1;
	s10 =	sld [smem:$0x3FB0];
	_ =	sdelay $0x3  }
0x37: {  	[smem:$0x3FB0] =	sst s10  }
0x38: {  	s10 =	sld [smem:$0x3FB1]  }
0x39: {  	_ = 	snop;
	(pc) =	sbr.ind lr, $3  }
0x3a: {  	_ = 	snop  }
0x3b: {  	_ = 	snop  }
0x3c: {  	p2 =	seq.s32 s10, $0x1;
	s10 =	sld [smem:$0x3FB0]  }
0x3d: {  	_ =	shalt  }
0x3e: {  	_ =	shalt  }
0x3f: {  	_ =	shalt  }
0x40: {  	_ =	shalt  }
0x41: {  	_ =	shalt  }
0x42: {  	_ =	shalt  }
0x43: {  	_ =	shalt  }
0x44: {  	_ =	shalt  }
0x45: {  	_ =	shalt  }
0x46: {  	_ =	shalt  }
0x47: {  	_ =	shalt  }
0x48: {  	_ =	shalt  }
0x49: {  	_ =	shalt  }
0x4a: {  	_ =	shalt  }
0x4b: {  	_ =	shalt  }
0x4c: {  	_ =	shalt  }
0x4d: {  	_ =	shalt  }
0x4e: {  	_ =	shalt  }
0x4f: {  	_ =	shalt  }
0x50: {  	_ =	shalt  }
0x51: {  	_ =	shalt  }
0x52: {  	_ =	shalt  }
0x53: {  	_ =	shalt  }
0x54: {  	_ =	shalt  }
0x55: {  	_ =	shalt  }
0x56: {  	_ =	shalt  }
0x57: {  	_ =	shalt  }
0x58: {  	_ =	shalt  }
0x59: {  	_ =	shalt  }
0x5a: {  	_ =	shalt  }
0x5b: {  	_ =	shalt  }
0x5c: {  	_ =	shalt  }
0x5d: {  	_ =	shalt  }
0x5e: {  	_ =	shalt  }
0x5f: {  	_ =	shalt  }
0x60: {  	_ =	shalt  }
0x61: {  	_ =	shalt  }
0x62: {  	_ =	shalt  }
0x63: {  	_ =	shalt  }
0x64: {  	_ =	shalt  }
0x65: {  	_ =	shalt  }
0x66: {  	_ =	shalt  }
0x67: {  	_ =	shalt  }
0x68: {  	_ =	shalt  }
0x69: {  	_ =	shalt  }
0x6a: {  	_ =	shalt  }
0x6b: {  	_ =	shalt  }
0x6c: {  	_ =	shalt  }
0x6d: {  	_ =	shalt  }
0x6e: {  	_ =	shalt  }
0x6f: {  	_ =	shalt  }
0x70: {  	_ =	shalt  }
0x71: {  	_ =	shalt  }
0x72: {  	_ =	shalt  }
0x73: {  	_ =	shalt  }
0x74: {  	_ =	shalt  }
0x75: {  	_ =	shalt  }
0x76: {  	_ =	shalt  }
0x77: {  	_ =	shalt  }
0x78: {  	_ =	shalt  }
0x79: {  	_ =	shalt  }
0x7a: {  	_ =	shalt  }
0x7b: {  	_ =	shalt  }
0x7c: {  	_ =	shalt  }
0x7d: {  	_ =	shalt  }
0x7e: {  	_ =	shalt  }
0x7f: {  	_ =	shalt  }
0x80: {  	_ =	shalt  }
0x81: {  	_ =	shalt  }
0x82: {  	_ =	shalt  }
0x83: {  	_ =	shalt  }
0x84: {  	_ =	shalt  }
0x85: {  	_ =	shalt  }
0x86: {  	_ =	shalt  }
0x87: {  	_ =	shalt  }
.Lfunc_end0:
.L_simem_size_0:
called_computation.2_lowered:
.L_overlay_start_0:
0x88: {  	s2 =	sld [smem:$0x3FD9]  }
0x89: {  	s3 =	sld [smem:$0x3FFE];
	_ =	sdelay $0x1  }
0x8a: {  	s1 =	srdreg.scid  }
0x8b: {  	s0 =	sand.u32 $0x1, s1  }
0x8c: {  	s17 =	sshll.u32 s0, $0xA;
	s2 =	sadd.s32 s3, s2  }
0x8d: {  	s2 =	sadd.s32 s2, s17  }
0x8e: {  	[smem:$0x3FBC] =	sst s2  }
0x8f: {  	_ = 	snop  }
0x90: {  	s2 =	sld [smem:$0x3FD0];
	(tm) =	ssettm $0x1  }
0x91: {  	s18 =	sld [smem:$0x3FFB];
	_ =	sdelay $0x3  }
0x92: {  	_ =	strace s18  }
0x93: {  	s3 =	sld [smem:$0x3FFC];
	_ =	sdelay $0x3  }
0x94: {  	_ =	strace s3  }
0x95: {  	s3 =	sld [smem:$0x3FFD];
	_ =	sdelay $0x3  }
0x96: {  	_ =	strace s3  }
0x97: {  	_ =	strace $0x8FFFFFFF  }
0x98: {  	s19 =	sld [smem:$0x3FDB];
	_ =	sdelay $0x1  }
0x99: {  	s4 =	simm.s32 $_scs_section_size  }
0x9a: {  	s5 =	simm.s32 $_size__tile_overlayer_lowered;
	s6 =	simm.s32 $_tile_overlayer_lowered  }
0x9b: {  	s22 =	simm.s32 $0x1BFF;
	s21 =	sshll.u32 s6, $0x1;
	s3 =	sadd.s32 s4, s19  }
0x9c: {  	s7 =	simm.s32 $0x0;
	s20 =	sshll.u32 s5, $0x1;
	s5 =	sadd.s32 s21, s3  }
0x9d: {  	[timem:s7], [sflag:s22] =	dma.local [hbm:s5], s20  }
0x9e: {  	_ =	swait.ge [sflag:s22], s20  }
0x9f: {  	s4 =	ssub.s32 $0x0, s20;
	[sflag:s22] =	ssyncset.done $0x0  }
0xa0: {  	[sflag:s22] =	ssyncadd.s32 s4;
	_ =	sdelay $0x1  }
0xa1: {  	s23 =	simm.s32 $0x1B8B  }
0xa2: {  	_ =	swait.ge [sflag:s23], $0x1  }
0xa3: {  	[sflag:s23] =	ssyncset.done $0x0  }
0xa4: {  	s25 =	simm.s32 $0x1B8E;
	s24 =	sld [smem:$0x3FFE];
	[sflag:s23] =	ssyncadd.s32 $0xFFFFFFFF  }
0xa5: {  	s26 =	simm.s32 $execute0_lowered;
	[smem:$0x3FD2] =	sst s25  }
0xa6: {  	s5 =	sshll.u32 s26, $0x1;
	_ =	strace $0x80000049;
	[dreg:$0x1] =	wrdreg $0xFFFFFFFF  }
0xa7: {  	s28 =	simm.s32 $_size_execute0_lowered;
	s3 =	sadd.s32 s3, s5;
	[dreg:$0x0] =	wrdreg $0x0  }
0xa8: {  	s5 =	sshll.u32 s28, $0x1;
	[dreg:$0x2] =	wrdreg s3  }
0xa9: {  	[dreg:$0x3] =	wrdreg s5  }
0xaa: {  	[dreg:$0x4] =	wrdreg $0xC0  }
0xab: {  	_ =	task [dreg:s7], $0x5FFFF  }
0xac: {  	[dreg:$0x1] =	wrdreg $0xFFFFFFFF  }
0xad: {  	[dreg:$0x0] =	wrdreg $0x60  }
0xae: {  	[dreg:$0x2] =	wrdreg s24  }
0xaf: {  	[dreg:$0x3] =	wrdreg s2  }
0xb0: {  	[dreg:$0x4] =	wrdreg $0xED900  }
0xb1: {  	[dreg:$0x5] =	wrdreg $0xA  }
0xb2: {  	_ =	task.clear_ibuf [dreg:s7], $0x6FFFF;
	_ =	strace $0x90000049  }
0xb3: {  	s29 =	simm.s32 $0xA;
	_ =	strace $0x8000004B  }
0xb4: {  	_ =	swait.ge [sflag:s29], $0x1  }
0xb5: {  	[sflag:s29] =	ssyncadd.s32 $0xFFFFFFFF  }
0xb6: {  	_ =	strace $0x9000004B  }
0xb7: {  	_ =	sfence  }
0xb8: {  	s30 =	sld [smem:$0x0];
	_ =	sdelay $0x2  }
0xb9: {  	s31 =	sshll.u32 s1, $0xD;
	s1 =	sshrl.u32 s1, $0x2  }
0xba: {  	s3 =	sand.u32 $0x4000, s31;
	s1 =	sadd.s32 s1, s30  }
0xbb: {  	s0 =	sor.u32 s3, s0;
	s1 =	sshll.u32 s1, $0x11  }
0xbc: {  	s0 =	sor.u32 s1, s0  }
0xbd: {  	s0 =	sadd.s32 $0x8F2B, s0  }
0xbe: {  	[sflag:s0] =	ssyncadd.remote.s32 $0x1  }
0xbf: {  	_ =	sfence.sel $0xFFFF  }
0xc0: {  	[dreg:$0x0] =	wrdreg $0xFFFFFFFF;
	(pc) =	sbr.abs _section_cstart, $3  }
0xc1: {  	[dreg:$0x1] =	wrdreg $0xFFFFFFFF  }
0xc2: {  	_ =	task.clear_ibuf [dreg:s7], $0x2FFFF;
	_ =	strace $0x9FFFFFFF  }
0xc3: {  	(tm) =	ssettm $0x7FFFFFFF  }
tec
execute0_lowered:
.L_overlay_start_1:
0x0: {  	(tag) =	ssettag $0x1  }
0x1: {  	s0 =	srdreg.scid;
	s4 =	rddreg [dreg:$0x0]  }
0x2: {  	s1 =	rddreg [dreg:$0x1];
	s14 =	stileid.u32  }
0x3: {  	s2 =	rddreg [dreg:$0x2];
	s3 =	simm.s32 $0x0;
	s17 =	simm.s32 $0xED30  }
0x4: {  	s18 =	simm.s32 $0x50;
	s19 =	simm.s32 $0xED40;
	s20 =	simm.s32 $0x2710  }
0x5: {  	s21 =	simm.s32 $0x9DC0;
	s5 =	sand.u32 $0x1, s0;
	s0 =	rddreg [dreg:$0x3]  }
0x6: {  	s22 =	simm.s32 $0xC560;
	s23 =	simm.s32 $0x0;
	[smem:$0x7FF] =	sst s3  }
0x7: {  	s28 =	sadd.s32 $0x19800, s4;
	s11 =	sadd.s32 $0x2D800, s4;
	s6 =	sshll.u32 s5, $0x4  }
0x8: {  	p0 =	sne.s32 s14, $0x0;
	_ =	strace $0x8000004A;
	s7 =	sor.u32 s14, s6  }
0x9: {  	s5 =	ssub.s32 $0x2, s5;
	s6 =	ssub.s32 s14, s6;
	s8 =	smul.u32 $0x4E2, s7  }
0xa: {  	s29 =	sshrl.u32 s5, $0x1;
	s14 =	simm.s32 $0xED00;
	s9 =	smul.u32 $0x4F4, s7  }
0xb: {  	s7 =	sshll.u32 s7, $0x1;
	s6 =	sadd.s32 $0x10, s6;
	s16 =	ssub.s32 s5, s29  }
0xc: {  	s13 =	sadd.s32 s7, s4;
	s15 =	smul.u32 $0x4F4, s6;
	s30 =	sshll.u32 s6, $0x1  }
0xd: {  	s5 =	sadd.s32 s11, s7;
	s10 =	sadd.s32 s8, s4;
	s12 =	sadd.s32 s9, s4  }
0xe: {  	s4 =	sadd.s32 s28, s9;
	s31 =	sand.u32 $0x1FFFFFFE, s30;
	s6 =	sadd.s32 s28, s15  }
0xf: {  	v0 =	vlaneseq.u32;
	v1 =	vimm.f32 $0.0e+00;
	v6 =	vimm.f32 $1.000000000e+00;
	s7 =	sadd.s32 s11, s31;
	s8 =	sadd.s32 $0xF800, s10;
	s9 =	sadd.s32 $0x5A00, s10  }
0x10: {  	v7 =	vimm.s32 $0x0;
	v8 =	vimm.s32 $0x27FF;
	v2 =	vor.u32 $0x10, v0;
	s10 =	sadd.s32 $0x2DA00, s12;
	s11 =	sadd.s32 $0x37A00, s12;
	s12 =	sadd.s32 $0x41A00, s13  }
0x11: {  	v3 =	vor.u32 $0x20, v0;
	v4 =	vor.u32 $0x30, v0;
	v5 =	vor.u32 $0x40, v0;
	s13 =	smax.u32 s16, $0x1;
	s15 =	simm.s32 $0x1;
	s16 =	simm.s32 $0x4E20  }
.LBB2_1:
0x12: {  	s24 =	simm.s32 $0x0;
	s25 =	simm.s32 $0x200  }
.LBB2_2:
0x13: {  	p1 =	sne.s32 s25, $0x9E00;
	[tilespmem:s24+$0x4E90] =	vst v1  }
0x14: {  	[tilespmem:s24+$0x4E20] =	vst v1  }
0x15: {  	[tilespmem:s24+$0x4E30] =	vst v1  }
.Ltmp0:
0x16: {  	[tilespmem:s24+$0x4E40] =	vst v1;
	(pc) =	sbr.rel @p1 .LBB2_2-.Ltmp0, $4  }
0x17: {  	[tilespmem:s24+$0x4E50] =	vst v1  }
0x18: {  	[tilespmem:s24+$0x4E60] =	vst v1  }
0x19: {  	[tilespmem:s24+$0x4E70] =	vst v1  }
0x1a: {  	[tilespmem:s24+$0x4E80] =	vst v1;
	s24 =	sshra.s32 s25, $0x2;
	s25 =	sadd.s32 $0x200, s25  }
0x1b: {  	[tilespmem:s24+$0x4E90] =	vst v1  }
0x1c: {  	[tilespmem:s24+$0x4E20] =	vst v1  }
0x1d: {  	[tilespmem:s24+$0x4E30] =	vst v1  }
0x1e: {  	[tilespmem:s24+$0x4E40] =	vst v1  }
0x1f: {  	[tilespmem:s24+$0x4E50] =	vst v1  }
0x20: {  	[tilespmem:s24+$0x4E60] =	vst v1  }
0x21: {  	[tilespmem:s24+$0x4E70] =	vst v1  }
0x22: {  	[tilespmem:s24+$0x4E80] =	vst v1  }
0x23: {  	[tilespmem:$0xED40] =	vst v0  }
0x24: {  	[tilespmem:$0xED50] =	vst v2  }
0x25: {  	[tilespmem:$0xED60] =	vst v3  }
0x26: {  	[tilespmem:$0xED70] =	vst v4  }
0x27: {  	s24 =	simm.s32 @!p0 $0x4E20;
	[tilespmem:$0xED80] =	vst v5  }
0x28: {  	[spmem:s2] =	stream.linear.scatter @!p0 [tilespmem:s24], [sflag:$0x1], $0x2800, $0x38;
	[tilespmem:$0xF010] =	vst v63  }
0x29: {  	s24 =	simm.s32 @!p0 $0x1  }
0x2a: {  	_ =	swait.ge @!p0 [sflag:s24], $0x2800  }
0x2b: {  	[sflag:s24] =	ssyncset.done @!p0 $0x0  }
0x2c: {  	[sflag:s24] =	ssyncadd.s32 @!p0 $0xFFFFD800  }
0x2d: {  	[bflag:$0x0] =	sbarrier.arrive $0xFFFF  }
0x2e: {  	[tilespmem:s14], [sflag:$0x1] =	stream.linear.gather [hbm4b:s1+s3], $0x30, $0x38;
	[tilespmem:$0xF010] =	vst v63  }
0x2f: {  	_ =	swait.ge [sflag:s15], $0x30  }
0x30: {  	[sflag:s15] =	ssyncset.done $0x0  }
0x31: {  	[sflag:s15] =	ssyncadd.s32 $0xFFFFFFD0  }
0x32: {  	v9 =	vld [tilespmem:$0xED00];
	_ =	sdelay $0x7  }
0x33: {  	[tilespmem:v9+s16+$0x0] =	vst.idx.msk $0xffff, v6  }
0x34: {  	v9 =	vld [tilespmem:$0xED10];
	_ =	sdelay $0x7  }
0x35: {  	[tilespmem:v9+s16+$0x0] =	vst.idx.msk $0xffff, v6  }
0x36: {  	v9 =	vld [tilespmem:$0xED20];
	_ =	sdelay $0x7  }
0x37: {  	s24 =	simm.s32 $0x7620;
	[tilespmem:v9+s16+$0x0] =	vst.idx.msk $0xffff, v6  }
0x38: {  	[tilespmem:s24], [sflag:$0x1] =	stream.linear.gather [hbm4b:s4+s3], $0x27A0, $0x38;
	[tilespmem:$0xF010] =	vst v63  }
0x39: {  	_ =	swait.ge [sflag:s15], $0x27A0  }
0x3a: {  	[sflag:s15] =	ssyncset.done $0x0  }
0x3b: {  	[sflag:s15] =	ssyncadd.s32 $0xFFFFD860  }
0x3c: {  	[tilespmem:s17], [sflag:$0x1] =	stream.linear.gather [hbm4b:s5+s3], $0x10, $0x38;
	[tilespmem:$0xF010] =	vst v63  }
0x3d: {  	_ =	swait.ge [sflag:s15], $0x10  }
0x3e: {  	[sflag:s15] =	ssyncset.done $0x0  }
0x3f: {  	[sflag:s15] =	ssyncadd.s32 $0xFFFFFFF0  }
0x40: {  	v9 =	vld [tilespmem:$0xED30];
	_ =	sdelay $0x4  }
0x41: {  	v9 =	vxor.u32 $0x80000000, v9  }
0x42: {  	(xrf0) =	vmax.scan.msk.u32 $0xffff, v9;
	_ =	sdelay $0x5  }
0x43: {  	v9, _, _ =	vpop (xrf0)  }
0x44: {  	(v2sf) =	vpush v9, $0xF;
	_ =	sdelay $0xe  }
0x45: {  	s25 =	spop (v2sf)  }
0x46: {  	s25 =	sadd.s32 $0x8000000F, s25  }
0x47: {  	s26 =	sand.u32 $0xF, s25  }
0x48: {  	s31 =	sshra.s32 s25, $0x1F;
	p2 =	slt.s32 s25, $0x1;
	p1 =	sne.s32 s26, $0x0  }
0x49: {  	s26 =	sshrl.u32 s31, $0x1C;
	p1 =	por !p2, !p1  }
0x4a: {  	s25 =	sadd.s32 s26, s25;
	s26 =	simm.s32 $0x1;
	p1 =	por !p1, !p1  }
0x4b: {  	s25 =	sshra.s32 s25, $0x4;
	s26 =	simm.s32 @!p1 $0x0  }
0x4c: {  	s25 =	ssub.s32 s25, s26  }
0x4d: {  	p1 =	slt.s32 s25, $0x1  }
.Ltmp1:
0x4e: {  	_ = 	snop;
	(pc) =	sbr.rel @p1 .LBB2_7-.Ltmp1, $1  }
0x4f: {  	_ =	sdelay $0x3  }
0x50: {  	p1 =	sne.s32 s25, $0x1  }
.Ltmp2:
0x51: {  	_ = 	snop;
	(pc) =	sbr.rel @!p1 .LBB2_6-.Ltmp2, $2  }
0x52: {  	_ =	sdelay $0x2  }
0x53: {  	v9 =	vld [tilespmem:s24+$0x0];
	s25 =	sadd.s32 $0xFFFFFFFF, s25  }
.LBB2_5:
0x54: {  	p1 =	sne.s32 s25, $0x1;
	_ =	sdelay $0x3  }
.Ltmp3:
0x55: {  	(pc) =	sbr.rel @p1 .LBB2_5-.Ltmp3, $3  }
0x56: {  	_ =	sdelay $0x1  }
0x57: {  	s24 =	sadd.s32 $0x10, s24;
	[tilespmem:v9+s16+$0x0] =	vst.idx.msk $0xffff, v6  }
0x58: {  	s25 =	sadd.s32 $0xFFFFFFFF, s25;
	v9 =	vld [tilespmem:s24+$0x0]  }
.LBB2_6:
0x59: {  	_ =	sdelay $0x7  }
0x5a: {  	[tilespmem:v9+s16+$0x0] =	vst.idx.msk $0xffff, v6  }
.LBB2_7:
0x5b: {  	s24 =	simm.s32 $0x7620  }
0x5c: {  	[tilespmem:s24], [sflag:$0x1] =	stream.linear.gather [hbm4b:s6+s3], $0x27A0, $0x38;
	[tilespmem:$0xF010] =	vst v63  }
0x5d: {  	_ =	swait.ge [sflag:s15], $0x27A0  }
0x5e: {  	[sflag:s15] =	ssyncset.done $0x0  }
0x5f: {  	[sflag:s15] =	ssyncadd.s32 $0xFFFFD860  }
0x60: {  	[tilespmem:s17], [sflag:$0x1] =	stream.linear.gather [hbm4b:s7+s3], $0x10, $0x38;
	[tilespmem:$0xF010] =	vst v63  }
0x61: {  	_ =	swait.ge [sflag:s15], $0x10  }
0x62: {  	[sflag:s15] =	ssyncset.done $0x0  }
0x63: {  	[sflag:s15] =	ssyncadd.s32 $0xFFFFFFF0  }
0x64: {  	v9 =	vld [tilespmem:$0xED30];
	_ =	sdelay $0x4  }
0x65: {  	v9 =	vxor.u32 $0x80000000, v9  }
0x66: {  	(xrf0) =	vmax.scan.msk.u32 $0xffff, v9;
	_ =	sdelay $0x5  }
0x67: {  	v9, _, _ =	vpop (xrf0)  }
0x68: {  	(v2sf) =	vpush v9, $0xF;
	_ =	sdelay $0xe  }
0x69: {  	s25 =	spop (v2sf)  }
0x6a: {  	s25 =	sadd.s32 $0x8000000F, s25  }
0x6b: {  	s26 =	sand.u32 $0xF, s25  }
0x6c: {  	s31 =	sshra.s32 s25, $0x1F;
	p2 =	slt.s32 s25, $0x1;
	p1 =	sne.s32 s26, $0x0  }
0x6d: {  	s26 =	sshrl.u32 s31, $0x1C;
	p1 =	por !p2, !p1  }
0x6e: {  	s25 =	sadd.s32 s26, s25;
	s26 =	simm.s32 $0x1;
	p1 =	por !p1, !p1  }
0x6f: {  	s25 =	sshra.s32 s25, $0x4;
	s26 =	simm.s32 @!p1 $0x0  }
0x70: {  	s25 =	ssub.s32 s25, s26  }
0x71: {  	p1 =	slt.s32 s25, $0x1  }
.Ltmp4:
0x72: {  	_ = 	snop;
	(pc) =	sbr.rel @p1 .LBB2_11-.Ltmp4, $1  }
0x73: {  	_ =	sdelay $0x3  }
0x74: {  	p1 =	sne.s32 s25, $0x1  }
.Ltmp5:
0x75: {  	_ = 	snop;
	(pc) =	sbr.rel @!p1 .LBB2_10-.Ltmp5, $2  }
0x76: {  	_ =	sdelay $0x2  }
0x77: {  	v9 =	vld [tilespmem:s24+$0x0];
	s25 =	sadd.s32 $0xFFFFFFFF, s25  }
.LBB2_9:
0x78: {  	p1 =	sne.s32 s25, $0x1;
	_ =	sdelay $0x3  }
.Ltmp6:
0x79: {  	(pc) =	sbr.rel @p1 .LBB2_9-.Ltmp6, $3  }
0x7a: {  	_ =	sdelay $0x1  }
0x7b: {  	s24 =	sadd.s32 $0x10, s24;
	[tilespmem:v9+s16+$0x0] =	vst.idx.msk $0xffff, v6  }
0x7c: {  	s25 =	sadd.s32 $0xFFFFFFFF, s25;
	v9 =	vld [tilespmem:s24+$0x0]  }
.LBB2_10:
0x7d: {  	_ =	sdelay $0x7  }
0x7e: {  	[tilespmem:v9+s16+$0x0] =	vst.idx.msk $0xffff, v6  }
.LBB2_11:
0x7f: {  	[spmem:s2] =	stream.indirect.scatter.add.f32 [tilespmem:s16], [sflag:$0x1], $0x80, s19, s18, $0xb8;
	[tilespmem:$0xF010] =	vst v63  }
0x80: {  	_ =	swait.ge [sflag:s15], $0x2800  }
0x81: {  	[sflag:s15] =	ssyncset.done $0x0  }
0x82: {  	[sflag:s15] =	ssyncadd.s32 $0xFFFFD800  }
0x83: {  	[bflag:$0x0] =	sbarrier.arrive $0xFFFF  }
0x84: {  	[tilespmem:s16], [sflag:$0x1] =	stream.linear.gather [spmem:s2], $0x2800, $0x38;
	[tilespmem:$0xF010] =	vst v63  }
0x85: {  	_ =	swait.ge [sflag:s15], $0x2800  }
0x86: {  	[sflag:s15] =	ssyncset.done $0x0  }
0x87: {  	s24 =	simm.s32 $0x0;
	[sflag:s15] =	ssyncadd.s32 $0xFFFFD800  }
0x88: {  	[tilespmem:s24], [sflag:$0x1] =	stream.linear.gather [hbm4b:s8+s24], $0x2710, $0x38;
	[tilespmem:$0xF010] =	vst v63  }
0x89: {  	_ =	swait.ge [sflag:s15], $0x2710  }
0x8a: {  	[sflag:s15] =	ssyncset.done $0x0  }
0x8b: {  	[sflag:s15] =	ssyncadd.s32 $0xFFFFD8F0  }
0x8c: {  	[tilespmem:s20], [sflag:$0x1] =	stream.linear.gather [hbm4b:s9+s24], $0x2710, $0x38;
	[tilespmem:$0xF010] =	vst v63  }
0x8d: {  	_ =	swait.ge [sflag:s15], $0x2710  }
0x8e: {  	[sflag:s15] =	ssyncset.done $0x0  }
0x8f: {  	s25 =	simm.s32 $0x0;
	[sflag:s15] =	ssyncadd.s32 $0xFFFFD8F0  }
0x90: {  	v9 =	vld [tilespmem:s25+$0x2710];
	_ =	sdelay $0x7  }
0x91: {  	v10 =	vld.idx.msk [tilespmem:v9+s16+$0x0], $0xffff;
	_ =	sdelay $0x1  }
0x92: {  	v11 =	vld [tilespmem:s25+$0x0];
	_ =	sdelay $0x2  }
0x93: {  	vm0 =	vgt.f32 v10, $5.000000000e-01  }
0x94: {  	v10 =	vmpcnt.ones.xlane vm0  }
0x95: {  	[tilespmem:s24+$0x9DC0] =	vst.msk vm0, v11  }
0x96: {  	s26 =	simm.s32 $0x10;
	s25 =	simm.s32 $0x80;
	[tilespmem:s24+$0xC560] =	vst.msk vm0, v9;
	(v2sf) =	vpush v10, $0x0  }
.LBB2_12:
0x97: {  	p1 =	sne.s32 s25, $0x9C00;
	v9 =	vld [tilespmem:s26+$0x2710];
	_ =	sdelay $0x7  }
0x98: {  	v10 =	vld.idx.msk [tilespmem:v9+s16+$0x0], $0xffff;
	_ =	sdelay $0x2  }
0x99: {  	v11 =	vld [tilespmem:s26+$0x0];
	_ =	sdelay $0x1  }
.Ltmp7:
0x9a: {  	(pc) =	sbr.rel @p1 .LBB2_12-.Ltmp7, $4  }
0x9b: {  	vm0 =	vgt.f32 v10, $5.000000000e-01;
	s26 =	spop (v2sf)  }
0x9c: {  	v10 =	vmpcnt.ones.xlane vm0;
	s24 =	sadd.s32 s24, s26  }
0x9d: {  	[tilespmem:s24+$0x9DC0] =	vst.msk vm0, v11  }
0x9e: {  	s26 =	sshra.s32 s25, $0x2;
	s25 =	sadd.s32 $0x40, s25;
	[tilespmem:s24+$0xC560] =	vst.msk vm0, v9;
	(v2sf) =	vpush v10, $0x0  }
0x9f: {  	v9 =	vld [tilespmem:s26+$0x2710];
	_ =	sdelay $0x7  }
0xa0: {  	v10 =	vld.idx.msk [tilespmem:v9+s16+$0x0], $0xffff;
	_ =	sdelay $0x4  }
0xa1: {  	vm0 =	vgt.f32 v10, $5.000000000e-01  }
0xa2: {  	v10 =	vmpcnt.ones.xlane vm0;
	_ =	sdelay $0x1  }
0xa3: {  	(v2sf) =	vpush v10, $0x0;
	_ =	sdelay $0x9  }
0xa4: {  	v10 =	vld [tilespmem:s26+$0x0];
	_ =	sdelay $0x2  }
0xa5: {  	s25 =	spop (v2sf)  }
0xa6: {  	s24 =	sadd.s32 s24, s25  }
0xa7: {  	[tilespmem:s24+$0x9DC0] =	vst.msk vm0, v10;
	s31 =	spop (v2sf)  }
0xa8: {  	[tilespmem:s24+$0xC560] =	vst.msk vm0, v9;
	s24 =	sadd.s32 s24, s31  }
0xa9: {  	[tilespmem:s24+$0x9DC0] =	vst v7  }
0xaa: {  	[tilespmem:s24+$0xC560] =	vst v8  }
0xab: {  	[tilespmem:s24+$0x9DD0] =	vst v7  }
0xac: {  	[tilespmem:s24+$0xC570] =	vst v8  }
0xad: {  	[tilespmem:s24+$0x9DE0] =	vst v7  }
0xae: {  	[tilespmem:s24+$0xC580] =	vst v8  }
0xaf: {  	[tilespmem:s24+$0x9DF0] =	vst v7  }
0xb0: {  	[tilespmem:s24+$0xC590] =	vst v8  }
0xb1: {  	[tilespmem:s24+$0x9E00] =	vst v7  }
0xb2: {  	[tilespmem:s24+$0xC5A0] =	vst v8  }
0xb3: {  	[tilespmem:s24+$0x9E10] =	vst v7  }
0xb4: {  	[tilespmem:s24+$0xC5B0] =	vst v8  }
0xb5: {  	[tilespmem:s24+$0x9E20] =	vst v7  }
0xb6: {  	[tilespmem:s24+$0xC5C0] =	vst v8  }
0xb7: {  	[tilespmem:s24+$0x9E30] =	vst v7  }
0xb8: {  	[tilespmem:s24+$0xC5D0] =	vst v8;
	v9 =	vmov s24  }
0xb9: {  	[tilespmem:$0xED30] =	vst v9  }
0xba: {  	[hbm4b:s10+s3] =	stream.linear.scatter [tilespmem:s21], [sflag:$0x1], $0x27A0, $0x38;
	[tilespmem:$0xF010] =	vst v63  }
0xbb: {  	_ =	swait.ge [sflag:s15], $0x27A0  }
0xbc: {  	[sflag:s15] =	ssyncset.done $0x0  }
0xbd: {  	[sflag:s15] =	ssyncadd.s32 $0xFFFFD860  }
0xbe: {  	[hbm4b:s11+s3] =	stream.linear.scatter [tilespmem:s22], [sflag:$0x1], $0x27A0, $0x38;
	[tilespmem:$0xF010] =	vst v63  }
0xbf: {  	s23 =	sadd.s32 $0x1, s23;
	_ =	swait.ge [sflag:s15], $0x27A0  }
0xc0: {  	p1 =	sne.s32 s23, s13;
	[sflag:s15] =	ssyncset.done $0x0  }
.Ltmp8:
0xc1: {  	[sflag:s15] =	ssyncadd.s32 $0xFFFFD860;
	(pc) =	sbr.rel @p1 .LBB2_1-.Ltmp8, $4  }
0xc2: {  	[hbm4b:s12+s3] =	stream.linear.scatter [tilespmem:s17], [sflag:$0x1], $0x10, $0x38;
	[tilespmem:$0xF010] =	vst v63  }
0xc3: {  	_ =	swait.ge [sflag:s15], $0x10  }
0xc4: {  	[sflag:s15] =	ssyncset.done $0x0  }
0xc5: {  	[sflag:s15] =	ssyncadd.s32 $0xFFFFFFF0  }
0xc6: {  	_ =	sfence.sel $0x180000  }
0xc7: {  	[bflag:$0x0] =	sbarrier.arrive $0xFFFF  }
0xc8: {  	_ =	strace $0x9000004A  }
0xc9: {  	s0 =	sadd.s32 @!p0 $0x100000, s0;
	[bflag:$0x2] =	sbarrier.arrive $0xFFFF  }
0xca: {  	[sflag:s0] =	ssyncadd.tile.s32 @!p0 $0x1;
	_ =	shalt  }
.Lfunc_end2:
_tile_overlayer_lowered:
.L_overlay_start_2:
0xcb: {  	(tag) =	ssettag $0x2  }
0xcc: {  	s0 =	rddreg [dreg:$0x0];
	s2 =	stileid.u32  }
0xcd: {  	s1 =	rddreg [dreg:$0x1];
	p0 =	sne.s32 s2, $0x0  }
0xce: {  	s3 =	rddreg [dreg:$0x2];
	[bflag:$0x3] =	sbarrier.arrive $0xFFFF;
	s2 =	simm.s32 @!p0 $0x1C01  }
0xcf: {  	[timem:s3], [sflag:s2] =	dma.local @!p0 [hbm:s0], s1  }
0xd0: {  	s0 =	simm.s32 @!p0 $0x1  }
0xd1: {  	_ =	swait.ge @!p0 [sflag:s0], s1  }
0xd2: {  	s1 =	ssub.s32 @!p0 $0x0, s1;
	[sflag:s0] =	ssyncset.done @!p0 $0x0  }
0xd3: {  	[sflag:s0] =	ssyncadd.s32 @!p0 s1  }
0xd4: {  	[bflag:$0x3] =	sbarrier.arrive $0xFFFF  }
0xd5: {  	_ =	shalt  }

// kernel: kernel.19.cloned.1.call-start
scs
__scs_entry_jumppad:
0x0: {  	(pc) =	sbr.rel $0x88, $3  }
0x1: {  	(tag) =	ssettag $0x0;
	lr =	simm.s32 $0x1  }
0x2: {  	[smem:$0x3F95] =	sst lr;
	_ =	strace $0xD0000000  }
0x3: {  	_ = 	snop  }
0x4: {  	_ = 	snop  }
0x5: {  	_ = 	snop  }
0x6: {  	_ = 	snop  }
0x7: {  	_ = 	snop  }
__scs_overlays_trampoline_lowered:
0x8: {  	[smem:$0x3FA4] =	sst s0  }
0x9: {  	[smem:$0x3FA5] =	sst s1  }
0xa: {  	[smem:$0x3FA6] =	sst s2  }
0xb: {  	[smem:$0x3FA7] =	sst s3  }
0xc: {  	[smem:$0x3FA8] =	sst s4  }
0xd: {  	[smem:$0x3FA9] =	sst s5  }
0xe: {  	[smem:$0x3FAA] =	sst s6  }
0xf: {  	[smem:$0x3FAB] =	sst s7  }
0x10: {  	[smem:$0x3FAC] =	sst s8  }
0x11: {  	[smem:$0x3FAD] =	sst s9;
	s0 =	simm.s32 @!p0 $0x0  }
0x12: {  	s1 =	sld [smem:$0x3F93];
	s0 =	simm.s32 @p0 $0x1  }
0x13: {  	[smem:$0x3FAE] =	sst s0;
	s0 =	simm.s32 @!p1 $0x0  }
0x14: {  	s2 =	sld [smem:$0x3F92];
	s0 =	simm.s32 @p1 $0x1  }
0x15: {  	[smem:$0x3FAF] =	sst s0;
	s0 =	simm.s32 @!p2 $0x0  }
0x16: {  	s3 =	sld [smem:$0x3FDB];
	s0 =	simm.s32 @p2 $0x1  }
0x17: {  	s4 =	simm.s32 $0x1BF5;
	[smem:$0x3FB1] =	sst s0  }
0x18: {  	s0 =	sld [smem:$0x3F94];
	_ =	swait.ge [sflag:s4], $0x0  }
0x19: {  	s7 =	sld [smem:$0x3F95]  }
0x1a: {  	s8 =	sadd.s32 $0xFFFFE003, lr  }
0x1b: {  	s9 =	sadd.s32 $0xFFFFFEF7, lr;
	s5 =	simm.s32 $0xFFFFFFFF;
	p2 =	slt.u32 s8, $0xFFFFF086  }
0x1c: {  	p1 =	slt.u32 s9, $0xF7A;
	s5 =	simm.s32 @!p2 $0x0  }
0x1d: {  	s5 =	simm.s32 @p1 $0x1;
	p0 =	seq.s32 s7, s2  }
0x1e: {  	s7 =	smul.u32 @!p0 $0xF7A, s2;
	p2 =	seq.s32 @!p0 s5, $0x0  }
0x1f: {  	s9 =	smul.u32 $0xF7A, s1;
	s8 =	simm.s32 @!p0 $0x1BF5;
	p2 =	por !p2, p0  }
0x20: {  	[sflag:s8] =	ssyncset.s32 @!p0 $0xFFFFF086;
	s6 =	sadd.s32 @!p0 s3, s7;
	s7 =	simm.s32 @!p0 $0x108  }
0x21: {  	s3 =	sadd.s32 s3, s9;
	s6 =	sadd.s32 @!p0 $0x88, s6;
	s7 =	simm.s32 @p2 $0x1082  }
0x22: {  	[simem:s7], [sflag:s8] =	dma.local @!p0 [hbm:s6], $0xF7A  }
0x23: {  	s9 =	sor.u32 $0xD0000000, s2;
	s6 =	simm.s32 $0x108;
	_ =	swait.ge @!p0 [sflag:s8], $0x0  }
0x24: {  	s3 =	sadd.s32 $0x88, s3;
	s6 =	simm.s32 @!p1 $0x1082;
	[sflag:s4] =	ssyncset.s32 $0xFFFFF086  }
0x25: {  	[simem:s6], [sflag:s4] =	dma.local [hbm:s3], $0xF7A  }
0x26: {  	[smem:$0x3F95] =	sst s1;
	(tag) =	ssettag s2;
	_ =	strace s9  }
0x27: {  	s1 =	sld [smem:$0x3FA5]  }
0x28: {  	s2 =	sld [smem:$0x3FA6]  }
0x29: {  	s4 =	sld [smem:$0x3FA8]  }
0x2a: {  	p0 =	seq.s32 s5, $0x0;
	s5 =	sld [smem:$0x3FA9]  }
0x2b: {  	s6 =	sld [smem:$0x3FAA]  }
0x2c: {  	s7 =	sld [smem:$0x3FAB]  }
0x2d: {  	s3 =	simm.s32 $0x108;
	s8 =	sld [smem:$0x3FAC]  }
0x2e: {  	s3 =	simm.s32 @!p0 $0x1082;
	s9 =	sld [smem:$0x3FAD]  }
0x2f: {  	lr =	sadd.s32 s0, s3;
	s0 =	sld [smem:$0x3FA4]  }
0x30: {  	s3 =	sld [smem:$0x3FA7]  }
0x31: {  	[smem:$0x3FB0] =	sst s10  }
0x32: {  	s10 =	sld [smem:$0x3FAE];
	_ =	sdelay $0x3  }
0x33: {  	p0 =	seq.s32 s10, $0x1;
	s10 =	sld [smem:$0x3FB0];
	_ =	sdelay $0x3  }
0x34: {  	[smem:$0x3FB0] =	sst s10  }
0x35: {  	s10 =	sld [smem:$0x3FAF];
	_ =	sdelay $0x3  }
0x36: {  	p1 =	seq.s32 s10, $0x1;
	s10 =	sld [smem:$0x3FB0];
	_ =	sdelay $0x3  }
0x37: {  	[smem:$0x3FB0] =	sst s10  }
0x38: {  	s10 =	sld [smem:$0x3FB1]  }
0x39: {  	_ = 	snop;
	(pc) =	sbr.ind lr, $3  }
0x3a: {  	_ = 	snop  }
0x3b: {  	_ = 	snop  }
0x3c: {  	p2 =	seq.s32 s10, $0x1;
	s10 =	sld [smem:$0x3FB0]  }
0x3d: {  	_ =	shalt  }
0x3e: {  	_ =	shalt  }
0x3f: {  	_ =	shalt  }
0x40: {  	_ =	shalt  }
0x41: {  	_ =	shalt  }
0x42: {  	_ =	shalt  }
0x43: {  	_ =	shalt  }
0x44: {  	_ =	shalt  }
0x45: {  	_ =	shalt  }
0x46: {  	_ =	shalt  }
0x47: {  	_ =	shalt  }
0x48: {  	_ =	shalt  }
0x49: {  	_ =	shalt  }
0x4a: {  	_ =	shalt  }
0x4b: {  	_ =	shalt  }
0x4c: {  	_ =	shalt  }
0x4d: {  	_ =	shalt  }
0x4e: {  	_ =	shalt  }
0x4f: {  	_ =	shalt  }
0x50: {  	_ =	shalt  }
0x51: {  	_ =	shalt  }
0x52: {  	_ =	shalt  }
0x53: {  	_ =	shalt  }
0x54: {  	_ =	shalt  }
0x55: {  	_ =	shalt  }
0x56: {  	_ =	shalt  }
0x57: {  	_ =	shalt  }
0x58: {  	_ =	shalt  }
0x59: {  	_ =	shalt  }
0x5a: {  	_ =	shalt  }
0x5b: {  	_ =	shalt  }
0x5c: {  	_ =	shalt  }
0x5d: {  	_ =	shalt  }
0x5e: {  	_ =	shalt  }
0x5f: {  	_ =	shalt  }
0x60: {  	_ =	shalt  }
0x61: {  	_ =	shalt  }
0x62: {  	_ =	shalt  }
0x63: {  	_ =	shalt  }
0x64: {  	_ =	shalt  }
0x65: {  	_ =	shalt  }
0x66: {  	_ =	shalt  }
0x67: {  	_ =	shalt  }
0x68: {  	_ =	shalt  }
0x69: {  	_ =	shalt  }
0x6a: {  	_ =	shalt  }
0x6b: {  	_ =	shalt  }
0x6c: {  	_ =	shalt  }
0x6d: {  	_ =	shalt  }
0x6e: {  	_ =	shalt  }
0x6f: {  	_ =	shalt  }
0x70: {  	_ =	shalt  }
0x71: {  	_ =	shalt  }
0x72: {  	_ =	shalt  }
0x73: {  	_ =	shalt  }
0x74: {  	_ =	shalt  }
0x75: {  	_ =	shalt  }
0x76: {  	_ =	shalt  }
0x77: {  	_ =	shalt  }
0x78: {  	_ =	shalt  }
0x79: {  	_ =	shalt  }
0x7a: {  	_ =	shalt  }
0x7b: {  	_ =	shalt  }
0x7c: {  	_ =	shalt  }
0x7d: {  	_ =	shalt  }
0x7e: {  	_ =	shalt  }
0x7f: {  	_ =	shalt  }
0x80: {  	_ =	shalt  }
0x81: {  	_ =	shalt  }
0x82: {  	_ =	shalt  }
0x83: {  	_ =	shalt  }
0x84: {  	_ =	shalt  }
0x85: {  	_ =	shalt  }
0x86: {  	_ =	shalt  }
0x87: {  	_ =	shalt  }
.Lfunc_end0:
.L_simem_size_0:
called_computation.3_lowered:
.L_overlay_start_0:
0x88: {  	s2 =	sld [smem:$0x3FD9]  }
0x89: {  	s3 =	sld [smem:$0x3FFE];
	_ =	sdelay $0x1  }
0x8a: {  	s1 =	srdreg.scid  }
0x8b: {  	s0 =	sand.u32 $0x1, s1  }
0x8c: {  	s17 =	sshll.u32 s0, $0xA;
	s2 =	sadd.s32 s3, s2  }
0x8d: {  	s2 =	sadd.s32 s2, s17  }
0x8e: {  	[smem:$0x3FBC] =	sst s2  }
0x8f: {  	_ = 	snop  }
0x90: {  	(tm) =	ssettm $0x1  }
0x91: {  	s18 =	sld [smem:$0x3FFB];
	_ =	sdelay $0x3  }
0x92: {  	_ =	strace s18  }
0x93: {  	s2 =	sld [smem:$0x3FFC];
	_ =	sdelay $0x3  }
0x94: {  	_ =	strace s2  }
0x95: {  	s2 =	sld [smem:$0x3FFD];
	_ =	sdelay $0x3  }
0x96: {  	_ =	strace s2  }
0x97: {  	_ =	strace $0x8FFFFFFF  }
0x98: {  	s19 =	sld [smem:$0x3FDB];
	_ =	sdelay $0x1  }
0x99: {  	s20 =	simm.s32 $_scs_section_size  }
0x9a: {  	s4 =	simm.s32 $_size__tile_overlayer_lowered;
	s5 =	simm.s32 $_tile_overlayer_lowered  }
0x9b: {  	s6 =	simm.s32 $0x1BFF;
	s21 =	sshll.u32 s5, $0x1;
	s3 =	sadd.s32 s20, s19  }
0x9c: {  	s22 =	simm.s32 $0x0;
	s4 =	sshll.u32 s4, $0x1;
	s5 =	sadd.s32 s21, s3  }
0x9d: {  	[timem:s22], [sflag:s6] =	dma.local [hbm:s5], s4  }
0x9e: {  	_ =	swait.ge [sflag:s6], s4  }
0x9f: {  	s4 =	ssub.s32 $0x0, s4;
	[sflag:s6] =	ssyncset.done $0x0  }
0xa0: {  	[sflag:s6] =	ssyncadd.s32 s4;
	_ =	sdelay $0x1  }
0xa1: {  	s23 =	simm.s32 $0x1B8B  }
0xa2: {  	_ =	swait.ge [sflag:s23], $0x1  }
0xa3: {  	[sflag:s23] =	ssyncset.done $0x0  }
0xa4: {  	[sflag:s23] =	ssyncadd.s32 $0xFFFFFFFF  }
0xa5: {  	s4 =	sld [smem:$0x0]  }
0xa6: {  	s5 =	sand.u32 $0xFFFFFFFE, s1  }
0xa7: {  	p0 =	sne.s32 s1, s5  }
0xa8: {  	s5 =	sshll.u32 @p0 s5, $0xE  }
0xa9: {  	s5 =	sadd.s32 @p0 $0x11B8D, s5;
	s6 =	sshll.u32 @p0 s4, $0x11  }
0xaa: {  	s5 =	sor.u32 @p0 s6, s5  }
0xab: {  	[sflag:s5] =	ssyncadd.remote.s32 @p0 $0x1;
	_ =	sdelay $0x1  }
0xac: {  	s5 =	simm.s32 @p0 $0x1B8D  }
0xad: {  	_ =	swait.eq @p0 [sflag:s5], $0x1  }
0xae: {  	[sflag:s5] =	ssyncadd.s32 @p0 $0xFFFFFFFF  }
0xaf: {  	s6 =	sshll.u32 @!p0 s1, $0xE  }
0xb0: {  	s6 =	sor.u32 @!p0 $0x4000, s6;
	s5 =	simm.s32 @!p0 $0x1B8D  }
0xb1: {  	s4 =	sshll.u32 @!p0 s4, $0x11;
	s6 =	sadd.s32 @!p0 $0x11B8D, s6;
	_ =	swait.eq @!p0 [sflag:s5], $0x1  }
0xb2: {  	s4 =	sor.u32 @!p0 s4, s6;
	[sflag:s5] =	ssyncadd.s32 @!p0 $0xFFFFFFFF  }
0xb3: {  	s25 =	simm.s32 $0x1B8E;
	s24 =	sld [smem:$0x3FFE];
	[sflag:s4] =	ssyncadd.remote.s32 @!p0 $0x1  }
0xb4: {  	s26 =	simm.s32 $execute0_lowered;
	[smem:$0x3FD2] =	sst s25  }
0xb5: {  	s5 =	sshll.u32 s26, $0x1;
	_ =	strace $0x80000052;
	[dreg:$0x1] =	wrdreg $0xFFFFFFFF  }
0xb6: {  	s28 =	simm.s32 $_size_execute0_lowered;
	s3 =	sadd.s32 s3, s5;
	[dreg:$0x0] =	wrdreg $0x0  }
0xb7: {  	s5 =	sshll.u32 s28, $0x1;
	[dreg:$0x2] =	wrdreg s3  }
0xb8: {  	[dreg:$0x3] =	wrdreg s5  }
0xb9: {  	[dreg:$0x4] =	wrdreg $0xC0  }
0xba: {  	_ =	task [dreg:s22], $0x5FFFF  }
0xbb: {  	[dreg:$0x1] =	wrdreg $0xFFFFFFFF  }
0xbc: {  	[dreg:$0x0] =	wrdreg $0x60  }
0xbd: {  	[dreg:$0x2] =	wrdreg s24  }
0xbe: {  	[dreg:$0x3] =	wrdreg $0x8FD00  }
0xbf: {  	[dreg:$0x4] =	wrdreg $0xA  }
0xc0: {  	_ =	task.clear_ibuf [dreg:s22], $0x5FFFF;
	_ =	strace $0x90000052  }
0xc1: {  	s29 =	simm.s32 $0xA;
	_ =	strace $0x80000054  }
0xc2: {  	_ =	swait.ge [sflag:s29], $0x1  }
0xc3: {  	[sflag:s29] =	ssyncadd.s32 $0xFFFFFFFF  }
0xc4: {  	_ =	strace $0x90000054  }
0xc5: {  	_ =	sfence  }
0xc6: {  	s30 =	sld [smem:$0x0];
	_ =	sdelay $0x2  }
0xc7: {  	s31 =	sshll.u32 s1, $0xD;
	s1 =	sshrl.u32 s1, $0x2  }
0xc8: {  	s4 =	sand.u32 $0x4000, s31;
	s1 =	sadd.s32 s1, s30  }
0xc9: {  	s0 =	sor.u32 s4, s0;
	s1 =	sshll.u32 s1, $0x11  }
0xca: {  	s0 =	sor.u32 s1, s0  }
0xcb: {  	s0 =	sadd.s32 $0x8F2B, s0  }
0xcc: {  	[sflag:s0] =	ssyncadd.remote.s32 $0x1  }
0xcd: {  	_ =	sfence.sel $0xFFFF  }
0xce: {  	[dreg:$0x0] =	wrdreg $0xFFFFFFFF;
	(pc) =	sbr.abs _section_cstart, $3  }
0xcf: {  	[dreg:$0x1] =	wrdreg $0xFFFFFFFF  }
0xd0: {  	_ =	task.clear_ibuf [dreg:s22], $0x2FFFF;
	_ =	strace $0x9FFFFFFF  }
0xd1: {  	(tm) =	ssettm $0x7FFFFFFF  }
tec
execute0_lowered:
.L_overlay_start_1:
0x0: {  	(tag) =	ssettag $0x1  }
0x1: {  	s0 =	srdreg.scid;
	s14 =	rddreg [dreg:$0x0]  }
0x2: {  	s2 =	rddreg [dreg:$0x1];
	s1 =	stileid.u32;
	s3 =	simm.s32 $0x0  }
0x3: {  	s17 =	simm.s32 $0xA5C00;
	s18 =	simm.s32 $0x4FC0;
	s19 =	simm.s32 $0x1  }
0x4: {  	s20 =	simm.s32 $0x80;
	s21 =	simm.s32 $0x4FD0;
	s22 =	simm.s32 $0x4F40  }
0x5: {  	s11 =	sand.u32 $0x1, s0;
	s0 =	rddreg [dreg:$0x2];
	s7 =	smul.u32 $0x28000, s1  }
0x6: {  	[smem:$0x7FF] =	sst s3;
	s13 =	smul.u32 $0xA000, s1;
	s4 =	sshll.u32 s11, $0x4  }
0x7: {  	_ =	strace $0x80000053;
	s29 =	ssub.s32 $0x2, s11;
	p0 =	seq.s32 s11, $0x1  }
0x8: {  	s5 =	sor.u32 s1, s4;
	s4 =	sadd.s32 $0x91C00, s14;
	s7 =	sshrl.u32 s7, $0x2  }
0x9: {  	s30 =	sshrl.u32 s29, $0x1;
	s17 =	simm.s32 @!p0 $0xB9C00;
	s31 =	sshrl.u32 s13, $0x3  }
0xa: {  	s6 =	smul.u32 $0x4F4, s5;
	s5 =	sshll.u32 s5, $0x1;
	s9 =	sadd.s32 s7, s2  }
0xb: {  	s16 =	ssub.s32 s29, s30;
	s15 =	sadd.s32 s5, s14;
	s5 =	sadd.s32 s13, s2  }
.Ltmp0:
0xc: {  	s7 =	sadd.s32 $0x4000, s9;
	s8 =	sadd.s32 $0x6000, s9;
	(pc) =	sbr.rel .LBB2_1-.Ltmp0, $4  }
0xd: {  	s13 =	smax.u32 s16, $0x1;
	s16 =	simm.s32 $0x2;
	s12 =	sadd.s32 s6, s14  }
0xe: {  	s6 =	sadd.s32 $0x2000, s9;
	s9 =	sadd.s32 $0x8000, s9;
	s14 =	sadd.s32 s17, s14  }
0xf: {  	s17 =	simm.s32 $0x27A0;
	s10 =	sadd.s32 $0x2DA00, s12;
	s11 =	sadd.s32 $0x37A00, s12  }
0x10: {  	v0 =	vimm.f32 $0.0e+00;
	s12 =	sadd.s32 $0x41A00, s15;
	s14 =	sadd.s32 s14, s31;
	s15 =	simm.s32 $0x6FD0  }
.LBB2_6:
0x11: {  	[sflag:s16] =	ssyncadd.s32 $0xFFFFE000  }
.LBB2_7:
0x12: {  	s3 =	sadd.s32 $0x1, s3  }
0x13: {  	s23 =	sshll.u32 s1, $0x6;
	[bflag:$0x0] =	sbarrier.arrive $0xFFFF;
	p0 =	sne.s32 s3, s13  }
.Ltmp1:
0x14: {  	s24 =	sshrl.u32 s5, $0x3;
	s23 =	sor.u32 $0x1C02, s23;
	(pc) =	sbr.rel @!p0 .LBB2_8-.Ltmp1, $4  }
0x15: {  	[hbm:s14], [sflag:s23] =	dma.local [spmem:s24], $0x1400  }
0x16: {  	_ =	swait.ge [sflag:s16], $0x1400  }
0x17: {  	[sflag:s16] =	ssyncset.done $0x0  }
0x18: {  	[sflag:s16] =	ssyncadd.s32 $0xFFFFEC00  }
.LBB2_1:
0x19: {  	s24 =	simm.s32 $0x100;
	s23 =	simm.s32 $0x0  }
.LBB2_2:
0x1a: {  	p0 =	sne.s32 s24, $0x7F00;
	[tilespmem:s23+$0x7000] =	vst v0;
	s25 =	smov.u32 s24;
	s24 =	sadd.s32 $0x100, s24  }
.Ltmp2:
0x1b: {  	[tilespmem:s23+$0x6FF0] =	vst v0;
	(pc) =	sbr.rel @p0 .LBB2_2-.Ltmp2, $3  }
0x1c: {  	[tilespmem:s23+$0x6FD0] =	vst v0  }
0x1d: {  	[tilespmem:s23+$0x6FE0] =	vst v0;
	_ =	sdelay $0x1  }
0x1e: {  	s23 =	sshra.s32 s25, $0x2  }
0x1f: {  	[tilespmem:s23+$0x7000] =	vst v0  }
0x20: {  	[tilespmem:s23+$0x6FF0] =	vst v0  }
0x21: {  	[tilespmem:s23+$0x6FD0] =	vst v0  }
0x22: {  	[tilespmem:s23+$0x6FE0] =	vst v0  }
0x23: {  	[spmem:s5] =	stream.linear.scatter [tilespmem:s15], [sflag:$0x2], $0x2000, $0x38;
	[tilespmem:$0x12FD0] =	vst v63  }
0x24: {  	_ =	swait.ge [sflag:s16], $0x2000  }
0x25: {  	[sflag:s16] =	ssyncset.done $0x0  }
0x26: {  	[sflag:s16] =	ssyncadd.s32 $0xFFFFE000  }
0x27: {  	[spmem:s6] =	stream.linear.scatter [tilespmem:s15], [sflag:$0x2], $0x2000, $0x38;
	[tilespmem:$0x12FD0] =	vst v63  }
0x28: {  	_ =	swait.ge [sflag:s16], $0x2000  }
0x29: {  	[sflag:s16] =	ssyncset.done $0x0  }
0x2a: {  	[sflag:s16] =	ssyncadd.s32 $0xFFFFE000  }
0x2b: {  	[spmem:s7] =	stream.linear.scatter [tilespmem:s15], [sflag:$0x2], $0x2000, $0x38;
	[tilespmem:$0x12FD0] =	vst v63  }
0x2c: {  	_ =	swait.ge [sflag:s16], $0x2000  }
0x2d: {  	[sflag:s16] =	ssyncset.done $0x0  }
0x2e: {  	[sflag:s16] =	ssyncadd.s32 $0xFFFFE000  }
0x2f: {  	[spmem:s8] =	stream.linear.scatter [tilespmem:s15], [sflag:$0x2], $0x2000, $0x38;
	[tilespmem:$0x12FD0] =	vst v63  }
0x30: {  	_ =	swait.ge [sflag:s16], $0x2000  }
0x31: {  	[sflag:s16] =	ssyncset.done $0x0  }
0x32: {  	[sflag:s16] =	ssyncadd.s32 $0xFFFFE000  }
0x33: {  	[spmem:s9] =	stream.linear.scatter [tilespmem:s15], [sflag:$0x2], $0x2000, $0x38;
	[tilespmem:$0x12FD0] =	vst v63  }
0x34: {  	_ =	swait.ge [sflag:s16], $0x2000  }
0x35: {  	[sflag:s16] =	ssyncset.done $0x0  }
0x36: {  	[sflag:s16] =	ssyncadd.s32 $0xFFFFE000  }
0x37: {  	s23 =	simm.s32 $0x0;
	[bflag:$0x0] =	sbarrier.arrive $0xFFFF  }
0x38: {  	[tilespmem:s23], [sflag:$0x2] =	stream.linear.gather [hbm4b:s10+s23], $0x27A0, $0x38;
	[tilespmem:$0x12FD0] =	vst v63  }
0x39: {  	_ =	swait.ge [sflag:s16], $0x27A0  }
0x3a: {  	[sflag:s16] =	ssyncset.done $0x0  }
0x3b: {  	[sflag:s16] =	ssyncadd.s32 $0xFFFFD860  }
0x3c: {  	[tilespmem:s17], [sflag:$0x2] =	stream.linear.gather [hbm4b:s11+s23], $0x27A0, $0x38;
	[tilespmem:$0x12FD0] =	vst v63  }
0x3d: {  	_ =	swait.ge [sflag:s16], $0x27A0  }
0x3e: {  	[sflag:s16] =	ssyncset.done $0x0  }
0x3f: {  	[sflag:s16] =	ssyncadd.s32 $0xFFFFD860  }
0x40: {  	[tilespmem:s18], [sflag:$0x2] =	stream.linear.gather [hbm4b:s12+s23], $0x10, $0x38;
	[tilespmem:$0x12FD0] =	vst v63  }
0x41: {  	_ =	swait.ge [sflag:s16], $0x10  }
0x42: {  	[sflag:s16] =	ssyncset.done $0x0  }
0x43: {  	[sflag:s16] =	ssyncadd.s32 $0xFFFFFFF0  }
0x44: {  	v1 =	vld [tilespmem:$0x4FC0];
	_ =	sdelay $0x4  }
0x45: {  	v1 =	vxor.u32 $0x80000000, v1  }
0x46: {  	(xrf0) =	vmax.scan.msk.u32 $0xffff, v1;
	_ =	sdelay $0x5  }
0x47: {  	v1, _, _ =	vpop (xrf0)  }
0x48: {  	(v2sf) =	vpush v1, $0xF;
	_ =	sdelay $0xe  }
0x49: {  	s24 =	spop (v2sf)  }
0x4a: {  	s24 =	sadd.s32 $0x8000007F, s24  }
0x4b: {  	s25 =	sand.u32 $0x7F, s24  }
0x4c: {  	s31 =	sshra.s32 s24, $0x1F;
	p1 =	slt.s32 s24, $0x1;
	p0 =	sne.s32 s25, $0x0  }
0x4d: {  	s25 =	sshrl.u32 s31, $0x19;
	p0 =	por !p1, !p0  }
0x4e: {  	s24 =	sadd.s32 s25, s24;
	s25 =	simm.s32 $0x1;
	p0 =	por !p0, !p0  }
0x4f: {  	s24 =	sshra.s32 s24, $0x7;
	s25 =	simm.s32 @!p0 $0x0  }
0x50: {  	s25 =	ssub.s32 s24, s25  }
0x51: {  	p0 =	slt.s32 s25, $0x1  }
.Ltmp3:
0x52: {  	_ = 	snop;
	(pc) =	sbr.rel @p0 .LBB2_7-.Ltmp3, $2  }
0x53: {  	_ =	sdelay $0x2  }
0x54: {  	s24 =	simm.s32 $0x27E0  }
0x55: {  	[tilespmem:s21], [sflag:$0x1] =	stream.indirect.gather [hbm4b:s4+s20], $0x40, s23, s20, $0xb8;
	[tilespmem:$0x12FD0] =	vst v63  }
0x56: {  	_ =	swait.ge [sflag:s19], $0x2000  }
0x57: {  	[sflag:s19] =	ssyncset.done $0x0  }
0x58: {  	[sflag:s19] =	ssyncadd.s32 $0xFFFFE000  }
0x59: {  	v1 =	vld [tilespmem:s24+$0xFFFFFFC0];
	_ =	sdelay $0x4  }
0x5a: {  	[tilespmem:$0x4F40] =	vst v1  }
0x5b: {  	v1 =	vld [tilespmem:s24+$0xFFFFFFD0];
	_ =	sdelay $0x4  }
0x5c: {  	[tilespmem:$0x4F50] =	vst v1  }
0x5d: {  	v1 =	vld [tilespmem:s24+$0xFFFFFFE0];
	_ =	sdelay $0x4  }
0x5e: {  	[tilespmem:$0x4F60] =	vst v1  }
0x5f: {  	v1 =	vld [tilespmem:s24+$0xFFFFFFF0];
	_ =	sdelay $0x4  }
0x60: {  	[tilespmem:$0x4F70] =	vst v1  }
0x61: {  	v1 =	vld [tilespmem:s24+$0x0];
	_ =	sdelay $0x4  }
0x62: {  	[tilespmem:$0x4F80] =	vst v1  }
0x63: {  	v1 =	vld [tilespmem:s24+$0x10];
	_ =	sdelay $0x4  }
0x64: {  	[tilespmem:$0x4F90] =	vst v1  }
0x65: {  	v1 =	vld [tilespmem:s24+$0x20];
	_ =	sdelay $0x4  }
0x66: {  	[tilespmem:$0x4FA0] =	vst v1  }
0x67: {  	v1 =	vld [tilespmem:s24+$0x30];
	_ =	sdelay $0x2  }
0x68: {  	p0 =	sne.s32 s25, $0x1  }
.Ltmp4:
0x69: {  	_ = 	snop;
	(pc) =	sbr.rel @!p0 .LBB2_6-.Ltmp4, $4  }
0x6a: {  	[tilespmem:$0x4FB0] =	vst v1  }
0x6b: {  	[spmem:s2] =	stream.indirect.scatter.add.f32 [tilespmem:s21], [sflag:$0x2], $0x40, s22, s20, $0xb8;
	[tilespmem:$0x12FD0] =	vst v63  }
0x6c: {  	_ =	swait.ge [sflag:s16], $0x2000  }
0x6d: {  	s25 =	sadd.s32 $0xFFFFFFFF, s25;
	[sflag:s16] =	ssyncset.done $0x0  }
.LBB2_5:
0x6e: {  	[sflag:s16] =	ssyncadd.s32 $0xFFFFE000;
	s23 =	sadd.s32 $0x80, s23;
	s24 =	sadd.s32 $0x80, s24  }
0x6f: {  	[tilespmem:s21], [sflag:$0x1] =	stream.indirect.gather [hbm4b:s4+s20], $0x40, s23, s20, $0xb8;
	[tilespmem:$0x12FD0] =	vst v63  }
0x70: {  	p0 =	sne.s32 s25, $0x1;
	s25 =	sadd.s32 $0xFFFFFFFF, s25;
	_ =	swait.ge [sflag:s19], $0x2000  }
0x71: {  	[sflag:s19] =	ssyncset.done $0x0  }
0x72: {  	[sflag:s19] =	ssyncadd.s32 $0xFFFFE000  }
0x73: {  	v1 =	vld [tilespmem:s24+$0xFFFFFFC0];
	_ =	sdelay $0x4  }
0x74: {  	[tilespmem:$0x4F40] =	vst v1  }
0x75: {  	v1 =	vld [tilespmem:s24+$0xFFFFFFD0];
	_ =	sdelay $0x4  }
0x76: {  	[tilespmem:$0x4F50] =	vst v1  }
0x77: {  	v1 =	vld [tilespmem:s24+$0xFFFFFFE0];
	_ =	sdelay $0x4  }
0x78: {  	[tilespmem:$0x4F60] =	vst v1  }
0x79: {  	v1 =	vld [tilespmem:s24+$0xFFFFFFF0];
	_ =	sdelay $0x4  }
0x7a: {  	[tilespmem:$0x4F70] =	vst v1  }
0x7b: {  	v1 =	vld [tilespmem:s24+$0x0];
	_ =	sdelay $0x4  }
0x7c: {  	[tilespmem:$0x4F80] =	vst v1  }
0x7d: {  	v1 =	vld [tilespmem:s24+$0x10];
	_ =	sdelay $0x4  }
0x7e: {  	[tilespmem:$0x4F90] =	vst v1  }
0x7f: {  	v1 =	vld [tilespmem:s24+$0x20];
	_ =	sdelay $0x4  }
0x80: {  	[tilespmem:$0x4FA0] =	vst v1  }
0x81: {  	v1 =	vld [tilespmem:s24+$0x30];
	_ =	sdelay $0x3  }
.Ltmp5:
0x82: {  	(pc) =	sbr.rel @p0 .LBB2_5-.Ltmp5, $4  }
0x83: {  	[tilespmem:$0x4FB0] =	vst v1  }
0x84: {  	[spmem:s2] =	stream.indirect.scatter.add.f32 [tilespmem:s21], [sflag:$0x2], $0x40, s22, s20, $0xb8;
	[tilespmem:$0x12FD0] =	vst v63  }
0x85: {  	_ =	swait.ge [sflag:s16], $0x2000  }
0x86: {  	[sflag:s16] =	ssyncset.done $0x0  }
.Ltmp6:
0x87: {  	_ = 	snop;
	(pc) =	sbr.rel .LBB2_6-.Ltmp6, $1  }
0x88: {  	_ =	sdelay $0x3  }
.LBB2_8:
0x89: {  	_ =	sfence.sel $0x180000  }
0x8a: {  	[bflag:$0x0] =	sbarrier.arrive $0xFFFF  }
0x8b: {  	p0 =	sne.s32 s1, $0x0;
	_ =	strace $0x90000053  }
0x8c: {  	s0 =	sadd.s32 @!p0 $0x100000, s0;
	[bflag:$0x2] =	sbarrier.arrive $0xFFFF  }
0x8d: {  	[sflag:s0] =	ssyncadd.tile.s32 @!p0 $0x1;
	_ =	shalt  }
.Lfunc_end2:
_tile_overlayer_lowered:
.L_overlay_start_2:
0x8e: {  	(tag) =	ssettag $0x2  }
0x8f: {  	s0 =	rddreg [dreg:$0x0];
	s2 =	stileid.u32  }
0x90: {  	s1 =	rddreg [dreg:$0x1];
	p0 =	sne.s32 s2, $0x0  }
0x91: {  	s3 =	rddreg [dreg:$0x2];
	[bflag:$0x3] =	sbarrier.arrive $0xFFFF;
	s2 =	simm.s32 @!p0 $0x1C02  }
0x92: {  	[timem:s3], [sflag:s2] =	dma.local @!p0 [hbm:s0], s1  }
0x93: {  	s0 =	simm.s32 @!p0 $0x2  }
0x94: {  	_ =	swait.ge @!p0 [sflag:s0], s1  }
0x95: {  	s1 =	ssub.s32 @!p0 $0x0, s1;
	[sflag:s0] =	ssyncset.done @!p0 $0x0  }
0x96: {  	[sflag:s0] =	ssyncadd.s32 @!p0 s1  }
0x97: {  	[bflag:$0x3] =	sbarrier.arrive $0xFFFF  }
0x98: {  	_ =	shalt  }

// kernel: kernel.22.cloned.1.call-start
scs
__scs_entry_jumppad:
0x0: {  	(pc) =	sbr.rel $0x88, $3  }
0x1: {  	(tag) =	ssettag $0x0;
	lr =	simm.s32 $0x1  }
0x2: {  	[smem:$0x3F95] =	sst lr;
	_ =	strace $0xD0000000  }
0x3: {  	_ = 	snop  }
0x4: {  	_ = 	snop  }
0x5: {  	_ = 	snop  }
0x6: {  	_ = 	snop  }
0x7: {  	_ = 	snop  }
__scs_overlays_trampoline_lowered:
0x8: {  	[smem:$0x3FA4] =	sst s0  }
0x9: {  	[smem:$0x3FA5] =	sst s1  }
0xa: {  	[smem:$0x3FA6] =	sst s2  }
0xb: {  	[smem:$0x3FA7] =	sst s3  }
0xc: {  	[smem:$0x3FA8] =	sst s4  }
0xd: {  	[smem:$0x3FA9] =	sst s5  }
0xe: {  	[smem:$0x3FAA] =	sst s6  }
0xf: {  	[smem:$0x3FAB] =	sst s7  }
0x10: {  	[smem:$0x3FAC] =	sst s8  }
0x11: {  	[smem:$0x3FAD] =	sst s9;
	s0 =	simm.s32 @!p0 $0x0  }
0x12: {  	s1 =	sld [smem:$0x3F93];
	s0 =	simm.s32 @p0 $0x1  }
0x13: {  	[smem:$0x3FAE] =	sst s0;
	s0 =	simm.s32 @!p1 $0x0  }
0x14: {  	s2 =	sld [smem:$0x3F92];
	s0 =	simm.s32 @p1 $0x1  }
0x15: {  	[smem:$0x3FAF] =	sst s0;
	s0 =	simm.s32 @!p2 $0x0  }
0x16: {  	s3 =	sld [smem:$0x3FDB];
	s0 =	simm.s32 @p2 $0x1  }
0x17: {  	s4 =	simm.s32 $0x1BF5;
	[smem:$0x3FB1] =	sst s0  }
0x18: {  	s0 =	sld [smem:$0x3F94];
	_ =	swait.ge [sflag:s4], $0x0  }
0x19: {  	s7 =	sld [smem:$0x3F95]  }
0x1a: {  	s8 =	sadd.s32 $0xFFFFE003, lr  }
0x1b: {  	s9 =	sadd.s32 $0xFFFFFEF7, lr;
	s5 =	simm.s32 $0xFFFFFFFF;
	p2 =	slt.u32 s8, $0xFFFFF086  }
0x1c: {  	p1 =	slt.u32 s9, $0xF7A;
	s5 =	simm.s32 @!p2 $0x0  }
0x1d: {  	s5 =	simm.s32 @p1 $0x1;
	p0 =	seq.s32 s7, s2  }
0x1e: {  	s7 =	smul.u32 @!p0 $0xF7A, s2;
	p2 =	seq.s32 @!p0 s5, $0x0  }
0x1f: {  	s9 =	smul.u32 $0xF7A, s1;
	s8 =	simm.s32 @!p0 $0x1BF5;
	p2 =	por !p2, p0  }
0x20: {  	[sflag:s8] =	ssyncset.s32 @!p0 $0xFFFFF086;
	s6 =	sadd.s32 @!p0 s3, s7;
	s7 =	simm.s32 @!p0 $0x108  }
0x21: {  	s3 =	sadd.s32 s3, s9;
	s6 =	sadd.s32 @!p0 $0x88, s6;
	s7 =	simm.s32 @p2 $0x1082  }
0x22: {  	[simem:s7], [sflag:s8] =	dma.local @!p0 [hbm:s6], $0xF7A  }
0x23: {  	s9 =	sor.u32 $0xD0000000, s2;
	s6 =	simm.s32 $0x108;
	_ =	swait.ge @!p0 [sflag:s8], $0x0  }
0x24: {  	s3 =	sadd.s32 $0x88, s3;
	s6 =	simm.s32 @!p1 $0x1082;
	[sflag:s4] =	ssyncset.s32 $0xFFFFF086  }
0x25: {  	[simem:s6], [sflag:s4] =	dma.local [hbm:s3], $0xF7A  }
0x26: {  	[smem:$0x3F95] =	sst s1;
	(tag) =	ssettag s2;
	_ =	strace s9  }
0x27: {  	s1 =	sld [smem:$0x3FA5]  }
0x28: {  	s2 =	sld [smem:$0x3FA6]  }
0x29: {  	s4 =	sld [smem:$0x3FA8]  }
0x2a: {  	p0 =	seq.s32 s5, $0x0;
	s5 =	sld [smem:$0x3FA9]  }
0x2b: {  	s6 =	sld [smem:$0x3FAA]  }
0x2c: {  	s7 =	sld [smem:$0x3FAB]  }
0x2d: {  	s3 =	simm.s32 $0x108;
	s8 =	sld [smem:$0x3FAC]  }
0x2e: {  	s3 =	simm.s32 @!p0 $0x1082;
	s9 =	sld [smem:$0x3FAD]  }
0x2f: {  	lr =	sadd.s32 s0, s3;
	s0 =	sld [smem:$0x3FA4]  }
0x30: {  	s3 =	sld [smem:$0x3FA7]  }
0x31: {  	[smem:$0x3FB0] =	sst s10  }
0x32: {  	s10 =	sld [smem:$0x3FAE];
	_ =	sdelay $0x3  }
0x33: {  	p0 =	seq.s32 s10, $0x1;
	s10 =	sld [smem:$0x3FB0];
	_ =	sdelay $0x3  }
0x34: {  	[smem:$0x3FB0] =	sst s10  }
0x35: {  	s10 =	sld [smem:$0x3FAF];
	_ =	sdelay $0x3  }
0x36: {  	p1 =	seq.s32 s10, $0x1;
	s10 =	sld [smem:$0x3FB0];
	_ =	sdelay $0x3  }
0x37: {  	[smem:$0x3FB0] =	sst s10  }
0x38: {  	s10 =	sld [smem:$0x3FB1]  }
0x39: {  	_ = 	snop;
	(pc) =	sbr.ind lr, $3  }
0x3a: {  	_ = 	snop  }
0x3b: {  	_ = 	snop  }
0x3c: {  	p2 =	seq.s32 s10, $0x1;
	s10 =	sld [smem:$0x3FB0]  }
0x3d: {  	_ =	shalt  }
0x3e: {  	_ =	shalt  }
0x3f: {  	_ =	shalt  }
0x40: {  	_ =	shalt  }
0x41: {  	_ =	shalt  }
0x42: {  	_ =	shalt  }
0x43: {  	_ =	shalt  }
0x44: {  	_ =	shalt  }
0x45: {  	_ =	shalt  }
0x46: {  	_ =	shalt  }
0x47: {  	_ =	shalt  }
0x48: {  	_ =	shalt  }
0x49: {  	_ =	shalt  }
0x4a: {  	_ =	shalt  }
0x4b: {  	_ =	shalt  }
0x4c: {  	_ =	shalt  }
0x4d: {  	_ =	shalt  }
0x4e: {  	_ =	shalt  }
0x4f: {  	_ =	shalt  }
0x50: {  	_ =	shalt  }
0x51: {  	_ =	shalt  }
0x52: {  	_ =	shalt  }
0x53: {  	_ =	shalt  }
0x54: {  	_ =	shalt  }
0x55: {  	_ =	shalt  }
0x56: {  	_ =	shalt  }
0x57: {  	_ =	shalt  }
0x58: {  	_ =	shalt  }
0x59: {  	_ =	shalt  }
0x5a: {  	_ =	shalt  }
0x5b: {  	_ =	shalt  }
0x5c: {  	_ =	shalt  }
0x5d: {  	_ =	shalt  }
0x5e: {  	_ =	shalt  }
0x5f: {  	_ =	shalt  }
0x60: {  	_ =	shalt  }
0x61: {  	_ =	shalt  }
0x62: {  	_ =	shalt  }
0x63: {  	_ =	shalt  }
0x64: {  	_ =	shalt  }
0x65: {  	_ =	shalt  }
0x66: {  	_ =	shalt  }
0x67: {  	_ =	shalt  }
0x68: {  	_ =	shalt  }
0x69: {  	_ =	shalt  }
0x6a: {  	_ =	shalt  }
0x6b: {  	_ =	shalt  }
0x6c: {  	_ =	shalt  }
0x6d: {  	_ =	shalt  }
0x6e: {  	_ =	shalt  }
0x6f: {  	_ =	shalt  }
0x70: {  	_ =	shalt  }
0x71: {  	_ =	shalt  }
0x72: {  	_ =	shalt  }
0x73: {  	_ =	shalt  }
0x74: {  	_ =	shalt  }
0x75: {  	_ =	shalt  }
0x76: {  	_ =	shalt  }
0x77: {  	_ =	shalt  }
0x78: {  	_ =	shalt  }
0x79: {  	_ =	shalt  }
0x7a: {  	_ =	shalt  }
0x7b: {  	_ =	shalt  }
0x7c: {  	_ =	shalt  }
0x7d: {  	_ =	shalt  }
0x7e: {  	_ =	shalt  }
0x7f: {  	_ =	shalt  }
0x80: {  	_ =	shalt  }
0x81: {  	_ =	shalt  }
0x82: {  	_ =	shalt  }
0x83: {  	_ =	shalt  }
0x84: {  	_ =	shalt  }
0x85: {  	_ =	shalt  }
0x86: {  	_ =	shalt  }
0x87: {  	_ =	shalt  }
.Lfunc_end0:
.L_simem_size_0:
called_computation.4_lowered:
.L_overlay_start_0:
0x88: {  	s2 =	sld [smem:$0x3FD9]  }
0x89: {  	s3 =	sld [smem:$0x3FFE];
	_ =	sdelay $0x1  }
0x8a: {  	s1 =	srdreg.scid  }
0x8b: {  	s0 =	sand.u32 $0x1, s1  }
0x8c: {  	s17 =	sshll.u32 s0, $0xA;
	s2 =	sadd.s32 s3, s2  }
0x8d: {  	s2 =	sadd.s32 s2, s17  }
0x8e: {  	[smem:$0x3FBC] =	sst s2  }
0x8f: {  	_ = 	snop  }
0x90: {  	(tm) =	ssettm $0x1  }
0x91: {  	s18 =	sld [smem:$0x3FFB];
	_ =	sdelay $0x3  }
0x92: {  	_ =	strace s18  }
0x93: {  	s2 =	sld [smem:$0x3FFC];
	_ =	sdelay $0x3  }
0x94: {  	_ =	strace s2  }
0x95: {  	s2 =	sld [smem:$0x3FFD];
	_ =	sdelay $0x3  }
0x96: {  	_ =	strace s2  }
0x97: {  	_ =	strace $0x8FFFFFFF  }
0x98: {  	s19 =	sld [smem:$0x3FDB];
	_ =	sdelay $0x1  }
0x99: {  	s20 =	simm.s32 $_scs_section_size  }
0x9a: {  	s4 =	simm.s32 $_size__tile_overlayer_lowered;
	s5 =	simm.s32 $_tile_overlayer_lowered  }
0x9b: {  	s6 =	simm.s32 $0x1BFF;
	s21 =	sshll.u32 s5, $0x1;
	s3 =	sadd.s32 s20, s19  }
0x9c: {  	s22 =	simm.s32 $0x0;
	s4 =	sshll.u32 s4, $0x1;
	s5 =	sadd.s32 s21, s3  }
0x9d: {  	[timem:s22], [sflag:s6] =	dma.local [hbm:s5], s4  }
0x9e: {  	_ =	swait.ge [sflag:s6], s4  }
0x9f: {  	s4 =	ssub.s32 $0x0, s4;
	[sflag:s6] =	ssyncset.done $0x0  }
0xa0: {  	[sflag:s6] =	ssyncadd.s32 s4;
	_ =	sdelay $0x1  }
0xa1: {  	s23 =	simm.s32 $0x1B8B  }
0xa2: {  	_ =	swait.ge [sflag:s23], $0x1  }
0xa3: {  	[sflag:s23] =	ssyncset.done $0x0  }
0xa4: {  	[sflag:s23] =	ssyncadd.s32 $0xFFFFFFFF  }
0xa5: {  	s4 =	sld [smem:$0x0]  }
0xa6: {  	s5 =	sand.u32 $0xFFFFFFFE, s1  }
0xa7: {  	p0 =	sne.s32 s1, s5  }
0xa8: {  	s5 =	sshll.u32 @p0 s5, $0xE  }
0xa9: {  	s5 =	sadd.s32 @p0 $0x11B8D, s5;
	s6 =	sshll.u32 @p0 s4, $0x11  }
0xaa: {  	s5 =	sor.u32 @p0 s6, s5  }
0xab: {  	[sflag:s5] =	ssyncadd.remote.s32 @p0 $0x1;
	_ =	sdelay $0x1  }
0xac: {  	s5 =	simm.s32 @p0 $0x1B8D  }
0xad: {  	_ =	swait.eq @p0 [sflag:s5], $0x1  }
0xae: {  	[sflag:s5] =	ssyncadd.s32 @p0 $0xFFFFFFFF  }
0xaf: {  	s6 =	sshll.u32 @!p0 s1, $0xE  }
0xb0: {  	s6 =	sor.u32 @!p0 $0x4000, s6;
	s5 =	simm.s32 @!p0 $0x1B8D  }
0xb1: {  	s4 =	sshll.u32 @!p0 s4, $0x11;
	s6 =	sadd.s32 @!p0 $0x11B8D, s6;
	_ =	swait.eq @!p0 [sflag:s5], $0x1  }
0xb2: {  	s4 =	sor.u32 @!p0 s4, s6;
	[sflag:s5] =	ssyncadd.s32 @!p0 $0xFFFFFFFF  }
0xb3: {  	s25 =	simm.s32 $0x1B8E;
	s24 =	sld [smem:$0x3FFE];
	[sflag:s4] =	ssyncadd.remote.s32 @!p0 $0x1  }
0xb4: {  	s26 =	simm.s32 $execute0_lowered;
	[smem:$0x3FD2] =	sst s25  }
0xb5: {  	s5 =	sshll.u32 s26, $0x1;
	_ =	strace $0x8000004F;
	[dreg:$0x1] =	wrdreg $0xFFFFFFFF  }
0xb6: {  	s28 =	simm.s32 $_size_execute0_lowered;
	s3 =	sadd.s32 s3, s5;
	[dreg:$0x0] =	wrdreg $0x0  }
0xb7: {  	s5 =	sshll.u32 s28, $0x1;
	[dreg:$0x2] =	wrdreg s3  }
0xb8: {  	[dreg:$0x3] =	wrdreg s5  }
0xb9: {  	[dreg:$0x4] =	wrdreg $0xC0  }
0xba: {  	_ =	task [dreg:s22], $0x5FFFF  }
0xbb: {  	[dreg:$0x1] =	wrdreg $0xFFFFFFFF  }
0xbc: {  	[dreg:$0x0] =	wrdreg $0x60  }
0xbd: {  	[dreg:$0x2] =	wrdreg s24  }
0xbe: {  	[dreg:$0x3] =	wrdreg $0x8FD00  }
0xbf: {  	[dreg:$0x4] =	wrdreg $0xB  }
0xc0: {  	_ =	task.clear_ibuf [dreg:s22], $0x5FFFF;
	_ =	strace $0x9000004F  }
0xc1: {  	s29 =	simm.s32 $0xB;
	_ =	strace $0x80000051  }
0xc2: {  	_ =	swait.ge [sflag:s29], $0x1  }
0xc3: {  	[sflag:s29] =	ssyncadd.s32 $0xFFFFFFFF  }
0xc4: {  	_ =	strace $0x90000051  }
0xc5: {  	_ =	sfence  }
0xc6: {  	s30 =	sld [smem:$0x0];
	_ =	sdelay $0x2  }
0xc7: {  	s31 =	sshll.u32 s1, $0xD;
	s1 =	sshrl.u32 s1, $0x2  }
0xc8: {  	s4 =	sand.u32 $0x4000, s31;
	s1 =	sadd.s32 s1, s30  }
0xc9: {  	s0 =	sor.u32 s4, s0;
	s1 =	sshll.u32 s1, $0x11  }
0xca: {  	s0 =	sor.u32 s1, s0  }
0xcb: {  	s0 =	sadd.s32 $0x8F2B, s0  }
0xcc: {  	[sflag:s0] =	ssyncadd.remote.s32 $0x1  }
0xcd: {  	_ =	sfence.sel $0xFFFF  }
0xce: {  	[dreg:$0x0] =	wrdreg $0xFFFFFFFF;
	(pc) =	sbr.abs _section_cstart, $3  }
0xcf: {  	[dreg:$0x1] =	wrdreg $0xFFFFFFFF  }
0xd0: {  	_ =	task.clear_ibuf [dreg:s22], $0x2FFFF;
	_ =	strace $0x9FFFFFFF  }
0xd1: {  	(tm) =	ssettm $0x7FFFFFFF  }
tec
execute0_lowered:
.L_overlay_start_1:
0x0: {  	(tag) =	ssettag $0x1  }
0x1: {  	s0 =	srdreg.scid;
	s14 =	rddreg [dreg:$0x0]  }
0x2: {  	s2 =	rddreg [dreg:$0x1];
	s1 =	stileid.u32;
	s3 =	simm.s32 $0x0  }
0x3: {  	s17 =	simm.s32 $0x69C00;
	s18 =	simm.s32 $0x4FC0;
	s19 =	simm.s32 $0x1  }
0x4: {  	s20 =	simm.s32 $0x80;
	s21 =	simm.s32 $0x4FD0;
	s22 =	simm.s32 $0x4F40  }
0x5: {  	s11 =	sand.u32 $0x1, s0;
	s0 =	rddreg [dreg:$0x2];
	s7 =	smul.u32 $0x28000, s1  }
0x6: {  	[smem:$0x7FF] =	sst s3;
	s13 =	smul.u32 $0xA000, s1;
	s4 =	sshll.u32 s11, $0x4  }
0x7: {  	_ =	strace $0x80000050;
	s29 =	ssub.s32 $0x2, s11;
	p0 =	seq.s32 s11, $0x1  }
0x8: {  	s5 =	sor.u32 s1, s4;
	s4 =	sadd.s32 $0x55C00, s14;
	s7 =	sshrl.u32 s7, $0x2  }
0x9: {  	s30 =	sshrl.u32 s29, $0x1;
	s17 =	simm.s32 @!p0 $0x7DC00;
	s31 =	sshrl.u32 s13, $0x3  }
0xa: {  	s6 =	smul.u32 $0x4F4, s5;
	s5 =	sshll.u32 s5, $0x1;
	s9 =	sadd.s32 s7, s2  }
0xb: {  	s16 =	ssub.s32 s29, s30;
	s15 =	sadd.s32 s5, s14;
	s5 =	sadd.s32 s13, s2  }
.Ltmp0:
0xc: {  	s7 =	sadd.s32 $0x4000, s9;
	s8 =	sadd.s32 $0x6000, s9;
	(pc) =	sbr.rel .LBB2_1-.Ltmp0, $4  }
0xd: {  	s13 =	smax.u32 s16, $0x1;
	s16 =	simm.s32 $0x2;
	s12 =	sadd.s32 s6, s14  }
0xe: {  	s6 =	sadd.s32 $0x2000, s9;
	s9 =	sadd.s32 $0x8000, s9;
	s14 =	sadd.s32 s17, s14  }
0xf: {  	s17 =	simm.s32 $0x27A0;
	s10 =	sadd.s32 $0x2DA00, s12;
	s11 =	sadd.s32 $0x37A00, s12  }
0x10: {  	v0 =	vimm.f32 $0.0e+00;
	s12 =	sadd.s32 $0x41A00, s15;
	s14 =	sadd.s32 s14, s31;
	s15 =	simm.s32 $0x6FD0  }
.LBB2_6:
0x11: {  	[sflag:s16] =	ssyncadd.s32 $0xFFFFE000  }
.LBB2_7:
0x12: {  	s3 =	sadd.s32 $0x1, s3  }
0x13: {  	s23 =	sshll.u32 s1, $0x6;
	[bflag:$0x0] =	sbarrier.arrive $0xFFFF;
	p0 =	sne.s32 s3, s13  }
.Ltmp1:
0x14: {  	s24 =	sshrl.u32 s5, $0x3;
	s23 =	sor.u32 $0x1C02, s23;
	(pc) =	sbr.rel @!p0 .LBB2_8-.Ltmp1, $4  }
0x15: {  	[hbm:s14], [sflag:s23] =	dma.local [spmem:s24], $0x1400  }
0x16: {  	_ =	swait.ge [sflag:s16], $0x1400  }
0x17: {  	[sflag:s16] =	ssyncset.done $0x0  }
0x18: {  	[sflag:s16] =	ssyncadd.s32 $0xFFFFEC00  }
.LBB2_1:
0x19: {  	s24 =	simm.s32 $0x100;
	s23 =	simm.s32 $0x0  }
.LBB2_2:
0x1a: {  	p0 =	sne.s32 s24, $0x7F00;
	[tilespmem:s23+$0x7000] =	vst v0;
	s25 =	smov.u32 s24;
	s24 =	sadd.s32 $0x100, s24  }
.Ltmp2:
0x1b: {  	[tilespmem:s23+$0x6FF0] =	vst v0;
	(pc) =	sbr.rel @p0 .LBB2_2-.Ltmp2, $3  }
0x1c: {  	[tilespmem:s23+$0x6FD0] =	vst v0  }
0x1d: {  	[tilespmem:s23+$0x6FE0] =	vst v0;
	_ =	sdelay $0x1  }
0x1e: {  	s23 =	sshra.s32 s25, $0x2  }
0x1f: {  	[tilespmem:s23+$0x7000] =	vst v0  }
0x20: {  	[tilespmem:s23+$0x6FF0] =	vst v0  }
0x21: {  	[tilespmem:s23+$0x6FD0] =	vst v0  }
0x22: {  	[tilespmem:s23+$0x6FE0] =	vst v0  }
0x23: {  	[spmem:s5] =	stream.linear.scatter [tilespmem:s15], [sflag:$0x2], $0x2000, $0x38;
	[tilespmem:$0x12FD0] =	vst v63  }
0x24: {  	_ =	swait.ge [sflag:s16], $0x2000  }
0x25: {  	[sflag:s16] =	ssyncset.done $0x0  }
0x26: {  	[sflag:s16] =	ssyncadd.s32 $0xFFFFE000  }
0x27: {  	[spmem:s6] =	stream.linear.scatter [tilespmem:s15], [sflag:$0x2], $0x2000, $0x38;
	[tilespmem:$0x12FD0] =	vst v63  }
0x28: {  	_ =	swait.ge [sflag:s16], $0x2000  }
0x29: {  	[sflag:s16] =	ssyncset.done $0x0  }
0x2a: {  	[sflag:s16] =	ssyncadd.s32 $0xFFFFE000  }
0x2b: {  	[spmem:s7] =	stream.linear.scatter [tilespmem:s15], [sflag:$0x2], $0x2000, $0x38;
	[tilespmem:$0x12FD0] =	vst v63  }
0x2c: {  	_ =	swait.ge [sflag:s16], $0x2000  }
0x2d: {  	[sflag:s16] =	ssyncset.done $0x0  }
0x2e: {  	[sflag:s16] =	ssyncadd.s32 $0xFFFFE000  }
0x2f: {  	[spmem:s8] =	stream.linear.scatter [tilespmem:s15], [sflag:$0x2], $0x2000, $0x38;
	[tilespmem:$0x12FD0] =	vst v63  }
0x30: {  	_ =	swait.ge [sflag:s16], $0x2000  }
0x31: {  	[sflag:s16] =	ssyncset.done $0x0  }
0x32: {  	[sflag:s16] =	ssyncadd.s32 $0xFFFFE000  }
0x33: {  	[spmem:s9] =	stream.linear.scatter [tilespmem:s15], [sflag:$0x2], $0x2000, $0x38;
	[tilespmem:$0x12FD0] =	vst v63  }
0x34: {  	_ =	swait.ge [sflag:s16], $0x2000  }
0x35: {  	[sflag:s16] =	ssyncset.done $0x0  }
0x36: {  	[sflag:s16] =	ssyncadd.s32 $0xFFFFE000  }
0x37: {  	s23 =	simm.s32 $0x0;
	[bflag:$0x0] =	sbarrier.arrive $0xFFFF  }
0x38: {  	[tilespmem:s23], [sflag:$0x2] =	stream.linear.gather [hbm4b:s10+s23], $0x27A0, $0x38;
	[tilespmem:$0x12FD0] =	vst v63  }
0x39: {  	_ =	swait.ge [sflag:s16], $0x27A0  }
0x3a: {  	[sflag:s16] =	ssyncset.done $0x0  }
0x3b: {  	[sflag:s16] =	ssyncadd.s32 $0xFFFFD860  }
0x3c: {  	[tilespmem:s17], [sflag:$0x2] =	stream.linear.gather [hbm4b:s11+s23], $0x27A0, $0x38;
	[tilespmem:$0x12FD0] =	vst v63  }
0x3d: {  	_ =	swait.ge [sflag:s16], $0x27A0  }
0x3e: {  	[sflag:s16] =	ssyncset.done $0x0  }
0x3f: {  	[sflag:s16] =	ssyncadd.s32 $0xFFFFD860  }
0x40: {  	[tilespmem:s18], [sflag:$0x2] =	stream.linear.gather [hbm4b:s12+s23], $0x10, $0x38;
	[tilespmem:$0x12FD0] =	vst v63  }
0x41: {  	_ =	swait.ge [sflag:s16], $0x10  }
0x42: {  	[sflag:s16] =	ssyncset.done $0x0  }
0x43: {  	[sflag:s16] =	ssyncadd.s32 $0xFFFFFFF0  }
0x44: {  	v1 =	vld [tilespmem:$0x4FC0];
	_ =	sdelay $0x4  }
0x45: {  	v1 =	vxor.u32 $0x80000000, v1  }
0x46: {  	(xrf0) =	vmax.scan.msk.u32 $0xffff, v1;
	_ =	sdelay $0x5  }
0x47: {  	v1, _, _ =	vpop (xrf0)  }
0x48: {  	(v2sf) =	vpush v1, $0xF;
	_ =	sdelay $0xe  }
0x49: {  	s24 =	spop (v2sf)  }
0x4a: {  	s24 =	sadd.s32 $0x8000007F, s24  }
0x4b: {  	s25 =	sand.u32 $0x7F, s24  }
0x4c: {  	s31 =	sshra.s32 s24, $0x1F;
	p1 =	slt.s32 s24, $0x1;
	p0 =	sne.s32 s25, $0x0  }
0x4d: {  	s25 =	sshrl.u32 s31, $0x19;
	p0 =	por !p1, !p0  }
0x4e: {  	s24 =	sadd.s32 s25, s24;
	s25 =	simm.s32 $0x1;
	p0 =	por !p0, !p0  }
0x4f: {  	s24 =	sshra.s32 s24, $0x7;
	s25 =	simm.s32 @!p0 $0x0  }
0x50: {  	s25 =	ssub.s32 s24, s25  }
0x51: {  	p0 =	slt.s32 s25, $0x1  }
.Ltmp3:
0x52: {  	_ = 	snop;
	(pc) =	sbr.rel @p0 .LBB2_7-.Ltmp3, $2  }
0x53: {  	_ =	sdelay $0x2  }
0x54: {  	s24 =	simm.s32 $0x27E0  }
0x55: {  	[tilespmem:s21], [sflag:$0x1] =	stream.indirect.gather [hbm4b:s4+s20], $0x40, s23, s20, $0xb8;
	[tilespmem:$0x12FD0] =	vst v63  }
0x56: {  	_ =	swait.ge [sflag:s19], $0x2000  }
0x57: {  	[sflag:s19] =	ssyncset.done $0x0  }
0x58: {  	[sflag:s19] =	ssyncadd.s32 $0xFFFFE000  }
0x59: {  	v1 =	vld [tilespmem:s24+$0xFFFFFFC0];
	_ =	sdelay $0x4  }
0x5a: {  	[tilespmem:$0x4F40] =	vst v1  }
0x5b: {  	v1 =	vld [tilespmem:s24+$0xFFFFFFD0];
	_ =	sdelay $0x4  }
0x5c: {  	[tilespmem:$0x4F50] =	vst v1  }
0x5d: {  	v1 =	vld [tilespmem:s24+$0xFFFFFFE0];
	_ =	sdelay $0x4  }
0x5e: {  	[tilespmem:$0x4F60] =	vst v1  }
0x5f: {  	v1 =	vld [tilespmem:s24+$0xFFFFFFF0];
	_ =	sdelay $0x4  }
0x60: {  	[tilespmem:$0x4F70] =	vst v1  }
0x61: {  	v1 =	vld [tilespmem:s24+$0x0];
	_ =	sdelay $0x4  }
0x62: {  	[tilespmem:$0x4F80] =	vst v1  }
0x63: {  	v1 =	vld [tilespmem:s24+$0x10];
	_ =	sdelay $0x4  }
0x64: {  	[tilespmem:$0x4F90] =	vst v1  }
0x65: {  	v1 =	vld [tilespmem:s24+$0x20];
	_ =	sdelay $0x4  }
0x66: {  	[tilespmem:$0x4FA0] =	vst v1  }
0x67: {  	v1 =	vld [tilespmem:s24+$0x30];
	_ =	sdelay $0x2  }
0x68: {  	p0 =	sne.s32 s25, $0x1  }
.Ltmp4:
0x69: {  	_ = 	snop;
	(pc) =	sbr.rel @!p0 .LBB2_6-.Ltmp4, $4  }
0x6a: {  	[tilespmem:$0x4FB0] =	vst v1  }
0x6b: {  	[spmem:s2] =	stream.indirect.scatter.add.f32 [tilespmem:s21], [sflag:$0x2], $0x40, s22, s20, $0xb8;
	[tilespmem:$0x12FD0] =	vst v63  }
0x6c: {  	_ =	swait.ge [sflag:s16], $0x2000  }
0x6d: {  	s25 =	sadd.s32 $0xFFFFFFFF, s25;
	[sflag:s16] =	ssyncset.done $0x0  }
.LBB2_5:
0x6e: {  	[sflag:s16] =	ssyncadd.s32 $0xFFFFE000;
	s23 =	sadd.s32 $0x80, s23;
	s24 =	sadd.s32 $0x80, s24  }
0x6f: {  	[tilespmem:s21], [sflag:$0x1] =	stream.indirect.gather [hbm4b:s4+s20], $0x40, s23, s20, $0xb8;
	[tilespmem:$0x12FD0] =	vst v63  }
0x70: {  	p0 =	sne.s32 s25, $0x1;
	s25 =	sadd.s32 $0xFFFFFFFF, s25;
	_ =	swait.ge [sflag:s19], $0x2000  }
0x71: {  	[sflag:s19] =	ssyncset.done $0x0  }
0x72: {  	[sflag:s19] =	ssyncadd.s32 $0xFFFFE000  }
0x73: {  	v1 =	vld [tilespmem:s24+$0xFFFFFFC0];
	_ =	sdelay $0x4  }
0x74: {  	[tilespmem:$0x4F40] =	vst v1  }
0x75: {  	v1 =	vld [tilespmem:s24+$0xFFFFFFD0];
	_ =	sdelay $0x4  }
0x76: {  	[tilespmem:$0x4F50] =	vst v1  }
0x77: {  	v1 =	vld [tilespmem:s24+$0xFFFFFFE0];
	_ =	sdelay $0x4  }
0x78: {  	[tilespmem:$0x4F60] =	vst v1  }
0x79: {  	v1 =	vld [tilespmem:s24+$0xFFFFFFF0];
	_ =	sdelay $0x4  }
0x7a: {  	[tilespmem:$0x4F70] =	vst v1  }
0x7b: {  	v1 =	vld [tilespmem:s24+$0x0];
	_ =	sdelay $0x4  }
0x7c: {  	[tilespmem:$0x4F80] =	vst v1  }
0x7d: {  	v1 =	vld [tilespmem:s24+$0x10];
	_ =	sdelay $0x4  }
0x7e: {  	[tilespmem:$0x4F90] =	vst v1  }
0x7f: {  	v1 =	vld [tilespmem:s24+$0x20];
	_ =	sdelay $0x4  }
0x80: {  	[tilespmem:$0x4FA0] =	vst v1  }
0x81: {  	v1 =	vld [tilespmem:s24+$0x30];
	_ =	sdelay $0x3  }
.Ltmp5:
0x82: {  	(pc) =	sbr.rel @p0 .LBB2_5-.Ltmp5, $4  }
0x83: {  	[tilespmem:$0x4FB0] =	vst v1  }
0x84: {  	[spmem:s2] =	stream.indirect.scatter.add.f32 [tilespmem:s21], [sflag:$0x2], $0x40, s22, s20, $0xb8;
	[tilespmem:$0x12FD0] =	vst v63  }
0x85: {  	_ =	swait.ge [sflag:s16], $0x2000  }
0x86: {  	[sflag:s16] =	ssyncset.done $0x0  }
.Ltmp6:
0x87: {  	_ = 	snop;
	(pc) =	sbr.rel .LBB2_6-.Ltmp6, $1  }
0x88: {  	_ =	sdelay $0x3  }
.LBB2_8:
0x89: {  	_ =	sfence.sel $0x180000  }
0x8a: {  	[bflag:$0x0] =	sbarrier.arrive $0xFFFF  }
0x8b: {  	p0 =	sne.s32 s1, $0x0;
	_ =	strace $0x90000050  }
0x8c: {  	s0 =	sadd.s32 @!p0 $0x100000, s0;
	[bflag:$0x2] =	sbarrier.arrive $0xFFFF  }
0x8d: {  	[sflag:s0] =	ssyncadd.tile.s32 @!p0 $0x1;
	_ =	shalt  }
.Lfunc_end2:
_tile_overlayer_lowered:
.L_overlay_start_2:
0x8e: {  	(tag) =	ssettag $0x2  }
0x8f: {  	s0 =	rddreg [dreg:$0x0];
	s2 =	stileid.u32  }
0x90: {  	s1 =	rddreg [dreg:$0x1];
	p0 =	sne.s32 s2, $0x0  }
0x91: {  	s3 =	rddreg [dreg:$0x2];
	[bflag:$0x3] =	sbarrier.arrive $0xFFFF;
	s2 =	simm.s32 @!p0 $0x1C02  }
0x92: {  	[timem:s3], [sflag:s2] =	dma.local @!p0 [hbm:s0], s1  }
0x93: {  	s0 =	simm.s32 @!p0 $0x2  }
0x94: {  	_ =	swait.ge @!p0 [sflag:s0], s1  }
0x95: {  	s1 =	ssub.s32 @!p0 $0x0, s1;
	[sflag:s0] =	ssyncset.done @!p0 $0x0  }
0x96: {  	[sflag:s0] =	ssyncadd.s32 @!p0 s1  }
0x97: {  	[bflag:$0x3] =	sbarrier.arrive $0xFFFF  }
0x98: {  	_ =	shalt  }

// kernel: kernel.25.cloned.1.call-start
scs
__scs_entry_jumppad:
0x0: {  	(pc) =	sbr.rel $0x88, $3  }
0x1: {  	(tag) =	ssettag $0x0;
	lr =	simm.s32 $0x1  }
0x2: {  	[smem:$0x3F95] =	sst lr;
	_ =	strace $0xD0000000  }
0x3: {  	_ = 	snop  }
0x4: {  	_ = 	snop  }
0x5: {  	_ = 	snop  }
0x6: {  	_ = 	snop  }
0x7: {  	_ = 	snop  }
__scs_overlays_trampoline_lowered:
0x8: {  	[smem:$0x3FA4] =	sst s0  }
0x9: {  	[smem:$0x3FA5] =	sst s1  }
0xa: {  	[smem:$0x3FA6] =	sst s2  }
0xb: {  	[smem:$0x3FA7] =	sst s3  }
0xc: {  	[smem:$0x3FA8] =	sst s4  }
0xd: {  	[smem:$0x3FA9] =	sst s5  }
0xe: {  	[smem:$0x3FAA] =	sst s6  }
0xf: {  	[smem:$0x3FAB] =	sst s7  }
0x10: {  	[smem:$0x3FAC] =	sst s8  }
0x11: {  	[smem:$0x3FAD] =	sst s9;
	s0 =	simm.s32 @!p0 $0x0  }
0x12: {  	s1 =	sld [smem:$0x3F93];
	s0 =	simm.s32 @p0 $0x1  }
0x13: {  	[smem:$0x3FAE] =	sst s0;
	s0 =	simm.s32 @!p1 $0x0  }
0x14: {  	s2 =	sld [smem:$0x3F92];
	s0 =	simm.s32 @p1 $0x1  }
0x15: {  	[smem:$0x3FAF] =	sst s0;
	s0 =	simm.s32 @!p2 $0x0  }
0x16: {  	s3 =	sld [smem:$0x3FDB];
	s0 =	simm.s32 @p2 $0x1  }
0x17: {  	s4 =	simm.s32 $0x1BF5;
	[smem:$0x3FB1] =	sst s0  }
0x18: {  	s0 =	sld [smem:$0x3F94];
	_ =	swait.ge [sflag:s4], $0x0  }
0x19: {  	s7 =	sld [smem:$0x3F95]  }
0x1a: {  	s8 =	sadd.s32 $0xFFFFE003, lr  }
0x1b: {  	s9 =	sadd.s32 $0xFFFFFEF7, lr;
	s5 =	simm.s32 $0xFFFFFFFF;
	p2 =	slt.u32 s8, $0xFFFFF086  }
0x1c: {  	p1 =	slt.u32 s9, $0xF7A;
	s5 =	simm.s32 @!p2 $0x0  }
0x1d: {  	s5 =	simm.s32 @p1 $0x1;
	p0 =	seq.s32 s7, s2  }
0x1e: {  	s7 =	smul.u32 @!p0 $0xF7A, s2;
	p2 =	seq.s32 @!p0 s5, $0x0  }
0x1f: {  	s9 =	smul.u32 $0xF7A, s1;
	s8 =	simm.s32 @!p0 $0x1BF5;
	p2 =	por !p2, p0  }
0x20: {  	[sflag:s8] =	ssyncset.s32 @!p0 $0xFFFFF086;
	s6 =	sadd.s32 @!p0 s3, s7;
	s7 =	simm.s32 @!p0 $0x108  }
0x21: {  	s3 =	sadd.s32 s3, s9;
	s6 =	sadd.s32 @!p0 $0x88, s6;
	s7 =	simm.s32 @p2 $0x1082  }
0x22: {  	[simem:s7], [sflag:s8] =	dma.local @!p0 [hbm:s6], $0xF7A  }
0x23: {  	s9 =	sor.u32 $0xD0000000, s2;
	s6 =	simm.s32 $0x108;
	_ =	swait.ge @!p0 [sflag:s8], $0x0  }
0x24: {  	s3 =	sadd.s32 $0x88, s3;
	s6 =	simm.s32 @!p1 $0x1082;
	[sflag:s4] =	ssyncset.s32 $0xFFFFF086  }
0x25: {  	[simem:s6], [sflag:s4] =	dma.local [hbm:s3], $0xF7A  }
0x26: {  	[smem:$0x3F95] =	sst s1;
	(tag) =	ssettag s2;
	_ =	strace s9  }
0x27: {  	s1 =	sld [smem:$0x3FA5]  }
0x28: {  	s2 =	sld [smem:$0x3FA6]  }
0x29: {  	s4 =	sld [smem:$0x3FA8]  }
0x2a: {  	p0 =	seq.s32 s5, $0x0;
	s5 =	sld [smem:$0x3FA9]  }
0x2b: {  	s6 =	sld [smem:$0x3FAA]  }
0x2c: {  	s7 =	sld [smem:$0x3FAB]  }
0x2d: {  	s3 =	simm.s32 $0x108;
	s8 =	sld [smem:$0x3FAC]  }
0x2e: {  	s3 =	simm.s32 @!p0 $0x1082;
	s9 =	sld [smem:$0x3FAD]  }
0x2f: {  	lr =	sadd.s32 s0, s3;
	s0 =	sld [smem:$0x3FA4]  }
0x30: {  	s3 =	sld [smem:$0x3FA7]  }
0x31: {  	[smem:$0x3FB0] =	sst s10  }
0x32: {  	s10 =	sld [smem:$0x3FAE];
	_ =	sdelay $0x3  }
0x33: {  	p0 =	seq.s32 s10, $0x1;
	s10 =	sld [smem:$0x3FB0];
	_ =	sdelay $0x3  }
0x34: {  	[smem:$0x3FB0] =	sst s10  }
0x35: {  	s10 =	sld [smem:$0x3FAF];
	_ =	sdelay $0x3  }
0x36: {  	p1 =	seq.s32 s10, $0x1;
	s10 =	sld [smem:$0x3FB0];
	_ =	sdelay $0x3  }
0x37: {  	[smem:$0x3FB0] =	sst s10  }
0x38: {  	s10 =	sld [smem:$0x3FB1]  }
0x39: {  	_ = 	snop;
	(pc) =	sbr.ind lr, $3  }
0x3a: {  	_ = 	snop  }
0x3b: {  	_ = 	snop  }
0x3c: {  	p2 =	seq.s32 s10, $0x1;
	s10 =	sld [smem:$0x3FB0]  }
0x3d: {  	_ =	shalt  }
0x3e: {  	_ =	shalt  }
0x3f: {  	_ =	shalt  }
0x40: {  	_ =	shalt  }
0x41: {  	_ =	shalt  }
0x42: {  	_ =	shalt  }
0x43: {  	_ =	shalt  }
0x44: {  	_ =	shalt  }
0x45: {  	_ =	shalt  }
0x46: {  	_ =	shalt  }
0x47: {  	_ =	shalt  }
0x48: {  	_ =	shalt  }
0x49: {  	_ =	shalt  }
0x4a: {  	_ =	shalt  }
0x4b: {  	_ =	shalt  }
0x4c: {  	_ =	shalt  }
0x4d: {  	_ =	shalt  }
0x4e: {  	_ =	shalt  }
0x4f: {  	_ =	shalt  }
0x50: {  	_ =	shalt  }
0x51: {  	_ =	shalt  }
0x52: {  	_ =	shalt  }
0x53: {  	_ =	shalt  }
0x54: {  	_ =	shalt  }
0x55: {  	_ =	shalt  }
0x56: {  	_ =	shalt  }
0x57: {  	_ =	shalt  }
0x58: {  	_ =	shalt  }
0x59: {  	_ =	shalt  }
0x5a: {  	_ =	shalt  }
0x5b: {  	_ =	shalt  }
0x5c: {  	_ =	shalt  }
0x5d: {  	_ =	shalt  }
0x5e: {  	_ =	shalt  }
0x5f: {  	_ =	shalt  }
0x60: {  	_ =	shalt  }
0x61: {  	_ =	shalt  }
0x62: {  	_ =	shalt  }
0x63: {  	_ =	shalt  }
0x64: {  	_ =	shalt  }
0x65: {  	_ =	shalt  }
0x66: {  	_ =	shalt  }
0x67: {  	_ =	shalt  }
0x68: {  	_ =	shalt  }
0x69: {  	_ =	shalt  }
0x6a: {  	_ =	shalt  }
0x6b: {  	_ =	shalt  }
0x6c: {  	_ =	shalt  }
0x6d: {  	_ =	shalt  }
0x6e: {  	_ =	shalt  }
0x6f: {  	_ =	shalt  }
0x70: {  	_ =	shalt  }
0x71: {  	_ =	shalt  }
0x72: {  	_ =	shalt  }
0x73: {  	_ =	shalt  }
0x74: {  	_ =	shalt  }
0x75: {  	_ =	shalt  }
0x76: {  	_ =	shalt  }
0x77: {  	_ =	shalt  }
0x78: {  	_ =	shalt  }
0x79: {  	_ =	shalt  }
0x7a: {  	_ =	shalt  }
0x7b: {  	_ =	shalt  }
0x7c: {  	_ =	shalt  }
0x7d: {  	_ =	shalt  }
0x7e: {  	_ =	shalt  }
0x7f: {  	_ =	shalt  }
0x80: {  	_ =	shalt  }
0x81: {  	_ =	shalt  }
0x82: {  	_ =	shalt  }
0x83: {  	_ =	shalt  }
0x84: {  	_ =	shalt  }
0x85: {  	_ =	shalt  }
0x86: {  	_ =	shalt  }
0x87: {  	_ =	shalt  }
.Lfunc_end0:
.L_simem_size_0:
called_computation.5_lowered:
.L_overlay_start_0:
0x88: {  	s2 =	sld [smem:$0x3FD9]  }
0x89: {  	s3 =	sld [smem:$0x3FFE];
	_ =	sdelay $0x1  }
0x8a: {  	s1 =	srdreg.scid  }
0x8b: {  	s0 =	sand.u32 $0x1, s1  }
0x8c: {  	s16 =	sshll.u32 s0, $0xA;
	s2 =	sadd.s32 s3, s2  }
0x8d: {  	s2 =	sadd.s32 s2, s16  }
0x8e: {  	[smem:$0x3FBC] =	sst s2  }
0x8f: {  	_ = 	snop  }
0x90: {  	(tm) =	ssettm $0x1  }
0x91: {  	s17 =	sld [smem:$0x3FFB];
	_ =	sdelay $0x3  }
0x92: {  	_ =	strace s17  }
0x93: {  	s2 =	sld [smem:$0x3FFC];
	_ =	sdelay $0x3  }
0x94: {  	_ =	strace s2  }
0x95: {  	s2 =	sld [smem:$0x3FFD];
	_ =	sdelay $0x3  }
0x96: {  	_ =	strace s2  }
0x97: {  	_ =	strace $0x8FFFFFFF  }
0x98: {  	s18 =	sld [smem:$0x3FDB];
	_ =	sdelay $0x1  }
0x99: {  	s19 =	simm.s32 $_scs_section_size  }
0x9a: {  	s4 =	simm.s32 $_size__tile_overlayer_lowered;
	s5 =	simm.s32 $_tile_overlayer_lowered  }
0x9b: {  	s22 =	simm.s32 $0x1BFF;
	s21 =	sshll.u32 s5, $0x1;
	s2 =	sadd.s32 s19, s18  }
0x9c: {  	s6 =	simm.s32 $0x0;
	s20 =	sshll.u32 s4, $0x1;
	s4 =	sadd.s32 s21, s2  }
0x9d: {  	[timem:s6], [sflag:s22] =	dma.local [hbm:s4], s20  }
0x9e: {  	_ =	swait.ge [sflag:s22], s20  }
0x9f: {  	s3 =	ssub.s32 $0x0, s20;
	[sflag:s22] =	ssyncset.done $0x0  }
0xa0: {  	[sflag:s22] =	ssyncadd.s32 s3;
	_ =	sdelay $0x1  }
0xa1: {  	s23 =	simm.s32 $0x1B8B  }
0xa2: {  	_ =	swait.ge [sflag:s23], $0x1  }
0xa3: {  	[sflag:s23] =	ssyncset.done $0x0  }
0xa4: {  	s25 =	simm.s32 $0x1B8E;
	s24 =	sld [smem:$0x3FFE];
	[sflag:s23] =	ssyncadd.s32 $0xFFFFFFFF  }
0xa5: {  	s26 =	simm.s32 $execute0_lowered;
	[smem:$0x3FD2] =	sst s25  }
0xa6: {  	s4 =	sshll.u32 s26, $0x1;
	_ =	strace $0x80000055;
	[dreg:$0x1] =	wrdreg $0xFFFFFFFF  }
0xa7: {  	s28 =	simm.s32 $_size_execute0_lowered;
	s2 =	sadd.s32 s2, s4;
	[dreg:$0x0] =	wrdreg $0x0  }
0xa8: {  	s4 =	sshll.u32 s28, $0x1;
	[dreg:$0x2] =	wrdreg s2  }
0xa9: {  	[dreg:$0x3] =	wrdreg s4  }
0xaa: {  	[dreg:$0x4] =	wrdreg $0xC0  }
0xab: {  	_ =	task [dreg:s6], $0x5FFFF  }
0xac: {  	[dreg:$0x1] =	wrdreg $0xFFFFFFFF  }
0xad: {  	[dreg:$0x0] =	wrdreg $0x60  }
0xae: {  	[dreg:$0x2] =	wrdreg s24  }
0xaf: {  	[dreg:$0x3] =	wrdreg $0xA9000  }
0xb0: {  	[dreg:$0x4] =	wrdreg $0x9  }
0xb1: {  	_ =	task.clear_ibuf [dreg:s6], $0x5FFFF;
	_ =	strace $0x90000055  }
0xb2: {  	s29 =	simm.s32 $0x9;
	_ =	strace $0x80000057  }
0xb3: {  	_ =	swait.ge [sflag:s29], $0x1  }
0xb4: {  	[sflag:s29] =	ssyncadd.s32 $0xFFFFFFFF  }
0xb5: {  	_ =	strace $0x90000057  }
0xb6: {  	_ =	sfence  }
0xb7: {  	s30 =	sld [smem:$0x0];
	_ =	sdelay $0x2  }
0xb8: {  	s31 =	sshll.u32 s1, $0xD;
	s1 =	sshrl.u32 s1, $0x2  }
0xb9: {  	s3 =	sand.u32 $0x4000, s31;
	s1 =	sadd.s32 s1, s30  }
0xba: {  	s0 =	sor.u32 s3, s0;
	s1 =	sshll.u32 s1, $0x11  }
0xbb: {  	s0 =	sor.u32 s1, s0  }
0xbc: {  	s0 =	sadd.s32 $0x8F2B, s0  }
0xbd: {  	[sflag:s0] =	ssyncadd.remote.s32 $0x1  }
0xbe: {  	_ =	sfence.sel $0xFFFF  }
0xbf: {  	[dreg:$0x0] =	wrdreg $0xFFFFFFFF;
	(pc) =	sbr.abs _section_cstart, $3  }
0xc0: {  	[dreg:$0x1] =	wrdreg $0xFFFFFFFF  }
0xc1: {  	_ =	task.clear_ibuf [dreg:s6], $0x2FFFF;
	_ =	strace $0x9FFFFFFF  }
0xc2: {  	(tm) =	ssettm $0x7FFFFFFF  }
0xc3: {  	_ =	shalt  }
tec
execute0_lowered:
.L_overlay_start_1:
0x0: {  	(tag) =	ssettag $0x1  }
0x1: {  	s6 =	rddreg [dreg:$0x0]  }
0x2: {  	s1 =	rddreg [dreg:$0x1]  }
0x3: {  	s2 =	srdreg.scid;
	s0 =	rddreg [dreg:$0x2]  }
0x4: {  	s3 =	stileid.u32;
	s13 =	simm.s32 $0x5080;
	s14 =	simm.s32 $0x1  }
0x5: {  	s15 =	simm.s32 $0x80;
	s16 =	simm.s32 $0x5100;
	s17 =	simm.s32 $0x5000  }
0x6: {  	s10 =	sand.u32 $0x1, s2;
	s2 =	simm.s32 $0x0;
	p0 =	seq.s32 s3, $0x0  }
0x7: {  	s4 =	sshll.u32 s10, $0x4;
	[smem:$0x7FF] =	sst s2;
	s8 =	ssub.s32 $0x2, s10  }
0x8: {  	p1 =	seq.s32 s10, $0x1;
	s18 =	sor.u32 s10, s3;
	s5 =	sor.u32 s3, s4  }
0x9: {  	_ =	strace $0x80000056;
	s4 =	sadd.s32 $0x2DA00, s6;
	s31 =	sshrl.u32 s8, $0x1  }
0xa: {  	p0 =	por !p0, !p1;
	p2 =	sne.s32 s18, $0x0;
	s7 =	smul.u32 $0x4F4, s5  }
.Ltmp0:
0xb: {  	s5 =	sshll.u32 s5, $0x1;
	s12 =	ssub.s32 s8, s31;
	(pc) =	sbr.rel .LBB2_1-.Ltmp0, $4  }
0xc: {  	p1 =	por !p0, !p0;
	p0 =	sne.s32 s3, $0x0;
	s11 =	sadd.s32 s5, s6  }
0xd: {  	s5 =	sadd.s32 $0x5A00, s6;
	s10 =	smax.u32 s12, $0x1;
	s9 =	sadd.s32 s7, s6  }
0xe: {  	s12 =	simm.s32 $0x2800;
	s6 =	sadd.s32 $0x5E00, s6;
	s7 =	sadd.s32 $0x19800, s9  }
0xf: {  	v0 =	vimm.f32 $0.0e+00;
	s8 =	sadd.s32 $0x23800, s9;
	s9 =	sadd.s32 $0x2D800, s11;
	s11 =	simm.s32 $0x2  }
.LBB2_6:
0x10: {  	[sflag:s11] =	ssyncadd.s32 $0xFFFFC000  }
.LBB2_7:
0x11: {  	s18 =	sshll.u32 @!p2 s3, $0x6  }
0x12: {  	[bflag:$0x0] =	sbarrier.arrive $0xFFFF;
	s19 =	sshrl.u32 @!p2 s1, $0x3;
	s18 =	sor.u32 @!p2 $0x1C02, s18  }
0x13: {  	[hbm:s5], [sflag:s18] =	dma.local @!p2 [spmem:s19], $0x300  }
0x14: {  	s18 =	simm.s32 @!p2 $0x2  }
0x15: {  	s2 =	sadd.s32 $0x1, s2;
	_ =	swait.ge @!p2 [sflag:s18], $0x300  }
0x16: {  	p3 =	sne.s32 s2, s10;
	[sflag:s18] =	ssyncset.done @!p2 $0x0  }
0x17: {  	s19 =	simm.s32 @p1 $0x1C02;
	[sflag:s18] =	ssyncadd.s32 @!p2 $0xFFFFFD00;
	s18 =	sshrl.u32 @p1 s1, $0x3  }
0x18: {  	[hbm:s6], [sflag:s19] =	dma.local @p1 [spmem:s18], $0x300  }
.Ltmp1:
0x19: {  	_ = 	snop;
	(pc) =	sbr.rel @!p3 .LBB2_8-.Ltmp1, $4  }
0x1a: {  	s18 =	simm.s32 @p1 $0x2  }
0x1b: {  	_ =	swait.ge @p1 [sflag:s18], $0x300  }
0x1c: {  	[sflag:s18] =	ssyncset.done @p1 $0x0  }
0x1d: {  	[sflag:s18] =	ssyncadd.s32 @p1 $0xFFFFFD00  }
.LBB2_1:
0x1e: {  	s18 =	simm.s32 $0x0;
	s19 =	simm.s32 $0x200  }
.LBB2_2:
0x1f: {  	p3 =	sne.s32 s19, $0x5E00;
	[tilespmem:s18+$0x9170] =	vst v0  }
0x20: {  	[tilespmem:s18+$0x9100] =	vst v0  }
0x21: {  	[tilespmem:s18+$0x9110] =	vst v0  }
.Ltmp2:
0x22: {  	[tilespmem:s18+$0x9120] =	vst v0;
	(pc) =	sbr.rel @p3 .LBB2_2-.Ltmp2, $4  }
0x23: {  	[tilespmem:s18+$0x9130] =	vst v0  }
0x24: {  	[tilespmem:s18+$0x9140] =	vst v0  }
0x25: {  	[tilespmem:s18+$0x9150] =	vst v0  }
0x26: {  	[tilespmem:s18+$0x9160] =	vst v0;
	s18 =	sshra.s32 s19, $0x2;
	s19 =	sadd.s32 $0x200, s19  }
0x27: {  	[tilespmem:s18+$0x9170] =	vst v0  }
0x28: {  	[tilespmem:s18+$0x9100] =	vst v0  }
0x29: {  	[tilespmem:s18+$0x9110] =	vst v0  }
0x2a: {  	[tilespmem:s18+$0x9120] =	vst v0  }
0x2b: {  	[tilespmem:s18+$0x9130] =	vst v0  }
0x2c: {  	[tilespmem:s18+$0x9140] =	vst v0  }
0x2d: {  	[tilespmem:s18+$0x9150] =	vst v0  }
0x2e: {  	[tilespmem:s18+$0x9160] =	vst v0;
	s18 =	simm.s32 @!p0 $0x9100  }
0x2f: {  	[spmem:s1] =	stream.linear.scatter @!p0 [tilespmem:s18], [sflag:$0x2], $0x1800, $0x38;
	[tilespmem:$0xAA80] =	vst v63  }
0x30: {  	s18 =	simm.s32 @!p0 $0x2  }
0x31: {  	_ =	swait.ge @!p0 [sflag:s18], $0x1800  }
0x32: {  	[sflag:s18] =	ssyncset.done @!p0 $0x0  }
0x33: {  	[sflag:s18] =	ssyncadd.s32 @!p0 $0xFFFFE800  }
0x34: {  	s18 =	simm.s32 $0x0;
	[bflag:$0x0] =	sbarrier.arrive $0xFFFF  }
0x35: {  	[tilespmem:s18], [sflag:$0x2] =	stream.linear.gather [hbm4b:s7+s18], $0x27A0, $0x38;
	[tilespmem:$0xAA80] =	vst v63  }
0x36: {  	_ =	swait.ge [sflag:s11], $0x27A0  }
0x37: {  	[sflag:s11] =	ssyncset.done $0x0  }
0x38: {  	[sflag:s11] =	ssyncadd.s32 $0xFFFFD860  }
0x39: {  	[tilespmem:s12], [sflag:$0x2] =	stream.linear.gather [hbm4b:s8+s18], $0x27A0, $0x38;
	[tilespmem:$0xAA80] =	vst v63  }
0x3a: {  	_ =	swait.ge [sflag:s11], $0x27A0  }
0x3b: {  	[sflag:s11] =	ssyncset.done $0x0  }
0x3c: {  	[sflag:s11] =	ssyncadd.s32 $0xFFFFD860  }
0x3d: {  	[tilespmem:s13], [sflag:$0x2] =	stream.linear.gather [hbm4b:s9+s18], $0x10, $0x38;
	[tilespmem:$0xAA80] =	vst v63  }
0x3e: {  	_ =	swait.ge [sflag:s11], $0x10  }
0x3f: {  	[sflag:s11] =	ssyncset.done $0x0  }
0x40: {  	[sflag:s11] =	ssyncadd.s32 $0xFFFFFFF0  }
0x41: {  	v1 =	vld [tilespmem:$0x5080];
	_ =	sdelay $0x4  }
0x42: {  	v1 =	vxor.u32 $0x80000000, v1  }
0x43: {  	(xrf0) =	vmax.scan.msk.u32 $0xffff, v1;
	_ =	sdelay $0x5  }
0x44: {  	v1, _, _ =	vpop (xrf0)  }
0x45: {  	(v2sf) =	vpush v1, $0xF;
	_ =	sdelay $0xe  }
0x46: {  	s19 =	spop (v2sf)  }
0x47: {  	s19 =	sadd.s32 $0x8000007F, s19  }
0x48: {  	s20 =	sand.u32 $0x7F, s19  }
0x49: {  	s31 =	sshra.s32 s19, $0x1F;
	p4 =	slt.s32 s19, $0x1;
	p3 =	sne.s32 s20, $0x0  }
0x4a: {  	s20 =	sshrl.u32 s31, $0x19;
	p3 =	por !p4, !p3  }
0x4b: {  	s19 =	sadd.s32 s20, s19;
	s20 =	simm.s32 $0x1;
	p3 =	por !p3, !p3  }
0x4c: {  	s19 =	sshra.s32 s19, $0x7;
	s20 =	simm.s32 @!p3 $0x0  }
0x4d: {  	s20 =	ssub.s32 s19, s20  }
0x4e: {  	p3 =	slt.s32 s20, $0x1  }
.Ltmp3:
0x4f: {  	_ = 	snop;
	(pc) =	sbr.rel @p3 .LBB2_7-.Ltmp3, $2  }
0x50: {  	_ =	sdelay $0x2  }
0x51: {  	s19 =	simm.s32 $0x2840  }
0x52: {  	[tilespmem:s16], [sflag:$0x1] =	stream.indirect.gather [hbm4b:s4+s15], $0x80, s18, s15, $0xb8;
	[tilespmem:$0xAA80] =	vst v63  }
0x53: {  	_ =	swait.ge [sflag:s14], $0x4000  }
0x54: {  	[sflag:s14] =	ssyncset.done $0x0  }
0x55: {  	[sflag:s14] =	ssyncadd.s32 $0xFFFFC000  }
0x56: {  	v1 =	vld [tilespmem:s19+$0xFFFFFFC0];
	_ =	sdelay $0x4  }
0x57: {  	[tilespmem:$0x5000] =	vst v1  }
0x58: {  	v1 =	vld [tilespmem:s19+$0xFFFFFFD0];
	_ =	sdelay $0x4  }
0x59: {  	[tilespmem:$0x5010] =	vst v1  }
0x5a: {  	v1 =	vld [tilespmem:s19+$0xFFFFFFE0];
	_ =	sdelay $0x4  }
0x5b: {  	[tilespmem:$0x5020] =	vst v1  }
0x5c: {  	v1 =	vld [tilespmem:s19+$0xFFFFFFF0];
	_ =	sdelay $0x4  }
0x5d: {  	[tilespmem:$0x5030] =	vst v1  }
0x5e: {  	v1 =	vld [tilespmem:s19+$0x0];
	_ =	sdelay $0x4  }
0x5f: {  	[tilespmem:$0x5040] =	vst v1  }
0x60: {  	v1 =	vld [tilespmem:s19+$0x10];
	_ =	sdelay $0x4  }
0x61: {  	[tilespmem:$0x5050] =	vst v1  }
0x62: {  	v1 =	vld [tilespmem:s19+$0x20];
	_ =	sdelay $0x4  }
0x63: {  	[tilespmem:$0x5060] =	vst v1  }
0x64: {  	v1 =	vld [tilespmem:s19+$0x30];
	_ =	sdelay $0x2  }
0x65: {  	p3 =	sne.s32 s20, $0x1  }
.Ltmp4:
0x66: {  	_ = 	snop;
	(pc) =	sbr.rel @!p3 .LBB2_6-.Ltmp4, $4  }
0x67: {  	[tilespmem:$0x5070] =	vst v1  }
0x68: {  	[spmem:s1] =	stream.indirect.scatter.add.f32 [tilespmem:s16], [sflag:$0x2], $0x80, s17, s15, $0xb8;
	[tilespmem:$0xAA80] =	vst v63  }
0x69: {  	_ =	swait.ge [sflag:s11], $0x4000  }
0x6a: {  	s20 =	sadd.s32 $0xFFFFFFFF, s20;
	[sflag:s11] =	ssyncset.done $0x0  }
.LBB2_5:
0x6b: {  	[sflag:s11] =	ssyncadd.s32 $0xFFFFC000;
	s18 =	sadd.s32 $0x80, s18;
	s19 =	sadd.s32 $0x80, s19  }
0x6c: {  	[tilespmem:s16], [sflag:$0x1] =	stream.indirect.gather [hbm4b:s4+s15], $0x80, s18, s15, $0xb8;
	[tilespmem:$0xAA80] =	vst v63  }
0x6d: {  	p3 =	sne.s32 s20, $0x1;
	s20 =	sadd.s32 $0xFFFFFFFF, s20;
	_ =	swait.ge [sflag:s14], $0x4000  }
0x6e: {  	[sflag:s14] =	ssyncset.done $0x0  }
0x6f: {  	[sflag:s14] =	ssyncadd.s32 $0xFFFFC000  }
0x70: {  	v1 =	vld [tilespmem:s19+$0xFFFFFFC0];
	_ =	sdelay $0x4  }
0x71: {  	[tilespmem:$0x5000] =	vst v1  }
0x72: {  	v1 =	vld [tilespmem:s19+$0xFFFFFFD0];
	_ =	sdelay $0x4  }
0x73: {  	[tilespmem:$0x5010] =	vst v1  }
0x74: {  	v1 =	vld [tilespmem:s19+$0xFFFFFFE0];
	_ =	sdelay $0x4  }
0x75: {  	[tilespmem:$0x5020] =	vst v1  }
0x76: {  	v1 =	vld [tilespmem:s19+$0xFFFFFFF0];
	_ =	sdelay $0x4  }
0x77: {  	[tilespmem:$0x5030] =	vst v1  }
0x78: {  	v1 =	vld [tilespmem:s19+$0x0];
	_ =	sdelay $0x4  }
0x79: {  	[tilespmem:$0x5040] =	vst v1  }
0x7a: {  	v1 =	vld [tilespmem:s19+$0x10];
	_ =	sdelay $0x4  }
0x7b: {  	[tilespmem:$0x5050] =	vst v1  }
0x7c: {  	v1 =	vld [tilespmem:s19+$0x20];
	_ =	sdelay $0x4  }
0x7d: {  	[tilespmem:$0x5060] =	vst v1  }
0x7e: {  	v1 =	vld [tilespmem:s19+$0x30];
	_ =	sdelay $0x3  }
.Ltmp5:
0x7f: {  	(pc) =	sbr.rel @p3 .LBB2_5-.Ltmp5, $4  }
0x80: {  	[tilespmem:$0x5070] =	vst v1  }
0x81: {  	[spmem:s1] =	stream.indirect.scatter.add.f32 [tilespmem:s16], [sflag:$0x2], $0x80, s17, s15, $0xb8;
	[tilespmem:$0xAA80] =	vst v63  }
0x82: {  	_ =	swait.ge [sflag:s11], $0x4000  }
0x83: {  	[sflag:s11] =	ssyncset.done $0x0  }
.Ltmp6:
0x84: {  	_ = 	snop;
	(pc) =	sbr.rel .LBB2_6-.Ltmp6, $1  }
0x85: {  	_ =	sdelay $0x3  }
.LBB2_8:
0x86: {  	_ =	sfence.sel $0x180000  }
0x87: {  	[bflag:$0x0] =	sbarrier.arrive $0xFFFF  }
0x88: {  	_ =	strace $0x90000056  }
0x89: {  	s0 =	sadd.s32 @!p0 $0x100000, s0;
	[bflag:$0x2] =	sbarrier.arrive $0xFFFF  }
0x8a: {  	[sflag:s0] =	ssyncadd.tile.s32 @!p0 $0x1;
	_ =	shalt  }
.Lfunc_end2:
_tile_overlayer_lowered:
.L_overlay_start_2:
0x8b: {  	(tag) =	ssettag $0x2  }
0x8c: {  	s0 =	rddreg [dreg:$0x0];
	s2 =	stileid.u32  }
0x8d: {  	s1 =	rddreg [dreg:$0x1];
	p0 =	sne.s32 s2, $0x0  }
0x8e: {  	s3 =	rddreg [dreg:$0x2];
	[bflag:$0x3] =	sbarrier.arrive $0xFFFF;
	s2 =	simm.s32 @!p0 $0x1C02  }
0x8f: {  	[timem:s3], [sflag:s2] =	dma.local @!p0 [hbm:s0], s1  }
0x90: {  	s0 =	simm.s32 @!p0 $0x2  }
0x91: {  	_ =	swait.ge @!p0 [sflag:s0], s1  }
0x92: {  	s1 =	ssub.s32 @!p0 $0x0, s1;
	[sflag:s0] =	ssyncset.done @!p0 $0x0  }
0x93: {  	[sflag:s0] =	ssyncadd.s32 @!p0 s1  }
0x94: {  	[bflag:$0x3] =	sbarrier.arrive $0xFFFF  }
0x95: {  	_ =	shalt  }

</sc_bundles>
